<compile_context>
chip_gen: v7x
topology: tpu7x:2x2x1
jax: 0.10.2.dev20260603
libtpu: 0.0.44.dev20260713+nightly
codegen_flags: <defaults>
</compile_context>

<pallas_src>
import functools

import jax
import jax.numpy as jnp
from jax import lax
from jax.experimental import pallas as pl
from jax.experimental.pallas import tpu as pltpu
from jax.experimental.pallas import tpu_sc as plsc

N = 10000
E = 320000
D = 128
HID = 128
NCLUS = 16
NSUB = 100

NC = 2
NS = 16
LANES = 16
EDGES_PER_WORKER = E // (NC * NS)
CHUNK = 80
NCHUNK = EDGES_PER_WORKER // CHUNK
ROWS_LO = 624
ROWS_HI = N - 15 * ROWS_LO


def _barrier():
  plsc.subcore_barrier()


def _row_chunks(total, step):
  out = []
  off = 0
  while off < total:
    sz = min(step, total - off)
    out.append((off, sz))
    off += sz
  return out


def _gather_rows(hp_hbm, col_v, rows_v, sem):
  pltpu.async_copy(hp_hbm.at[col_v], rows_v, sem).wait()


def _scatter_add_rows(rows_v, acc_sh, row_v):
  pltpu.sync_copy(rows_v, acc_sh.at[row_v], add=True)


def _scatter_add_deg(ew_v, deg_sh, row_v):
  pltpu.sync_copy(ew_v.at[pl.ds(0, CHUNK)], deg_sh.at[row_v], add=True)


def _sc_agg_body(with_deg, hp_hbm, row_hbm, col_hbm, ew_hbm,
                 part_out, degp_out, col_v, row_v, ew_v, rows_v, zbuf,
                 zdeg, acc_sh, deg_sh, sem):
  c = lax.axis_index("c")
  s = lax.axis_index("s")

  def zrow(i, _):
    for f in range(D // LANES):
      zbuf[i, pl.ds(f * LANES, LANES)] = jnp.zeros((LANES,), jnp.float32)
    return 0
  lax.fori_loop(0, CHUNK, zrow, 0)
  for f in range(ROWS_HI // LANES):
    zdeg[pl.ds(f * LANES, LANES)] = jnp.zeros((LANES,), jnp.float32)

  @pl.when(s < NS - 1)
  def _():
    for off, sz in _row_chunks(ROWS_LO, CHUNK):
      pltpu.sync_copy(zbuf.at[pl.ds(0, sz)],
                      acc_sh.at[pl.ds(s * ROWS_LO + off, sz)])
    if with_deg:
      pltpu.sync_copy(zdeg.at[pl.ds(0, ROWS_LO)],
                      deg_sh.at[pl.ds(s * ROWS_LO, ROWS_LO)])

  @pl.when(s == NS - 1)
  def _():
    for off, sz in _row_chunks(ROWS_HI, CHUNK):
      pltpu.sync_copy(zbuf.at[pl.ds(0, sz)],
                      acc_sh.at[pl.ds((NS - 1) * ROWS_LO + off, sz)])
    if with_deg:
      pltpu.sync_copy(zdeg, deg_sh.at[pl.ds((NS - 1) * ROWS_LO, ROWS_HI)])

  _barrier()

  wbase = (c * NS + s) * EDGES_PER_WORKER

  def step(i, _):
    base = wbase + i * CHUNK
    pltpu.sync_copy(col_hbm.at[pl.ds(base, CHUNK)], col_v)
    pltpu.sync_copy(row_hbm.at[pl.ds(base, CHUNK)], row_v)
    pltpu.sync_copy(ew_hbm.at[pl.ds(base, CHUNK)], ew_v.at[pl.ds(0, CHUNK)])
    _gather_rows(hp_hbm, col_v, rows_v, sem)
    if with_deg:
      _scatter_add_deg(ew_v, deg_sh, row_v)

    def scale(j, _):
      wj = ew_v[pl.ds(j, LANES)][0]
      for f in range(D // LANES):
        sl = pl.ds(f * LANES, LANES)
        rows_v[j, sl] = rows_v[j, sl] * wj
      return 0
    lax.fori_loop(0, CHUNK, scale, 0)
    _scatter_add_rows(rows_v, acc_sh, row_v)
    return 0

  lax.fori_loop(0, NCHUNK, step, 0)
  _barrier()

  @pl.when(s < NS - 1)
  def _():
    for off, sz in _row_chunks(ROWS_LO, CHUNK):
      o = s * ROWS_LO + off
      pltpu.sync_copy(acc_sh.at[pl.ds(o, sz)], zbuf.at[pl.ds(0, sz)])
      pltpu.sync_copy(zbuf.at[pl.ds(0, sz)], part_out.at[c, pl.ds(o, sz)])
    if with_deg:
      pltpu.sync_copy(deg_sh.at[pl.ds(s * ROWS_LO, ROWS_LO)],
                      zdeg.at[pl.ds(0, ROWS_LO)])
      pltpu.sync_copy(zdeg.at[pl.ds(0, ROWS_LO)],
                      degp_out.at[pl.ds(c * N + s * ROWS_LO, ROWS_LO)])

  @pl.when(s == NS - 1)
  def _():
    for off, sz in _row_chunks(ROWS_HI, CHUNK):
      o = (NS - 1) * ROWS_LO + off
      pltpu.sync_copy(acc_sh.at[pl.ds(o, sz)], zbuf.at[pl.ds(0, sz)])
      pltpu.sync_copy(zbuf.at[pl.ds(0, sz)], part_out.at[c, pl.ds(o, sz)])
    if with_deg:
      pltpu.sync_copy(deg_sh.at[pl.ds((NS - 1) * ROWS_LO, ROWS_HI)], zdeg)
      pltpu.sync_copy(zdeg,
                      degp_out.at[pl.ds(c * N + (NS - 1) * ROWS_LO, ROWS_HI)])


def _make_sc_agg(with_deg, interpret=False):
  mesh = plsc.VectorSubcoreMesh(core_axis_name="c", subcore_axis_name="s",
                                num_cores=NC, num_subcores=NS)
  out_type = [jax.ShapeDtypeStruct((NC, N, D), jnp.float32)]
  if with_deg:
    out_type.append(jax.ShapeDtypeStruct((NC * N,), jnp.float32))
  scratch = [
      pltpu.VMEM((CHUNK,), jnp.int32),
      pltpu.VMEM((CHUNK,), jnp.int32),
      pltpu.VMEM((CHUNK + LANES,), jnp.float32),
      pltpu.VMEM((CHUNK, D), jnp.float32),
      pltpu.VMEM((CHUNK, D), jnp.float32),
      pltpu.VMEM((ROWS_HI,), jnp.float32),
      pltpu.VMEM_SHARED((N, D), jnp.float32),
      pltpu.VMEM_SHARED((N,), jnp.float32),
      pltpu.SemaphoreType.DMA,
  ]

  if with_deg:
    def body(hp, row, col, ew, part, degp, *scr):
      _sc_agg_body(True, hp, row, col, ew, part, degp, *scr)
  else:
    def body(hp, row, col, ew, part, *scr):
      _sc_agg_body(False, hp, row, col, ew, part, None, *scr)

  return pl.kernel(body, out_type=out_type, mesh=mesh,
                   scratch_types=scratch, interpret=interpret)


def _tc1_body(x_ref, emb_ref, gw_ref, gb_ref, w0_ref, b0_ref, hp_ref):
  iota = lax.broadcasted_iota(jnp.int32, (N, D), 1)
  onehot = (iota == x_ref[...]).astype(jnp.float32)
  h = jnp.dot(onehot, emb_ref[...], preferred_element_type=jnp.float32,
              precision=lax.Precision.HIGHEST)
  mean = jnp.mean(h, axis=0, keepdims=True)
  var = jnp.mean((h - mean) ** 2, axis=0, keepdims=True)
  hn = gw_ref[...] * (h - mean) / jnp.sqrt(var + 1e-5) + gb_ref[...]
  z = lax.dot_general(hn.astype(jnp.bfloat16), w0_ref[...].astype(jnp.bfloat16),
                      (((1,), (1,)), ((), ())),
                      preferred_element_type=jnp.float32)
  hp_ref[...] = jnp.maximum(z + b0_ref[...], 0.0)


def _tc2_body(part_ref, degp_ref, gw_ref, gb_ref, w1_ref, b1_ref,
              h1_ref, rdeg_ref, hp_ref):
  deg = degp_ref[pl.ds(0, N)]
  for cc in range(1, NC):
    deg = deg + degp_ref[pl.ds(cc * N, N)]
  deg = jnp.where(deg < 0.5, deg + 1.0, deg)
  rdeg = 1.0 / deg
  rdeg_ref[...] = rdeg[:, None]
  acc = jnp.sum(part_ref[...], axis=0)
  h1 = acc * rdeg[:, None]
  h1_ref[...] = h1
  mean = jnp.mean(h1, axis=0, keepdims=True)
  var = jnp.mean((h1 - mean) ** 2, axis=0, keepdims=True)
  hn = gw_ref[...] * (h1 - mean) / jnp.sqrt(var + 1e-5) + gb_ref[...]
  hn = jnp.maximum(hn, 0.0)
  z = lax.dot_general(hn.astype(jnp.bfloat16), w1_ref[...].astype(jnp.bfloat16),
                      (((1,), (1,)), ((), ())),
                      preferred_element_type=jnp.float32)
  hp_ref[...] = jnp.maximum(z + b1_ref[...], 0.0)


def _tc3a_body(part_ref, rdeg_ref, h2_ref):
  h2_ref[...] = jnp.sum(part_ref[...], axis=0) * rdeg_ref[...]


def _tc3_body(h1_ref, h2_ref, gw_ref, gb_ref, mw_ref, mb_ref,
              sga_ref, s_ref, oh_ref, stc_ref):
  def gn_half(h, off):
    mean = jnp.mean(h, axis=0, keepdims=True)
    var = jnp.mean((h - mean) ** 2, axis=0, keepdims=True)
    gw = gw_ref[pl.ds(off, HID)]
    gb = gb_ref[pl.ds(off, HID)]
    return gw * (h - mean) / jnp.sqrt(var + 1e-5) + gb

  xn1 = gn_half(h1_ref[...], 0)
  xn2 = gn_half(h2_ref[...], HID)
  s = (lax.dot_general(xn1.astype(jnp.bfloat16),
                       mw_ref[:, pl.ds(0, HID)].astype(jnp.bfloat16),
                       (((1,), (1,)), ((), ())),
                       preferred_element_type=jnp.float32)
       + lax.dot_general(xn2.astype(jnp.bfloat16),
                         mw_ref[:, pl.ds(HID, HID)].astype(jnp.bfloat16),
                         (((1,), (1,)), ((), ())),
                         preferred_element_type=jnp.float32)
       + mb_ref[...])
  s_ref[...] = s
  mx = jnp.max(s, axis=1, keepdims=True)
  iota = lax.broadcasted_iota(jnp.int32, (N, NCLUS), 1)
  cand = jnp.where(s == mx, iota, NCLUS)
  am = jnp.min(cand, axis=1, keepdims=True)
  oh_ref[...] = (iota == am).astype(jnp.float32)
  p = jnp.exp(s - mx)
  p = p / jnp.sum(p, axis=1, keepdims=True)
  denom = jnp.maximum(jnp.sum(p, axis=0, keepdims=True), 1e-12)
  p_norm = p / denom
  stc_ref[...] = lax.dot_general(
      p_norm.astype(jnp.bfloat16), sga_ref[...].astype(jnp.bfloat16),
      (((0,), (1,)), ((), ())), preferred_element_type=jnp.float32)


def kernel(x, edge_index, edge_weight, pos, subgraph_assignment, emb_table,
           emb_gn_w, emb_gn_b, W0, b0, W1, b1, gn0_w, gn0_b, gnL_w, gnL_b,
           mlp_w, mlp_b):
  row = edge_index[0].astype(jnp.int32)
  col = edge_index[1].astype(jnp.int32)
  emb_pad = jnp.zeros((D, D), jnp.float32).at[: emb_table.shape[0]].set(emb_table)
  x2 = x.astype(jnp.int32).reshape(N, 1)

  hp0 = pl.pallas_call(
      _tc1_body,
      out_shape=jax.ShapeDtypeStruct((N, HID), jnp.float32),
  )(x2, emb_pad, emb_gn_w, emb_gn_b, W0, b0)

  part0, degp = _make_sc_agg(True)(hp0, row, col, edge_weight)

  h1, rdeg, hp1 = pl.pallas_call(
      _tc2_body,
      out_shape=[
          jax.ShapeDtypeStruct((N, HID), jnp.float32),
          jax.ShapeDtypeStruct((N, 1), jnp.float32),
          jax.ShapeDtypeStruct((N, HID), jnp.float32),
      ],
  )(part0, degp, gn0_w, gn0_b, W1, b1)

  (part1,) = _make_sc_agg(False)(hp1, row, col, edge_weight)

  h2 = pl.pallas_call(
      _tc3a_body,
      out_shape=jax.ShapeDtypeStruct((N, HID), jnp.float32),
  )(part1, rdeg)

  s, updated_s, stc = pl.pallas_call(
      _tc3_body,
      out_shape=[
          jax.ShapeDtypeStruct((N, NCLUS), jnp.float32),
          jax.ShapeDtypeStruct((N, NCLUS), jnp.float32),
          jax.ShapeDtypeStruct((NCLUS, NSUB), jnp.float32),
      ],
  )(h1, h2, gnL_w, gnL_b, mlp_w, mlp_b, subgraph_assignment)

  return (s, updated_s, stc)

# --- scband reference (transcript-rebuilt; emitter-appended) ---
"""Pipeline reference for scband-spectral-net-20650202759570 (READ-ONLY COPY).

The authoritative reference and input builder live on the scoring server;
editing this copy changes nothing except your own understanding.
"""

import jax, jax.numpy as jnp
import numpy as np

N = 10000
E = 320000
D_IN = 128
HID = 128
NCLUS = 16
MAXDEG = 64
NSUB = 100


def graph_norm(x, w, b, eps=1e-5):
    mean = jnp.mean(x, axis=0, keepdims=True)
    var = jnp.var(x, axis=0, keepdims=True)
    return w * (x - mean) / jnp.sqrt(var + eps) + b


def glass_conv(x, edge_index, edge_weight, W, bias, n_node):
    # trans_fns[0] + activation
    h = jax.nn.relu(x @ W.T + bias)
    row = edge_index[0]
    col = edge_index[1]
    # buildAdj with aggr='mean': deg over dim 1 (grouped by row), deg<0.5 -> +1
    deg = jax.ops.segment_sum(edge_weight, row, num_segments=n_node)
    deg = jnp.where(deg < 0.5, deg + 1.0, deg)
    w = edge_weight / deg[row]
    # adj @ h : out[row] += w * h[col]
    out = jnp.zeros((n_node, h.shape[1]), dtype=h.dtype).at[row].add(w[:, None] * h[col])
    return out  # dropout p inactive in eval


def setup_inputs(seed: int = 0) -> dict:
    key = jax.random.key(seed)
    ks = jax.random.split(key, 20)
    x = jax.random.randint(ks[0], (N,), 0, MAXDEG + 1)
    edge_index = jax.random.randint(ks[1], (2, E), 0, N)
    edge_weight = jax.random.uniform(ks[2], (E,), dtype=jnp.float32)
    pos = jax.random.normal(ks[3], (N, 2), dtype=jnp.float32)
    subgraph_assignment = jax.random.uniform(ks[4], (NSUB, N), dtype=jnp.float32)
    emb_table = jax.random.normal(ks[5], (MAXDEG + 1, D_IN), dtype=jnp.float32) * 0.05
    emb_gn_w = jnp.ones((D_IN,), dtype=jnp.float32)
    emb_gn_b = jnp.zeros((D_IN,), dtype=jnp.float32)
    W0 = jax.random.normal(ks[6], (HID, D_IN), dtype=jnp.float32) * (1.0 / np.sqrt(D_IN))
    b0 = jnp.zeros((HID,), dtype=jnp.float32)
    W1 = jax.random.normal(ks[7], (HID, HID), dtype=jnp.float32) * (1.0 / np.sqrt(HID))
    b1 = jnp.zeros((HID,), dtype=jnp.float32)
    gn0_w = jnp.ones((HID,), dtype=jnp.float32)
    gn0_b = jnp.zeros((HID,), dtype=jnp.float32)
    gnL_w = jnp.ones((2 * HID,), dtype=jnp.float32)
    gnL_b = jnp.zeros((2 * HID,), dtype=jnp.float32)
    mlp_w = jax.random.normal(ks[8], (NCLUS, 2 * HID), dtype=jnp.float32) * (1.0 / np.sqrt(2 * HID))
    mlp_b = jnp.zeros((NCLUS,), dtype=jnp.float32)
    return {"x": x, "edge_index": edge_index, "edge_weight": edge_weight, "pos": pos,
            "subgraph_assignment": subgraph_assignment, "emb_table": emb_table,
            "emb_gn_w": emb_gn_w, "emb_gn_b": emb_gn_b, "W0": W0, "b0": b0,
            "W1": W1, "b1": b1, "gn0_w": gn0_w, "gn0_b": gn0_b,
            "gnL_w": gnL_w, "gnL_b": gnL_b, "mlp_w": mlp_w, "mlp_b": mlp_b}


def reference(x, edge_index, edge_weight, pos, subgraph_assignment, emb_table,
              emb_gn_w, emb_gn_b, W0, b0, W1, b1, gn0_w, gn0_b, gnL_w, gnL_b,
              mlp_w, mlp_b):
    # input embedding (gather) + GraphNorm
    h = jnp.take(emb_table, x, axis=0).reshape(x.shape[0], -1)
    h = graph_norm(h, emb_gn_w, emb_gn_b)
    xs = []
    # conv 0 (all but last) + gn + activation (dropout p=0 / eval)
    h1 = glass_conv(h, edge_index, edge_weight, W0, b0, N)
    xs.append(h1)
    h1n = jax.nn.relu(graph_norm(h1, gn0_w, gn0_b))
    # last conv
    h2 = glass_conv(h1n, edge_index, edge_weight, W1, b1, N)
    xs.append(h2)
    # jk concat + last gn
    xc = jnp.concatenate(xs, axis=-1)
    xc = graph_norm(xc, gnL_w, gnL_b)
    # cluster logits
    s = xc @ mlp_w.T + mlp_b
    # hard one-hot assignment (the python loop in torch == one-hot argmax)
    updated_s = jax.nn.one_hot(jnp.argmax(s, axis=-1), NCLUS, dtype=s.dtype)
    # F.normalize(softmax(s).T, p=1, dim=1) @ subgraph_assignment.T
    sm = jax.nn.softmax(s, axis=-1).T  # [NCLUS, N]
    denom = jnp.maximum(jnp.sum(jnp.abs(sm), axis=1, keepdims=True), 1e-12)
    sm_norm = sm / denom
    subgraph_to_cluster = sm_norm @ subgraph_assignment.T  # [NCLUS, NSUB]
    return (s, updated_s, subgraph_to_cluster)

if __name__ == "__main__":
    import jax
    _d = setup_inputs()
    print(jax.jit(kernel)(*tuple(_d.values())))

</pallas_src>

<mosaic_0001>
#map = affine_map<(d0, d1) -> (0, 0)>
#map1 = affine_map<(d0, d1) -> (0)>
#map2 = affine_map<(d0, d1) -> (0, 0, 0)>
module attributes {stable_mosaic.version = 14 : i64} {
  func.func @body(%arg0: i32, %arg1: i32, %arg2: memref<10000x128xf32, #tpu.memory_space<hbm>>, %arg3: memref<320000xi32, #tpu.memory_space<hbm>>, %arg4: memref<320000xi32, #tpu.memory_space<hbm>>, %arg5: memref<320000xf32, #tpu.memory_space<hbm>>, %arg6: memref<2x10000x128xf32, #tpu.memory_space<hbm>>, %arg7: memref<80xi32, #tpu.memory_space<vmem>>, %arg8: memref<80xi32, #tpu.memory_space<vmem>>, %arg9: memref<96xf32, #tpu.memory_space<vmem>>, %arg10: memref<80x128xf32, #tpu.memory_space<vmem>>, %arg11: memref<80x128xf32, #tpu.memory_space<vmem>>, %arg12: memref<640xf32, #tpu.memory_space<vmem>>, %arg13: memref<10000x128xf32, #tpu.memory_space<vmem_shared>>, %arg14: memref<10000xf32, #tpu.memory_space<vmem_shared>>, %arg15: memref<!tpu.dma_semaphore, #tpu.memory_space<semaphore_mem>>) attributes {dimension_semantics = [#tpu.dimension_semantics<core_parallel>, #tpu.dimension_semantics<subcore_parallel>], iteration_bounds = array<i64: 2, 16>, scalar_prefetch = 0 : i64, scratch_operands = 9 : i64, tpu.core_type = #tpu.core_type<sc_vector_subcore>, window_params = [{transform_indices = #map}, {transform_indices = #map1}, {transform_indices = #map1}, {transform_indices = #map1}, {transform_indices = #map2}]} {
    %scan3A = arith.constant 0 : i32
    %scan3A_0 = arith.constant 0 : i32
    %scan3A_1 = arith.constant 80 : i32
    %scan3A_2 = arith.addi %scan3A_0, %scan3A_1 : i32
    %scan3A_3 = arith.constant 1 : i32
    %scan3A_4 = scf.for %scan3A_271 = %scan3A_0 to %scan3A_2 step %scan3A_3 iter_args(%scan3A_272 = %scan3A) -> (i32)  : i32 {
      %broadcast_in_dim3A_273 = arith.constant 0.000000e+00 : f32
      %broadcast_in_dim3A_274 = vector.broadcast %broadcast_in_dim3A_273 : f32 to vector<16xf32>
      %swap3A_275 = arith.index_cast %scan3A_271 : i32 to index
      %swap3A_276 = arith.constant 0 : index
      %swap3A_277 = tpu.vector_load %arg11[%swap3A_275, %swap3A_276] {strides = array<i32>} : memref<80x128xf32, #tpu.memory_space<vmem>>, vector<1x16xf32>,
      %swap3A_278 = vector.shape_cast %swap3A_277 : vector<1x16xf32> to vector<16xf32>
      %swap3A_279 = vector.shape_cast %broadcast_in_dim3A_274 : vector<16xf32> to vector<1x16xf32>
      tpu.vector_store %arg11[%swap3A_275, %swap3A_276], %swap3A_279 {strides = array<i32>} : memref<80x128xf32, #tpu.memory_space<vmem>>, vector<1x16xf32>,
      %broadcast_in_dim3A_280 = arith.constant 0.000000e+00 : f32
      %broadcast_in_dim3A_281 = vector.broadcast %broadcast_in_dim3A_280 : f32 to vector<16xf32>
      %swap3A_282 = arith.index_cast %scan3A_271 : i32 to index
      %swap3A_283 = arith.constant 16 : index
      %swap3A_284 = tpu.vector_load %arg11[%swap3A_282, %swap3A_283] {strides = array<i32>} : memref<80x128xf32, #tpu.memory_space<vmem>>, vector<1x16xf32>,
      %swap3A_285 = vector.shape_cast %swap3A_284 : vector<1x16xf32> to vector<16xf32>
      %swap3A_286 = vector.shape_cast %broadcast_in_dim3A_281 : vector<16xf32> to vector<1x16xf32>
      tpu.vector_store %arg11[%swap3A_282, %swap3A_283], %swap3A_286 {strides = array<i32>} : memref<80x128xf32, #tpu.memory_space<vmem>>, vector<1x16xf32>,
      %broadcast_in_dim3A_287 = arith.constant 0.000000e+00 : f32
      %broadcast_in_dim3A_288 = vector.broadcast %broadcast_in_dim3A_287 : f32 to vector<16xf32>
      %swap3A_289 = arith.index_cast %scan3A_271 : i32 to index
      %swap3A_290 = arith.constant 32 : index
      %swap3A_291 = tpu.vector_load %arg11[%swap3A_289, %swap3A_290] {strides = array<i32>} : memref<80x128xf32, #tpu.memory_space<vmem>>, vector<1x16xf32>,
      %swap3A_292 = vector.shape_cast %swap3A_291 : vector<1x16xf32> to vector<16xf32>
      %swap3A_293 = vector.shape_cast %broadcast_in_dim3A_288 : vector<16xf32> to vector<1x16xf32>
      tpu.vector_store %arg11[%swap3A_289, %swap3A_290], %swap3A_293 {strides = array<i32>} : memref<80x128xf32, #tpu.memory_space<vmem>>, vector<1x16xf32>,
      %broadcast_in_dim3A_294 = arith.constant 0.000000e+00 : f32
      %broadcast_in_dim3A_295 = vector.broadcast %broadcast_in_dim3A_294 : f32 to vector<16xf32>
      %swap3A_296 = arith.index_cast %scan3A_271 : i32 to index
      %swap3A_297 = arith.constant 48 : index
      %swap3A_298 = tpu.vector_load %arg11[%swap3A_296, %swap3A_297] {strides = array<i32>} : memref<80x128xf32, #tpu.memory_space<vmem>>, vector<1x16xf32>,
      %swap3A_299 = vector.shape_cast %swap3A_298 : vector<1x16xf32> to vector<16xf32>
      %swap3A_300 = vector.shape_cast %broadcast_in_dim3A_295 : vector<16xf32> to vector<1x16xf32>
      tpu.vector_store %arg11[%swap3A_296, %swap3A_297], %swap3A_300 {strides = array<i32>} : memref<80x128xf32, #tpu.memory_space<vmem>>, vector<1x16xf32>,
      %broadcast_in_dim3A_301 = arith.constant 0.000000e+00 : f32
      %broadcast_in_dim3A_302 = vector.broadcast %broadcast_in_dim3A_301 : f32 to vector<16xf32>
      %swap3A_303 = arith.index_cast %scan3A_271 : i32 to index
      %swap3A_304 = arith.constant 64 : index
      %swap3A_305 = tpu.vector_load %arg11[%swap3A_303, %swap3A_304] {strides = array<i32>} : memref<80x128xf32, #tpu.memory_space<vmem>>, vector<1x16xf32>,
      %swap3A_306 = vector.shape_cast %swap3A_305 : vector<1x16xf32> to vector<16xf32>
      %swap3A_307 = vector.shape_cast %broadcast_in_dim3A_302 : vector<16xf32> to vector<1x16xf32>
      tpu.vector_store %arg11[%swap3A_303, %swap3A_304], %swap3A_307 {strides = array<i32>} : memref<80x128xf32, #tpu.memory_space<vmem>>, vector<1x16xf32>,
      %broadcast_in_dim3A_308 = arith.constant 0.000000e+00 : f32
      %broadcast_in_dim3A_309 = vector.broadcast %broadcast_in_dim3A_308 : f32 to vector<16xf32>
      %swap3A_310 = arith.index_cast %scan3A_271 : i32 to index
      %swap3A_311 = arith.constant 80 : index
      %swap3A_312 = tpu.vector_load %arg11[%swap3A_310, %swap3A_311] {strides = array<i32>} : memref<80x128xf32, #tpu.memory_space<vmem>>, vector<1x16xf32>,
      %swap3A_313 = vector.shape_cast %swap3A_312 : vector<1x16xf32> to vector<16xf32>
      %swap3A_314 = vector.shape_cast %broadcast_in_dim3A_309 : vector<16xf32> to vector<1x16xf32>
      tpu.vector_store %arg11[%swap3A_310, %swap3A_311], %swap3A_314 {strides = array<i32>} : memref<80x128xf32, #tpu.memory_space<vmem>>, vector<1x16xf32>,
      %broadcast_in_dim3A_315 = arith.constant 0.000000e+00 : f32
      %broadcast_in_dim3A_316 = vector.broadcast %broadcast_in_dim3A_315 : f32 to vector<16xf32>
      %swap3A_317 = arith.index_cast %scan3A_271 : i32 to index
      %swap3A_318 = arith.constant 96 : index
      %swap3A_319 = tpu.vector_load %arg11[%swap3A_317, %swap3A_318] {strides = array<i32>} : memref<80x128xf32, #tpu.memory_space<vmem>>, vector<1x16xf32>,
      %swap3A_320 = vector.shape_cast %swap3A_319 : vector<1x16xf32> to vector<16xf32>
      %swap3A_321 = vector.shape_cast %broadcast_in_dim3A_316 : vector<16xf32> to vector<1x16xf32>
      tpu.vector_store %arg11[%swap3A_317, %swap3A_318], %swap3A_321 {strides = array<i32>} : memref<80x128xf32, #tpu.memory_space<vmem>>, vector<1x16xf32>,
      %broadcast_in_dim3A_322 = arith.constant 0.000000e+00 : f32
      %broadcast_in_dim3A_323 = vector.broadcast %broadcast_in_dim3A_322 : f32 to vector<16xf32>
      %swap3A_324 = arith.index_cast %scan3A_271 : i32 to index
      %swap3A_325 = arith.constant 112 : index
      %swap3A_326 = tpu.vector_load %arg11[%swap3A_324, %swap3A_325] {strides = array<i32>} : memref<80x128xf32, #tpu.memory_space<vmem>>, vector<1x16xf32>,
      %swap3A_327 = vector.shape_cast %swap3A_326 : vector<1x16xf32> to vector<16xf32>
      %swap3A_328 = vector.shape_cast %broadcast_in_dim3A_323 : vector<16xf32> to vector<1x16xf32>
      tpu.vector_store %arg11[%swap3A_324, %swap3A_325], %swap3A_328 {strides = array<i32>} : memref<80x128xf32, #tpu.memory_space<vmem>>, vector<1x16xf32>,
      %scan3A_329 = arith.constant 0 : i32
      scf.yield %scan3A_329 : i32
    }
    %scan3A_5 = arith.constant 80 : i32
    %broadcast_in_dim3A = arith.constant 0.000000e+00 : f32
    %broadcast_in_dim3A_6 = vector.broadcast %broadcast_in_dim3A : f32 to vector<16xf32>
    %swap3A = arith.constant 0 : index
    %swap3A_7 = tpu.vector_load %arg12[%swap3A] {strides = array<i32>} : memref<640xf32, #tpu.memory_space<vmem>>, vector<16xf32>,
    %swap3A_8 = vector.shape_cast %swap3A_7 : vector<16xf32> to vector<16xf32>
    %swap3A_9 = vector.shape_cast %broadcast_in_dim3A_6 : vector<16xf32> to vector<16xf32>
    tpu.vector_store %arg12[%swap3A], %swap3A_9 {strides = array<i32>} : memref<640xf32, #tpu.memory_space<vmem>>, vector<16xf32>,
    %broadcast_in_dim3A_10 = arith.constant 0.000000e+00 : f32
    %broadcast_in_dim3A_11 = vector.broadcast %broadcast_in_dim3A_10 : f32 to vector<16xf32>
    %swap3A_12 = arith.constant 16 : index
    %swap3A_13 = tpu.vector_load %arg12[%swap3A_12] {strides = array<i32>} : memref<640xf32, #tpu.memory_space<vmem>>, vector<16xf32>,
    %swap3A_14 = vector.shape_cast %swap3A_13 : vector<16xf32> to vector<16xf32>
    %swap3A_15 = vector.shape_cast %broadcast_in_dim3A_11 : vector<16xf32> to vector<16xf32>
    tpu.vector_store %arg12[%swap3A_12], %swap3A_15 {strides = array<i32>} : memref<640xf32, #tpu.memory_space<vmem>>, vector<16xf32>,
    %broadcast_in_dim3A_16 = arith.constant 0.000000e+00 : f32
    %broadcast_in_dim3A_17 = vector.broadcast %broadcast_in_dim3A_16 : f32 to vector<16xf32>
    %swap3A_18 = arith.constant 32 : index
    %swap3A_19 = tpu.vector_load %arg12[%swap3A_18] {strides = array<i32>} : memref<640xf32, #tpu.memory_space<vmem>>, vector<16xf32>,
    %swap3A_20 = vector.shape_cast %swap3A_19 : vector<16xf32> to vector<16xf32>
    %swap3A_21 = vector.shape_cast %broadcast_in_dim3A_17 : vector<16xf32> to vector<16xf32>
    tpu.vector_store %arg12[%swap3A_18], %swap3A_21 {strides = array<i32>} : memref<640xf32, #tpu.memory_space<vmem>>, vector<16xf32>,
    %broadcast_in_dim3A_22 = arith.constant 0.000000e+00 : f32
    %broadcast_in_dim3A_23 = vector.broadcast %broadcast_in_dim3A_22 : f32 to vector<16xf32>
    %swap3A_24 = arith.constant 48 : index
    %swap3A_25 = tpu.vector_load %arg12[%swap3A_24] {strides = array<i32>} : memref<640xf32, #tpu.memory_space<vmem>>, vector<16xf32>,
    %swap3A_26 = vector.shape_cast %swap3A_25 : vector<16xf32> to vector<16xf32>
    %swap3A_27 = vector.shape_cast %broadcast_in_dim3A_23 : vector<16xf32> to vector<16xf32>
    tpu.vector_store %arg12[%swap3A_24], %swap3A_27 {strides = array<i32>} : memref<640xf32, #tpu.memory_space<vmem>>, vector<16xf32>,
    %broadcast_in_dim3A_28 = arith.constant 0.000000e+00 : f32
    %broadcast_in_dim3A_29 = vector.broadcast %broadcast_in_dim3A_28 : f32 to vector<16xf32>
    %swap3A_30 = arith.constant 64 : index
    %swap3A_31 = tpu.vector_load %arg12[%swap3A_30] {strides = array<i32>} : memref<640xf32, #tpu.memory_space<vmem>>, vector<16xf32>,
    %swap3A_32 = vector.shape_cast %swap3A_31 : vector<16xf32> to vector<16xf32>
    %swap3A_33 = vector.shape_cast %broadcast_in_dim3A_29 : vector<16xf32> to vector<16xf32>
    tpu.vector_store %arg12[%swap3A_30], %swap3A_33 {strides = array<i32>} : memref<640xf32, #tpu.memory_space<vmem>>, vector<16xf32>,
    %broadcast_in_dim3A_34 = arith.constant 0.000000e+00 : f32
    %broadcast_in_dim3A_35 = vector.broadcast %broadcast_in_dim3A_34 : f32 to vector<16xf32>
    %swap3A_36 = arith.constant 80 : index
    %swap3A_37 = tpu.vector_load %arg12[%swap3A_36] {strides = array<i32>} : memref<640xf32, #tpu.memory_space<vmem>>, vector<16xf32>,
    %swap3A_38 = vector.shape_cast %swap3A_37 : vector<16xf32> to vector<16xf32>
    %swap3A_39 = vector.shape_cast %broadcast_in_dim3A_35 : vector<16xf32> to vector<16xf32>
    tpu.vector_store %arg12[%swap3A_36], %swap3A_39 {strides = array<i32>} : memref<640xf32, #tpu.memory_space<vmem>>, vector<16xf32>,
    %broadcast_in_dim3A_40 = arith.constant 0.000000e+00 : f32
    %broadcast_in_dim3A_41 = vector.broadcast %broadcast_in_dim3A_40 : f32 to vector<16xf32>
    %swap3A_42 = arith.constant 96 : index
    %swap3A_43 = tpu.vector_load %arg12[%swap3A_42] {strides = array<i32>} : memref<640xf32, #tpu.memory_space<vmem>>, vector<16xf32>,
    %swap3A_44 = vector.shape_cast %swap3A_43 : vector<16xf32> to vector<16xf32>
    %swap3A_45 = vector.shape_cast %broadcast_in_dim3A_41 : vector<16xf32> to vector<16xf32>
    tpu.vector_store %arg12[%swap3A_42], %swap3A_45 {strides = array<i32>} : memref<640xf32, #tpu.memory_space<vmem>>, vector<16xf32>,
    %broadcast_in_dim3A_46 = arith.constant 0.000000e+00 : f32
    %broadcast_in_dim3A_47 = vector.broadcast %broadcast_in_dim3A_46 : f32 to vector<16xf32>
    %swap3A_48 = arith.constant 112 : index
    %swap3A_49 = tpu.vector_load %arg12[%swap3A_48] {strides = array<i32>} : memref<640xf32, #tpu.memory_space<vmem>>, vector<16xf32>,
    %swap3A_50 = vector.shape_cast %swap3A_49 : vector<16xf32> to vector<16xf32>
    %swap3A_51 = vector.shape_cast %broadcast_in_dim3A_47 : vector<16xf32> to vector<16xf32>
    tpu.vector_store %arg12[%swap3A_48], %swap3A_51 {strides = array<i32>} : memref<640xf32, #tpu.memory_space<vmem>>, vector<16xf32>,
    %broadcast_in_dim3A_52 = arith.constant 0.000000e+00 : f32
    %broadcast_in_dim3A_53 = vector.broadcast %broadcast_in_dim3A_52 : f32 to vector<16xf32>
    %swap3A_54 = arith.constant 128 : index
    %swap3A_55 = tpu.vector_load %arg12[%swap3A_54] {strides = array<i32>} : memref<640xf32, #tpu.memory_space<vmem>>, vector<16xf32>,
    %swap3A_56 = vector.shape_cast %swap3A_55 : vector<16xf32> to vector<16xf32>
    %swap3A_57 = vector.shape_cast %broadcast_in_dim3A_53 : vector<16xf32> to vector<16xf32>
    tpu.vector_store %arg12[%swap3A_54], %swap3A_57 {strides = array<i32>} : memref<640xf32, #tpu.memory_space<vmem>>, vector<16xf32>,
    %broadcast_in_dim3A_58 = arith.constant 0.000000e+00 : f32
    %broadcast_in_dim3A_59 = vector.broadcast %broadcast_in_dim3A_58 : f32 to vector<16xf32>
    %swap3A_60 = arith.constant 144 : index
    %swap3A_61 = tpu.vector_load %arg12[%swap3A_60] {strides = array<i32>} : memref<640xf32, #tpu.memory_space<vmem>>, vector<16xf32>,
    %swap3A_62 = vector.shape_cast %swap3A_61 : vector<16xf32> to vector<16xf32>
    %swap3A_63 = vector.shape_cast %broadcast_in_dim3A_59 : vector<16xf32> to vector<16xf32>
    tpu.vector_store %arg12[%swap3A_60], %swap3A_63 {strides = array<i32>} : memref<640xf32, #tpu.memory_space<vmem>>, vector<16xf32>,
    %broadcast_in_dim3A_64 = arith.constant 0.000000e+00 : f32
    %broadcast_in_dim3A_65 = vector.broadcast %broadcast_in_dim3A_64 : f32 to vector<16xf32>
    %swap3A_66 = arith.constant 160 : index
    %swap3A_67 = tpu.vector_load %arg12[%swap3A_66] {strides = array<i32>} : memref<640xf32, #tpu.memory_space<vmem>>, vector<16xf32>,
    %swap3A_68 = vector.shape_cast %swap3A_67 : vector<16xf32> to vector<16xf32>
    %swap3A_69 = vector.shape_cast %broadcast_in_dim3A_65 : vector<16xf32> to vector<16xf32>
    tpu.vector_store %arg12[%swap3A_66], %swap3A_69 {strides = array<i32>} : memref<640xf32, #tpu.memory_space<vmem>>, vector<16xf32>,
    %broadcast_in_dim3A_70 = arith.constant 0.000000e+00 : f32
    %broadcast_in_dim3A_71 = vector.broadcast %broadcast_in_dim3A_70 : f32 to vector<16xf32>
    %swap3A_72 = arith.constant 176 : index
    %swap3A_73 = tpu.vector_load %arg12[%swap3A_72] {strides = array<i32>} : memref<640xf32, #tpu.memory_space<vmem>>, vector<16xf32>,
    %swap3A_74 = vector.shape_cast %swap3A_73 : vector<16xf32> to vector<16xf32>
    %swap3A_75 = vector.shape_cast %broadcast_in_dim3A_71 : vector<16xf32> to vector<16xf32>
    tpu.vector_store %arg12[%swap3A_72], %swap3A_75 {strides = array<i32>} : memref<640xf32, #tpu.memory_space<vmem>>, vector<16xf32>,
    %broadcast_in_dim3A_76 = arith.constant 0.000000e+00 : f32
    %broadcast_in_dim3A_77 = vector.broadcast %broadcast_in_dim3A_76 : f32 to vector<16xf32>
    %swap3A_78 = arith.constant 192 : index
    %swap3A_79 = tpu.vector_load %arg12[%swap3A_78] {strides = array<i32>} : memref<640xf32, #tpu.memory_space<vmem>>, vector<16xf32>,
    %swap3A_80 = vector.shape_cast %swap3A_79 : vector<16xf32> to vector<16xf32>
    %swap3A_81 = vector.shape_cast %broadcast_in_dim3A_77 : vector<16xf32> to vector<16xf32>
    tpu.vector_store %arg12[%swap3A_78], %swap3A_81 {strides = array<i32>} : memref<640xf32, #tpu.memory_space<vmem>>, vector<16xf32>,
    %broadcast_in_dim3A_82 = arith.constant 0.000000e+00 : f32
    %broadcast_in_dim3A_83 = vector.broadcast %broadcast_in_dim3A_82 : f32 to vector<16xf32>
    %swap3A_84 = arith.constant 208 : index
    %swap3A_85 = tpu.vector_load %arg12[%swap3A_84] {strides = array<i32>} : memref<640xf32, #tpu.memory_space<vmem>>, vector<16xf32>,
    %swap3A_86 = vector.shape_cast %swap3A_85 : vector<16xf32> to vector<16xf32>
    %swap3A_87 = vector.shape_cast %broadcast_in_dim3A_83 : vector<16xf32> to vector<16xf32>
    tpu.vector_store %arg12[%swap3A_84], %swap3A_87 {strides = array<i32>} : memref<640xf32, #tpu.memory_space<vmem>>, vector<16xf32>,
    %broadcast_in_dim3A_88 = arith.constant 0.000000e+00 : f32
    %broadcast_in_dim3A_89 = vector.broadcast %broadcast_in_dim3A_88 : f32 to vector<16xf32>
    %swap3A_90 = arith.constant 224 : index
    %swap3A_91 = tpu.vector_load %arg12[%swap3A_90] {strides = array<i32>} : memref<640xf32, #tpu.memory_space<vmem>>, vector<16xf32>,
    %swap3A_92 = vector.shape_cast %swap3A_91 : vector<16xf32> to vector<16xf32>
    %swap3A_93 = vector.shape_cast %broadcast_in_dim3A_89 : vector<16xf32> to vector<16xf32>
    tpu.vector_store %arg12[%swap3A_90], %swap3A_93 {strides = array<i32>} : memref<640xf32, #tpu.memory_space<vmem>>, vector<16xf32>,
    %broadcast_in_dim3A_94 = arith.constant 0.000000e+00 : f32
    %broadcast_in_dim3A_95 = vector.broadcast %broadcast_in_dim3A_94 : f32 to vector<16xf32>
    %swap3A_96 = arith.constant 240 : index
    %swap3A_97 = tpu.vector_load %arg12[%swap3A_96] {strides = array<i32>} : memref<640xf32, #tpu.memory_space<vmem>>, vector<16xf32>,
    %swap3A_98 = vector.shape_cast %swap3A_97 : vector<16xf32> to vector<16xf32>
    %swap3A_99 = vector.shape_cast %broadcast_in_dim3A_95 : vector<16xf32> to vector<16xf32>
    tpu.vector_store %arg12[%swap3A_96], %swap3A_99 {strides = array<i32>} : memref<640xf32, #tpu.memory_space<vmem>>, vector<16xf32>,
    %broadcast_in_dim3A_100 = arith.constant 0.000000e+00 : f32
    %broadcast_in_dim3A_101 = vector.broadcast %broadcast_in_dim3A_100 : f32 to vector<16xf32>
    %swap3A_102 = arith.constant 256 : index
    %swap3A_103 = tpu.vector_load %arg12[%swap3A_102] {strides = array<i32>} : memref<640xf32, #tpu.memory_space<vmem>>, vector<16xf32>,
    %swap3A_104 = vector.shape_cast %swap3A_103 : vector<16xf32> to vector<16xf32>
    %swap3A_105 = vector.shape_cast %broadcast_in_dim3A_101 : vector<16xf32> to vector<16xf32>
    tpu.vector_store %arg12[%swap3A_102], %swap3A_105 {strides = array<i32>} : memref<640xf32, #tpu.memory_space<vmem>>, vector<16xf32>,
    %broadcast_in_dim3A_106 = arith.constant 0.000000e+00 : f32
    %broadcast_in_dim3A_107 = vector.broadcast %broadcast_in_dim3A_106 : f32 to vector<16xf32>
    %swap3A_108 = arith.constant 272 : index
    %swap3A_109 = tpu.vector_load %arg12[%swap3A_108] {strides = array<i32>} : memref<640xf32, #tpu.memory_space<vmem>>, vector<16xf32>,
    %swap3A_110 = vector.shape_cast %swap3A_109 : vector<16xf32> to vector<16xf32>
    %swap3A_111 = vector.shape_cast %broadcast_in_dim3A_107 : vector<16xf32> to vector<16xf32>
    tpu.vector_store %arg12[%swap3A_108], %swap3A_111 {strides = array<i32>} : memref<640xf32, #tpu.memory_space<vmem>>, vector<16xf32>,
    %broadcast_in_dim3A_112 = arith.constant 0.000000e+00 : f32
    %broadcast_in_dim3A_113 = vector.broadcast %broadcast_in_dim3A_112 : f32 to vector<16xf32>
    %swap3A_114 = arith.constant 288 : index
    %swap3A_115 = tpu.vector_load %arg12[%swap3A_114] {strides = array<i32>} : memref<640xf32, #tpu.memory_space<vmem>>, vector<16xf32>,
    %swap3A_116 = vector.shape_cast %swap3A_115 : vector<16xf32> to vector<16xf32>
    %swap3A_117 = vector.shape_cast %broadcast_in_dim3A_113 : vector<16xf32> to vector<16xf32>
    tpu.vector_store %arg12[%swap3A_114], %swap3A_117 {strides = array<i32>} : memref<640xf32, #tpu.memory_space<vmem>>, vector<16xf32>,
    %broadcast_in_dim3A_118 = arith.constant 0.000000e+00 : f32
    %broadcast_in_dim3A_119 = vector.broadcast %broadcast_in_dim3A_118 : f32 to vector<16xf32>
    %swap3A_120 = arith.constant 304 : index
    %swap3A_121 = tpu.vector_load %arg12[%swap3A_120] {strides = array<i32>} : memref<640xf32, #tpu.memory_space<vmem>>, vector<16xf32>,
    %swap3A_122 = vector.shape_cast %swap3A_121 : vector<16xf32> to vector<16xf32>
    %swap3A_123 = vector.shape_cast %broadcast_in_dim3A_119 : vector<16xf32> to vector<16xf32>
    tpu.vector_store %arg12[%swap3A_120], %swap3A_123 {strides = array<i32>} : memref<640xf32, #tpu.memory_space<vmem>>, vector<16xf32>,
    %broadcast_in_dim3A_124 = arith.constant 0.000000e+00 : f32
    %broadcast_in_dim3A_125 = vector.broadcast %broadcast_in_dim3A_124 : f32 to vector<16xf32>
    %swap3A_126 = arith.constant 320 : index
    %swap3A_127 = tpu.vector_load %arg12[%swap3A_126] {strides = array<i32>} : memref<640xf32, #tpu.memory_space<vmem>>, vector<16xf32>,
    %swap3A_128 = vector.shape_cast %swap3A_127 : vector<16xf32> to vector<16xf32>
    %swap3A_129 = vector.shape_cast %broadcast_in_dim3A_125 : vector<16xf32> to vector<16xf32>
    tpu.vector_store %arg12[%swap3A_126], %swap3A_129 {strides = array<i32>} : memref<640xf32, #tpu.memory_space<vmem>>, vector<16xf32>,
    %broadcast_in_dim3A_130 = arith.constant 0.000000e+00 : f32
    %broadcast_in_dim3A_131 = vector.broadcast %broadcast_in_dim3A_130 : f32 to vector<16xf32>
    %swap3A_132 = arith.constant 336 : index
    %swap3A_133 = tpu.vector_load %arg12[%swap3A_132] {strides = array<i32>} : memref<640xf32, #tpu.memory_space<vmem>>, vector<16xf32>,
    %swap3A_134 = vector.shape_cast %swap3A_133 : vector<16xf32> to vector<16xf32>
    %swap3A_135 = vector.shape_cast %broadcast_in_dim3A_131 : vector<16xf32> to vector<16xf32>
    tpu.vector_store %arg12[%swap3A_132], %swap3A_135 {strides = array<i32>} : memref<640xf32, #tpu.memory_space<vmem>>, vector<16xf32>,
    %broadcast_in_dim3A_136 = arith.constant 0.000000e+00 : f32
    %broadcast_in_dim3A_137 = vector.broadcast %broadcast_in_dim3A_136 : f32 to vector<16xf32>
    %swap3A_138 = arith.constant 352 : index
    %swap3A_139 = tpu.vector_load %arg12[%swap3A_138] {strides = array<i32>} : memref<640xf32, #tpu.memory_space<vmem>>, vector<16xf32>,
    %swap3A_140 = vector.shape_cast %swap3A_139 : vector<16xf32> to vector<16xf32>
    %swap3A_141 = vector.shape_cast %broadcast_in_dim3A_137 : vector<16xf32> to vector<16xf32>
    tpu.vector_store %arg12[%swap3A_138], %swap3A_141 {strides = array<i32>} : memref<640xf32, #tpu.memory_space<vmem>>, vector<16xf32>,
    %broadcast_in_dim3A_142 = arith.constant 0.000000e+00 : f32
    %broadcast_in_dim3A_143 = vector.broadcast %broadcast_in_dim3A_142 : f32 to vector<16xf32>
    %swap3A_144 = arith.constant 368 : index
    %swap3A_145 = tpu.vector_load %arg12[%swap3A_144] {strides = array<i32>} : memref<640xf32, #tpu.memory_space<vmem>>, vector<16xf32>,
    %swap3A_146 = vector.shape_cast %swap3A_145 : vector<16xf32> to vector<16xf32>
    %swap3A_147 = vector.shape_cast %broadcast_in_dim3A_143 : vector<16xf32> to vector<16xf32>
    tpu.vector_store %arg12[%swap3A_144], %swap3A_147 {strides = array<i32>} : memref<640xf32, #tpu.memory_space<vmem>>, vector<16xf32>,
    %broadcast_in_dim3A_148 = arith.constant 0.000000e+00 : f32
    %broadcast_in_dim3A_149 = vector.broadcast %broadcast_in_dim3A_148 : f32 to vector<16xf32>
    %swap3A_150 = arith.constant 384 : index
    %swap3A_151 = tpu.vector_load %arg12[%swap3A_150] {strides = array<i32>} : memref<640xf32, #tpu.memory_space<vmem>>, vector<16xf32>,
    %swap3A_152 = vector.shape_cast %swap3A_151 : vector<16xf32> to vector<16xf32>
    %swap3A_153 = vector.shape_cast %broadcast_in_dim3A_149 : vector<16xf32> to vector<16xf32>
    tpu.vector_store %arg12[%swap3A_150], %swap3A_153 {strides = array<i32>} : memref<640xf32, #tpu.memory_space<vmem>>, vector<16xf32>,
    %broadcast_in_dim3A_154 = arith.constant 0.000000e+00 : f32
    %broadcast_in_dim3A_155 = vector.broadcast %broadcast_in_dim3A_154 : f32 to vector<16xf32>
    %swap3A_156 = arith.constant 400 : index
    %swap3A_157 = tpu.vector_load %arg12[%swap3A_156] {strides = array<i32>} : memref<640xf32, #tpu.memory_space<vmem>>, vector<16xf32>,
    %swap3A_158 = vector.shape_cast %swap3A_157 : vector<16xf32> to vector<16xf32>
    %swap3A_159 = vector.shape_cast %broadcast_in_dim3A_155 : vector<16xf32> to vector<16xf32>
    tpu.vector_store %arg12[%swap3A_156], %swap3A_159 {strides = array<i32>} : memref<640xf32, #tpu.memory_space<vmem>>, vector<16xf32>,
    %broadcast_in_dim3A_160 = arith.constant 0.000000e+00 : f32
    %broadcast_in_dim3A_161 = vector.broadcast %broadcast_in_dim3A_160 : f32 to vector<16xf32>
    %swap3A_162 = arith.constant 416 : index
    %swap3A_163 = tpu.vector_load %arg12[%swap3A_162] {strides = array<i32>} : memref<640xf32, #tpu.memory_space<vmem>>, vector<16xf32>,
    %swap3A_164 = vector.shape_cast %swap3A_163 : vector<16xf32> to vector<16xf32>
    %swap3A_165 = vector.shape_cast %broadcast_in_dim3A_161 : vector<16xf32> to vector<16xf32>
    tpu.vector_store %arg12[%swap3A_162], %swap3A_165 {strides = array<i32>} : memref<640xf32, #tpu.memory_space<vmem>>, vector<16xf32>,
    %broadcast_in_dim3A_166 = arith.constant 0.000000e+00 : f32
    %broadcast_in_dim3A_167 = vector.broadcast %broadcast_in_dim3A_166 : f32 to vector<16xf32>
    %swap3A_168 = arith.constant 432 : index
    %swap3A_169 = tpu.vector_load %arg12[%swap3A_168] {strides = array<i32>} : memref<640xf32, #tpu.memory_space<vmem>>, vector<16xf32>,
    %swap3A_170 = vector.shape_cast %swap3A_169 : vector<16xf32> to vector<16xf32>
    %swap3A_171 = vector.shape_cast %broadcast_in_dim3A_167 : vector<16xf32> to vector<16xf32>
    tpu.vector_store %arg12[%swap3A_168], %swap3A_171 {strides = array<i32>} : memref<640xf32, #tpu.memory_space<vmem>>, vector<16xf32>,
    %broadcast_in_dim3A_172 = arith.constant 0.000000e+00 : f32
    %broadcast_in_dim3A_173 = vector.broadcast %broadcast_in_dim3A_172 : f32 to vector<16xf32>
    %swap3A_174 = arith.constant 448 : index
    %swap3A_175 = tpu.vector_load %arg12[%swap3A_174] {strides = array<i32>} : memref<640xf32, #tpu.memory_space<vmem>>, vector<16xf32>,
    %swap3A_176 = vector.shape_cast %swap3A_175 : vector<16xf32> to vector<16xf32>
    %swap3A_177 = vector.shape_cast %broadcast_in_dim3A_173 : vector<16xf32> to vector<16xf32>
    tpu.vector_store %arg12[%swap3A_174], %swap3A_177 {strides = array<i32>} : memref<640xf32, #tpu.memory_space<vmem>>, vector<16xf32>,
    %broadcast_in_dim3A_178 = arith.constant 0.000000e+00 : f32
    %broadcast_in_dim3A_179 = vector.broadcast %broadcast_in_dim3A_178 : f32 to vector<16xf32>
    %swap3A_180 = arith.constant 464 : index
    %swap3A_181 = tpu.vector_load %arg12[%swap3A_180] {strides = array<i32>} : memref<640xf32, #tpu.memory_space<vmem>>, vector<16xf32>,
    %swap3A_182 = vector.shape_cast %swap3A_181 : vector<16xf32> to vector<16xf32>
    %swap3A_183 = vector.shape_cast %broadcast_in_dim3A_179 : vector<16xf32> to vector<16xf32>
    tpu.vector_store %arg12[%swap3A_180], %swap3A_183 {strides = array<i32>} : memref<640xf32, #tpu.memory_space<vmem>>, vector<16xf32>,
    %broadcast_in_dim3A_184 = arith.constant 0.000000e+00 : f32
    %broadcast_in_dim3A_185 = vector.broadcast %broadcast_in_dim3A_184 : f32 to vector<16xf32>
    %swap3A_186 = arith.constant 480 : index
    %swap3A_187 = tpu.vector_load %arg12[%swap3A_186] {strides = array<i32>} : memref<640xf32, #tpu.memory_space<vmem>>, vector<16xf32>,
    %swap3A_188 = vector.shape_cast %swap3A_187 : vector<16xf32> to vector<16xf32>
    %swap3A_189 = vector.shape_cast %broadcast_in_dim3A_185 : vector<16xf32> to vector<16xf32>
    tpu.vector_store %arg12[%swap3A_186], %swap3A_189 {strides = array<i32>} : memref<640xf32, #tpu.memory_space<vmem>>, vector<16xf32>,
    %broadcast_in_dim3A_190 = arith.constant 0.000000e+00 : f32
    %broadcast_in_dim3A_191 = vector.broadcast %broadcast_in_dim3A_190 : f32 to vector<16xf32>
    %swap3A_192 = arith.constant 496 : index
    %swap3A_193 = tpu.vector_load %arg12[%swap3A_192] {strides = array<i32>} : memref<640xf32, #tpu.memory_space<vmem>>, vector<16xf32>,
    %swap3A_194 = vector.shape_cast %swap3A_193 : vector<16xf32> to vector<16xf32>
    %swap3A_195 = vector.shape_cast %broadcast_in_dim3A_191 : vector<16xf32> to vector<16xf32>
    tpu.vector_store %arg12[%swap3A_192], %swap3A_195 {strides = array<i32>} : memref<640xf32, #tpu.memory_space<vmem>>, vector<16xf32>,
    %broadcast_in_dim3A_196 = arith.constant 0.000000e+00 : f32
    %broadcast_in_dim3A_197 = vector.broadcast %broadcast_in_dim3A_196 : f32 to vector<16xf32>
    %swap3A_198 = arith.constant 512 : index
    %swap3A_199 = tpu.vector_load %arg12[%swap3A_198] {strides = array<i32>} : memref<640xf32, #tpu.memory_space<vmem>>, vector<16xf32>,
    %swap3A_200 = vector.shape_cast %swap3A_199 : vector<16xf32> to vector<16xf32>
    %swap3A_201 = vector.shape_cast %broadcast_in_dim3A_197 : vector<16xf32> to vector<16xf32>
    tpu.vector_store %arg12[%swap3A_198], %swap3A_201 {strides = array<i32>} : memref<640xf32, #tpu.memory_space<vmem>>, vector<16xf32>,
    %broadcast_in_dim3A_202 = arith.constant 0.000000e+00 : f32
    %broadcast_in_dim3A_203 = vector.broadcast %broadcast_in_dim3A_202 : f32 to vector<16xf32>
    %swap3A_204 = arith.constant 528 : index
    %swap3A_205 = tpu.vector_load %arg12[%swap3A_204] {strides = array<i32>} : memref<640xf32, #tpu.memory_space<vmem>>, vector<16xf32>,
    %swap3A_206 = vector.shape_cast %swap3A_205 : vector<16xf32> to vector<16xf32>
    %swap3A_207 = vector.shape_cast %broadcast_in_dim3A_203 : vector<16xf32> to vector<16xf32>
    tpu.vector_store %arg12[%swap3A_204], %swap3A_207 {strides = array<i32>} : memref<640xf32, #tpu.memory_space<vmem>>, vector<16xf32>,
    %broadcast_in_dim3A_208 = arith.constant 0.000000e+00 : f32
    %broadcast_in_dim3A_209 = vector.broadcast %broadcast_in_dim3A_208 : f32 to vector<16xf32>
    %swap3A_210 = arith.constant 544 : index
    %swap3A_211 = tpu.vector_load %arg12[%swap3A_210] {strides = array<i32>} : memref<640xf32, #tpu.memory_space<vmem>>, vector<16xf32>,
    %swap3A_212 = vector.shape_cast %swap3A_211 : vector<16xf32> to vector<16xf32>
    %swap3A_213 = vector.shape_cast %broadcast_in_dim3A_209 : vector<16xf32> to vector<16xf32>
    tpu.vector_store %arg12[%swap3A_210], %swap3A_213 {strides = array<i32>} : memref<640xf32, #tpu.memory_space<vmem>>, vector<16xf32>,
    %broadcast_in_dim3A_214 = arith.constant 0.000000e+00 : f32
    %broadcast_in_dim3A_215 = vector.broadcast %broadcast_in_dim3A_214 : f32 to vector<16xf32>
    %swap3A_216 = arith.constant 560 : index
    %swap3A_217 = tpu.vector_load %arg12[%swap3A_216] {strides = array<i32>} : memref<640xf32, #tpu.memory_space<vmem>>, vector<16xf32>,
    %swap3A_218 = vector.shape_cast %swap3A_217 : vector<16xf32> to vector<16xf32>
    %swap3A_219 = vector.shape_cast %broadcast_in_dim3A_215 : vector<16xf32> to vector<16xf32>
    tpu.vector_store %arg12[%swap3A_216], %swap3A_219 {strides = array<i32>} : memref<640xf32, #tpu.memory_space<vmem>>, vector<16xf32>,
    %broadcast_in_dim3A_220 = arith.constant 0.000000e+00 : f32
    %broadcast_in_dim3A_221 = vector.broadcast %broadcast_in_dim3A_220 : f32 to vector<16xf32>
    %swap3A_222 = arith.constant 576 : index
    %swap3A_223 = tpu.vector_load %arg12[%swap3A_222] {strides = array<i32>} : memref<640xf32, #tpu.memory_space<vmem>>, vector<16xf32>,
    %swap3A_224 = vector.shape_cast %swap3A_223 : vector<16xf32> to vector<16xf32>
    %swap3A_225 = vector.shape_cast %broadcast_in_dim3A_221 : vector<16xf32> to vector<16xf32>
    tpu.vector_store %arg12[%swap3A_222], %swap3A_225 {strides = array<i32>} : memref<640xf32, #tpu.memory_space<vmem>>, vector<16xf32>,
    %broadcast_in_dim3A_226 = arith.constant 0.000000e+00 : f32
    %broadcast_in_dim3A_227 = vector.broadcast %broadcast_in_dim3A_226 : f32 to vector<16xf32>
    %swap3A_228 = arith.constant 592 : index
    %swap3A_229 = tpu.vector_load %arg12[%swap3A_228] {strides = array<i32>} : memref<640xf32, #tpu.memory_space<vmem>>, vector<16xf32>,
    %swap3A_230 = vector.shape_cast %swap3A_229 : vector<16xf32> to vector<16xf32>
    %swap3A_231 = vector.shape_cast %broadcast_in_dim3A_227 : vector<16xf32> to vector<16xf32>
    tpu.vector_store %arg12[%swap3A_228], %swap3A_231 {strides = array<i32>} : memref<640xf32, #tpu.memory_space<vmem>>, vector<16xf32>,
    %broadcast_in_dim3A_232 = arith.constant 0.000000e+00 : f32
    %broadcast_in_dim3A_233 = vector.broadcast %broadcast_in_dim3A_232 : f32 to vector<16xf32>
    %swap3A_234 = arith.constant 608 : index
    %swap3A_235 = tpu.vector_load %arg12[%swap3A_234] {strides = array<i32>} : memref<640xf32, #tpu.memory_space<vmem>>, vector<16xf32>,
    %swap3A_236 = vector.shape_cast %swap3A_235 : vector<16xf32> to vector<16xf32>
    %swap3A_237 = vector.shape_cast %broadcast_in_dim3A_233 : vector<16xf32> to vector<16xf32>
    tpu.vector_store %arg12[%swap3A_234], %swap3A_237 {strides = array<i32>} : memref<640xf32, #tpu.memory_space<vmem>>, vector<16xf32>,
    %broadcast_in_dim3A_238 = arith.constant 0.000000e+00 : f32
    %broadcast_in_dim3A_239 = vector.broadcast %broadcast_in_dim3A_238 : f32 to vector<16xf32>
    %swap3A_240 = arith.constant 624 : index
    %swap3A_241 = tpu.vector_load %arg12[%swap3A_240] {strides = array<i32>} : memref<640xf32, #tpu.memory_space<vmem>>, vector<16xf32>,
    %swap3A_242 = vector.shape_cast %swap3A_241 : vector<16xf32> to vector<16xf32>
    %swap3A_243 = vector.shape_cast %broadcast_in_dim3A_239 : vector<16xf32> to vector<16xf32>
    tpu.vector_store %arg12[%swap3A_240], %swap3A_243 {strides = array<i32>} : memref<640xf32, #tpu.memory_space<vmem>>, vector<16xf32>,
    %lt3A = arith.constant 15 : i32
    %lt3A_244 = arith.cmpi slt, %arg1, %lt3A : i32
    %convert_element_type3A = arith.extui %lt3A_244 : i1 to i32
    %cond3A = arith.constant 0 : i32
    %cond3A_245 = arith.cmpi ne, %convert_element_type3A, %cond3A : i32
    scf.if %cond3A_245 {
      %mul3A_271 = arith.constant 624 : i32
      %mul3A_272 = arith.muli %arg1, %mul3A_271 : i32
      %add3A_273 = arith.constant 0 : i32
      %add3A_274 = arith.addi %mul3A_272, %add3A_273 : i32
      "tpu.region"() ({
        %run_scoped3A = tpu.sem_alloc : memref<!tpu.dma_semaphore, #tpu.memory_space<semaphore_mem>>
        %dma_start3A = arith.constant 0 : i32
        %dma_start3A_303 = arith.constant 0 : i32
        %dma_start3A_304 = tpu.memref_slice %arg11[%dma_start3A, %dma_start3A_303] : memref<80x128xf32, #tpu.memory_space<vmem>> -> memref<80x128xf32, #tpu.memory_space<vmem>>
        %dma_start3A_305 = arith.constant 0 : i32
        %dma_start3A_306 = tpu.memref_slice %arg13[%add3A_274, %dma_start3A_305] : memref<10000x128xf32, #tpu.memory_space<vmem_shared>> -> memref<80x128xf32, #tpu.memory_space<vmem_shared>>
        %dma_start3A_307 = arith.constant 0 : i32
        %dma_start3A_308 = tpu.memref_slice %arg13[%add3A_274, %dma_start3A_307] : memref<10000x128xf32, #tpu.memory_space<vmem_shared>> -> memref<80x128xf32, #tpu.memory_space<vmem_shared>>
        %dma_start3A_309 = arith.constant 0 : i32
        %dma_start3A_310 = arith.constant 0 : i32
        %dma_start3A_311 = tpu.memref_slice %arg11[%dma_start3A_309, %dma_start3A_310] : memref<80x128xf32, #tpu.memory_space<vmem>> -> memref<80x128xf32, #tpu.memory_space<vmem>>
        tpu.enqueue_dma source(%dma_start3A_311 : memref<80x128xf32, #tpu.memory_space<vmem>>) target(%dma_start3A_308 : memref<80x128xf32, #tpu.memory_space<vmem_shared>>) target_semaphore(%run_scoped3A : memref<!tpu.dma_semaphore, #tpu.memory_space<semaphore_mem>>)
        %dma_wait3A = arith.constant 0 : i32
        %dma_wait3A_312 = arith.constant 0 : i32
        %dma_wait3A_313 = tpu.memref_slice %arg11[%dma_wait3A, %dma_wait3A_312] : memref<80x128xf32, #tpu.memory_space<vmem>> -> memref<80x128xf32, #tpu.memory_space<vmem>>
        %dma_wait3A_314 = arith.constant 0 : i32
        %dma_wait3A_315 = tpu.memref_slice %arg13[%add3A_274, %dma_wait3A_314] : memref<10000x128xf32, #tpu.memory_space<vmem_shared>> -> memref<80x128xf32, #tpu.memory_space<vmem_shared>>
        %dma_wait3A_316 = arith.constant 0 : i32
        %dma_wait3A_317 = tpu.memref_slice %arg13[%add3A_274, %dma_wait3A_316] : memref<10000x128xf32, #tpu.memory_space<vmem_shared>> -> memref<80x128xf32, #tpu.memory_space<vmem_shared>>
        %dma_wait3A_318 = arith.constant 0 : i32
        %dma_wait3A_319 = arith.constant 0 : i32
        %dma_wait3A_320 = tpu.memref_slice %arg11[%dma_wait3A_318, %dma_wait3A_319] : memref<80x128xf32, #tpu.memory_space<vmem>> -> memref<80x128xf32, #tpu.memory_space<vmem>>
        tpu.wait_dma2 semaphore(%run_scoped3A : memref<!tpu.dma_semaphore, #tpu.memory_space<semaphore_mem>>) src(%dma_wait3A_320 : memref<80x128xf32, #tpu.memory_space<vmem>>) dst(%dma_wait3A_317 : memref<80x128xf32, #tpu.memory_space<vmem_shared>>)
        tpu.yield
      }) : () -> ()
      %mul3A_275 = arith.constant 624 : i32
      %mul3A_276 = arith.muli %arg1, %mul3A_275 : i32
      %add3A_277 = arith.constant 80 : i32
      %add3A_278 = arith.addi %mul3A_276, %add3A_277 : i32
      "tpu.region"() ({
        %run_scoped3A = tpu.sem_alloc : memref<!tpu.dma_semaphore, #tpu.memory_space<semaphore_mem>>
        %dma_start3A = arith.constant 0 : i32
        %dma_start3A_303 = arith.constant 0 : i32
        %dma_start3A_304 = tpu.memref_slice %arg11[%dma_start3A, %dma_start3A_303] : memref<80x128xf32, #tpu.memory_space<vmem>> -> memref<80x128xf32, #tpu.memory_space<vmem>>
        %dma_start3A_305 = arith.constant 0 : i32
        %dma_start3A_306 = tpu.memref_slice %arg13[%add3A_278, %dma_start3A_305] : memref<10000x128xf32, #tpu.memory_space<vmem_shared>> -> memref<80x128xf32, #tpu.memory_space<vmem_shared>>
        %dma_start3A_307 = arith.constant 0 : i32
        %dma_start3A_308 = tpu.memref_slice %arg13[%add3A_278, %dma_start3A_307] : memref<10000x128xf32, #tpu.memory_space<vmem_shared>> -> memref<80x128xf32, #tpu.memory_space<vmem_shared>>
        %dma_start3A_309 = arith.constant 0 : i32
        %dma_start3A_310 = arith.constant 0 : i32
        %dma_start3A_311 = tpu.memref_slice %arg11[%dma_start3A_309, %dma_start3A_310] : memref<80x128xf32, #tpu.memory_space<vmem>> -> memref<80x128xf32, #tpu.memory_space<vmem>>
        tpu.enqueue_dma source(%dma_start3A_311 : memref<80x128xf32, #tpu.memory_space<vmem>>) target(%dma_start3A_308 : memref<80x128xf32, #tpu.memory_space<vmem_shared>>) target_semaphore(%run_scoped3A : memref<!tpu.dma_semaphore, #tpu.memory_space<semaphore_mem>>)
        %dma_wait3A = arith.constant 0 : i32
        %dma_wait3A_312 = arith.constant 0 : i32
        %dma_wait3A_313 = tpu.memref_slice %arg11[%dma_wait3A, %dma_wait3A_312] : memref<80x128xf32, #tpu.memory_space<vmem>> -> memref<80x128xf32, #tpu.memory_space<vmem>>
        %dma_wait3A_314 = arith.constant 0 : i32
        %dma_wait3A_315 = tpu.memref_slice %arg13[%add3A_278, %dma_wait3A_314] : memref<10000x128xf32, #tpu.memory_space<vmem_shared>> -> memref<80x128xf32, #tpu.memory_space<vmem_shared>>
        %dma_wait3A_316 = arith.constant 0 : i32
        %dma_wait3A_317 = tpu.memref_slice %arg13[%add3A_278, %dma_wait3A_316] : memref<10000x128xf32, #tpu.memory_space<vmem_shared>> -> memref<80x128xf32, #tpu.memory_space<vmem_shared>>
        %dma_wait3A_318 = arith.constant 0 : i32
        %dma_wait3A_319 = arith.constant 0 : i32
        %dma_wait3A_320 = tpu.memref_slice %arg11[%dma_wait3A_318, %dma_wait3A_319] : memref<80x128xf32, #tpu.memory_space<vmem>> -> memref<80x128xf32, #tpu.memory_space<vmem>>
        tpu.wait_dma2 semaphore(%run_scoped3A : memref<!tpu.dma_semaphore, #tpu.memory_space<semaphore_mem>>) src(%dma_wait3A_320 : memref<80x128xf32, #tpu.memory_space<vmem>>) dst(%dma_wait3A_317 : memref<80x128xf32, #tpu.memory_space<vmem_shared>>)
        tpu.yield
      }) : () -> ()
      %mul3A_279 = arith.constant 624 : i32
      %mul3A_280 = arith.muli %arg1, %mul3A_279 : i32
      %add3A_281 = arith.constant 160 : i32
      %add3A_282 = arith.addi %mul3A_280, %add3A_281 : i32
      "tpu.region"() ({
        %run_scoped3A = tpu.sem_alloc : memref<!tpu.dma_semaphore, #tpu.memory_space<semaphore_mem>>
        %dma_start3A = arith.constant 0 : i32
        %dma_start3A_303 = arith.constant 0 : i32
        %dma_start3A_304 = tpu.memref_slice %arg11[%dma_start3A, %dma_start3A_303] : memref<80x128xf32, #tpu.memory_space<vmem>> -> memref<80x128xf32, #tpu.memory_space<vmem>>
        %dma_start3A_305 = arith.constant 0 : i32
        %dma_start3A_306 = tpu.memref_slice %arg13[%add3A_282, %dma_start3A_305] : memref<10000x128xf32, #tpu.memory_space<vmem_shared>> -> memref<80x128xf32, #tpu.memory_space<vmem_shared>>
        %dma_start3A_307 = arith.constant 0 : i32
        %dma_start3A_308 = tpu.memref_slice %arg13[%add3A_282, %dma_start3A_307] : memref<10000x128xf32, #tpu.memory_space<vmem_shared>> -> memref<80x128xf32, #tpu.memory_space<vmem_shared>>
        %dma_start3A_309 = arith.constant 0 : i32
        %dma_start3A_310 = arith.constant 0 : i32
        %dma_start3A_311 = tpu.memref_slice %arg11[%dma_start3A_309, %dma_start3A_310] : memref<80x128xf32, #tpu.memory_space<vmem>> -> memref<80x128xf32, #tpu.memory_space<vmem>>
        tpu.enqueue_dma source(%dma_start3A_311 : memref<80x128xf32, #tpu.memory_space<vmem>>) target(%dma_start3A_308 : memref<80x128xf32, #tpu.memory_space<vmem_shared>>) target_semaphore(%run_scoped3A : memref<!tpu.dma_semaphore, #tpu.memory_space<semaphore_mem>>)
        %dma_wait3A = arith.constant 0 : i32
        %dma_wait3A_312 = arith.constant 0 : i32
        %dma_wait3A_313 = tpu.memref_slice %arg11[%dma_wait3A, %dma_wait3A_312] : memref<80x128xf32, #tpu.memory_space<vmem>> -> memref<80x128xf32, #tpu.memory_space<vmem>>
        %dma_wait3A_314 = arith.constant 0 : i32
        %dma_wait3A_315 = tpu.memref_slice %arg13[%add3A_282, %dma_wait3A_314] : memref<10000x128xf32, #tpu.memory_space<vmem_shared>> -> memref<80x128xf32, #tpu.memory_space<vmem_shared>>
        %dma_wait3A_316 = arith.constant 0 : i32
        %dma_wait3A_317 = tpu.memref_slice %arg13[%add3A_282, %dma_wait3A_316] : memref<10000x128xf32, #tpu.memory_space<vmem_shared>> -> memref<80x128xf32, #tpu.memory_space<vmem_shared>>
        %dma_wait3A_318 = arith.constant 0 : i32
        %dma_wait3A_319 = arith.constant 0 : i32
        %dma_wait3A_320 = tpu.memref_slice %arg11[%dma_wait3A_318, %dma_wait3A_319] : memref<80x128xf32, #tpu.memory_space<vmem>> -> memref<80x128xf32, #tpu.memory_space<vmem>>
        tpu.wait_dma2 semaphore(%run_scoped3A : memref<!tpu.dma_semaphore, #tpu.memory_space<semaphore_mem>>) src(%dma_wait3A_320 : memref<80x128xf32, #tpu.memory_space<vmem>>) dst(%dma_wait3A_317 : memref<80x128xf32, #tpu.memory_space<vmem_shared>>)
        tpu.yield
      }) : () -> ()
      %mul3A_283 = arith.constant 624 : i32
      %mul3A_284 = arith.muli %arg1, %mul3A_283 : i32
      %add3A_285 = arith.constant 240 : i32
      %add3A_286 = arith.addi %mul3A_284, %add3A_285 : i32
      "tpu.region"() ({
        %run_scoped3A = tpu.sem_alloc : memref<!tpu.dma_semaphore, #tpu.memory_space<semaphore_mem>>
        %dma_start3A = arith.constant 0 : i32
        %dma_start3A_303 = arith.constant 0 : i32
        %dma_start3A_304 = tpu.memref_slice %arg11[%dma_start3A, %dma_start3A_303] : memref<80x128xf32, #tpu.memory_space<vmem>> -> memref<80x128xf32, #tpu.memory_space<vmem>>
        %dma_start3A_305 = arith.constant 0 : i32
        %dma_start3A_306 = tpu.memref_slice %arg13[%add3A_286, %dma_start3A_305] : memref<10000x128xf32, #tpu.memory_space<vmem_shared>> -> memref<80x128xf32, #tpu.memory_space<vmem_shared>>
        %dma_start3A_307 = arith.constant 0 : i32
        %dma_start3A_308 = tpu.memref_slice %arg13[%add3A_286, %dma_start3A_307] : memref<10000x128xf32, #tpu.memory_space<vmem_shared>> -> memref<80x128xf32, #tpu.memory_space<vmem_shared>>
        %dma_start3A_309 = arith.constant 0 : i32
        %dma_start3A_310 = arith.constant 0 : i32
        %dma_start3A_311 = tpu.memref_slice %arg11[%dma_start3A_309, %dma_start3A_310] : memref<80x128xf32, #tpu.memory_space<vmem>> -> memref<80x128xf32, #tpu.memory_space<vmem>>
        tpu.enqueue_dma source(%dma_start3A_311 : memref<80x128xf32, #tpu.memory_space<vmem>>) target(%dma_start3A_308 : memref<80x128xf32, #tpu.memory_space<vmem_shared>>) target_semaphore(%run_scoped3A : memref<!tpu.dma_semaphore, #tpu.memory_space<semaphore_mem>>)
        %dma_wait3A = arith.constant 0 : i32
        %dma_wait3A_312 = arith.constant 0 : i32
        %dma_wait3A_313 = tpu.memref_slice %arg11[%dma_wait3A, %dma_wait3A_312] : memref<80x128xf32, #tpu.memory_space<vmem>> -> memref<80x128xf32, #tpu.memory_space<vmem>>
        %dma_wait3A_314 = arith.constant 0 : i32
        %dma_wait3A_315 = tpu.memref_slice %arg13[%add3A_286, %dma_wait3A_314] : memref<10000x128xf32, #tpu.memory_space<vmem_shared>> -> memref<80x128xf32, #tpu.memory_space<vmem_shared>>
        %dma_wait3A_316 = arith.constant 0 : i32
        %dma_wait3A_317 = tpu.memref_slice %arg13[%add3A_286, %dma_wait3A_316] : memref<10000x128xf32, #tpu.memory_space<vmem_shared>> -> memref<80x128xf32, #tpu.memory_space<vmem_shared>>
        %dma_wait3A_318 = arith.constant 0 : i32
        %dma_wait3A_319 = arith.constant 0 : i32
        %dma_wait3A_320 = tpu.memref_slice %arg11[%dma_wait3A_318, %dma_wait3A_319] : memref<80x128xf32, #tpu.memory_space<vmem>> -> memref<80x128xf32, #tpu.memory_space<vmem>>
        tpu.wait_dma2 semaphore(%run_scoped3A : memref<!tpu.dma_semaphore, #tpu.memory_space<semaphore_mem>>) src(%dma_wait3A_320 : memref<80x128xf32, #tpu.memory_space<vmem>>) dst(%dma_wait3A_317 : memref<80x128xf32, #tpu.memory_space<vmem_shared>>)
        tpu.yield
      }) : () -> ()
      %mul3A_287 = arith.constant 624 : i32
      %mul3A_288 = arith.muli %arg1, %mul3A_287 : i32
      %add3A_289 = arith.constant 320 : i32
      %add3A_290 = arith.addi %mul3A_288, %add3A_289 : i32
      "tpu.region"() ({
        %run_scoped3A = tpu.sem_alloc : memref<!tpu.dma_semaphore, #tpu.memory_space<semaphore_mem>>
        %dma_start3A = arith.constant 0 : i32
        %dma_start3A_303 = arith.constant 0 : i32
        %dma_start3A_304 = tpu.memref_slice %arg11[%dma_start3A, %dma_start3A_303] : memref<80x128xf32, #tpu.memory_space<vmem>> -> memref<80x128xf32, #tpu.memory_space<vmem>>
        %dma_start3A_305 = arith.constant 0 : i32
        %dma_start3A_306 = tpu.memref_slice %arg13[%add3A_290, %dma_start3A_305] : memref<10000x128xf32, #tpu.memory_space<vmem_shared>> -> memref<80x128xf32, #tpu.memory_space<vmem_shared>>
        %dma_start3A_307 = arith.constant 0 : i32
        %dma_start3A_308 = tpu.memref_slice %arg13[%add3A_290, %dma_start3A_307] : memref<10000x128xf32, #tpu.memory_space<vmem_shared>> -> memref<80x128xf32, #tpu.memory_space<vmem_shared>>
        %dma_start3A_309 = arith.constant 0 : i32
        %dma_start3A_310 = arith.constant 0 : i32
        %dma_start3A_311 = tpu.memref_slice %arg11[%dma_start3A_309, %dma_start3A_310] : memref<80x128xf32, #tpu.memory_space<vmem>> -> memref<80x128xf32, #tpu.memory_space<vmem>>
        tpu.enqueue_dma source(%dma_start3A_311 : memref<80x128xf32, #tpu.memory_space<vmem>>) target(%dma_start3A_308 : memref<80x128xf32, #tpu.memory_space<vmem_shared>>) target_semaphore(%run_scoped3A : memref<!tpu.dma_semaphore, #tpu.memory_space<semaphore_mem>>)
        %dma_wait3A = arith.constant 0 : i32
        %dma_wait3A_312 = arith.constant 0 : i32
        %dma_wait3A_313 = tpu.memref_slice %arg11[%dma_wait3A, %dma_wait3A_312] : memref<80x128xf32, #tpu.memory_space<vmem>> -> memref<80x128xf32, #tpu.memory_space<vmem>>
        %dma_wait3A_314 = arith.constant 0 : i32
        %dma_wait3A_315 = tpu.memref_slice %arg13[%add3A_290, %dma_wait3A_314] : memref<10000x128xf32, #tpu.memory_space<vmem_shared>> -> memref<80x128xf32, #tpu.memory_space<vmem_shared>>
        %dma_wait3A_316 = arith.constant 0 : i32
        %dma_wait3A_317 = tpu.memref_slice %arg13[%add3A_290, %dma_wait3A_316] : memref<10000x128xf32, #tpu.memory_space<vmem_shared>> -> memref<80x128xf32, #tpu.memory_space<vmem_shared>>
        %dma_wait3A_318 = arith.constant 0 : i32
        %dma_wait3A_319 = arith.constant 0 : i32
        %dma_wait3A_320 = tpu.memref_slice %arg11[%dma_wait3A_318, %dma_wait3A_319] : memref<80x128xf32, #tpu.memory_space<vmem>> -> memref<80x128xf32, #tpu.memory_space<vmem>>
        tpu.wait_dma2 semaphore(%run_scoped3A : memref<!tpu.dma_semaphore, #tpu.memory_space<semaphore_mem>>) src(%dma_wait3A_320 : memref<80x128xf32, #tpu.memory_space<vmem>>) dst(%dma_wait3A_317 : memref<80x128xf32, #tpu.memory_space<vmem_shared>>)
        tpu.yield
      }) : () -> ()
      %mul3A_291 = arith.constant 624 : i32
      %mul3A_292 = arith.muli %arg1, %mul3A_291 : i32
      %add3A_293 = arith.constant 400 : i32
      %add3A_294 = arith.addi %mul3A_292, %add3A_293 : i32
      "tpu.region"() ({
        %run_scoped3A = tpu.sem_alloc : memref<!tpu.dma_semaphore, #tpu.memory_space<semaphore_mem>>
        %dma_start3A = arith.constant 0 : i32
        %dma_start3A_303 = arith.constant 0 : i32
        %dma_start3A_304 = tpu.memref_slice %arg11[%dma_start3A, %dma_start3A_303] : memref<80x128xf32, #tpu.memory_space<vmem>> -> memref<80x128xf32, #tpu.memory_space<vmem>>
        %dma_start3A_305 = arith.constant 0 : i32
        %dma_start3A_306 = tpu.memref_slice %arg13[%add3A_294, %dma_start3A_305] : memref<10000x128xf32, #tpu.memory_space<vmem_shared>> -> memref<80x128xf32, #tpu.memory_space<vmem_shared>>
        %dma_start3A_307 = arith.constant 0 : i32
        %dma_start3A_308 = tpu.memref_slice %arg13[%add3A_294, %dma_start3A_307] : memref<10000x128xf32, #tpu.memory_space<vmem_shared>> -> memref<80x128xf32, #tpu.memory_space<vmem_shared>>
        %dma_start3A_309 = arith.constant 0 : i32
        %dma_start3A_310 = arith.constant 0 : i32
        %dma_start3A_311 = tpu.memref_slice %arg11[%dma_start3A_309, %dma_start3A_310] : memref<80x128xf32, #tpu.memory_space<vmem>> -> memref<80x128xf32, #tpu.memory_space<vmem>>
        tpu.enqueue_dma source(%dma_start3A_311 : memref<80x128xf32, #tpu.memory_space<vmem>>) target(%dma_start3A_308 : memref<80x128xf32, #tpu.memory_space<vmem_shared>>) target_semaphore(%run_scoped3A : memref<!tpu.dma_semaphore, #tpu.memory_space<semaphore_mem>>)
        %dma_wait3A = arith.constant 0 : i32
        %dma_wait3A_312 = arith.constant 0 : i32
        %dma_wait3A_313 = tpu.memref_slice %arg11[%dma_wait3A, %dma_wait3A_312] : memref<80x128xf32, #tpu.memory_space<vmem>> -> memref<80x128xf32, #tpu.memory_space<vmem>>
        %dma_wait3A_314 = arith.constant 0 : i32
        %dma_wait3A_315 = tpu.memref_slice %arg13[%add3A_294, %dma_wait3A_314] : memref<10000x128xf32, #tpu.memory_space<vmem_shared>> -> memref<80x128xf32, #tpu.memory_space<vmem_shared>>
        %dma_wait3A_316 = arith.constant 0 : i32
        %dma_wait3A_317 = tpu.memref_slice %arg13[%add3A_294, %dma_wait3A_316] : memref<10000x128xf32, #tpu.memory_space<vmem_shared>> -> memref<80x128xf32, #tpu.memory_space<vmem_shared>>
        %dma_wait3A_318 = arith.constant 0 : i32
        %dma_wait3A_319 = arith.constant 0 : i32
        %dma_wait3A_320 = tpu.memref_slice %arg11[%dma_wait3A_318, %dma_wait3A_319] : memref<80x128xf32, #tpu.memory_space<vmem>> -> memref<80x128xf32, #tpu.memory_space<vmem>>
        tpu.wait_dma2 semaphore(%run_scoped3A : memref<!tpu.dma_semaphore, #tpu.memory_space<semaphore_mem>>) src(%dma_wait3A_320 : memref<80x128xf32, #tpu.memory_space<vmem>>) dst(%dma_wait3A_317 : memref<80x128xf32, #tpu.memory_space<vmem_shared>>)
        tpu.yield
      }) : () -> ()
      %mul3A_295 = arith.constant 624 : i32
      %mul3A_296 = arith.muli %arg1, %mul3A_295 : i32
      %add3A_297 = arith.constant 480 : i32
      %add3A_298 = arith.addi %mul3A_296, %add3A_297 : i32
      "tpu.region"() ({
        %run_scoped3A = tpu.sem_alloc : memref<!tpu.dma_semaphore, #tpu.memory_space<semaphore_mem>>
        %dma_start3A = arith.constant 0 : i32
        %dma_start3A_303 = arith.constant 0 : i32
        %dma_start3A_304 = tpu.memref_slice %arg11[%dma_start3A, %dma_start3A_303] : memref<80x128xf32, #tpu.memory_space<vmem>> -> memref<80x128xf32, #tpu.memory_space<vmem>>
        %dma_start3A_305 = arith.constant 0 : i32
        %dma_start3A_306 = tpu.memref_slice %arg13[%add3A_298, %dma_start3A_305] : memref<10000x128xf32, #tpu.memory_space<vmem_shared>> -> memref<80x128xf32, #tpu.memory_space<vmem_shared>>
        %dma_start3A_307 = arith.constant 0 : i32
        %dma_start3A_308 = tpu.memref_slice %arg13[%add3A_298, %dma_start3A_307] : memref<10000x128xf32, #tpu.memory_space<vmem_shared>> -> memref<80x128xf32, #tpu.memory_space<vmem_shared>>
        %dma_start3A_309 = arith.constant 0 : i32
        %dma_start3A_310 = arith.constant 0 : i32
        %dma_start3A_311 = tpu.memref_slice %arg11[%dma_start3A_309, %dma_start3A_310] : memref<80x128xf32, #tpu.memory_space<vmem>> -> memref<80x128xf32, #tpu.memory_space<vmem>>
        tpu.enqueue_dma source(%dma_start3A_311 : memref<80x128xf32, #tpu.memory_space<vmem>>) target(%dma_start3A_308 : memref<80x128xf32, #tpu.memory_space<vmem_shared>>) target_semaphore(%run_scoped3A : memref<!tpu.dma_semaphore, #tpu.memory_space<semaphore_mem>>)
        %dma_wait3A = arith.constant 0 : i32
        %dma_wait3A_312 = arith.constant 0 : i32
        %dma_wait3A_313 = tpu.memref_slice %arg11[%dma_wait3A, %dma_wait3A_312] : memref<80x128xf32, #tpu.memory_space<vmem>> -> memref<80x128xf32, #tpu.memory_space<vmem>>
        %dma_wait3A_314 = arith.constant 0 : i32
        %dma_wait3A_315 = tpu.memref_slice %arg13[%add3A_298, %dma_wait3A_314] : memref<10000x128xf32, #tpu.memory_space<vmem_shared>> -> memref<80x128xf32, #tpu.memory_space<vmem_shared>>
        %dma_wait3A_316 = arith.constant 0 : i32
        %dma_wait3A_317 = tpu.memref_slice %arg13[%add3A_298, %dma_wait3A_316] : memref<10000x128xf32, #tpu.memory_space<vmem_shared>> -> memref<80x128xf32, #tpu.memory_space<vmem_shared>>
        %dma_wait3A_318 = arith.constant 0 : i32
        %dma_wait3A_319 = arith.constant 0 : i32
        %dma_wait3A_320 = tpu.memref_slice %arg11[%dma_wait3A_318, %dma_wait3A_319] : memref<80x128xf32, #tpu.memory_space<vmem>> -> memref<80x128xf32, #tpu.memory_space<vmem>>
        tpu.wait_dma2 semaphore(%run_scoped3A : memref<!tpu.dma_semaphore, #tpu.memory_space<semaphore_mem>>) src(%dma_wait3A_320 : memref<80x128xf32, #tpu.memory_space<vmem>>) dst(%dma_wait3A_317 : memref<80x128xf32, #tpu.memory_space<vmem_shared>>)
        tpu.yield
      }) : () -> ()
      %mul3A_299 = arith.constant 624 : i32
      %mul3A_300 = arith.muli %arg1, %mul3A_299 : i32
      %add3A_301 = arith.constant 560 : i32
      %add3A_302 = arith.addi %mul3A_300, %add3A_301 : i32
      "tpu.region"() ({
        %run_scoped3A = tpu.sem_alloc : memref<!tpu.dma_semaphore, #tpu.memory_space<semaphore_mem>>
        %dma_start3A = arith.constant 0 : i32
        %dma_start3A_303 = arith.constant 0 : i32
        %dma_start3A_304 = tpu.memref_slice %arg11[%dma_start3A, %dma_start3A_303] : memref<80x128xf32, #tpu.memory_space<vmem>> -> memref<64x128xf32, #tpu.memory_space<vmem>>
        %dma_start3A_305 = arith.constant 0 : i32
        %dma_start3A_306 = tpu.memref_slice %arg13[%add3A_302, %dma_start3A_305] : memref<10000x128xf32, #tpu.memory_space<vmem_shared>> -> memref<64x128xf32, #tpu.memory_space<vmem_shared>>
        %dma_start3A_307 = arith.constant 0 : i32
        %dma_start3A_308 = tpu.memref_slice %arg13[%add3A_302, %dma_start3A_307] : memref<10000x128xf32, #tpu.memory_space<vmem_shared>> -> memref<64x128xf32, #tpu.memory_space<vmem_shared>>
        %dma_start3A_309 = arith.constant 0 : i32
        %dma_start3A_310 = arith.constant 0 : i32
        %dma_start3A_311 = tpu.memref_slice %arg11[%dma_start3A_309, %dma_start3A_310] : memref<80x128xf32, #tpu.memory_space<vmem>> -> memref<64x128xf32, #tpu.memory_space<vmem>>
        tpu.enqueue_dma source(%dma_start3A_311 : memref<64x128xf32, #tpu.memory_space<vmem>>) target(%dma_start3A_308 : memref<64x128xf32, #tpu.memory_space<vmem_shared>>) target_semaphore(%run_scoped3A : memref<!tpu.dma_semaphore, #tpu.memory_space<semaphore_mem>>)
        %dma_wait3A = arith.constant 0 : i32
        %dma_wait3A_312 = arith.constant 0 : i32
        %dma_wait3A_313 = tpu.memref_slice %arg11[%dma_wait3A, %dma_wait3A_312] : memref<80x128xf32, #tpu.memory_space<vmem>> -> memref<64x128xf32, #tpu.memory_space<vmem>>
        %dma_wait3A_314 = arith.constant 0 : i32
        %dma_wait3A_315 = tpu.memref_slice %arg13[%add3A_302, %dma_wait3A_314] : memref<10000x128xf32, #tpu.memory_space<vmem_shared>> -> memref<64x128xf32, #tpu.memory_space<vmem_shared>>
        %dma_wait3A_316 = arith.constant 0 : i32
        %dma_wait3A_317 = tpu.memref_slice %arg13[%add3A_302, %dma_wait3A_316] : memref<10000x128xf32, #tpu.memory_space<vmem_shared>> -> memref<64x128xf32, #tpu.memory_space<vmem_shared>>
        %dma_wait3A_318 = arith.constant 0 : i32
        %dma_wait3A_319 = arith.constant 0 : i32
        %dma_wait3A_320 = tpu.memref_slice %arg11[%dma_wait3A_318, %dma_wait3A_319] : memref<80x128xf32, #tpu.memory_space<vmem>> -> memref<64x128xf32, #tpu.memory_space<vmem>>
        tpu.wait_dma2 semaphore(%run_scoped3A : memref<!tpu.dma_semaphore, #tpu.memory_space<semaphore_mem>>) src(%dma_wait3A_320 : memref<64x128xf32, #tpu.memory_space<vmem>>) dst(%dma_wait3A_317 : memref<64x128xf32, #tpu.memory_space<vmem_shared>>)
        tpu.yield
      }) : () -> ()
    } else {
    }
    %eq3A = arith.constant 15 : i32
    %eq3A_246 = arith.cmpi eq, %arg1, %eq3A : i32
    %convert_element_type3A_247 = arith.extui %eq3A_246 : i1 to i32
    %cond3A_248 = arith.constant 0 : i32
    %cond3A_249 = arith.cmpi ne, %convert_element_type3A_247, %cond3A_248 : i32
    scf.if %cond3A_249 {
      "tpu.region"() ({
        %run_scoped3A = tpu.sem_alloc : memref<!tpu.dma_semaphore, #tpu.memory_space<semaphore_mem>>
        %dma_start3A = arith.constant 0 : i32
        %dma_start3A_271 = arith.constant 0 : i32
        %dma_start3A_272 = tpu.memref_slice %arg11[%dma_start3A, %dma_start3A_271] : memref<80x128xf32, #tpu.memory_space<vmem>> -> memref<80x128xf32, #tpu.memory_space<vmem>>
        %dma_start3A_273 = arith.constant 9360 : i32
        %dma_start3A_274 = arith.constant 0 : i32
        %dma_start3A_275 = tpu.memref_slice %arg13[%dma_start3A_273, %dma_start3A_274] : memref<10000x128xf32, #tpu.memory_space<vmem_shared>> -> memref<80x128xf32, #tpu.memory_space<vmem_shared>>
        %dma_start3A_276 = arith.constant 9360 : i32
        %dma_start3A_277 = arith.constant 0 : i32
        %dma_start3A_278 = tpu.memref_slice %arg13[%dma_start3A_276, %dma_start3A_277] : memref<10000x128xf32, #tpu.memory_space<vmem_shared>> -> memref<80x128xf32, #tpu.memory_space<vmem_shared>>
        %dma_start3A_279 = arith.constant 0 : i32
        %dma_start3A_280 = arith.constant 0 : i32
        %dma_start3A_281 = tpu.memref_slice %arg11[%dma_start3A_279, %dma_start3A_280] : memref<80x128xf32, #tpu.memory_space<vmem>> -> memref<80x128xf32, #tpu.memory_space<vmem>>
        tpu.enqueue_dma source(%dma_start3A_281 : memref<80x128xf32, #tpu.memory_space<vmem>>) target(%dma_start3A_278 : memref<80x128xf32, #tpu.memory_space<vmem_shared>>) target_semaphore(%run_scoped3A : memref<!tpu.dma_semaphore, #tpu.memory_space<semaphore_mem>>)
        %dma_wait3A = arith.constant 0 : i32
        %dma_wait3A_282 = arith.constant 0 : i32
        %dma_wait3A_283 = tpu.memref_slice %arg11[%dma_wait3A, %dma_wait3A_282] : memref<80x128xf32, #tpu.memory_space<vmem>> -> memref<80x128xf32, #tpu.memory_space<vmem>>
        %dma_wait3A_284 = arith.constant 9360 : i32
        %dma_wait3A_285 = arith.constant 0 : i32
        %dma_wait3A_286 = tpu.memref_slice %arg13[%dma_wait3A_284, %dma_wait3A_285] : memref<10000x128xf32, #tpu.memory_space<vmem_shared>> -> memref<80x128xf32, #tpu.memory_space<vmem_shared>>
        %dma_wait3A_287 = arith.constant 9360 : i32
        %dma_wait3A_288 = arith.constant 0 : i32
        %dma_wait3A_289 = tpu.memref_slice %arg13[%dma_wait3A_287, %dma_wait3A_288] : memref<10000x128xf32, #tpu.memory_space<vmem_shared>> -> memref<80x128xf32, #tpu.memory_space<vmem_shared>>
        %dma_wait3A_290 = arith.constant 0 : i32
        %dma_wait3A_291 = arith.constant 0 : i32
        %dma_wait3A_292 = tpu.memref_slice %arg11[%dma_wait3A_290, %dma_wait3A_291] : memref<80x128xf32, #tpu.memory_space<vmem>> -> memref<80x128xf32, #tpu.memory_space<vmem>>
        tpu.wait_dma2 semaphore(%run_scoped3A : memref<!tpu.dma_semaphore, #tpu.memory_space<semaphore_mem>>) src(%dma_wait3A_292 : memref<80x128xf32, #tpu.memory_space<vmem>>) dst(%dma_wait3A_289 : memref<80x128xf32, #tpu.memory_space<vmem_shared>>)
        tpu.yield
      }) : () -> ()
      "tpu.region"() ({
        %run_scoped3A = tpu.sem_alloc : memref<!tpu.dma_semaphore, #tpu.memory_space<semaphore_mem>>
        %dma_start3A = arith.constant 0 : i32
        %dma_start3A_271 = arith.constant 0 : i32
        %dma_start3A_272 = tpu.memref_slice %arg11[%dma_start3A, %dma_start3A_271] : memref<80x128xf32, #tpu.memory_space<vmem>> -> memref<80x128xf32, #tpu.memory_space<vmem>>
        %dma_start3A_273 = arith.constant 9440 : i32
        %dma_start3A_274 = arith.constant 0 : i32
        %dma_start3A_275 = tpu.memref_slice %arg13[%dma_start3A_273, %dma_start3A_274] : memref<10000x128xf32, #tpu.memory_space<vmem_shared>> -> memref<80x128xf32, #tpu.memory_space<vmem_shared>>
        %dma_start3A_276 = arith.constant 9440 : i32
        %dma_start3A_277 = arith.constant 0 : i32
        %dma_start3A_278 = tpu.memref_slice %arg13[%dma_start3A_276, %dma_start3A_277] : memref<10000x128xf32, #tpu.memory_space<vmem_shared>> -> memref<80x128xf32, #tpu.memory_space<vmem_shared>>
        %dma_start3A_279 = arith.constant 0 : i32
        %dma_start3A_280 = arith.constant 0 : i32
        %dma_start3A_281 = tpu.memref_slice %arg11[%dma_start3A_279, %dma_start3A_280] : memref<80x128xf32, #tpu.memory_space<vmem>> -> memref<80x128xf32, #tpu.memory_space<vmem>>
        tpu.enqueue_dma source(%dma_start3A_281 : memref<80x128xf32, #tpu.memory_space<vmem>>) target(%dma_start3A_278 : memref<80x128xf32, #tpu.memory_space<vmem_shared>>) target_semaphore(%run_scoped3A : memref<!tpu.dma_semaphore, #tpu.memory_space<semaphore_mem>>)
        %dma_wait3A = arith.constant 0 : i32
        %dma_wait3A_282 = arith.constant 0 : i32
        %dma_wait3A_283 = tpu.memref_slice %arg11[%dma_wait3A, %dma_wait3A_282] : memref<80x128xf32, #tpu.memory_space<vmem>> -> memref<80x128xf32, #tpu.memory_space<vmem>>
        %dma_wait3A_284 = arith.constant 9440 : i32
        %dma_wait3A_285 = arith.constant 0 : i32
        %dma_wait3A_286 = tpu.memref_slice %arg13[%dma_wait3A_284, %dma_wait3A_285] : memref<10000x128xf32, #tpu.memory_space<vmem_shared>> -> memref<80x128xf32, #tpu.memory_space<vmem_shared>>
        %dma_wait3A_287 = arith.constant 9440 : i32
        %dma_wait3A_288 = arith.constant 0 : i32
        %dma_wait3A_289 = tpu.memref_slice %arg13[%dma_wait3A_287, %dma_wait3A_288] : memref<10000x128xf32, #tpu.memory_space<vmem_shared>> -> memref<80x128xf32, #tpu.memory_space<vmem_shared>>
        %dma_wait3A_290 = arith.constant 0 : i32
        %dma_wait3A_291 = arith.constant 0 : i32
        %dma_wait3A_292 = tpu.memref_slice %arg11[%dma_wait3A_290, %dma_wait3A_291] : memref<80x128xf32, #tpu.memory_space<vmem>> -> memref<80x128xf32, #tpu.memory_space<vmem>>
        tpu.wait_dma2 semaphore(%run_scoped3A : memref<!tpu.dma_semaphore, #tpu.memory_space<semaphore_mem>>) src(%dma_wait3A_292 : memref<80x128xf32, #tpu.memory_space<vmem>>) dst(%dma_wait3A_289 : memref<80x128xf32, #tpu.memory_space<vmem_shared>>)
        tpu.yield
      }) : () -> ()
      "tpu.region"() ({
        %run_scoped3A = tpu.sem_alloc : memref<!tpu.dma_semaphore, #tpu.memory_space<semaphore_mem>>
        %dma_start3A = arith.constant 0 : i32
        %dma_start3A_271 = arith.constant 0 : i32
        %dma_start3A_272 = tpu.memref_slice %arg11[%dma_start3A, %dma_start3A_271] : memref<80x128xf32, #tpu.memory_space<vmem>> -> memref<80x128xf32, #tpu.memory_space<vmem>>
        %dma_start3A_273 = arith.constant 9520 : i32
        %dma_start3A_274 = arith.constant 0 : i32
        %dma_start3A_275 = tpu.memref_slice %arg13[%dma_start3A_273, %dma_start3A_274] : memref<10000x128xf32, #tpu.memory_space<vmem_shared>> -> memref<80x128xf32, #tpu.memory_space<vmem_shared>>
        %dma_start3A_276 = arith.constant 9520 : i32
        %dma_start3A_277 = arith.constant 0 : i32
        %dma_start3A_278 = tpu.memref_slice %arg13[%dma_start3A_276, %dma_start3A_277] : memref<10000x128xf32, #tpu.memory_space<vmem_shared>> -> memref<80x128xf32, #tpu.memory_space<vmem_shared>>
        %dma_start3A_279 = arith.constant 0 : i32
        %dma_start3A_280 = arith.constant 0 : i32
        %dma_start3A_281 = tpu.memref_slice %arg11[%dma_start3A_279, %dma_start3A_280] : memref<80x128xf32, #tpu.memory_space<vmem>> -> memref<80x128xf32, #tpu.memory_space<vmem>>
        tpu.enqueue_dma source(%dma_start3A_281 : memref<80x128xf32, #tpu.memory_space<vmem>>) target(%dma_start3A_278 : memref<80x128xf32, #tpu.memory_space<vmem_shared>>) target_semaphore(%run_scoped3A : memref<!tpu.dma_semaphore, #tpu.memory_space<semaphore_mem>>)
        %dma_wait3A = arith.constant 0 : i32
        %dma_wait3A_282 = arith.constant 0 : i32
        %dma_wait3A_283 = tpu.memref_slice %arg11[%dma_wait3A, %dma_wait3A_282] : memref<80x128xf32, #tpu.memory_space<vmem>> -> memref<80x128xf32, #tpu.memory_space<vmem>>
        %dma_wait3A_284 = arith.constant 9520 : i32
        %dma_wait3A_285 = arith.constant 0 : i32
        %dma_wait3A_286 = tpu.memref_slice %arg13[%dma_wait3A_284, %dma_wait3A_285] : memref<10000x128xf32, #tpu.memory_space<vmem_shared>> -> memref<80x128xf32, #tpu.memory_space<vmem_shared>>
        %dma_wait3A_287 = arith.constant 9520 : i32
        %dma_wait3A_288 = arith.constant 0 : i32
        %dma_wait3A_289 = tpu.memref_slice %arg13[%dma_wait3A_287, %dma_wait3A_288] : memref<10000x128xf32, #tpu.memory_space<vmem_shared>> -> memref<80x128xf32, #tpu.memory_space<vmem_shared>>
        %dma_wait3A_290 = arith.constant 0 : i32
        %dma_wait3A_291 = arith.constant 0 : i32
        %dma_wait3A_292 = tpu.memref_slice %arg11[%dma_wait3A_290, %dma_wait3A_291] : memref<80x128xf32, #tpu.memory_space<vmem>> -> memref<80x128xf32, #tpu.memory_space<vmem>>
        tpu.wait_dma2 semaphore(%run_scoped3A : memref<!tpu.dma_semaphore, #tpu.memory_space<semaphore_mem>>) src(%dma_wait3A_292 : memref<80x128xf32, #tpu.memory_space<vmem>>) dst(%dma_wait3A_289 : memref<80x128xf32, #tpu.memory_space<vmem_shared>>)
        tpu.yield
      }) : () -> ()
      "tpu.region"() ({
        %run_scoped3A = tpu.sem_alloc : memref<!tpu.dma_semaphore, #tpu.memory_space<semaphore_mem>>
        %dma_start3A = arith.constant 0 : i32
        %dma_start3A_271 = arith.constant 0 : i32
        %dma_start3A_272 = tpu.memref_slice %arg11[%dma_start3A, %dma_start3A_271] : memref<80x128xf32, #tpu.memory_space<vmem>> -> memref<80x128xf32, #tpu.memory_space<vmem>>
        %dma_start3A_273 = arith.constant 9600 : i32
        %dma_start3A_274 = arith.constant 0 : i32
        %dma_start3A_275 = tpu.memref_slice %arg13[%dma_start3A_273, %dma_start3A_274] : memref<10000x128xf32, #tpu.memory_space<vmem_shared>> -> memref<80x128xf32, #tpu.memory_space<vmem_shared>>
        %dma_start3A_276 = arith.constant 9600 : i32
        %dma_start3A_277 = arith.constant 0 : i32
        %dma_start3A_278 = tpu.memref_slice %arg13[%dma_start3A_276, %dma_start3A_277] : memref<10000x128xf32, #tpu.memory_space<vmem_shared>> -> memref<80x128xf32, #tpu.memory_space<vmem_shared>>
        %dma_start3A_279 = arith.constant 0 : i32
        %dma_start3A_280 = arith.constant 0 : i32
        %dma_start3A_281 = tpu.memref_slice %arg11[%dma_start3A_279, %dma_start3A_280] : memref<80x128xf32, #tpu.memory_space<vmem>> -> memref<80x128xf32, #tpu.memory_space<vmem>>
        tpu.enqueue_dma source(%dma_start3A_281 : memref<80x128xf32, #tpu.memory_space<vmem>>) target(%dma_start3A_278 : memref<80x128xf32, #tpu.memory_space<vmem_shared>>) target_semaphore(%run_scoped3A : memref<!tpu.dma_semaphore, #tpu.memory_space<semaphore_mem>>)
        %dma_wait3A = arith.constant 0 : i32
        %dma_wait3A_282 = arith.constant 0 : i32
        %dma_wait3A_283 = tpu.memref_slice %arg11[%dma_wait3A, %dma_wait3A_282] : memref<80x128xf32, #tpu.memory_space<vmem>> -> memref<80x128xf32, #tpu.memory_space<vmem>>
        %dma_wait3A_284 = arith.constant 9600 : i32
        %dma_wait3A_285 = arith.constant 0 : i32
        %dma_wait3A_286 = tpu.memref_slice %arg13[%dma_wait3A_284, %dma_wait3A_285] : memref<10000x128xf32, #tpu.memory_space<vmem_shared>> -> memref<80x128xf32, #tpu.memory_space<vmem_shared>>
        %dma_wait3A_287 = arith.constant 9600 : i32
        %dma_wait3A_288 = arith.constant 0 : i32
        %dma_wait3A_289 = tpu.memref_slice %arg13[%dma_wait3A_287, %dma_wait3A_288] : memref<10000x128xf32, #tpu.memory_space<vmem_shared>> -> memref<80x128xf32, #tpu.memory_space<vmem_shared>>
        %dma_wait3A_290 = arith.constant 0 : i32
        %dma_wait3A_291 = arith.constant 0 : i32
        %dma_wait3A_292 = tpu.memref_slice %arg11[%dma_wait3A_290, %dma_wait3A_291] : memref<80x128xf32, #tpu.memory_space<vmem>> -> memref<80x128xf32, #tpu.memory_space<vmem>>
        tpu.wait_dma2 semaphore(%run_scoped3A : memref<!tpu.dma_semaphore, #tpu.memory_space<semaphore_mem>>) src(%dma_wait3A_292 : memref<80x128xf32, #tpu.memory_space<vmem>>) dst(%dma_wait3A_289 : memref<80x128xf32, #tpu.memory_space<vmem_shared>>)
        tpu.yield
      }) : () -> ()
      "tpu.region"() ({
        %run_scoped3A = tpu.sem_alloc : memref<!tpu.dma_semaphore, #tpu.memory_space<semaphore_mem>>
        %dma_start3A = arith.constant 0 : i32
        %dma_start3A_271 = arith.constant 0 : i32
        %dma_start3A_272 = tpu.memref_slice %arg11[%dma_start3A, %dma_start3A_271] : memref<80x128xf32, #tpu.memory_space<vmem>> -> memref<80x128xf32, #tpu.memory_space<vmem>>
        %dma_start3A_273 = arith.constant 9680 : i32
        %dma_start3A_274 = arith.constant 0 : i32
        %dma_start3A_275 = tpu.memref_slice %arg13[%dma_start3A_273, %dma_start3A_274] : memref<10000x128xf32, #tpu.memory_space<vmem_shared>> -> memref<80x128xf32, #tpu.memory_space<vmem_shared>>
        %dma_start3A_276 = arith.constant 9680 : i32
        %dma_start3A_277 = arith.constant 0 : i32
        %dma_start3A_278 = tpu.memref_slice %arg13[%dma_start3A_276, %dma_start3A_277] : memref<10000x128xf32, #tpu.memory_space<vmem_shared>> -> memref<80x128xf32, #tpu.memory_space<vmem_shared>>
        %dma_start3A_279 = arith.constant 0 : i32
        %dma_start3A_280 = arith.constant 0 : i32
        %dma_start3A_281 = tpu.memref_slice %arg11[%dma_start3A_279, %dma_start3A_280] : memref<80x128xf32, #tpu.memory_space<vmem>> -> memref<80x128xf32, #tpu.memory_space<vmem>>
        tpu.enqueue_dma source(%dma_start3A_281 : memref<80x128xf32, #tpu.memory_space<vmem>>) target(%dma_start3A_278 : memref<80x128xf32, #tpu.memory_space<vmem_shared>>) target_semaphore(%run_scoped3A : memref<!tpu.dma_semaphore, #tpu.memory_space<semaphore_mem>>)
        %dma_wait3A = arith.constant 0 : i32
        %dma_wait3A_282 = arith.constant 0 : i32
        %dma_wait3A_283 = tpu.memref_slice %arg11[%dma_wait3A, %dma_wait3A_282] : memref<80x128xf32, #tpu.memory_space<vmem>> -> memref<80x128xf32, #tpu.memory_space<vmem>>
        %dma_wait3A_284 = arith.constant 9680 : i32
        %dma_wait3A_285 = arith.constant 0 : i32
        %dma_wait3A_286 = tpu.memref_slice %arg13[%dma_wait3A_284, %dma_wait3A_285] : memref<10000x128xf32, #tpu.memory_space<vmem_shared>> -> memref<80x128xf32, #tpu.memory_space<vmem_shared>>
        %dma_wait3A_287 = arith.constant 9680 : i32
        %dma_wait3A_288 = arith.constant 0 : i32
        %dma_wait3A_289 = tpu.memref_slice %arg13[%dma_wait3A_287, %dma_wait3A_288] : memref<10000x128xf32, #tpu.memory_space<vmem_shared>> -> memref<80x128xf32, #tpu.memory_space<vmem_shared>>
        %dma_wait3A_290 = arith.constant 0 : i32
        %dma_wait3A_291 = arith.constant 0 : i32
        %dma_wait3A_292 = tpu.memref_slice %arg11[%dma_wait3A_290, %dma_wait3A_291] : memref<80x128xf32, #tpu.memory_space<vmem>> -> memref<80x128xf32, #tpu.memory_space<vmem>>
        tpu.wait_dma2 semaphore(%run_scoped3A : memref<!tpu.dma_semaphore, #tpu.memory_space<semaphore_mem>>) src(%dma_wait3A_292 : memref<80x128xf32, #tpu.memory_space<vmem>>) dst(%dma_wait3A_289 : memref<80x128xf32, #tpu.memory_space<vmem_shared>>)
        tpu.yield
      }) : () -> ()
      "tpu.region"() ({
        %run_scoped3A = tpu.sem_alloc : memref<!tpu.dma_semaphore, #tpu.memory_space<semaphore_mem>>
        %dma_start3A = arith.constant 0 : i32
        %dma_start3A_271 = arith.constant 0 : i32
        %dma_start3A_272 = tpu.memref_slice %arg11[%dma_start3A, %dma_start3A_271] : memref<80x128xf32, #tpu.memory_space<vmem>> -> memref<80x128xf32, #tpu.memory_space<vmem>>
        %dma_start3A_273 = arith.constant 9760 : i32
        %dma_start3A_274 = arith.constant 0 : i32
        %dma_start3A_275 = tpu.memref_slice %arg13[%dma_start3A_273, %dma_start3A_274] : memref<10000x128xf32, #tpu.memory_space<vmem_shared>> -> memref<80x128xf32, #tpu.memory_space<vmem_shared>>
        %dma_start3A_276 = arith.constant 9760 : i32
        %dma_start3A_277 = arith.constant 0 : i32
        %dma_start3A_278 = tpu.memref_slice %arg13[%dma_start3A_276, %dma_start3A_277] : memref<10000x128xf32, #tpu.memory_space<vmem_shared>> -> memref<80x128xf32, #tpu.memory_space<vmem_shared>>
        %dma_start3A_279 = arith.constant 0 : i32
        %dma_start3A_280 = arith.constant 0 : i32
        %dma_start3A_281 = tpu.memref_slice %arg11[%dma_start3A_279, %dma_start3A_280] : memref<80x128xf32, #tpu.memory_space<vmem>> -> memref<80x128xf32, #tpu.memory_space<vmem>>
        tpu.enqueue_dma source(%dma_start3A_281 : memref<80x128xf32, #tpu.memory_space<vmem>>) target(%dma_start3A_278 : memref<80x128xf32, #tpu.memory_space<vmem_shared>>) target_semaphore(%run_scoped3A : memref<!tpu.dma_semaphore, #tpu.memory_space<semaphore_mem>>)
        %dma_wait3A = arith.constant 0 : i32
        %dma_wait3A_282 = arith.constant 0 : i32
        %dma_wait3A_283 = tpu.memref_slice %arg11[%dma_wait3A, %dma_wait3A_282] : memref<80x128xf32, #tpu.memory_space<vmem>> -> memref<80x128xf32, #tpu.memory_space<vmem>>
        %dma_wait3A_284 = arith.constant 9760 : i32
        %dma_wait3A_285 = arith.constant 0 : i32
        %dma_wait3A_286 = tpu.memref_slice %arg13[%dma_wait3A_284, %dma_wait3A_285] : memref<10000x128xf32, #tpu.memory_space<vmem_shared>> -> memref<80x128xf32, #tpu.memory_space<vmem_shared>>
        %dma_wait3A_287 = arith.constant 9760 : i32
        %dma_wait3A_288 = arith.constant 0 : i32
        %dma_wait3A_289 = tpu.memref_slice %arg13[%dma_wait3A_287, %dma_wait3A_288] : memref<10000x128xf32, #tpu.memory_space<vmem_shared>> -> memref<80x128xf32, #tpu.memory_space<vmem_shared>>
        %dma_wait3A_290 = arith.constant 0 : i32
        %dma_wait3A_291 = arith.constant 0 : i32
        %dma_wait3A_292 = tpu.memref_slice %arg11[%dma_wait3A_290, %dma_wait3A_291] : memref<80x128xf32, #tpu.memory_space<vmem>> -> memref<80x128xf32, #tpu.memory_space<vmem>>
        tpu.wait_dma2 semaphore(%run_scoped3A : memref<!tpu.dma_semaphore, #tpu.memory_space<semaphore_mem>>) src(%dma_wait3A_292 : memref<80x128xf32, #tpu.memory_space<vmem>>) dst(%dma_wait3A_289 : memref<80x128xf32, #tpu.memory_space<vmem_shared>>)
        tpu.yield
      }) : () -> ()
      "tpu.region"() ({
        %run_scoped3A = tpu.sem_alloc : memref<!tpu.dma_semaphore, #tpu.memory_space<semaphore_mem>>
        %dma_start3A = arith.constant 0 : i32
        %dma_start3A_271 = arith.constant 0 : i32
        %dma_start3A_272 = tpu.memref_slice %arg11[%dma_start3A, %dma_start3A_271] : memref<80x128xf32, #tpu.memory_space<vmem>> -> memref<80x128xf32, #tpu.memory_space<vmem>>
        %dma_start3A_273 = arith.constant 9840 : i32
        %dma_start3A_274 = arith.constant 0 : i32
        %dma_start3A_275 = tpu.memref_slice %arg13[%dma_start3A_273, %dma_start3A_274] : memref<10000x128xf32, #tpu.memory_space<vmem_shared>> -> memref<80x128xf32, #tpu.memory_space<vmem_shared>>
        %dma_start3A_276 = arith.constant 9840 : i32
        %dma_start3A_277 = arith.constant 0 : i32
        %dma_start3A_278 = tpu.memref_slice %arg13[%dma_start3A_276, %dma_start3A_277] : memref<10000x128xf32, #tpu.memory_space<vmem_shared>> -> memref<80x128xf32, #tpu.memory_space<vmem_shared>>
        %dma_start3A_279 = arith.constant 0 : i32
        %dma_start3A_280 = arith.constant 0 : i32
        %dma_start3A_281 = tpu.memref_slice %arg11[%dma_start3A_279, %dma_start3A_280] : memref<80x128xf32, #tpu.memory_space<vmem>> -> memref<80x128xf32, #tpu.memory_space<vmem>>
        tpu.enqueue_dma source(%dma_start3A_281 : memref<80x128xf32, #tpu.memory_space<vmem>>) target(%dma_start3A_278 : memref<80x128xf32, #tpu.memory_space<vmem_shared>>) target_semaphore(%run_scoped3A : memref<!tpu.dma_semaphore, #tpu.memory_space<semaphore_mem>>)
        %dma_wait3A = arith.constant 0 : i32
        %dma_wait3A_282 = arith.constant 0 : i32
        %dma_wait3A_283 = tpu.memref_slice %arg11[%dma_wait3A, %dma_wait3A_282] : memref<80x128xf32, #tpu.memory_space<vmem>> -> memref<80x128xf32, #tpu.memory_space<vmem>>
        %dma_wait3A_284 = arith.constant 9840 : i32
        %dma_wait3A_285 = arith.constant 0 : i32
        %dma_wait3A_286 = tpu.memref_slice %arg13[%dma_wait3A_284, %dma_wait3A_285] : memref<10000x128xf32, #tpu.memory_space<vmem_shared>> -> memref<80x128xf32, #tpu.memory_space<vmem_shared>>
        %dma_wait3A_287 = arith.constant 9840 : i32
        %dma_wait3A_288 = arith.constant 0 : i32
        %dma_wait3A_289 = tpu.memref_slice %arg13[%dma_wait3A_287, %dma_wait3A_288] : memref<10000x128xf32, #tpu.memory_space<vmem_shared>> -> memref<80x128xf32, #tpu.memory_space<vmem_shared>>
        %dma_wait3A_290 = arith.constant 0 : i32
        %dma_wait3A_291 = arith.constant 0 : i32
        %dma_wait3A_292 = tpu.memref_slice %arg11[%dma_wait3A_290, %dma_wait3A_291] : memref<80x128xf32, #tpu.memory_space<vmem>> -> memref<80x128xf32, #tpu.memory_space<vmem>>
        tpu.wait_dma2 semaphore(%run_scoped3A : memref<!tpu.dma_semaphore, #tpu.memory_space<semaphore_mem>>) src(%dma_wait3A_292 : memref<80x128xf32, #tpu.memory_space<vmem>>) dst(%dma_wait3A_289 : memref<80x128xf32, #tpu.memory_space<vmem_shared>>)
        tpu.yield
      }) : () -> ()
      "tpu.region"() ({
        %run_scoped3A = tpu.sem_alloc : memref<!tpu.dma_semaphore, #tpu.memory_space<semaphore_mem>>
        %dma_start3A = arith.constant 0 : i32
        %dma_start3A_271 = arith.constant 0 : i32
        %dma_start3A_272 = tpu.memref_slice %arg11[%dma_start3A, %dma_start3A_271] : memref<80x128xf32, #tpu.memory_space<vmem>> -> memref<80x128xf32, #tpu.memory_space<vmem>>
        %dma_start3A_273 = arith.constant 9920 : i32
        %dma_start3A_274 = arith.constant 0 : i32
        %dma_start3A_275 = tpu.memref_slice %arg13[%dma_start3A_273, %dma_start3A_274] : memref<10000x128xf32, #tpu.memory_space<vmem_shared>> -> memref<80x128xf32, #tpu.memory_space<vmem_shared>>
        %dma_start3A_276 = arith.constant 9920 : i32
        %dma_start3A_277 = arith.constant 0 : i32
        %dma_start3A_278 = tpu.memref_slice %arg13[%dma_start3A_276, %dma_start3A_277] : memref<10000x128xf32, #tpu.memory_space<vmem_shared>> -> memref<80x128xf32, #tpu.memory_space<vmem_shared>>
        %dma_start3A_279 = arith.constant 0 : i32
        %dma_start3A_280 = arith.constant 0 : i32
        %dma_start3A_281 = tpu.memref_slice %arg11[%dma_start3A_279, %dma_start3A_280] : memref<80x128xf32, #tpu.memory_space<vmem>> -> memref<80x128xf32, #tpu.memory_space<vmem>>
        tpu.enqueue_dma source(%dma_start3A_281 : memref<80x128xf32, #tpu.memory_space<vmem>>) target(%dma_start3A_278 : memref<80x128xf32, #tpu.memory_space<vmem_shared>>) target_semaphore(%run_scoped3A : memref<!tpu.dma_semaphore, #tpu.memory_space<semaphore_mem>>)
        %dma_wait3A = arith.constant 0 : i32
        %dma_wait3A_282 = arith.constant 0 : i32
        %dma_wait3A_283 = tpu.memref_slice %arg11[%dma_wait3A, %dma_wait3A_282] : memref<80x128xf32, #tpu.memory_space<vmem>> -> memref<80x128xf32, #tpu.memory_space<vmem>>
        %dma_wait3A_284 = arith.constant 9920 : i32
        %dma_wait3A_285 = arith.constant 0 : i32
        %dma_wait3A_286 = tpu.memref_slice %arg13[%dma_wait3A_284, %dma_wait3A_285] : memref<10000x128xf32, #tpu.memory_space<vmem_shared>> -> memref<80x128xf32, #tpu.memory_space<vmem_shared>>
        %dma_wait3A_287 = arith.constant 9920 : i32
        %dma_wait3A_288 = arith.constant 0 : i32
        %dma_wait3A_289 = tpu.memref_slice %arg13[%dma_wait3A_287, %dma_wait3A_288] : memref<10000x128xf32, #tpu.memory_space<vmem_shared>> -> memref<80x128xf32, #tpu.memory_space<vmem_shared>>
        %dma_wait3A_290 = arith.constant 0 : i32
        %dma_wait3A_291 = arith.constant 0 : i32
        %dma_wait3A_292 = tpu.memref_slice %arg11[%dma_wait3A_290, %dma_wait3A_291] : memref<80x128xf32, #tpu.memory_space<vmem>> -> memref<80x128xf32, #tpu.memory_space<vmem>>
        tpu.wait_dma2 semaphore(%run_scoped3A : memref<!tpu.dma_semaphore, #tpu.memory_space<semaphore_mem>>) src(%dma_wait3A_292 : memref<80x128xf32, #tpu.memory_space<vmem>>) dst(%dma_wait3A_289 : memref<80x128xf32, #tpu.memory_space<vmem_shared>>)
        tpu.yield
      }) : () -> ()
    } else {
    }
    %barrier3A = arith.constant 0 : index
    tpu.barrier barrier_id(%barrier3A)
    %mul3A = arith.constant 16 : i32
    %mul3A_250 = arith.muli %arg0, %mul3A : i32
    %add3A = arith.addi %mul3A_250, %arg1 : i32
    %mul3A_251 = arith.constant 10000 : i32
    %mul3A_252 = arith.muli %add3A, %mul3A_251 : i32
    %scan3A_253 = arith.constant 0 : i32
    %scan3A_254 = arith.constant 0 : i32
    %scan3A_255 = arith.constant 125 : i32
    %scan3A_256 = arith.addi %scan3A_254, %scan3A_255 : i32
    %scan3A_257 = arith.constant 1 : i32
    %scan3A_258 = scf.for %scan3A_271 = %scan3A_254 to %scan3A_256 step %scan3A_257 iter_args(%scan3A_272 = %scan3A_253) -> (i32)  : i32 {
      %mul3A_273 = arith.constant 80 : i32
      %mul3A_274 = arith.muli %scan3A_271, %mul3A_273 : i32
      %add3A_275 = arith.addi %mul3A_252, %mul3A_274 : i32
      "tpu.region"() ({
        %run_scoped3A = tpu.sem_alloc : memref<!tpu.dma_semaphore, #tpu.memory_space<semaphore_mem>>
        %dma_start3A_288 = tpu.memref_slice %arg4[%add3A_275] : memref<320000xi32, #tpu.memory_space<hbm>> -> memref<80xi32, #tpu.memory_space<hbm>>
        %dma_start3A_289 = tpu.memref_slice %arg4[%add3A_275] : memref<320000xi32, #tpu.memory_space<hbm>> -> memref<80xi32, #tpu.memory_space<hbm>>
        tpu.enqueue_dma source(%dma_start3A_289 : memref<80xi32, #tpu.memory_space<hbm>>) target(%arg7 : memref<80xi32, #tpu.memory_space<vmem>>) target_semaphore(%run_scoped3A : memref<!tpu.dma_semaphore, #tpu.memory_space<semaphore_mem>>)
        %dma_wait3A_290 = tpu.memref_slice %arg4[%add3A_275] : memref<320000xi32, #tpu.memory_space<hbm>> -> memref<80xi32, #tpu.memory_space<hbm>>
        %dma_wait3A_291 = tpu.memref_slice %arg4[%add3A_275] : memref<320000xi32, #tpu.memory_space<hbm>> -> memref<80xi32, #tpu.memory_space<hbm>>
        tpu.wait_dma2 semaphore(%run_scoped3A : memref<!tpu.dma_semaphore, #tpu.memory_space<semaphore_mem>>) src(%dma_wait3A_291 : memref<80xi32, #tpu.memory_space<hbm>>) dst(%arg7 : memref<80xi32, #tpu.memory_space<vmem>>)
        tpu.yield
      }) : () -> ()
      "tpu.region"() ({
        %run_scoped3A = tpu.sem_alloc : memref<!tpu.dma_semaphore, #tpu.memory_space<semaphore_mem>>
        %dma_start3A_288 = tpu.memref_slice %arg3[%add3A_275] : memref<320000xi32, #tpu.memory_space<hbm>> -> memref<80xi32, #tpu.memory_space<hbm>>
        %dma_start3A_289 = tpu.memref_slice %arg3[%add3A_275] : memref<320000xi32, #tpu.memory_space<hbm>> -> memref<80xi32, #tpu.memory_space<hbm>>
        tpu.enqueue_dma source(%dma_start3A_289 : memref<80xi32, #tpu.memory_space<hbm>>) target(%arg8 : memref<80xi32, #tpu.memory_space<vmem>>) target_semaphore(%run_scoped3A : memref<!tpu.dma_semaphore, #tpu.memory_space<semaphore_mem>>)
        %dma_wait3A_290 = tpu.memref_slice %arg3[%add3A_275] : memref<320000xi32, #tpu.memory_space<hbm>> -> memref<80xi32, #tpu.memory_space<hbm>>
        %dma_wait3A_291 = tpu.memref_slice %arg3[%add3A_275] : memref<320000xi32, #tpu.memory_space<hbm>> -> memref<80xi32, #tpu.memory_space<hbm>>
        tpu.wait_dma2 semaphore(%run_scoped3A : memref<!tpu.dma_semaphore, #tpu.memory_space<semaphore_mem>>) src(%dma_wait3A_291 : memref<80xi32, #tpu.memory_space<hbm>>) dst(%arg8 : memref<80xi32, #tpu.memory_space<vmem>>)
        tpu.yield
      }) : () -> ()
      "tpu.region"() ({
        %run_scoped3A = tpu.sem_alloc : memref<!tpu.dma_semaphore, #tpu.memory_space<semaphore_mem>>
        %dma_start3A_288 = arith.constant 0 : i32
        %dma_start3A_289 = tpu.memref_slice %arg9[%dma_start3A_288] : memref<96xf32, #tpu.memory_space<vmem>> -> memref<80xf32, #tpu.memory_space<vmem>>
        %dma_start3A_290 = tpu.memref_slice %arg5[%add3A_275] : memref<320000xf32, #tpu.memory_space<hbm>> -> memref<80xf32, #tpu.memory_space<hbm>>
        %dma_start3A_291 = arith.constant 0 : i32
        %dma_start3A_292 = tpu.memref_slice %arg9[%dma_start3A_291] : memref<96xf32, #tpu.memory_space<vmem>> -> memref<80xf32, #tpu.memory_space<vmem>>
        %dma_start3A_293 = tpu.memref_slice %arg5[%add3A_275] : memref<320000xf32, #tpu.memory_space<hbm>> -> memref<80xf32, #tpu.memory_space<hbm>>
        tpu.enqueue_dma source(%dma_start3A_293 : memref<80xf32, #tpu.memory_space<hbm>>) target(%dma_start3A_292 : memref<80xf32, #tpu.memory_space<vmem>>) target_semaphore(%run_scoped3A : memref<!tpu.dma_semaphore, #tpu.memory_space<semaphore_mem>>)
        %dma_wait3A_294 = arith.constant 0 : i32
        %dma_wait3A_295 = tpu.memref_slice %arg9[%dma_wait3A_294] : memref<96xf32, #tpu.memory_space<vmem>> -> memref<80xf32, #tpu.memory_space<vmem>>
        %dma_wait3A_296 = tpu.memref_slice %arg5[%add3A_275] : memref<320000xf32, #tpu.memory_space<hbm>> -> memref<80xf32, #tpu.memory_space<hbm>>
        %dma_wait3A_297 = arith.constant 0 : i32
        %dma_wait3A_298 = tpu.memref_slice %arg9[%dma_wait3A_297] : memref<96xf32, #tpu.memory_space<vmem>> -> memref<80xf32, #tpu.memory_space<vmem>>
        %dma_wait3A_299 = tpu.memref_slice %arg5[%add3A_275] : memref<320000xf32, #tpu.memory_space<hbm>> -> memref<80xf32, #tpu.memory_space<hbm>>
        tpu.wait_dma2 semaphore(%run_scoped3A : memref<!tpu.dma_semaphore, #tpu.memory_space<semaphore_mem>>) src(%dma_wait3A_299 : memref<80xf32, #tpu.memory_space<hbm>>) dst(%dma_wait3A_298 : memref<80xf32, #tpu.memory_space<vmem>>)
        tpu.yield
      }) : () -> ()
      %dma_start3A = arith.constant 0 : i32
      %dma_start3A_276 = arith.constant 0 : i32
      %dma_start3A_277 = tpu.memref_slice %arg2[%dma_start3A, %dma_start3A_276] : memref<10000x128xf32, #tpu.memory_space<hbm>> -> memref<10000x128xf32, #tpu.memory_space<hbm>>
      tpu.enqueue_indirect_dma source(%dma_start3A_277 : memref<10000x128xf32, #tpu.memory_space<hbm>>) target(%arg10 : memref<80x128xf32, #tpu.memory_space<vmem>>) offsets(%arg7 : memref<80xi32, #tpu.memory_space<vmem>>) semaphore(%arg15 : memref<!tpu.dma_semaphore, #tpu.memory_space<semaphore_mem>>)
      %dma_wait3A = arith.constant 0 : i32
      %dma_wait3A_278 = arith.constant 0 : i32
      %dma_wait3A_279 = tpu.memref_slice %arg2[%dma_wait3A, %dma_wait3A_278] : memref<10000x128xf32, #tpu.memory_space<hbm>> -> memref<10000x128xf32, #tpu.memory_space<hbm>>
      tpu.wait_indirect_dma semaphore(%arg15 : memref<!tpu.dma_semaphore, #tpu.memory_space<semaphore_mem>>) src(%dma_wait3A_279 : memref<10000x128xf32, #tpu.memory_space<hbm>>) dst(%arg10 : memref<80x128xf32, #tpu.memory_space<vmem>>)
      %scan3A_280 = arith.constant 0 : i32
      %scan3A_281 = arith.constant 0 : i32
      %scan3A_282 = arith.constant 80 : i32
      %scan3A_283 = arith.addi %scan3A_281, %scan3A_282 : i32
      %scan3A_284 = arith.constant 1 : i32
      %scan3A_285 = scf.for %scan3A_288 = %scan3A_281 to %scan3A_283 step %scan3A_284 iter_args(%scan3A_289 = %scan3A_280) -> (i32)  : i32 {
        %get3A = arith.index_cast %scan3A_288 : i32 to index
        %get3A_290 = tpu.vector_load %arg9[%get3A] {strides = array<i32>} : memref<96xf32, #tpu.memory_space<vmem>>, vector<16xf32>,
        %get3A_291 = vector.shape_cast %get3A_290 : vector<16xf32> to vector<16xf32>
        %slice3A = vector.extract_strided_slice %get3A_291 {offsets = [0], sizes = [1], strides = [1]} : vector<16xf32> to vector<1xf32>
        %squeeze3A = vector.extract %slice3A[0] : f32 from vector<1xf32>
        %get3A_292 = arith.index_cast %scan3A_288 : i32 to index
        %get3A_293 = arith.constant 0 : index
        %get3A_294 = tpu.vector_load %arg10[%get3A_292, %get3A_293] {strides = array<i32>} : memref<80x128xf32, #tpu.memory_space<vmem>>, vector<1x16xf32>,
        %get3A_295 = vector.shape_cast %get3A_294 : vector<1x16xf32> to vector<16xf32>
        %mul3A_296 = vector.broadcast %squeeze3A : f32 to vector<16xf32>
        %mul3A_297 = arith.mulf %get3A_295, %mul3A_296 : vector<16xf32>
        %swap3A_298 = arith.index_cast %scan3A_288 : i32 to index
        %swap3A_299 = arith.constant 0 : index
        %swap3A_300 = tpu.vector_load %arg10[%swap3A_298, %swap3A_299] {strides = array<i32>} : memref<80x128xf32, #tpu.memory_space<vmem>>, vector<1x16xf32>,
        %swap3A_301 = vector.shape_cast %swap3A_300 : vector<1x16xf32> to vector<16xf32>
        %swap3A_302 = vector.shape_cast %mul3A_297 : vector<16xf32> to vector<1x16xf32>
        tpu.vector_store %arg10[%swap3A_298, %swap3A_299], %swap3A_302 {strides = array<i32>} : memref<80x128xf32, #tpu.memory_space<vmem>>, vector<1x16xf32>,
        %get3A_303 = arith.index_cast %scan3A_288 : i32 to index
        %get3A_304 = arith.constant 16 : index
        %get3A_305 = tpu.vector_load %arg10[%get3A_303, %get3A_304] {strides = array<i32>} : memref<80x128xf32, #tpu.memory_space<vmem>>, vector<1x16xf32>,
        %get3A_306 = vector.shape_cast %get3A_305 : vector<1x16xf32> to vector<16xf32>
        %mul3A_307 = vector.broadcast %squeeze3A : f32 to vector<16xf32>
        %mul3A_308 = arith.mulf %get3A_306, %mul3A_307 : vector<16xf32>
        %swap3A_309 = arith.index_cast %scan3A_288 : i32 to index
        %swap3A_310 = arith.constant 16 : index
        %swap3A_311 = tpu.vector_load %arg10[%swap3A_309, %swap3A_310] {strides = array<i32>} : memref<80x128xf32, #tpu.memory_space<vmem>>, vector<1x16xf32>,
        %swap3A_312 = vector.shape_cast %swap3A_311 : vector<1x16xf32> to vector<16xf32>
        %swap3A_313 = vector.shape_cast %mul3A_308 : vector<16xf32> to vector<1x16xf32>
        tpu.vector_store %arg10[%swap3A_309, %swap3A_310], %swap3A_313 {strides = array<i32>} : memref<80x128xf32, #tpu.memory_space<vmem>>, vector<1x16xf32>,
        %get3A_314 = arith.index_cast %scan3A_288 : i32 to index
        %get3A_315 = arith.constant 32 : index
        %get3A_316 = tpu.vector_load %arg10[%get3A_314, %get3A_315] {strides = array<i32>} : memref<80x128xf32, #tpu.memory_space<vmem>>, vector<1x16xf32>,
        %get3A_317 = vector.shape_cast %get3A_316 : vector<1x16xf32> to vector<16xf32>
        %mul3A_318 = vector.broadcast %squeeze3A : f32 to vector<16xf32>
        %mul3A_319 = arith.mulf %get3A_317, %mul3A_318 : vector<16xf32>
        %swap3A_320 = arith.index_cast %scan3A_288 : i32 to index
        %swap3A_321 = arith.constant 32 : index
        %swap3A_322 = tpu.vector_load %arg10[%swap3A_320, %swap3A_321] {strides = array<i32>} : memref<80x128xf32, #tpu.memory_space<vmem>>, vector<1x16xf32>,
        %swap3A_323 = vector.shape_cast %swap3A_322 : vector<1x16xf32> to vector<16xf32>
        %swap3A_324 = vector.shape_cast %mul3A_319 : vector<16xf32> to vector<1x16xf32>
        tpu.vector_store %arg10[%swap3A_320, %swap3A_321], %swap3A_324 {strides = array<i32>} : memref<80x128xf32, #tpu.memory_space<vmem>>, vector<1x16xf32>,
        %get3A_325 = arith.index_cast %scan3A_288 : i32 to index
        %get3A_326 = arith.constant 48 : index
        %get3A_327 = tpu.vector_load %arg10[%get3A_325, %get3A_326] {strides = array<i32>} : memref<80x128xf32, #tpu.memory_space<vmem>>, vector<1x16xf32>,
        %get3A_328 = vector.shape_cast %get3A_327 : vector<1x16xf32> to vector<16xf32>
        %mul3A_329 = vector.broadcast %squeeze3A : f32 to vector<16xf32>
        %mul3A_330 = arith.mulf %get3A_328, %mul3A_329 : vector<16xf32>
        %swap3A_331 = arith.index_cast %scan3A_288 : i32 to index
        %swap3A_332 = arith.constant 48 : index
        %swap3A_333 = tpu.vector_load %arg10[%swap3A_331, %swap3A_332] {strides = array<i32>} : memref<80x128xf32, #tpu.memory_space<vmem>>, vector<1x16xf32>,
        %swap3A_334 = vector.shape_cast %swap3A_333 : vector<1x16xf32> to vector<16xf32>
        %swap3A_335 = vector.shape_cast %mul3A_330 : vector<16xf32> to vector<1x16xf32>
        tpu.vector_store %arg10[%swap3A_331, %swap3A_332], %swap3A_335 {strides = array<i32>} : memref<80x128xf32, #tpu.memory_space<vmem>>, vector<1x16xf32>,
        %get3A_336 = arith.index_cast %scan3A_288 : i32 to index
        %get3A_337 = arith.constant 64 : index
        %get3A_338 = tpu.vector_load %arg10[%get3A_336, %get3A_337] {strides = array<i32>} : memref<80x128xf32, #tpu.memory_space<vmem>>, vector<1x16xf32>,
        %get3A_339 = vector.shape_cast %get3A_338 : vector<1x16xf32> to vector<16xf32>
        %mul3A_340 = vector.broadcast %squeeze3A : f32 to vector<16xf32>
        %mul3A_341 = arith.mulf %get3A_339, %mul3A_340 : vector<16xf32>
        %swap3A_342 = arith.index_cast %scan3A_288 : i32 to index
        %swap3A_343 = arith.constant 64 : index
        %swap3A_344 = tpu.vector_load %arg10[%swap3A_342, %swap3A_343] {strides = array<i32>} : memref<80x128xf32, #tpu.memory_space<vmem>>, vector<1x16xf32>,
        %swap3A_345 = vector.shape_cast %swap3A_344 : vector<1x16xf32> to vector<16xf32>
        %swap3A_346 = vector.shape_cast %mul3A_341 : vector<16xf32> to vector<1x16xf32>
        tpu.vector_store %arg10[%swap3A_342, %swap3A_343], %swap3A_346 {strides = array<i32>} : memref<80x128xf32, #tpu.memory_space<vmem>>, vector<1x16xf32>,
        %get3A_347 = arith.index_cast %scan3A_288 : i32 to index
        %get3A_348 = arith.constant 80 : index
        %get3A_349 = tpu.vector_load %arg10[%get3A_347, %get3A_348] {strides = array<i32>} : memref<80x128xf32, #tpu.memory_space<vmem>>, vector<1x16xf32>,
        %get3A_350 = vector.shape_cast %get3A_349 : vector<1x16xf32> to vector<16xf32>
        %mul3A_351 = vector.broadcast %squeeze3A : f32 to vector<16xf32>
        %mul3A_352 = arith.mulf %get3A_350, %mul3A_351 : vector<16xf32>
        %swap3A_353 = arith.index_cast %scan3A_288 : i32 to index
        %swap3A_354 = arith.constant 80 : index
        %swap3A_355 = tpu.vector_load %arg10[%swap3A_353, %swap3A_354] {strides = array<i32>} : memref<80x128xf32, #tpu.memory_space<vmem>>, vector<1x16xf32>,
        %swap3A_356 = vector.shape_cast %swap3A_355 : vector<1x16xf32> to vector<16xf32>
        %swap3A_357 = vector.shape_cast %mul3A_352 : vector<16xf32> to vector<1x16xf32>
        tpu.vector_store %arg10[%swap3A_353, %swap3A_354], %swap3A_357 {strides = array<i32>} : memref<80x128xf32, #tpu.memory_space<vmem>>, vector<1x16xf32>,
        %get3A_358 = arith.index_cast %scan3A_288 : i32 to index
        %get3A_359 = arith.constant 96 : index
        %get3A_360 = tpu.vector_load %arg10[%get3A_358, %get3A_359] {strides = array<i32>} : memref<80x128xf32, #tpu.memory_space<vmem>>, vector<1x16xf32>,
        %get3A_361 = vector.shape_cast %get3A_360 : vector<1x16xf32> to vector<16xf32>
        %mul3A_362 = vector.broadcast %squeeze3A : f32 to vector<16xf32>
        %mul3A_363 = arith.mulf %get3A_361, %mul3A_362 : vector<16xf32>
        %swap3A_364 = arith.index_cast %scan3A_288 : i32 to index
        %swap3A_365 = arith.constant 96 : index
        %swap3A_366 = tpu.vector_load %arg10[%swap3A_364, %swap3A_365] {strides = array<i32>} : memref<80x128xf32, #tpu.memory_space<vmem>>, vector<1x16xf32>,
        %swap3A_367 = vector.shape_cast %swap3A_366 : vector<1x16xf32> to vector<16xf32>
        %swap3A_368 = vector.shape_cast %mul3A_363 : vector<16xf32> to vector<1x16xf32>
        tpu.vector_store %arg10[%swap3A_364, %swap3A_365], %swap3A_368 {strides = array<i32>} : memref<80x128xf32, #tpu.memory_space<vmem>>, vector<1x16xf32>,
        %get3A_369 = arith.index_cast %scan3A_288 : i32 to index
        %get3A_370 = arith.constant 112 : index
        %get3A_371 = tpu.vector_load %arg10[%get3A_369, %get3A_370] {strides = array<i32>} : memref<80x128xf32, #tpu.memory_space<vmem>>, vector<1x16xf32>,
        %get3A_372 = vector.shape_cast %get3A_371 : vector<1x16xf32> to vector<16xf32>
        %mul3A_373 = vector.broadcast %squeeze3A : f32 to vector<16xf32>
        %mul3A_374 = arith.mulf %get3A_372, %mul3A_373 : vector<16xf32>
        %swap3A_375 = arith.index_cast %scan3A_288 : i32 to index
        %swap3A_376 = arith.constant 112 : index
        %swap3A_377 = tpu.vector_load %arg10[%swap3A_375, %swap3A_376] {strides = array<i32>} : memref<80x128xf32, #tpu.memory_space<vmem>>, vector<1x16xf32>,
        %swap3A_378 = vector.shape_cast %swap3A_377 : vector<1x16xf32> to vector<16xf32>
        %swap3A_379 = vector.shape_cast %mul3A_374 : vector<16xf32> to vector<1x16xf32>
        tpu.vector_store %arg10[%swap3A_375, %swap3A_376], %swap3A_379 {strides = array<i32>} : memref<80x128xf32, #tpu.memory_space<vmem>>, vector<1x16xf32>,
        %scan3A_380 = arith.constant 0 : i32
        scf.yield %scan3A_380 : i32
      }
      %scan3A_286 = arith.constant 80 : i32
      "tpu.region"() ({
        %run_scoped3A = tpu.sem_alloc : memref<!tpu.dma_semaphore, #tpu.memory_space<semaphore_mem>>
        %dma_start3A_288 = arith.constant 0 : i32
        %dma_start3A_289 = arith.constant 0 : i32
        %dma_start3A_290 = tpu.memref_slice %arg13[%dma_start3A_288, %dma_start3A_289] : memref<10000x128xf32, #tpu.memory_space<vmem_shared>> -> memref<10000x128xf32, #tpu.memory_space<vmem_shared>>
        tpu.enqueue_indirect_dma source(%arg10 : memref<80x128xf32, #tpu.memory_space<vmem>>) target(%dma_start3A_290 : memref<10000x128xf32, #tpu.memory_space<vmem_shared>>) offsets(%arg8 : memref<80xi32, #tpu.memory_space<vmem>>) semaphore(%run_scoped3A : memref<!tpu.dma_semaphore, #tpu.memory_space<semaphore_mem>>) {add = true}
        %dma_wait3A_291 = arith.constant 0 : i32
        %dma_wait3A_292 = arith.constant 0 : i32
        %dma_wait3A_293 = tpu.memref_slice %arg13[%dma_wait3A_291, %dma_wait3A_292] : memref<10000x128xf32, #tpu.memory_space<vmem_shared>> -> memref<10000x128xf32, #tpu.memory_space<vmem_shared>>
        tpu.wait_indirect_dma semaphore(%run_scoped3A : memref<!tpu.dma_semaphore, #tpu.memory_space<semaphore_mem>>) src(%arg10 : memref<80x128xf32, #tpu.memory_space<vmem>>) dst(%dma_wait3A_293 : memref<10000x128xf32, #tpu.memory_space<vmem_shared>>)
        tpu.yield
      }) : () -> ()
      %scan3A_287 = arith.constant 0 : i32
      scf.yield %scan3A_287 : i32
    }
    %scan3A_259 = arith.constant 125 : i32
    %barrier3A_260 = arith.constant 0 : index
    tpu.barrier barrier_id(%barrier3A_260)
    %lt3A_261 = arith.constant 15 : i32
    %lt3A_262 = arith.cmpi slt, %arg1, %lt3A_261 : i32
    %convert_element_type3A_263 = arith.extui %lt3A_262 : i1 to i32
    %cond3A_264 = arith.constant 0 : i32
    %cond3A_265 = arith.cmpi ne, %convert_element_type3A_263, %cond3A_264 : i32
    scf.if %cond3A_265 {
      %mul3A_271 = arith.constant 624 : i32
      %mul3A_272 = arith.muli %arg1, %mul3A_271 : i32
      %add3A_273 = arith.constant 0 : i32
      %add3A_274 = arith.addi %mul3A_272, %add3A_273 : i32
      "tpu.region"() ({
        %run_scoped3A = tpu.sem_alloc : memref<!tpu.dma_semaphore, #tpu.memory_space<semaphore_mem>>
        %dma_start3A = arith.constant 0 : i32
        %dma_start3A_303 = arith.constant 0 : i32
        %dma_start3A_304 = tpu.memref_slice %arg11[%dma_start3A, %dma_start3A_303] : memref<80x128xf32, #tpu.memory_space<vmem>> -> memref<80x128xf32, #tpu.memory_space<vmem>>
        %dma_start3A_305 = arith.constant 0 : i32
        %dma_start3A_306 = tpu.memref_slice %arg13[%add3A_274, %dma_start3A_305] : memref<10000x128xf32, #tpu.memory_space<vmem_shared>> -> memref<80x128xf32, #tpu.memory_space<vmem_shared>>
        %dma_start3A_307 = arith.constant 0 : i32
        %dma_start3A_308 = arith.constant 0 : i32
        %dma_start3A_309 = tpu.memref_slice %arg11[%dma_start3A_307, %dma_start3A_308] : memref<80x128xf32, #tpu.memory_space<vmem>> -> memref<80x128xf32, #tpu.memory_space<vmem>>
        %dma_start3A_310 = arith.constant 0 : i32
        %dma_start3A_311 = tpu.memref_slice %arg13[%add3A_274, %dma_start3A_310] : memref<10000x128xf32, #tpu.memory_space<vmem_shared>> -> memref<80x128xf32, #tpu.memory_space<vmem_shared>>
        tpu.enqueue_dma source(%dma_start3A_311 : memref<80x128xf32, #tpu.memory_space<vmem_shared>>) target(%dma_start3A_309 : memref<80x128xf32, #tpu.memory_space<vmem>>) target_semaphore(%run_scoped3A : memref<!tpu.dma_semaphore, #tpu.memory_space<semaphore_mem>>)
        %dma_wait3A = arith.constant 0 : i32
        %dma_wait3A_312 = arith.constant 0 : i32
        %dma_wait3A_313 = tpu.memref_slice %arg11[%dma_wait3A, %dma_wait3A_312] : memref<80x128xf32, #tpu.memory_space<vmem>> -> memref<80x128xf32, #tpu.memory_space<vmem>>
        %dma_wait3A_314 = arith.constant 0 : i32
        %dma_wait3A_315 = tpu.memref_slice %arg13[%add3A_274, %dma_wait3A_314] : memref<10000x128xf32, #tpu.memory_space<vmem_shared>> -> memref<80x128xf32, #tpu.memory_space<vmem_shared>>
        %dma_wait3A_316 = arith.constant 0 : i32
        %dma_wait3A_317 = arith.constant 0 : i32
        %dma_wait3A_318 = tpu.memref_slice %arg11[%dma_wait3A_316, %dma_wait3A_317] : memref<80x128xf32, #tpu.memory_space<vmem>> -> memref<80x128xf32, #tpu.memory_space<vmem>>
        %dma_wait3A_319 = arith.constant 0 : i32
        %dma_wait3A_320 = tpu.memref_slice %arg13[%add3A_274, %dma_wait3A_319] : memref<10000x128xf32, #tpu.memory_space<vmem_shared>> -> memref<80x128xf32, #tpu.memory_space<vmem_shared>>
        tpu.wait_dma2 semaphore(%run_scoped3A : memref<!tpu.dma_semaphore, #tpu.memory_space<semaphore_mem>>) src(%dma_wait3A_320 : memref<80x128xf32, #tpu.memory_space<vmem_shared>>) dst(%dma_wait3A_318 : memref<80x128xf32, #tpu.memory_space<vmem>>)
        tpu.yield
      }) : () -> ()
      "tpu.region"() ({
        %run_scoped3A = tpu.sem_alloc : memref<!tpu.dma_semaphore, #tpu.memory_space<semaphore_mem>>
        %dma_start3A = arith.constant 0 : i32
        %dma_start3A_303 = arith.constant 0 : i32
        %dma_start3A_304 = tpu.memref_slice %arg11[%dma_start3A, %dma_start3A_303] : memref<80x128xf32, #tpu.memory_space<vmem>> -> memref<80x128xf32, #tpu.memory_space<vmem>>
        %dma_start3A_305 = arith.constant 0 : i32
        %dma_start3A_306 = tpu.memref_slice %arg6[%arg0, %add3A_274, %dma_start3A_305] : memref<2x10000x128xf32, #tpu.memory_space<hbm>> -> memref<1x80x128xf32, #tpu.memory_space<hbm>>
        %dma_start3A_307 = tpu.memref_squeeze %dma_start3A_306 : memref<1x80x128xf32, #tpu.memory_space<hbm>> -> memref<80x128xf32, #tpu.memory_space<hbm>>
        %dma_start3A_308 = arith.constant 0 : i32
        %dma_start3A_309 = tpu.memref_slice %arg6[%arg0, %add3A_274, %dma_start3A_308] : memref<2x10000x128xf32, #tpu.memory_space<hbm>> -> memref<1x80x128xf32, #tpu.memory_space<hbm>>
        %dma_start3A_310 = tpu.memref_squeeze %dma_start3A_309 : memref<1x80x128xf32, #tpu.memory_space<hbm>> -> memref<80x128xf32, #tpu.memory_space<hbm>>
        %dma_start3A_311 = arith.constant 0 : i32
        %dma_start3A_312 = arith.constant 0 : i32
        %dma_start3A_313 = tpu.memref_slice %arg11[%dma_start3A_311, %dma_start3A_312] : memref<80x128xf32, #tpu.memory_space<vmem>> -> memref<80x128xf32, #tpu.memory_space<vmem>>
        tpu.enqueue_dma source(%dma_start3A_313 : memref<80x128xf32, #tpu.memory_space<vmem>>) target(%dma_start3A_310 : memref<80x128xf32, #tpu.memory_space<hbm>>) target_semaphore(%run_scoped3A : memref<!tpu.dma_semaphore, #tpu.memory_space<semaphore_mem>>)
        %dma_wait3A = arith.constant 0 : i32
        %dma_wait3A_314 = arith.constant 0 : i32
        %dma_wait3A_315 = tpu.memref_slice %arg11[%dma_wait3A, %dma_wait3A_314] : memref<80x128xf32, #tpu.memory_space<vmem>> -> memref<80x128xf32, #tpu.memory_space<vmem>>
        %dma_wait3A_316 = arith.constant 0 : i32
        %dma_wait3A_317 = tpu.memref_slice %arg6[%arg0, %add3A_274, %dma_wait3A_316] : memref<2x10000x128xf32, #tpu.memory_space<hbm>> -> memref<1x80x128xf32, #tpu.memory_space<hbm>>
        %dma_wait3A_318 = tpu.memref_squeeze %dma_wait3A_317 : memref<1x80x128xf32, #tpu.memory_space<hbm>> -> memref<80x128xf32, #tpu.memory_space<hbm>>
        %dma_wait3A_319 = arith.constant 0 : i32
        %dma_wait3A_320 = tpu.memref_slice %arg6[%arg0, %add3A_274, %dma_wait3A_319] : memref<2x10000x128xf32, #tpu.memory_space<hbm>> -> memref<1x80x128xf32, #tpu.memory_space<hbm>>
        %dma_wait3A_321 = tpu.memref_squeeze %dma_wait3A_320 : memref<1x80x128xf32, #tpu.memory_space<hbm>> -> memref<80x128xf32, #tpu.memory_space<hbm>>
        %dma_wait3A_322 = arith.constant 0 : i32
        %dma_wait3A_323 = arith.constant 0 : i32
        %dma_wait3A_324 = tpu.memref_slice %arg11[%dma_wait3A_322, %dma_wait3A_323] : memref<80x128xf32, #tpu.memory_space<vmem>> -> memref<80x128xf32, #tpu.memory_space<vmem>>
        tpu.wait_dma2 semaphore(%run_scoped3A : memref<!tpu.dma_semaphore, #tpu.memory_space<semaphore_mem>>) src(%dma_wait3A_324 : memref<80x128xf32, #tpu.memory_space<vmem>>) dst(%dma_wait3A_321 : memref<80x128xf32, #tpu.memory_space<hbm>>)
        tpu.yield
      }) : () -> ()
      %mul3A_275 = arith.constant 624 : i32
      %mul3A_276 = arith.muli %arg1, %mul3A_275 : i32
      %add3A_277 = arith.constant 80 : i32
      %add3A_278 = arith.addi %mul3A_276, %add3A_277 : i32
      "tpu.region"() ({
        %run_scoped3A = tpu.sem_alloc : memref<!tpu.dma_semaphore, #tpu.memory_space<semaphore_mem>>
        %dma_start3A = arith.constant 0 : i32
        %dma_start3A_303 = arith.constant 0 : i32
        %dma_start3A_304 = tpu.memref_slice %arg11[%dma_start3A, %dma_start3A_303] : memref<80x128xf32, #tpu.memory_space<vmem>> -> memref<80x128xf32, #tpu.memory_space<vmem>>
        %dma_start3A_305 = arith.constant 0 : i32
        %dma_start3A_306 = tpu.memref_slice %arg13[%add3A_278, %dma_start3A_305] : memref<10000x128xf32, #tpu.memory_space<vmem_shared>> -> memref<80x128xf32, #tpu.memory_space<vmem_shared>>
        %dma_start3A_307 = arith.constant 0 : i32
        %dma_start3A_308 = arith.constant 0 : i32
        %dma_start3A_309 = tpu.memref_slice %arg11[%dma_start3A_307, %dma_start3A_308] : memref<80x128xf32, #tpu.memory_space<vmem>> -> memref<80x128xf32, #tpu.memory_space<vmem>>
        %dma_start3A_310 = arith.constant 0 : i32
        %dma_start3A_311 = tpu.memref_slice %arg13[%add3A_278, %dma_start3A_310] : memref<10000x128xf32, #tpu.memory_space<vmem_shared>> -> memref<80x128xf32, #tpu.memory_space<vmem_shared>>
        tpu.enqueue_dma source(%dma_start3A_311 : memref<80x128xf32, #tpu.memory_space<vmem_shared>>) target(%dma_start3A_309 : memref<80x128xf32, #tpu.memory_space<vmem>>) target_semaphore(%run_scoped3A : memref<!tpu.dma_semaphore, #tpu.memory_space<semaphore_mem>>)
        %dma_wait3A = arith.constant 0 : i32
        %dma_wait3A_312 = arith.constant 0 : i32
        %dma_wait3A_313 = tpu.memref_slice %arg11[%dma_wait3A, %dma_wait3A_312] : memref<80x128xf32, #tpu.memory_space<vmem>> -> memref<80x128xf32, #tpu.memory_space<vmem>>
        %dma_wait3A_314 = arith.constant 0 : i32
        %dma_wait3A_315 = tpu.memref_slice %arg13[%add3A_278, %dma_wait3A_314] : memref<10000x128xf32, #tpu.memory_space<vmem_shared>> -> memref<80x128xf32, #tpu.memory_space<vmem_shared>>
        %dma_wait3A_316 = arith.constant 0 : i32
        %dma_wait3A_317 = arith.constant 0 : i32
        %dma_wait3A_318 = tpu.memref_slice %arg11[%dma_wait3A_316, %dma_wait3A_317] : memref<80x128xf32, #tpu.memory_space<vmem>> -> memref<80x128xf32, #tpu.memory_space<vmem>>
        %dma_wait3A_319 = arith.constant 0 : i32
        %dma_wait3A_320 = tpu.memref_slice %arg13[%add3A_278, %dma_wait3A_319] : memref<10000x128xf32, #tpu.memory_space<vmem_shared>> -> memref<80x128xf32, #tpu.memory_space<vmem_shared>>
        tpu.wait_dma2 semaphore(%run_scoped3A : memref<!tpu.dma_semaphore, #tpu.memory_space<semaphore_mem>>) src(%dma_wait3A_320 : memref<80x128xf32, #tpu.memory_space<vmem_shared>>) dst(%dma_wait3A_318 : memref<80x128xf32, #tpu.memory_space<vmem>>)
        tpu.yield
      }) : () -> ()
      "tpu.region"() ({
        %run_scoped3A = tpu.sem_alloc : memref<!tpu.dma_semaphore, #tpu.memory_space<semaphore_mem>>
        %dma_start3A = arith.constant 0 : i32
        %dma_start3A_303 = arith.constant 0 : i32
        %dma_start3A_304 = tpu.memref_slice %arg11[%dma_start3A, %dma_start3A_303] : memref<80x128xf32, #tpu.memory_space<vmem>> -> memref<80x128xf32, #tpu.memory_space<vmem>>
        %dma_start3A_305 = arith.constant 0 : i32
        %dma_start3A_306 = tpu.memref_slice %arg6[%arg0, %add3A_278, %dma_start3A_305] : memref<2x10000x128xf32, #tpu.memory_space<hbm>> -> memref<1x80x128xf32, #tpu.memory_space<hbm>>
        %dma_start3A_307 = tpu.memref_squeeze %dma_start3A_306 : memref<1x80x128xf32, #tpu.memory_space<hbm>> -> memref<80x128xf32, #tpu.memory_space<hbm>>
        %dma_start3A_308 = arith.constant 0 : i32
        %dma_start3A_309 = tpu.memref_slice %arg6[%arg0, %add3A_278, %dma_start3A_308] : memref<2x10000x128xf32, #tpu.memory_space<hbm>> -> memref<1x80x128xf32, #tpu.memory_space<hbm>>
        %dma_start3A_310 = tpu.memref_squeeze %dma_start3A_309 : memref<1x80x128xf32, #tpu.memory_space<hbm>> -> memref<80x128xf32, #tpu.memory_space<hbm>>
        %dma_start3A_311 = arith.constant 0 : i32
        %dma_start3A_312 = arith.constant 0 : i32
        %dma_start3A_313 = tpu.memref_slice %arg11[%dma_start3A_311, %dma_start3A_312] : memref<80x128xf32, #tpu.memory_space<vmem>> -> memref<80x128xf32, #tpu.memory_space<vmem>>
        tpu.enqueue_dma source(%dma_start3A_313 : memref<80x128xf32, #tpu.memory_space<vmem>>) target(%dma_start3A_310 : memref<80x128xf32, #tpu.memory_space<hbm>>) target_semaphore(%run_scoped3A : memref<!tpu.dma_semaphore, #tpu.memory_space<semaphore_mem>>)
        %dma_wait3A = arith.constant 0 : i32
        %dma_wait3A_314 = arith.constant 0 : i32
        %dma_wait3A_315 = tpu.memref_slice %arg11[%dma_wait3A, %dma_wait3A_314] : memref<80x128xf32, #tpu.memory_space<vmem>> -> memref<80x128xf32, #tpu.memory_space<vmem>>
        %dma_wait3A_316 = arith.constant 0 : i32
        %dma_wait3A_317 = tpu.memref_slice %arg6[%arg0, %add3A_278, %dma_wait3A_316] : memref<2x10000x128xf32, #tpu.memory_space<hbm>> -> memref<1x80x128xf32, #tpu.memory_space<hbm>>
        %dma_wait3A_318 = tpu.memref_squeeze %dma_wait3A_317 : memref<1x80x128xf32, #tpu.memory_space<hbm>> -> memref<80x128xf32, #tpu.memory_space<hbm>>
        %dma_wait3A_319 = arith.constant 0 : i32
        %dma_wait3A_320 = tpu.memref_slice %arg6[%arg0, %add3A_278, %dma_wait3A_319] : memref<2x10000x128xf32, #tpu.memory_space<hbm>> -> memref<1x80x128xf32, #tpu.memory_space<hbm>>
        %dma_wait3A_321 = tpu.memref_squeeze %dma_wait3A_320 : memref<1x80x128xf32, #tpu.memory_space<hbm>> -> memref<80x128xf32, #tpu.memory_space<hbm>>
        %dma_wait3A_322 = arith.constant 0 : i32
        %dma_wait3A_323 = arith.constant 0 : i32
        %dma_wait3A_324 = tpu.memref_slice %arg11[%dma_wait3A_322, %dma_wait3A_323] : memref<80x128xf32, #tpu.memory_space<vmem>> -> memref<80x128xf32, #tpu.memory_space<vmem>>
        tpu.wait_dma2 semaphore(%run_scoped3A : memref<!tpu.dma_semaphore, #tpu.memory_space<semaphore_mem>>) src(%dma_wait3A_324 : memref<80x128xf32, #tpu.memory_space<vmem>>) dst(%dma_wait3A_321 : memref<80x128xf32, #tpu.memory_space<hbm>>)
        tpu.yield
      }) : () -> ()
      %mul3A_279 = arith.constant 624 : i32
      %mul3A_280 = arith.muli %arg1, %mul3A_279 : i32
      %add3A_281 = arith.constant 160 : i32
      %add3A_282 = arith.addi %mul3A_280, %add3A_281 : i32
      "tpu.region"() ({
        %run_scoped3A = tpu.sem_alloc : memref<!tpu.dma_semaphore, #tpu.memory_space<semaphore_mem>>
        %dma_start3A = arith.constant 0 : i32
        %dma_start3A_303 = arith.constant 0 : i32
        %dma_start3A_304 = tpu.memref_slice %arg11[%dma_start3A, %dma_start3A_303] : memref<80x128xf32, #tpu.memory_space<vmem>> -> memref<80x128xf32, #tpu.memory_space<vmem>>
        %dma_start3A_305 = arith.constant 0 : i32
        %dma_start3A_306 = tpu.memref_slice %arg13[%add3A_282, %dma_start3A_305] : memref<10000x128xf32, #tpu.memory_space<vmem_shared>> -> memref<80x128xf32, #tpu.memory_space<vmem_shared>>
        %dma_start3A_307 = arith.constant 0 : i32
        %dma_start3A_308 = arith.constant 0 : i32
        %dma_start3A_309 = tpu.memref_slice %arg11[%dma_start3A_307, %dma_start3A_308] : memref<80x128xf32, #tpu.memory_space<vmem>> -> memref<80x128xf32, #tpu.memory_space<vmem>>
        %dma_start3A_310 = arith.constant 0 : i32
        %dma_start3A_311 = tpu.memref_slice %arg13[%add3A_282, %dma_start3A_310] : memref<10000x128xf32, #tpu.memory_space<vmem_shared>> -> memref<80x128xf32, #tpu.memory_space<vmem_shared>>
        tpu.enqueue_dma source(%dma_start3A_311 : memref<80x128xf32, #tpu.memory_space<vmem_shared>>) target(%dma_start3A_309 : memref<80x128xf32, #tpu.memory_space<vmem>>) target_semaphore(%run_scoped3A : memref<!tpu.dma_semaphore, #tpu.memory_space<semaphore_mem>>)
        %dma_wait3A = arith.constant 0 : i32
        %dma_wait3A_312 = arith.constant 0 : i32
        %dma_wait3A_313 = tpu.memref_slice %arg11[%dma_wait3A, %dma_wait3A_312] : memref<80x128xf32, #tpu.memory_space<vmem>> -> memref<80x128xf32, #tpu.memory_space<vmem>>
        %dma_wait3A_314 = arith.constant 0 : i32
        %dma_wait3A_315 = tpu.memref_slice %arg13[%add3A_282, %dma_wait3A_314] : memref<10000x128xf32, #tpu.memory_space<vmem_shared>> -> memref<80x128xf32, #tpu.memory_space<vmem_shared>>
        %dma_wait3A_316 = arith.constant 0 : i32
        %dma_wait3A_317 = arith.constant 0 : i32
        %dma_wait3A_318 = tpu.memref_slice %arg11[%dma_wait3A_316, %dma_wait3A_317] : memref<80x128xf32, #tpu.memory_space<vmem>> -> memref<80x128xf32, #tpu.memory_space<vmem>>
        %dma_wait3A_319 = arith.constant 0 : i32
        %dma_wait3A_320 = tpu.memref_slice %arg13[%add3A_282, %dma_wait3A_319] : memref<10000x128xf32, #tpu.memory_space<vmem_shared>> -> memref<80x128xf32, #tpu.memory_space<vmem_shared>>
        tpu.wait_dma2 semaphore(%run_scoped3A : memref<!tpu.dma_semaphore, #tpu.memory_space<semaphore_mem>>) src(%dma_wait3A_320 : memref<80x128xf32, #tpu.memory_space<vmem_shared>>) dst(%dma_wait3A_318 : memref<80x128xf32, #tpu.memory_space<vmem>>)
        tpu.yield
      }) : () -> ()
      "tpu.region"() ({
        %run_scoped3A = tpu.sem_alloc : memref<!tpu.dma_semaphore, #tpu.memory_space<semaphore_mem>>
        %dma_start3A = arith.constant 0 : i32
        %dma_start3A_303 = arith.constant 0 : i32
        %dma_start3A_304 = tpu.memref_slice %arg11[%dma_start3A, %dma_start3A_303] : memref<80x128xf32, #tpu.memory_space<vmem>> -> memref<80x128xf32, #tpu.memory_space<vmem>>
        %dma_start3A_305 = arith.constant 0 : i32
        %dma_start3A_306 = tpu.memref_slice %arg6[%arg0, %add3A_282, %dma_start3A_305] : memref<2x10000x128xf32, #tpu.memory_space<hbm>> -> memref<1x80x128xf32, #tpu.memory_space<hbm>>
        %dma_start3A_307 = tpu.memref_squeeze %dma_start3A_306 : memref<1x80x128xf32, #tpu.memory_space<hbm>> -> memref<80x128xf32, #tpu.memory_space<hbm>>
        %dma_start3A_308 = arith.constant 0 : i32
        %dma_start3A_309 = tpu.memref_slice %arg6[%arg0, %add3A_282, %dma_start3A_308] : memref<2x10000x128xf32, #tpu.memory_space<hbm>> -> memref<1x80x128xf32, #tpu.memory_space<hbm>>
        %dma_start3A_310 = tpu.memref_squeeze %dma_start3A_309 : memref<1x80x128xf32, #tpu.memory_space<hbm>> -> memref<80x128xf32, #tpu.memory_space<hbm>>
        %dma_start3A_311 = arith.constant 0 : i32
        %dma_start3A_312 = arith.constant 0 : i32
        %dma_start3A_313 = tpu.memref_slice %arg11[%dma_start3A_311, %dma_start3A_312] : memref<80x128xf32, #tpu.memory_space<vmem>> -> memref<80x128xf32, #tpu.memory_space<vmem>>
        tpu.enqueue_dma source(%dma_start3A_313 : memref<80x128xf32, #tpu.memory_space<vmem>>) target(%dma_start3A_310 : memref<80x128xf32, #tpu.memory_space<hbm>>) target_semaphore(%run_scoped3A : memref<!tpu.dma_semaphore, #tpu.memory_space<semaphore_mem>>)
        %dma_wait3A = arith.constant 0 : i32
        %dma_wait3A_314 = arith.constant 0 : i32
        %dma_wait3A_315 = tpu.memref_slice %arg11[%dma_wait3A, %dma_wait3A_314] : memref<80x128xf32, #tpu.memory_space<vmem>> -> memref<80x128xf32, #tpu.memory_space<vmem>>
        %dma_wait3A_316 = arith.constant 0 : i32
        %dma_wait3A_317 = tpu.memref_slice %arg6[%arg0, %add3A_282, %dma_wait3A_316] : memref<2x10000x128xf32, #tpu.memory_space<hbm>> -> memref<1x80x128xf32, #tpu.memory_space<hbm>>
        %dma_wait3A_318 = tpu.memref_squeeze %dma_wait3A_317 : memref<1x80x128xf32, #tpu.memory_space<hbm>> -> memref<80x128xf32, #tpu.memory_space<hbm>>
        %dma_wait3A_319 = arith.constant 0 : i32
        %dma_wait3A_320 = tpu.memref_slice %arg6[%arg0, %add3A_282, %dma_wait3A_319] : memref<2x10000x128xf32, #tpu.memory_space<hbm>> -> memref<1x80x128xf32, #tpu.memory_space<hbm>>
        %dma_wait3A_321 = tpu.memref_squeeze %dma_wait3A_320 : memref<1x80x128xf32, #tpu.memory_space<hbm>> -> memref<80x128xf32, #tpu.memory_space<hbm>>
        %dma_wait3A_322 = arith.constant 0 : i32
        %dma_wait3A_323 = arith.constant 0 : i32
        %dma_wait3A_324 = tpu.memref_slice %arg11[%dma_wait3A_322, %dma_wait3A_323] : memref<80x128xf32, #tpu.memory_space<vmem>> -> memref<80x128xf32, #tpu.memory_space<vmem>>
        tpu.wait_dma2 semaphore(%run_scoped3A : memref<!tpu.dma_semaphore, #tpu.memory_space<semaphore_mem>>) src(%dma_wait3A_324 : memref<80x128xf32, #tpu.memory_space<vmem>>) dst(%dma_wait3A_321 : memref<80x128xf32, #tpu.memory_space<hbm>>)
        tpu.yield
      }) : () -> ()
      %mul3A_283 = arith.constant 624 : i32
      %mul3A_284 = arith.muli %arg1, %mul3A_283 : i32
      %add3A_285 = arith.constant 240 : i32
      %add3A_286 = arith.addi %mul3A_284, %add3A_285 : i32
      "tpu.region"() ({
        %run_scoped3A = tpu.sem_alloc : memref<!tpu.dma_semaphore, #tpu.memory_space<semaphore_mem>>
        %dma_start3A = arith.constant 0 : i32
        %dma_start3A_303 = arith.constant 0 : i32
        %dma_start3A_304 = tpu.memref_slice %arg11[%dma_start3A, %dma_start3A_303] : memref<80x128xf32, #tpu.memory_space<vmem>> -> memref<80x128xf32, #tpu.memory_space<vmem>>
        %dma_start3A_305 = arith.constant 0 : i32
        %dma_start3A_306 = tpu.memref_slice %arg13[%add3A_286, %dma_start3A_305] : memref<10000x128xf32, #tpu.memory_space<vmem_shared>> -> memref<80x128xf32, #tpu.memory_space<vmem_shared>>
        %dma_start3A_307 = arith.constant 0 : i32
        %dma_start3A_308 = arith.constant 0 : i32
        %dma_start3A_309 = tpu.memref_slice %arg11[%dma_start3A_307, %dma_start3A_308] : memref<80x128xf32, #tpu.memory_space<vmem>> -> memref<80x128xf32, #tpu.memory_space<vmem>>
        %dma_start3A_310 = arith.constant 0 : i32
        %dma_start3A_311 = tpu.memref_slice %arg13[%add3A_286, %dma_start3A_310] : memref<10000x128xf32, #tpu.memory_space<vmem_shared>> -> memref<80x128xf32, #tpu.memory_space<vmem_shared>>
        tpu.enqueue_dma source(%dma_start3A_311 : memref<80x128xf32, #tpu.memory_space<vmem_shared>>) target(%dma_start3A_309 : memref<80x128xf32, #tpu.memory_space<vmem>>) target_semaphore(%run_scoped3A : memref<!tpu.dma_semaphore, #tpu.memory_space<semaphore_mem>>)
        %dma_wait3A = arith.constant 0 : i32
        %dma_wait3A_312 = arith.constant 0 : i32
        %dma_wait3A_313 = tpu.memref_slice %arg11[%dma_wait3A, %dma_wait3A_312] : memref<80x128xf32, #tpu.memory_space<vmem>> -> memref<80x128xf32, #tpu.memory_space<vmem>>
        %dma_wait3A_314 = arith.constant 0 : i32
        %dma_wait3A_315 = tpu.memref_slice %arg13[%add3A_286, %dma_wait3A_314] : memref<10000x128xf32, #tpu.memory_space<vmem_shared>> -> memref<80x128xf32, #tpu.memory_space<vmem_shared>>
        %dma_wait3A_316 = arith.constant 0 : i32
        %dma_wait3A_317 = arith.constant 0 : i32
        %dma_wait3A_318 = tpu.memref_slice %arg11[%dma_wait3A_316, %dma_wait3A_317] : memref<80x128xf32, #tpu.memory_space<vmem>> -> memref<80x128xf32, #tpu.memory_space<vmem>>
        %dma_wait3A_319 = arith.constant 0 : i32
        %dma_wait3A_320 = tpu.memref_slice %arg13[%add3A_286, %dma_wait3A_319] : memref<10000x128xf32, #tpu.memory_space<vmem_shared>> -> memref<80x128xf32, #tpu.memory_space<vmem_shared>>
        tpu.wait_dma2 semaphore(%run_scoped3A : memref<!tpu.dma_semaphore, #tpu.memory_space<semaphore_mem>>) src(%dma_wait3A_320 : memref<80x128xf32, #tpu.memory_space<vmem_shared>>) dst(%dma_wait3A_318 : memref<80x128xf32, #tpu.memory_space<vmem>>)
        tpu.yield
      }) : () -> ()
      "tpu.region"() ({
        %run_scoped3A = tpu.sem_alloc : memref<!tpu.dma_semaphore, #tpu.memory_space<semaphore_mem>>
        %dma_start3A = arith.constant 0 : i32
        %dma_start3A_303 = arith.constant 0 : i32
        %dma_start3A_304 = tpu.memref_slice %arg11[%dma_start3A, %dma_start3A_303] : memref<80x128xf32, #tpu.memory_space<vmem>> -> memref<80x128xf32, #tpu.memory_space<vmem>>
        %dma_start3A_305 = arith.constant 0 : i32
        %dma_start3A_306 = tpu.memref_slice %arg6[%arg0, %add3A_286, %dma_start3A_305] : memref<2x10000x128xf32, #tpu.memory_space<hbm>> -> memref<1x80x128xf32, #tpu.memory_space<hbm>>
        %dma_start3A_307 = tpu.memref_squeeze %dma_start3A_306 : memref<1x80x128xf32, #tpu.memory_space<hbm>> -> memref<80x128xf32, #tpu.memory_space<hbm>>
        %dma_start3A_308 = arith.constant 0 : i32
        %dma_start3A_309 = tpu.memref_slice %arg6[%arg0, %add3A_286, %dma_start3A_308] : memref<2x10000x128xf32, #tpu.memory_space<hbm>> -> memref<1x80x128xf32, #tpu.memory_space<hbm>>
        %dma_start3A_310 = tpu.memref_squeeze %dma_start3A_309 : memref<1x80x128xf32, #tpu.memory_space<hbm>> -> memref<80x128xf32, #tpu.memory_space<hbm>>
        %dma_start3A_311 = arith.constant 0 : i32
        %dma_start3A_312 = arith.constant 0 : i32
        %dma_start3A_313 = tpu.memref_slice %arg11[%dma_start3A_311, %dma_start3A_312] : memref<80x128xf32, #tpu.memory_space<vmem>> -> memref<80x128xf32, #tpu.memory_space<vmem>>
        tpu.enqueue_dma source(%dma_start3A_313 : memref<80x128xf32, #tpu.memory_space<vmem>>) target(%dma_start3A_310 : memref<80x128xf32, #tpu.memory_space<hbm>>) target_semaphore(%run_scoped3A : memref<!tpu.dma_semaphore, #tpu.memory_space<semaphore_mem>>)
        %dma_wait3A = arith.constant 0 : i32
        %dma_wait3A_314 = arith.constant 0 : i32
        %dma_wait3A_315 = tpu.memref_slice %arg11[%dma_wait3A, %dma_wait3A_314] : memref<80x128xf32, #tpu.memory_space<vmem>> -> memref<80x128xf32, #tpu.memory_space<vmem>>
        %dma_wait3A_316 = arith.constant 0 : i32
        %dma_wait3A_317 = tpu.memref_slice %arg6[%arg0, %add3A_286, %dma_wait3A_316] : memref<2x10000x128xf32, #tpu.memory_space<hbm>> -> memref<1x80x128xf32, #tpu.memory_space<hbm>>
        %dma_wait3A_318 = tpu.memref_squeeze %dma_wait3A_317 : memref<1x80x128xf32, #tpu.memory_space<hbm>> -> memref<80x128xf32, #tpu.memory_space<hbm>>
        %dma_wait3A_319 = arith.constant 0 : i32
        %dma_wait3A_320 = tpu.memref_slice %arg6[%arg0, %add3A_286, %dma_wait3A_319] : memref<2x10000x128xf32, #tpu.memory_space<hbm>> -> memref<1x80x128xf32, #tpu.memory_space<hbm>>
        %dma_wait3A_321 = tpu.memref_squeeze %dma_wait3A_320 : memref<1x80x128xf32, #tpu.memory_space<hbm>> -> memref<80x128xf32, #tpu.memory_space<hbm>>
        %dma_wait3A_322 = arith.constant 0 : i32
        %dma_wait3A_323 = arith.constant 0 : i32
        %dma_wait3A_324 = tpu.memref_slice %arg11[%dma_wait3A_322, %dma_wait3A_323] : memref<80x128xf32, #tpu.memory_space<vmem>> -> memref<80x128xf32, #tpu.memory_space<vmem>>
        tpu.wait_dma2 semaphore(%run_scoped3A : memref<!tpu.dma_semaphore, #tpu.memory_space<semaphore_mem>>) src(%dma_wait3A_324 : memref<80x128xf32, #tpu.memory_space<vmem>>) dst(%dma_wait3A_321 : memref<80x128xf32, #tpu.memory_space<hbm>>)
        tpu.yield
      }) : () -> ()
      %mul3A_287 = arith.constant 624 : i32
      %mul3A_288 = arith.muli %arg1, %mul3A_287 : i32
      %add3A_289 = arith.constant 320 : i32
      %add3A_290 = arith.addi %mul3A_288, %add3A_289 : i32
      "tpu.region"() ({
        %run_scoped3A = tpu.sem_alloc : memref<!tpu.dma_semaphore, #tpu.memory_space<semaphore_mem>>
        %dma_start3A = arith.constant 0 : i32
        %dma_start3A_303 = arith.constant 0 : i32
        %dma_start3A_304 = tpu.memref_slice %arg11[%dma_start3A, %dma_start3A_303] : memref<80x128xf32, #tpu.memory_space<vmem>> -> memref<80x128xf32, #tpu.memory_space<vmem>>
        %dma_start3A_305 = arith.constant 0 : i32
        %dma_start3A_306 = tpu.memref_slice %arg13[%add3A_290, %dma_start3A_305] : memref<10000x128xf32, #tpu.memory_space<vmem_shared>> -> memref<80x128xf32, #tpu.memory_space<vmem_shared>>
        %dma_start3A_307 = arith.constant 0 : i32
        %dma_start3A_308 = arith.constant 0 : i32
        %dma_start3A_309 = tpu.memref_slice %arg11[%dma_start3A_307, %dma_start3A_308] : memref<80x128xf32, #tpu.memory_space<vmem>> -> memref<80x128xf32, #tpu.memory_space<vmem>>
        %dma_start3A_310 = arith.constant 0 : i32
        %dma_start3A_311 = tpu.memref_slice %arg13[%add3A_290, %dma_start3A_310] : memref<10000x128xf32, #tpu.memory_space<vmem_shared>> -> memref<80x128xf32, #tpu.memory_space<vmem_shared>>
        tpu.enqueue_dma source(%dma_start3A_311 : memref<80x128xf32, #tpu.memory_space<vmem_shared>>) target(%dma_start3A_309 : memref<80x128xf32, #tpu.memory_space<vmem>>) target_semaphore(%run_scoped3A : memref<!tpu.dma_semaphore, #tpu.memory_space<semaphore_mem>>)
        %dma_wait3A = arith.constant 0 : i32
        %dma_wait3A_312 = arith.constant 0 : i32
        %dma_wait3A_313 = tpu.memref_slice %arg11[%dma_wait3A, %dma_wait3A_312] : memref<80x128xf32, #tpu.memory_space<vmem>> -> memref<80x128xf32, #tpu.memory_space<vmem>>
        %dma_wait3A_314 = arith.constant 0 : i32
        %dma_wait3A_315 = tpu.memref_slice %arg13[%add3A_290, %dma_wait3A_314] : memref<10000x128xf32, #tpu.memory_space<vmem_shared>> -> memref<80x128xf32, #tpu.memory_space<vmem_shared>>
        %dma_wait3A_316 = arith.constant 0 : i32
        %dma_wait3A_317 = arith.constant 0 : i32
        %dma_wait3A_318 = tpu.memref_slice %arg11[%dma_wait3A_316, %dma_wait3A_317] : memref<80x128xf32, #tpu.memory_space<vmem>> -> memref<80x128xf32, #tpu.memory_space<vmem>>
        %dma_wait3A_319 = arith.constant 0 : i32
        %dma_wait3A_320 = tpu.memref_slice %arg13[%add3A_290, %dma_wait3A_319] : memref<10000x128xf32, #tpu.memory_space<vmem_shared>> -> memref<80x128xf32, #tpu.memory_space<vmem_shared>>
        tpu.wait_dma2 semaphore(%run_scoped3A : memref<!tpu.dma_semaphore, #tpu.memory_space<semaphore_mem>>) src(%dma_wait3A_320 : memref<80x128xf32, #tpu.memory_space<vmem_shared>>) dst(%dma_wait3A_318 : memref<80x128xf32, #tpu.memory_space<vmem>>)
        tpu.yield
      }) : () -> ()
      "tpu.region"() ({
        %run_scoped3A = tpu.sem_alloc : memref<!tpu.dma_semaphore, #tpu.memory_space<semaphore_mem>>
        %dma_start3A = arith.constant 0 : i32
        %dma_start3A_303 = arith.constant 0 : i32
        %dma_start3A_304 = tpu.memref_slice %arg11[%dma_start3A, %dma_start3A_303] : memref<80x128xf32, #tpu.memory_space<vmem>> -> memref<80x128xf32, #tpu.memory_space<vmem>>
        %dma_start3A_305 = arith.constant 0 : i32
        %dma_start3A_306 = tpu.memref_slice %arg6[%arg0, %add3A_290, %dma_start3A_305] : memref<2x10000x128xf32, #tpu.memory_space<hbm>> -> memref<1x80x128xf32, #tpu.memory_space<hbm>>
        %dma_start3A_307 = tpu.memref_squeeze %dma_start3A_306 : memref<1x80x128xf32, #tpu.memory_space<hbm>> -> memref<80x128xf32, #tpu.memory_space<hbm>>
        %dma_start3A_308 = arith.constant 0 : i32
        %dma_start3A_309 = tpu.memref_slice %arg6[%arg0, %add3A_290, %dma_start3A_308] : memref<2x10000x128xf32, #tpu.memory_space<hbm>> -> memref<1x80x128xf32, #tpu.memory_space<hbm>>
        %dma_start3A_310 = tpu.memref_squeeze %dma_start3A_309 : memref<1x80x128xf32, #tpu.memory_space<hbm>> -> memref<80x128xf32, #tpu.memory_space<hbm>>
        %dma_start3A_311 = arith.constant 0 : i32
        %dma_start3A_312 = arith.constant 0 : i32
        %dma_start3A_313 = tpu.memref_slice %arg11[%dma_start3A_311, %dma_start3A_312] : memref<80x128xf32, #tpu.memory_space<vmem>> -> memref<80x128xf32, #tpu.memory_space<vmem>>
        tpu.enqueue_dma source(%dma_start3A_313 : memref<80x128xf32, #tpu.memory_space<vmem>>) target(%dma_start3A_310 : memref<80x128xf32, #tpu.memory_space<hbm>>) target_semaphore(%run_scoped3A : memref<!tpu.dma_semaphore, #tpu.memory_space<semaphore_mem>>)
        %dma_wait3A = arith.constant 0 : i32
        %dma_wait3A_314 = arith.constant 0 : i32
        %dma_wait3A_315 = tpu.memref_slice %arg11[%dma_wait3A, %dma_wait3A_314] : memref<80x128xf32, #tpu.memory_space<vmem>> -> memref<80x128xf32, #tpu.memory_space<vmem>>
        %dma_wait3A_316 = arith.constant 0 : i32
        %dma_wait3A_317 = tpu.memref_slice %arg6[%arg0, %add3A_290, %dma_wait3A_316] : memref<2x10000x128xf32, #tpu.memory_space<hbm>> -> memref<1x80x128xf32, #tpu.memory_space<hbm>>
        %dma_wait3A_318 = tpu.memref_squeeze %dma_wait3A_317 : memref<1x80x128xf32, #tpu.memory_space<hbm>> -> memref<80x128xf32, #tpu.memory_space<hbm>>
        %dma_wait3A_319 = arith.constant 0 : i32
        %dma_wait3A_320 = tpu.memref_slice %arg6[%arg0, %add3A_290, %dma_wait3A_319] : memref<2x10000x128xf32, #tpu.memory_space<hbm>> -> memref<1x80x128xf32, #tpu.memory_space<hbm>>
        %dma_wait3A_321 = tpu.memref_squeeze %dma_wait3A_320 : memref<1x80x128xf32, #tpu.memory_space<hbm>> -> memref<80x128xf32, #tpu.memory_space<hbm>>
        %dma_wait3A_322 = arith.constant 0 : i32
        %dma_wait3A_323 = arith.constant 0 : i32
        %dma_wait3A_324 = tpu.memref_slice %arg11[%dma_wait3A_322, %dma_wait3A_323] : memref<80x128xf32, #tpu.memory_space<vmem>> -> memref<80x128xf32, #tpu.memory_space<vmem>>
        tpu.wait_dma2 semaphore(%run_scoped3A : memref<!tpu.dma_semaphore, #tpu.memory_space<semaphore_mem>>) src(%dma_wait3A_324 : memref<80x128xf32, #tpu.memory_space<vmem>>) dst(%dma_wait3A_321 : memref<80x128xf32, #tpu.memory_space<hbm>>)
        tpu.yield
      }) : () -> ()
      %mul3A_291 = arith.constant 624 : i32
      %mul3A_292 = arith.muli %arg1, %mul3A_291 : i32
      %add3A_293 = arith.constant 400 : i32
      %add3A_294 = arith.addi %mul3A_292, %add3A_293 : i32
      "tpu.region"() ({
        %run_scoped3A = tpu.sem_alloc : memref<!tpu.dma_semaphore, #tpu.memory_space<semaphore_mem>>
        %dma_start3A = arith.constant 0 : i32
        %dma_start3A_303 = arith.constant 0 : i32
        %dma_start3A_304 = tpu.memref_slice %arg11[%dma_start3A, %dma_start3A_303] : memref<80x128xf32, #tpu.memory_space<vmem>> -> memref<80x128xf32, #tpu.memory_space<vmem>>
        %dma_start3A_305 = arith.constant 0 : i32
        %dma_start3A_306 = tpu.memref_slice %arg13[%add3A_294, %dma_start3A_305] : memref<10000x128xf32, #tpu.memory_space<vmem_shared>> -> memref<80x128xf32, #tpu.memory_space<vmem_shared>>
        %dma_start3A_307 = arith.constant 0 : i32
        %dma_start3A_308 = arith.constant 0 : i32
        %dma_start3A_309 = tpu.memref_slice %arg11[%dma_start3A_307, %dma_start3A_308] : memref<80x128xf32, #tpu.memory_space<vmem>> -> memref<80x128xf32, #tpu.memory_space<vmem>>
        %dma_start3A_310 = arith.constant 0 : i32
        %dma_start3A_311 = tpu.memref_slice %arg13[%add3A_294, %dma_start3A_310] : memref<10000x128xf32, #tpu.memory_space<vmem_shared>> -> memref<80x128xf32, #tpu.memory_space<vmem_shared>>
        tpu.enqueue_dma source(%dma_start3A_311 : memref<80x128xf32, #tpu.memory_space<vmem_shared>>) target(%dma_start3A_309 : memref<80x128xf32, #tpu.memory_space<vmem>>) target_semaphore(%run_scoped3A : memref<!tpu.dma_semaphore, #tpu.memory_space<semaphore_mem>>)
        %dma_wait3A = arith.constant 0 : i32
        %dma_wait3A_312 = arith.constant 0 : i32
        %dma_wait3A_313 = tpu.memref_slice %arg11[%dma_wait3A, %dma_wait3A_312] : memref<80x128xf32, #tpu.memory_space<vmem>> -> memref<80x128xf32, #tpu.memory_space<vmem>>
        %dma_wait3A_314 = arith.constant 0 : i32
        %dma_wait3A_315 = tpu.memref_slice %arg13[%add3A_294, %dma_wait3A_314] : memref<10000x128xf32, #tpu.memory_space<vmem_shared>> -> memref<80x128xf32, #tpu.memory_space<vmem_shared>>
        %dma_wait3A_316 = arith.constant 0 : i32
        %dma_wait3A_317 = arith.constant 0 : i32
        %dma_wait3A_318 = tpu.memref_slice %arg11[%dma_wait3A_316, %dma_wait3A_317] : memref<80x128xf32, #tpu.memory_space<vmem>> -> memref<80x128xf32, #tpu.memory_space<vmem>>
        %dma_wait3A_319 = arith.constant 0 : i32
        %dma_wait3A_320 = tpu.memref_slice %arg13[%add3A_294, %dma_wait3A_319] : memref<10000x128xf32, #tpu.memory_space<vmem_shared>> -> memref<80x128xf32, #tpu.memory_space<vmem_shared>>
        tpu.wait_dma2 semaphore(%run_scoped3A : memref<!tpu.dma_semaphore, #tpu.memory_space<semaphore_mem>>) src(%dma_wait3A_320 : memref<80x128xf32, #tpu.memory_space<vmem_shared>>) dst(%dma_wait3A_318 : memref<80x128xf32, #tpu.memory_space<vmem>>)
        tpu.yield
      }) : () -> ()
      "tpu.region"() ({
        %run_scoped3A = tpu.sem_alloc : memref<!tpu.dma_semaphore, #tpu.memory_space<semaphore_mem>>
        %dma_start3A = arith.constant 0 : i32
        %dma_start3A_303 = arith.constant 0 : i32
        %dma_start3A_304 = tpu.memref_slice %arg11[%dma_start3A, %dma_start3A_303] : memref<80x128xf32, #tpu.memory_space<vmem>> -> memref<80x128xf32, #tpu.memory_space<vmem>>
        %dma_start3A_305 = arith.constant 0 : i32
        %dma_start3A_306 = tpu.memref_slice %arg6[%arg0, %add3A_294, %dma_start3A_305] : memref<2x10000x128xf32, #tpu.memory_space<hbm>> -> memref<1x80x128xf32, #tpu.memory_space<hbm>>
        %dma_start3A_307 = tpu.memref_squeeze %dma_start3A_306 : memref<1x80x128xf32, #tpu.memory_space<hbm>> -> memref<80x128xf32, #tpu.memory_space<hbm>>
        %dma_start3A_308 = arith.constant 0 : i32
        %dma_start3A_309 = tpu.memref_slice %arg6[%arg0, %add3A_294, %dma_start3A_308] : memref<2x10000x128xf32, #tpu.memory_space<hbm>> -> memref<1x80x128xf32, #tpu.memory_space<hbm>>
        %dma_start3A_310 = tpu.memref_squeeze %dma_start3A_309 : memref<1x80x128xf32, #tpu.memory_space<hbm>> -> memref<80x128xf32, #tpu.memory_space<hbm>>
        %dma_start3A_311 = arith.constant 0 : i32
        %dma_start3A_312 = arith.constant 0 : i32
        %dma_start3A_313 = tpu.memref_slice %arg11[%dma_start3A_311, %dma_start3A_312] : memref<80x128xf32, #tpu.memory_space<vmem>> -> memref<80x128xf32, #tpu.memory_space<vmem>>
        tpu.enqueue_dma source(%dma_start3A_313 : memref<80x128xf32, #tpu.memory_space<vmem>>) target(%dma_start3A_310 : memref<80x128xf32, #tpu.memory_space<hbm>>) target_semaphore(%run_scoped3A : memref<!tpu.dma_semaphore, #tpu.memory_space<semaphore_mem>>)
        %dma_wait3A = arith.constant 0 : i32
        %dma_wait3A_314 = arith.constant 0 : i32
        %dma_wait3A_315 = tpu.memref_slice %arg11[%dma_wait3A, %dma_wait3A_314] : memref<80x128xf32, #tpu.memory_space<vmem>> -> memref<80x128xf32, #tpu.memory_space<vmem>>
        %dma_wait3A_316 = arith.constant 0 : i32
        %dma_wait3A_317 = tpu.memref_slice %arg6[%arg0, %add3A_294, %dma_wait3A_316] : memref<2x10000x128xf32, #tpu.memory_space<hbm>> -> memref<1x80x128xf32, #tpu.memory_space<hbm>>
        %dma_wait3A_318 = tpu.memref_squeeze %dma_wait3A_317 : memref<1x80x128xf32, #tpu.memory_space<hbm>> -> memref<80x128xf32, #tpu.memory_space<hbm>>
        %dma_wait3A_319 = arith.constant 0 : i32
        %dma_wait3A_320 = tpu.memref_slice %arg6[%arg0, %add3A_294, %dma_wait3A_319] : memref<2x10000x128xf32, #tpu.memory_space<hbm>> -> memref<1x80x128xf32, #tpu.memory_space<hbm>>
        %dma_wait3A_321 = tpu.memref_squeeze %dma_wait3A_320 : memref<1x80x128xf32, #tpu.memory_space<hbm>> -> memref<80x128xf32, #tpu.memory_space<hbm>>
        %dma_wait3A_322 = arith.constant 0 : i32
        %dma_wait3A_323 = arith.constant 0 : i32
        %dma_wait3A_324 = tpu.memref_slice %arg11[%dma_wait3A_322, %dma_wait3A_323] : memref<80x128xf32, #tpu.memory_space<vmem>> -> memref<80x128xf32, #tpu.memory_space<vmem>>
        tpu.wait_dma2 semaphore(%run_scoped3A : memref<!tpu.dma_semaphore, #tpu.memory_space<semaphore_mem>>) src(%dma_wait3A_324 : memref<80x128xf32, #tpu.memory_space<vmem>>) dst(%dma_wait3A_321 : memref<80x128xf32, #tpu.memory_space<hbm>>)
        tpu.yield
      }) : () -> ()
      %mul3A_295 = arith.constant 624 : i32
      %mul3A_296 = arith.muli %arg1, %mul3A_295 : i32
      %add3A_297 = arith.constant 480 : i32
      %add3A_298 = arith.addi %mul3A_296, %add3A_297 : i32
      "tpu.region"() ({
        %run_scoped3A = tpu.sem_alloc : memref<!tpu.dma_semaphore, #tpu.memory_space<semaphore_mem>>
        %dma_start3A = arith.constant 0 : i32
        %dma_start3A_303 = arith.constant 0 : i32
        %dma_start3A_304 = tpu.memref_slice %arg11[%dma_start3A, %dma_start3A_303] : memref<80x128xf32, #tpu.memory_space<vmem>> -> memref<80x128xf32, #tpu.memory_space<vmem>>
        %dma_start3A_305 = arith.constant 0 : i32
        %dma_start3A_306 = tpu.memref_slice %arg13[%add3A_298, %dma_start3A_305] : memref<10000x128xf32, #tpu.memory_space<vmem_shared>> -> memref<80x128xf32, #tpu.memory_space<vmem_shared>>
        %dma_start3A_307 = arith.constant 0 : i32
        %dma_start3A_308 = arith.constant 0 : i32
        %dma_start3A_309 = tpu.memref_slice %arg11[%dma_start3A_307, %dma_start3A_308] : memref<80x128xf32, #tpu.memory_space<vmem>> -> memref<80x128xf32, #tpu.memory_space<vmem>>
        %dma_start3A_310 = arith.constant 0 : i32
        %dma_start3A_311 = tpu.memref_slice %arg13[%add3A_298, %dma_start3A_310] : memref<10000x128xf32, #tpu.memory_space<vmem_shared>> -> memref<80x128xf32, #tpu.memory_space<vmem_shared>>
        tpu.enqueue_dma source(%dma_start3A_311 : memref<80x128xf32, #tpu.memory_space<vmem_shared>>) target(%dma_start3A_309 : memref<80x128xf32, #tpu.memory_space<vmem>>) target_semaphore(%run_scoped3A : memref<!tpu.dma_semaphore, #tpu.memory_space<semaphore_mem>>)
        %dma_wait3A = arith.constant 0 : i32
        %dma_wait3A_312 = arith.constant 0 : i32
        %dma_wait3A_313 = tpu.memref_slice %arg11[%dma_wait3A, %dma_wait3A_312] : memref<80x128xf32, #tpu.memory_space<vmem>> -> memref<80x128xf32, #tpu.memory_space<vmem>>
        %dma_wait3A_314 = arith.constant 0 : i32
        %dma_wait3A_315 = tpu.memref_slice %arg13[%add3A_298, %dma_wait3A_314] : memref<10000x128xf32, #tpu.memory_space<vmem_shared>> -> memref<80x128xf32, #tpu.memory_space<vmem_shared>>
        %dma_wait3A_316 = arith.constant 0 : i32
        %dma_wait3A_317 = arith.constant 0 : i32
        %dma_wait3A_318 = tpu.memref_slice %arg11[%dma_wait3A_316, %dma_wait3A_317] : memref<80x128xf32, #tpu.memory_space<vmem>> -> memref<80x128xf32, #tpu.memory_space<vmem>>
        %dma_wait3A_319 = arith.constant 0 : i32
        %dma_wait3A_320 = tpu.memref_slice %arg13[%add3A_298, %dma_wait3A_319] : memref<10000x128xf32, #tpu.memory_space<vmem_shared>> -> memref<80x128xf32, #tpu.memory_space<vmem_shared>>
        tpu.wait_dma2 semaphore(%run_scoped3A : memref<!tpu.dma_semaphore, #tpu.memory_space<semaphore_mem>>) src(%dma_wait3A_320 : memref<80x128xf32, #tpu.memory_space<vmem_shared>>) dst(%dma_wait3A_318 : memref<80x128xf32, #tpu.memory_space<vmem>>)
        tpu.yield
      }) : () -> ()
      "tpu.region"() ({
        %run_scoped3A = tpu.sem_alloc : memref<!tpu.dma_semaphore, #tpu.memory_space<semaphore_mem>>
        %dma_start3A = arith.constant 0 : i32
        %dma_start3A_303 = arith.constant 0 : i32
        %dma_start3A_304 = tpu.memref_slice %arg11[%dma_start3A, %dma_start3A_303] : memref<80x128xf32, #tpu.memory_space<vmem>> -> memref<80x128xf32, #tpu.memory_space<vmem>>
        %dma_start3A_305 = arith.constant 0 : i32
        %dma_start3A_306 = tpu.memref_slice %arg6[%arg0, %add3A_298, %dma_start3A_305] : memref<2x10000x128xf32, #tpu.memory_space<hbm>> -> memref<1x80x128xf32, #tpu.memory_space<hbm>>
        %dma_start3A_307 = tpu.memref_squeeze %dma_start3A_306 : memref<1x80x128xf32, #tpu.memory_space<hbm>> -> memref<80x128xf32, #tpu.memory_space<hbm>>
        %dma_start3A_308 = arith.constant 0 : i32
        %dma_start3A_309 = tpu.memref_slice %arg6[%arg0, %add3A_298, %dma_start3A_308] : memref<2x10000x128xf32, #tpu.memory_space<hbm>> -> memref<1x80x128xf32, #tpu.memory_space<hbm>>
        %dma_start3A_310 = tpu.memref_squeeze %dma_start3A_309 : memref<1x80x128xf32, #tpu.memory_space<hbm>> -> memref<80x128xf32, #tpu.memory_space<hbm>>
        %dma_start3A_311 = arith.constant 0 : i32
        %dma_start3A_312 = arith.constant 0 : i32
        %dma_start3A_313 = tpu.memref_slice %arg11[%dma_start3A_311, %dma_start3A_312] : memref<80x128xf32, #tpu.memory_space<vmem>> -> memref<80x128xf32, #tpu.memory_space<vmem>>
        tpu.enqueue_dma source(%dma_start3A_313 : memref<80x128xf32, #tpu.memory_space<vmem>>) target(%dma_start3A_310 : memref<80x128xf32, #tpu.memory_space<hbm>>) target_semaphore(%run_scoped3A : memref<!tpu.dma_semaphore, #tpu.memory_space<semaphore_mem>>)
        %dma_wait3A = arith.constant 0 : i32
        %dma_wait3A_314 = arith.constant 0 : i32
        %dma_wait3A_315 = tpu.memref_slice %arg11[%dma_wait3A, %dma_wait3A_314] : memref<80x128xf32, #tpu.memory_space<vmem>> -> memref<80x128xf32, #tpu.memory_space<vmem>>
        %dma_wait3A_316 = arith.constant 0 : i32
        %dma_wait3A_317 = tpu.memref_slice %arg6[%arg0, %add3A_298, %dma_wait3A_316] : memref<2x10000x128xf32, #tpu.memory_space<hbm>> -> memref<1x80x128xf32, #tpu.memory_space<hbm>>
        %dma_wait3A_318 = tpu.memref_squeeze %dma_wait3A_317 : memref<1x80x128xf32, #tpu.memory_space<hbm>> -> memref<80x128xf32, #tpu.memory_space<hbm>>
        %dma_wait3A_319 = arith.constant 0 : i32
        %dma_wait3A_320 = tpu.memref_slice %arg6[%arg0, %add3A_298, %dma_wait3A_319] : memref<2x10000x128xf32, #tpu.memory_space<hbm>> -> memref<1x80x128xf32, #tpu.memory_space<hbm>>
        %dma_wait3A_321 = tpu.memref_squeeze %dma_wait3A_320 : memref<1x80x128xf32, #tpu.memory_space<hbm>> -> memref<80x128xf32, #tpu.memory_space<hbm>>
        %dma_wait3A_322 = arith.constant 0 : i32
        %dma_wait3A_323 = arith.constant 0 : i32
        %dma_wait3A_324 = tpu.memref_slice %arg11[%dma_wait3A_322, %dma_wait3A_323] : memref<80x128xf32, #tpu.memory_space<vmem>> -> memref<80x128xf32, #tpu.memory_space<vmem>>
        tpu.wait_dma2 semaphore(%run_scoped3A : memref<!tpu.dma_semaphore, #tpu.memory_space<semaphore_mem>>) src(%dma_wait3A_324 : memref<80x128xf32, #tpu.memory_space<vmem>>) dst(%dma_wait3A_321 : memref<80x128xf32, #tpu.memory_space<hbm>>)
        tpu.yield
      }) : () -> ()
      %mul3A_299 = arith.constant 624 : i32
      %mul3A_300 = arith.muli %arg1, %mul3A_299 : i32
      %add3A_301 = arith.constant 560 : i32
      %add3A_302 = arith.addi %mul3A_300, %add3A_301 : i32
      "tpu.region"() ({
        %run_scoped3A = tpu.sem_alloc : memref<!tpu.dma_semaphore, #tpu.memory_space<semaphore_mem>>
        %dma_start3A = arith.constant 0 : i32
        %dma_start3A_303 = arith.constant 0 : i32
        %dma_start3A_304 = tpu.memref_slice %arg11[%dma_start3A, %dma_start3A_303] : memref<80x128xf32, #tpu.memory_space<vmem>> -> memref<64x128xf32, #tpu.memory_space<vmem>>
        %dma_start3A_305 = arith.constant 0 : i32
        %dma_start3A_306 = tpu.memref_slice %arg13[%add3A_302, %dma_start3A_305] : memref<10000x128xf32, #tpu.memory_space<vmem_shared>> -> memref<64x128xf32, #tpu.memory_space<vmem_shared>>
        %dma_start3A_307 = arith.constant 0 : i32
        %dma_start3A_308 = arith.constant 0 : i32
        %dma_start3A_309 = tpu.memref_slice %arg11[%dma_start3A_307, %dma_start3A_308] : memref<80x128xf32, #tpu.memory_space<vmem>> -> memref<64x128xf32, #tpu.memory_space<vmem>>
        %dma_start3A_310 = arith.constant 0 : i32
        %dma_start3A_311 = tpu.memref_slice %arg13[%add3A_302, %dma_start3A_310] : memref<10000x128xf32, #tpu.memory_space<vmem_shared>> -> memref<64x128xf32, #tpu.memory_space<vmem_shared>>
        tpu.enqueue_dma source(%dma_start3A_311 : memref<64x128xf32, #tpu.memory_space<vmem_shared>>) target(%dma_start3A_309 : memref<64x128xf32, #tpu.memory_space<vmem>>) target_semaphore(%run_scoped3A : memref<!tpu.dma_semaphore, #tpu.memory_space<semaphore_mem>>)
        %dma_wait3A = arith.constant 0 : i32
        %dma_wait3A_312 = arith.constant 0 : i32
        %dma_wait3A_313 = tpu.memref_slice %arg11[%dma_wait3A, %dma_wait3A_312] : memref<80x128xf32, #tpu.memory_space<vmem>> -> memref<64x128xf32, #tpu.memory_space<vmem>>
        %dma_wait3A_314 = arith.constant 0 : i32
        %dma_wait3A_315 = tpu.memref_slice %arg13[%add3A_302, %dma_wait3A_314] : memref<10000x128xf32, #tpu.memory_space<vmem_shared>> -> memref<64x128xf32, #tpu.memory_space<vmem_shared>>
        %dma_wait3A_316 = arith.constant 0 : i32
        %dma_wait3A_317 = arith.constant 0 : i32
        %dma_wait3A_318 = tpu.memref_slice %arg11[%dma_wait3A_316, %dma_wait3A_317] : memref<80x128xf32, #tpu.memory_space<vmem>> -> memref<64x128xf32, #tpu.memory_space<vmem>>
        %dma_wait3A_319 = arith.constant 0 : i32
        %dma_wait3A_320 = tpu.memref_slice %arg13[%add3A_302, %dma_wait3A_319] : memref<10000x128xf32, #tpu.memory_space<vmem_shared>> -> memref<64x128xf32, #tpu.memory_space<vmem_shared>>
        tpu.wait_dma2 semaphore(%run_scoped3A : memref<!tpu.dma_semaphore, #tpu.memory_space<semaphore_mem>>) src(%dma_wait3A_320 : memref<64x128xf32, #tpu.memory_space<vmem_shared>>) dst(%dma_wait3A_318 : memref<64x128xf32, #tpu.memory_space<vmem>>)
        tpu.yield
      }) : () -> ()
      "tpu.region"() ({
        %run_scoped3A = tpu.sem_alloc : memref<!tpu.dma_semaphore, #tpu.memory_space<semaphore_mem>>
        %dma_start3A = arith.constant 0 : i32
        %dma_start3A_303 = arith.constant 0 : i32
        %dma_start3A_304 = tpu.memref_slice %arg11[%dma_start3A, %dma_start3A_303] : memref<80x128xf32, #tpu.memory_space<vmem>> -> memref<64x128xf32, #tpu.memory_space<vmem>>
        %dma_start3A_305 = arith.constant 0 : i32
        %dma_start3A_306 = tpu.memref_slice %arg6[%arg0, %add3A_302, %dma_start3A_305] : memref<2x10000x128xf32, #tpu.memory_space<hbm>> -> memref<1x64x128xf32, #tpu.memory_space<hbm>>
        %dma_start3A_307 = tpu.memref_squeeze %dma_start3A_306 : memref<1x64x128xf32, #tpu.memory_space<hbm>> -> memref<64x128xf32, #tpu.memory_space<hbm>>
        %dma_start3A_308 = arith.constant 0 : i32
        %dma_start3A_309 = tpu.memref_slice %arg6[%arg0, %add3A_302, %dma_start3A_308] : memref<2x10000x128xf32, #tpu.memory_space<hbm>> -> memref<1x64x128xf32, #tpu.memory_space<hbm>>
        %dma_start3A_310 = tpu.memref_squeeze %dma_start3A_309 : memref<1x64x128xf32, #tpu.memory_space<hbm>> -> memref<64x128xf32, #tpu.memory_space<hbm>>
        %dma_start3A_311 = arith.constant 0 : i32
        %dma_start3A_312 = arith.constant 0 : i32
        %dma_start3A_313 = tpu.memref_slice %arg11[%dma_start3A_311, %dma_start3A_312] : memref<80x128xf32, #tpu.memory_space<vmem>> -> memref<64x128xf32, #tpu.memory_space<vmem>>
        tpu.enqueue_dma source(%dma_start3A_313 : memref<64x128xf32, #tpu.memory_space<vmem>>) target(%dma_start3A_310 : memref<64x128xf32, #tpu.memory_space<hbm>>) target_semaphore(%run_scoped3A : memref<!tpu.dma_semaphore, #tpu.memory_space<semaphore_mem>>)
        %dma_wait3A = arith.constant 0 : i32
        %dma_wait3A_314 = arith.constant 0 : i32
        %dma_wait3A_315 = tpu.memref_slice %arg11[%dma_wait3A, %dma_wait3A_314] : memref<80x128xf32, #tpu.memory_space<vmem>> -> memref<64x128xf32, #tpu.memory_space<vmem>>
        %dma_wait3A_316 = arith.constant 0 : i32
        %dma_wait3A_317 = tpu.memref_slice %arg6[%arg0, %add3A_302, %dma_wait3A_316] : memref<2x10000x128xf32, #tpu.memory_space<hbm>> -> memref<1x64x128xf32, #tpu.memory_space<hbm>>
        %dma_wait3A_318 = tpu.memref_squeeze %dma_wait3A_317 : memref<1x64x128xf32, #tpu.memory_space<hbm>> -> memref<64x128xf32, #tpu.memory_space<hbm>>
        %dma_wait3A_319 = arith.constant 0 : i32
        %dma_wait3A_320 = tpu.memref_slice %arg6[%arg0, %add3A_302, %dma_wait3A_319] : memref<2x10000x128xf32, #tpu.memory_space<hbm>> -> memref<1x64x128xf32, #tpu.memory_space<hbm>>
        %dma_wait3A_321 = tpu.memref_squeeze %dma_wait3A_320 : memref<1x64x128xf32, #tpu.memory_space<hbm>> -> memref<64x128xf32, #tpu.memory_space<hbm>>
        %dma_wait3A_322 = arith.constant 0 : i32
        %dma_wait3A_323 = arith.constant 0 : i32
        %dma_wait3A_324 = tpu.memref_slice %arg11[%dma_wait3A_322, %dma_wait3A_323] : memref<80x128xf32, #tpu.memory_space<vmem>> -> memref<64x128xf32, #tpu.memory_space<vmem>>
        tpu.wait_dma2 semaphore(%run_scoped3A : memref<!tpu.dma_semaphore, #tpu.memory_space<semaphore_mem>>) src(%dma_wait3A_324 : memref<64x128xf32, #tpu.memory_space<vmem>>) dst(%dma_wait3A_321 : memref<64x128xf32, #tpu.memory_space<hbm>>)
        tpu.yield
      }) : () -> ()
    } else {
    }
    %eq3A_266 = arith.constant 15 : i32
    %eq3A_267 = arith.cmpi eq, %arg1, %eq3A_266 : i32
    %convert_element_type3A_268 = arith.extui %eq3A_267 : i1 to i32
    %cond3A_269 = arith.constant 0 : i32
    %cond3A_270 = arith.cmpi ne, %convert_element_type3A_268, %cond3A_269 : i32
    scf.if %cond3A_270 {
      "tpu.region"() ({
        %run_scoped3A = tpu.sem_alloc : memref<!tpu.dma_semaphore, #tpu.memory_space<semaphore_mem>>
        %dma_start3A = arith.constant 0 : i32
        %dma_start3A_271 = arith.constant 0 : i32
        %dma_start3A_272 = tpu.memref_slice %arg11[%dma_start3A, %dma_start3A_271] : memref<80x128xf32, #tpu.memory_space<vmem>> -> memref<80x128xf32, #tpu.memory_space<vmem>>
        %dma_start3A_273 = arith.constant 9360 : i32
        %dma_start3A_274 = arith.constant 0 : i32
        %dma_start3A_275 = tpu.memref_slice %arg13[%dma_start3A_273, %dma_start3A_274] : memref<10000x128xf32, #tpu.memory_space<vmem_shared>> -> memref<80x128xf32, #tpu.memory_space<vmem_shared>>
        %dma_start3A_276 = arith.constant 0 : i32
        %dma_start3A_277 = arith.constant 0 : i32
        %dma_start3A_278 = tpu.memref_slice %arg11[%dma_start3A_276, %dma_start3A_277] : memref<80x128xf32, #tpu.memory_space<vmem>> -> memref<80x128xf32, #tpu.memory_space<vmem>>
        %dma_start3A_279 = arith.constant 9360 : i32
        %dma_start3A_280 = arith.constant 0 : i32
        %dma_start3A_281 = tpu.memref_slice %arg13[%dma_start3A_279, %dma_start3A_280] : memref<10000x128xf32, #tpu.memory_space<vmem_shared>> -> memref<80x128xf32, #tpu.memory_space<vmem_shared>>
        tpu.enqueue_dma source(%dma_start3A_281 : memref<80x128xf32, #tpu.memory_space<vmem_shared>>) target(%dma_start3A_278 : memref<80x128xf32, #tpu.memory_space<vmem>>) target_semaphore(%run_scoped3A : memref<!tpu.dma_semaphore, #tpu.memory_space<semaphore_mem>>)
        %dma_wait3A = arith.constant 0 : i32
        %dma_wait3A_282 = arith.constant 0 : i32
        %dma_wait3A_283 = tpu.memref_slice %arg11[%dma_wait3A, %dma_wait3A_282] : memref<80x128xf32, #tpu.memory_space<vmem>> -> memref<80x128xf32, #tpu.memory_space<vmem>>
        %dma_wait3A_284 = arith.constant 9360 : i32
        %dma_wait3A_285 = arith.constant 0 : i32
        %dma_wait3A_286 = tpu.memref_slice %arg13[%dma_wait3A_284, %dma_wait3A_285] : memref<10000x128xf32, #tpu.memory_space<vmem_shared>> -> memref<80x128xf32, #tpu.memory_space<vmem_shared>>
        %dma_wait3A_287 = arith.constant 0 : i32
        %dma_wait3A_288 = arith.constant 0 : i32
        %dma_wait3A_289 = tpu.memref_slice %arg11[%dma_wait3A_287, %dma_wait3A_288] : memref<80x128xf32, #tpu.memory_space<vmem>> -> memref<80x128xf32, #tpu.memory_space<vmem>>
        %dma_wait3A_290 = arith.constant 9360 : i32
        %dma_wait3A_291 = arith.constant 0 : i32
        %dma_wait3A_292 = tpu.memref_slice %arg13[%dma_wait3A_290, %dma_wait3A_291] : memref<10000x128xf32, #tpu.memory_space<vmem_shared>> -> memref<80x128xf32, #tpu.memory_space<vmem_shared>>
        tpu.wait_dma2 semaphore(%run_scoped3A : memref<!tpu.dma_semaphore, #tpu.memory_space<semaphore_mem>>) src(%dma_wait3A_292 : memref<80x128xf32, #tpu.memory_space<vmem_shared>>) dst(%dma_wait3A_289 : memref<80x128xf32, #tpu.memory_space<vmem>>)
        tpu.yield
      }) : () -> ()
      "tpu.region"() ({
        %run_scoped3A = tpu.sem_alloc : memref<!tpu.dma_semaphore, #tpu.memory_space<semaphore_mem>>
        %dma_start3A = arith.constant 0 : i32
        %dma_start3A_271 = arith.constant 0 : i32
        %dma_start3A_272 = tpu.memref_slice %arg11[%dma_start3A, %dma_start3A_271] : memref<80x128xf32, #tpu.memory_space<vmem>> -> memref<80x128xf32, #tpu.memory_space<vmem>>
        %dma_start3A_273 = arith.constant 9360 : i32
        %dma_start3A_274 = arith.constant 0 : i32
        %dma_start3A_275 = tpu.memref_slice %arg6[%arg0, %dma_start3A_273, %dma_start3A_274] : memref<2x10000x128xf32, #tpu.memory_space<hbm>> -> memref<1x80x128xf32, #tpu.memory_space<hbm>>
        %dma_start3A_276 = tpu.memref_squeeze %dma_start3A_275 : memref<1x80x128xf32, #tpu.memory_space<hbm>> -> memref<80x128xf32, #tpu.memory_space<hbm>>
        %dma_start3A_277 = arith.constant 9360 : i32
        %dma_start3A_278 = arith.constant 0 : i32
        %dma_start3A_279 = tpu.memref_slice %arg6[%arg0, %dma_start3A_277, %dma_start3A_278] : memref<2x10000x128xf32, #tpu.memory_space<hbm>> -> memref<1x80x128xf32, #tpu.memory_space<hbm>>
        %dma_start3A_280 = tpu.memref_squeeze %dma_start3A_279 : memref<1x80x128xf32, #tpu.memory_space<hbm>> -> memref<80x128xf32, #tpu.memory_space<hbm>>
        %dma_start3A_281 = arith.constant 0 : i32
        %dma_start3A_282 = arith.constant 0 : i32
        %dma_start3A_283 = tpu.memref_slice %arg11[%dma_start3A_281, %dma_start3A_282] : memref<80x128xf32, #tpu.memory_space<vmem>> -> memref<80x128xf32, #tpu.memory_space<vmem>>
        tpu.enqueue_dma source(%dma_start3A_283 : memref<80x128xf32, #tpu.memory_space<vmem>>) target(%dma_start3A_280 : memref<80x128xf32, #tpu.memory_space<hbm>>) target_semaphore(%run_scoped3A : memref<!tpu.dma_semaphore, #tpu.memory_space<semaphore_mem>>)
        %dma_wait3A = arith.constant 0 : i32
        %dma_wait3A_284 = arith.constant 0 : i32
        %dma_wait3A_285 = tpu.memref_slice %arg11[%dma_wait3A, %dma_wait3A_284] : memref<80x128xf32, #tpu.memory_space<vmem>> -> memref<80x128xf32, #tpu.memory_space<vmem>>
        %dma_wait3A_286 = arith.constant 9360 : i32
        %dma_wait3A_287 = arith.constant 0 : i32
        %dma_wait3A_288 = tpu.memref_slice %arg6[%arg0, %dma_wait3A_286, %dma_wait3A_287] : memref<2x10000x128xf32, #tpu.memory_space<hbm>> -> memref<1x80x128xf32, #tpu.memory_space<hbm>>
        %dma_wait3A_289 = tpu.memref_squeeze %dma_wait3A_288 : memref<1x80x128xf32, #tpu.memory_space<hbm>> -> memref<80x128xf32, #tpu.memory_space<hbm>>
        %dma_wait3A_290 = arith.constant 9360 : i32
        %dma_wait3A_291 = arith.constant 0 : i32
        %dma_wait3A_292 = tpu.memref_slice %arg6[%arg0, %dma_wait3A_290, %dma_wait3A_291] : memref<2x10000x128xf32, #tpu.memory_space<hbm>> -> memref<1x80x128xf32, #tpu.memory_space<hbm>>
        %dma_wait3A_293 = tpu.memref_squeeze %dma_wait3A_292 : memref<1x80x128xf32, #tpu.memory_space<hbm>> -> memref<80x128xf32, #tpu.memory_space<hbm>>
        %dma_wait3A_294 = arith.constant 0 : i32
        %dma_wait3A_295 = arith.constant 0 : i32
        %dma_wait3A_296 = tpu.memref_slice %arg11[%dma_wait3A_294, %dma_wait3A_295] : memref<80x128xf32, #tpu.memory_space<vmem>> -> memref<80x128xf32, #tpu.memory_space<vmem>>
        tpu.wait_dma2 semaphore(%run_scoped3A : memref<!tpu.dma_semaphore, #tpu.memory_space<semaphore_mem>>) src(%dma_wait3A_296 : memref<80x128xf32, #tpu.memory_space<vmem>>) dst(%dma_wait3A_293 : memref<80x128xf32, #tpu.memory_space<hbm>>)
        tpu.yield
      }) : () -> ()
      "tpu.region"() ({
        %run_scoped3A = tpu.sem_alloc : memref<!tpu.dma_semaphore, #tpu.memory_space<semaphore_mem>>
        %dma_start3A = arith.constant 0 : i32
        %dma_start3A_271 = arith.constant 0 : i32
        %dma_start3A_272 = tpu.memref_slice %arg11[%dma_start3A, %dma_start3A_271] : memref<80x128xf32, #tpu.memory_space<vmem>> -> memref<80x128xf32, #tpu.memory_space<vmem>>
        %dma_start3A_273 = arith.constant 9440 : i32
        %dma_start3A_274 = arith.constant 0 : i32
        %dma_start3A_275 = tpu.memref_slice %arg13[%dma_start3A_273, %dma_start3A_274] : memref<10000x128xf32, #tpu.memory_space<vmem_shared>> -> memref<80x128xf32, #tpu.memory_space<vmem_shared>>
        %dma_start3A_276 = arith.constant 0 : i32
        %dma_start3A_277 = arith.constant 0 : i32
        %dma_start3A_278 = tpu.memref_slice %arg11[%dma_start3A_276, %dma_start3A_277] : memref<80x128xf32, #tpu.memory_space<vmem>> -> memref<80x128xf32, #tpu.memory_space<vmem>>
        %dma_start3A_279 = arith.constant 9440 : i32
        %dma_start3A_280 = arith.constant 0 : i32
        %dma_start3A_281 = tpu.memref_slice %arg13[%dma_start3A_279, %dma_start3A_280] : memref<10000x128xf32, #tpu.memory_space<vmem_shared>> -> memref<80x128xf32, #tpu.memory_space<vmem_shared>>
        tpu.enqueue_dma source(%dma_start3A_281 : memref<80x128xf32, #tpu.memory_space<vmem_shared>>) target(%dma_start3A_278 : memref<80x128xf32, #tpu.memory_space<vmem>>) target_semaphore(%run_scoped3A : memref<!tpu.dma_semaphore, #tpu.memory_space<semaphore_mem>>)
        %dma_wait3A = arith.constant 0 : i32
        %dma_wait3A_282 = arith.constant 0 : i32
        %dma_wait3A_283 = tpu.memref_slice %arg11[%dma_wait3A, %dma_wait3A_282] : memref<80x128xf32, #tpu.memory_space<vmem>> -> memref<80x128xf32, #tpu.memory_space<vmem>>
        %dma_wait3A_284 = arith.constant 9440 : i32
        %dma_wait3A_285 = arith.constant 0 : i32
        %dma_wait3A_286 = tpu.memref_slice %arg13[%dma_wait3A_284, %dma_wait3A_285] : memref<10000x128xf32, #tpu.memory_space<vmem_shared>> -> memref<80x128xf32, #tpu.memory_space<vmem_shared>>
        %dma_wait3A_287 = arith.constant 0 : i32
        %dma_wait3A_288 = arith.constant 0 : i32
        %dma_wait3A_289 = tpu.memref_slice %arg11[%dma_wait3A_287, %dma_wait3A_288] : memref<80x128xf32, #tpu.memory_space<vmem>> -> memref<80x128xf32, #tpu.memory_space<vmem>>
        %dma_wait3A_290 = arith.constant 9440 : i32
        %dma_wait3A_291 = arith.constant 0 : i32
        %dma_wait3A_292 = tpu.memref_slice %arg13[%dma_wait3A_290, %dma_wait3A_291] : memref<10000x128xf32, #tpu.memory_space<vmem_shared>> -> memref<80x128xf32, #tpu.memory_space<vmem_shared>>
        tpu.wait_dma2 semaphore(%run_scoped3A : memref<!tpu.dma_semaphore, #tpu.memory_space<semaphore_mem>>) src(%dma_wait3A_292 : memref<80x128xf32, #tpu.memory_space<vmem_shared>>) dst(%dma_wait3A_289 : memref<80x128xf32, #tpu.memory_space<vmem>>)
        tpu.yield
      }) : () -> ()
      "tpu.region"() ({
        %run_scoped3A = tpu.sem_alloc : memref<!tpu.dma_semaphore, #tpu.memory_space<semaphore_mem>>
        %dma_start3A = arith.constant 0 : i32
        %dma_start3A_271 = arith.constant 0 : i32
        %dma_start3A_272 = tpu.memref_slice %arg11[%dma_start3A, %dma_start3A_271] : memref<80x128xf32, #tpu.memory_space<vmem>> -> memref<80x128xf32, #tpu.memory_space<vmem>>
        %dma_start3A_273 = arith.constant 9440 : i32
        %dma_start3A_274 = arith.constant 0 : i32
        %dma_start3A_275 = tpu.memref_slice %arg6[%arg0, %dma_start3A_273, %dma_start3A_274] : memref<2x10000x128xf32, #tpu.memory_space<hbm>> -> memref<1x80x128xf32, #tpu.memory_space<hbm>>
        %dma_start3A_276 = tpu.memref_squeeze %dma_start3A_275 : memref<1x80x128xf32, #tpu.memory_space<hbm>> -> memref<80x128xf32, #tpu.memory_space<hbm>>
        %dma_start3A_277 = arith.constant 9440 : i32
        %dma_start3A_278 = arith.constant 0 : i32
        %dma_start3A_279 = tpu.memref_slice %arg6[%arg0, %dma_start3A_277, %dma_start3A_278] : memref<2x10000x128xf32, #tpu.memory_space<hbm>> -> memref<1x80x128xf32, #tpu.memory_space<hbm>>
        %dma_start3A_280 = tpu.memref_squeeze %dma_start3A_279 : memref<1x80x128xf32, #tpu.memory_space<hbm>> -> memref<80x128xf32, #tpu.memory_space<hbm>>
        %dma_start3A_281 = arith.constant 0 : i32
        %dma_start3A_282 = arith.constant 0 : i32
        %dma_start3A_283 = tpu.memref_slice %arg11[%dma_start3A_281, %dma_start3A_282] : memref<80x128xf32, #tpu.memory_space<vmem>> -> memref<80x128xf32, #tpu.memory_space<vmem>>
        tpu.enqueue_dma source(%dma_start3A_283 : memref<80x128xf32, #tpu.memory_space<vmem>>) target(%dma_start3A_280 : memref<80x128xf32, #tpu.memory_space<hbm>>) target_semaphore(%run_scoped3A : memref<!tpu.dma_semaphore, #tpu.memory_space<semaphore_mem>>)
        %dma_wait3A = arith.constant 0 : i32
        %dma_wait3A_284 = arith.constant 0 : i32
        %dma_wait3A_285 = tpu.memref_slice %arg11[%dma_wait3A, %dma_wait3A_284] : memref<80x128xf32, #tpu.memory_space<vmem>> -> memref<80x128xf32, #tpu.memory_space<vmem>>
        %dma_wait3A_286 = arith.constant 9440 : i32
        %dma_wait3A_287 = arith.constant 0 : i32
        %dma_wait3A_288 = tpu.memref_slice %arg6[%arg0, %dma_wait3A_286, %dma_wait3A_287] : memref<2x10000x128xf32, #tpu.memory_space<hbm>> -> memref<1x80x128xf32, #tpu.memory_space<hbm>>
        %dma_wait3A_289 = tpu.memref_squeeze %dma_wait3A_288 : memref<1x80x128xf32, #tpu.memory_space<hbm>> -> memref<80x128xf32, #tpu.memory_space<hbm>>
        %dma_wait3A_290 = arith.constant 9440 : i32
        %dma_wait3A_291 = arith.constant 0 : i32
        %dma_wait3A_292 = tpu.memref_slice %arg6[%arg0, %dma_wait3A_290, %dma_wait3A_291] : memref<2x10000x128xf32, #tpu.memory_space<hbm>> -> memref<1x80x128xf32, #tpu.memory_space<hbm>>
        %dma_wait3A_293 = tpu.memref_squeeze %dma_wait3A_292 : memref<1x80x128xf32, #tpu.memory_space<hbm>> -> memref<80x128xf32, #tpu.memory_space<hbm>>
        %dma_wait3A_294 = arith.constant 0 : i32
        %dma_wait3A_295 = arith.constant 0 : i32
        %dma_wait3A_296 = tpu.memref_slice %arg11[%dma_wait3A_294, %dma_wait3A_295] : memref<80x128xf32, #tpu.memory_space<vmem>> -> memref<80x128xf32, #tpu.memory_space<vmem>>
        tpu.wait_dma2 semaphore(%run_scoped3A : memref<!tpu.dma_semaphore, #tpu.memory_space<semaphore_mem>>) src(%dma_wait3A_296 : memref<80x128xf32, #tpu.memory_space<vmem>>) dst(%dma_wait3A_293 : memref<80x128xf32, #tpu.memory_space<hbm>>)
        tpu.yield
      }) : () -> ()
      "tpu.region"() ({
        %run_scoped3A = tpu.sem_alloc : memref<!tpu.dma_semaphore, #tpu.memory_space<semaphore_mem>>
        %dma_start3A = arith.constant 0 : i32
        %dma_start3A_271 = arith.constant 0 : i32
        %dma_start3A_272 = tpu.memref_slice %arg11[%dma_start3A, %dma_start3A_271] : memref<80x128xf32, #tpu.memory_space<vmem>> -> memref<80x128xf32, #tpu.memory_space<vmem>>
        %dma_start3A_273 = arith.constant 9520 : i32
        %dma_start3A_274 = arith.constant 0 : i32
        %dma_start3A_275 = tpu.memref_slice %arg13[%dma_start3A_273, %dma_start3A_274] : memref<10000x128xf32, #tpu.memory_space<vmem_shared>> -> memref<80x128xf32, #tpu.memory_space<vmem_shared>>
        %dma_start3A_276 = arith.constant 0 : i32
        %dma_start3A_277 = arith.constant 0 : i32
        %dma_start3A_278 = tpu.memref_slice %arg11[%dma_start3A_276, %dma_start3A_277] : memref<80x128xf32, #tpu.memory_space<vmem>> -> memref<80x128xf32, #tpu.memory_space<vmem>>
        %dma_start3A_279 = arith.constant 9520 : i32
        %dma_start3A_280 = arith.constant 0 : i32
        %dma_start3A_281 = tpu.memref_slice %arg13[%dma_start3A_279, %dma_start3A_280] : memref<10000x128xf32, #tpu.memory_space<vmem_shared>> -> memref<80x128xf32, #tpu.memory_space<vmem_shared>>
        tpu.enqueue_dma source(%dma_start3A_281 : memref<80x128xf32, #tpu.memory_space<vmem_shared>>) target(%dma_start3A_278 : memref<80x128xf32, #tpu.memory_space<vmem>>) target_semaphore(%run_scoped3A : memref<!tpu.dma_semaphore, #tpu.memory_space<semaphore_mem>>)
        %dma_wait3A = arith.constant 0 : i32
        %dma_wait3A_282 = arith.constant 0 : i32
        %dma_wait3A_283 = tpu.memref_slice %arg11[%dma_wait3A, %dma_wait3A_282] : memref<80x128xf32, #tpu.memory_space<vmem>> -> memref<80x128xf32, #tpu.memory_space<vmem>>
        %dma_wait3A_284 = arith.constant 9520 : i32
        %dma_wait3A_285 = arith.constant 0 : i32
        %dma_wait3A_286 = tpu.memref_slice %arg13[%dma_wait3A_284, %dma_wait3A_285] : memref<10000x128xf32, #tpu.memory_space<vmem_shared>> -> memref<80x128xf32, #tpu.memory_space<vmem_shared>>
        %dma_wait3A_287 = arith.constant 0 : i32
        %dma_wait3A_288 = arith.constant 0 : i32
        %dma_wait3A_289 = tpu.memref_slice %arg11[%dma_wait3A_287, %dma_wait3A_288] : memref<80x128xf32, #tpu.memory_space<vmem>> -> memref<80x128xf32, #tpu.memory_space<vmem>>
        %dma_wait3A_290 = arith.constant 9520 : i32
        %dma_wait3A_291 = arith.constant 0 : i32
        %dma_wait3A_292 = tpu.memref_slice %arg13[%dma_wait3A_290, %dma_wait3A_291] : memref<10000x128xf32, #tpu.memory_space<vmem_shared>> -> memref<80x128xf32, #tpu.memory_space<vmem_shared>>
        tpu.wait_dma2 semaphore(%run_scoped3A : memref<!tpu.dma_semaphore, #tpu.memory_space<semaphore_mem>>) src(%dma_wait3A_292 : memref<80x128xf32, #tpu.memory_space<vmem_shared>>) dst(%dma_wait3A_289 : memref<80x128xf32, #tpu.memory_space<vmem>>)
        tpu.yield
      }) : () -> ()
      "tpu.region"() ({
        %run_scoped3A = tpu.sem_alloc : memref<!tpu.dma_semaphore, #tpu.memory_space<semaphore_mem>>
        %dma_start3A = arith.constant 0 : i32
        %dma_start3A_271 = arith.constant 0 : i32
        %dma_start3A_272 = tpu.memref_slice %arg11[%dma_start3A, %dma_start3A_271] : memref<80x128xf32, #tpu.memory_space<vmem>> -> memref<80x128xf32, #tpu.memory_space<vmem>>
        %dma_start3A_273 = arith.constant 9520 : i32
        %dma_start3A_274 = arith.constant 0 : i32
        %dma_start3A_275 = tpu.memref_slice %arg6[%arg0, %dma_start3A_273, %dma_start3A_274] : memref<2x10000x128xf32, #tpu.memory_space<hbm>> -> memref<1x80x128xf32, #tpu.memory_space<hbm>>
        %dma_start3A_276 = tpu.memref_squeeze %dma_start3A_275 : memref<1x80x128xf32, #tpu.memory_space<hbm>> -> memref<80x128xf32, #tpu.memory_space<hbm>>
        %dma_start3A_277 = arith.constant 9520 : i32
        %dma_start3A_278 = arith.constant 0 : i32
        %dma_start3A_279 = tpu.memref_slice %arg6[%arg0, %dma_start3A_277, %dma_start3A_278] : memref<2x10000x128xf32, #tpu.memory_space<hbm>> -> memref<1x80x128xf32, #tpu.memory_space<hbm>>
        %dma_start3A_280 = tpu.memref_squeeze %dma_start3A_279 : memref<1x80x128xf32, #tpu.memory_space<hbm>> -> memref<80x128xf32, #tpu.memory_space<hbm>>
        %dma_start3A_281 = arith.constant 0 : i32
        %dma_start3A_282 = arith.constant 0 : i32
        %dma_start3A_283 = tpu.memref_slice %arg11[%dma_start3A_281, %dma_start3A_282] : memref<80x128xf32, #tpu.memory_space<vmem>> -> memref<80x128xf32, #tpu.memory_space<vmem>>
        tpu.enqueue_dma source(%dma_start3A_283 : memref<80x128xf32, #tpu.memory_space<vmem>>) target(%dma_start3A_280 : memref<80x128xf32, #tpu.memory_space<hbm>>) target_semaphore(%run_scoped3A : memref<!tpu.dma_semaphore, #tpu.memory_space<semaphore_mem>>)
        %dma_wait3A = arith.constant 0 : i32
        %dma_wait3A_284 = arith.constant 0 : i32
        %dma_wait3A_285 = tpu.memref_slice %arg11[%dma_wait3A, %dma_wait3A_284] : memref<80x128xf32, #tpu.memory_space<vmem>> -> memref<80x128xf32, #tpu.memory_space<vmem>>
        %dma_wait3A_286 = arith.constant 9520 : i32
        %dma_wait3A_287 = arith.constant 0 : i32
        %dma_wait3A_288 = tpu.memref_slice %arg6[%arg0, %dma_wait3A_286, %dma_wait3A_287] : memref<2x10000x128xf32, #tpu.memory_space<hbm>> -> memref<1x80x128xf32, #tpu.memory_space<hbm>>
        %dma_wait3A_289 = tpu.memref_squeeze %dma_wait3A_288 : memref<1x80x128xf32, #tpu.memory_space<hbm>> -> memref<80x128xf32, #tpu.memory_space<hbm>>
        %dma_wait3A_290 = arith.constant 9520 : i32
        %dma_wait3A_291 = arith.constant 0 : i32
        %dma_wait3A_292 = tpu.memref_slice %arg6[%arg0, %dma_wait3A_290, %dma_wait3A_291] : memref<2x10000x128xf32, #tpu.memory_space<hbm>> -> memref<1x80x128xf32, #tpu.memory_space<hbm>>
        %dma_wait3A_293 = tpu.memref_squeeze %dma_wait3A_292 : memref<1x80x128xf32, #tpu.memory_space<hbm>> -> memref<80x128xf32, #tpu.memory_space<hbm>>
        %dma_wait3A_294 = arith.constant 0 : i32
        %dma_wait3A_295 = arith.constant 0 : i32
        %dma_wait3A_296 = tpu.memref_slice %arg11[%dma_wait3A_294, %dma_wait3A_295] : memref<80x128xf32, #tpu.memory_space<vmem>> -> memref<80x128xf32, #tpu.memory_space<vmem>>
        tpu.wait_dma2 semaphore(%run_scoped3A : memref<!tpu.dma_semaphore, #tpu.memory_space<semaphore_mem>>) src(%dma_wait3A_296 : memref<80x128xf32, #tpu.memory_space<vmem>>) dst(%dma_wait3A_293 : memref<80x128xf32, #tpu.memory_space<hbm>>)
        tpu.yield
      }) : () -> ()
      "tpu.region"() ({
        %run_scoped3A = tpu.sem_alloc : memref<!tpu.dma_semaphore, #tpu.memory_space<semaphore_mem>>
        %dma_start3A = arith.constant 0 : i32
        %dma_start3A_271 = arith.constant 0 : i32
        %dma_start3A_272 = tpu.memref_slice %arg11[%dma_start3A, %dma_start3A_271] : memref<80x128xf32, #tpu.memory_space<vmem>> -> memref<80x128xf32, #tpu.memory_space<vmem>>
        %dma_start3A_273 = arith.constant 9600 : i32
        %dma_start3A_274 = arith.constant 0 : i32
        %dma_start3A_275 = tpu.memref_slice %arg13[%dma_start3A_273, %dma_start3A_274] : memref<10000x128xf32, #tpu.memory_space<vmem_shared>> -> memref<80x128xf32, #tpu.memory_space<vmem_shared>>
        %dma_start3A_276 = arith.constant 0 : i32
        %dma_start3A_277 = arith.constant 0 : i32
        %dma_start3A_278 = tpu.memref_slice %arg11[%dma_start3A_276, %dma_start3A_277] : memref<80x128xf32, #tpu.memory_space<vmem>> -> memref<80x128xf32, #tpu.memory_space<vmem>>
        %dma_start3A_279 = arith.constant 9600 : i32
        %dma_start3A_280 = arith.constant 0 : i32
        %dma_start3A_281 = tpu.memref_slice %arg13[%dma_start3A_279, %dma_start3A_280] : memref<10000x128xf32, #tpu.memory_space<vmem_shared>> -> memref<80x128xf32, #tpu.memory_space<vmem_shared>>
        tpu.enqueue_dma source(%dma_start3A_281 : memref<80x128xf32, #tpu.memory_space<vmem_shared>>) target(%dma_start3A_278 : memref<80x128xf32, #tpu.memory_space<vmem>>) target_semaphore(%run_scoped3A : memref<!tpu.dma_semaphore, #tpu.memory_space<semaphore_mem>>)
        %dma_wait3A = arith.constant 0 : i32
        %dma_wait3A_282 = arith.constant 0 : i32
        %dma_wait3A_283 = tpu.memref_slice %arg11[%dma_wait3A, %dma_wait3A_282] : memref<80x128xf32, #tpu.memory_space<vmem>> -> memref<80x128xf32, #tpu.memory_space<vmem>>
        %dma_wait3A_284 = arith.constant 9600 : i32
        %dma_wait3A_285 = arith.constant 0 : i32
        %dma_wait3A_286 = tpu.memref_slice %arg13[%dma_wait3A_284, %dma_wait3A_285] : memref<10000x128xf32, #tpu.memory_space<vmem_shared>> -> memref<80x128xf32, #tpu.memory_space<vmem_shared>>
        %dma_wait3A_287 = arith.constant 0 : i32
        %dma_wait3A_288 = arith.constant 0 : i32
        %dma_wait3A_289 = tpu.memref_slice %arg11[%dma_wait3A_287, %dma_wait3A_288] : memref<80x128xf32, #tpu.memory_space<vmem>> -> memref<80x128xf32, #tpu.memory_space<vmem>>
        %dma_wait3A_290 = arith.constant 9600 : i32
        %dma_wait3A_291 = arith.constant 0 : i32
        %dma_wait3A_292 = tpu.memref_slice %arg13[%dma_wait3A_290, %dma_wait3A_291] : memref<10000x128xf32, #tpu.memory_space<vmem_shared>> -> memref<80x128xf32, #tpu.memory_space<vmem_shared>>
        tpu.wait_dma2 semaphore(%run_scoped3A : memref<!tpu.dma_semaphore, #tpu.memory_space<semaphore_mem>>) src(%dma_wait3A_292 : memref<80x128xf32, #tpu.memory_space<vmem_shared>>) dst(%dma_wait3A_289 : memref<80x128xf32, #tpu.memory_space<vmem>>)
        tpu.yield
      }) : () -> ()
      "tpu.region"() ({
        %run_scoped3A = tpu.sem_alloc : memref<!tpu.dma_semaphore, #tpu.memory_space<semaphore_mem>>
        %dma_start3A = arith.constant 0 : i32
        %dma_start3A_271 = arith.constant 0 : i32
        %dma_start3A_272 = tpu.memref_slice %arg11[%dma_start3A, %dma_start3A_271] : memref<80x128xf32, #tpu.memory_space<vmem>> -> memref<80x128xf32, #tpu.memory_space<vmem>>
        %dma_start3A_273 = arith.constant 9600 : i32
        %dma_start3A_274 = arith.constant 0 : i32
        %dma_start3A_275 = tpu.memref_slice %arg6[%arg0, %dma_start3A_273, %dma_start3A_274] : memref<2x10000x128xf32, #tpu.memory_space<hbm>> -> memref<1x80x128xf32, #tpu.memory_space<hbm>>
        %dma_start3A_276 = tpu.memref_squeeze %dma_start3A_275 : memref<1x80x128xf32, #tpu.memory_space<hbm>> -> memref<80x128xf32, #tpu.memory_space<hbm>>
        %dma_start3A_277 = arith.constant 9600 : i32
        %dma_start3A_278 = arith.constant 0 : i32
        %dma_start3A_279 = tpu.memref_slice %arg6[%arg0, %dma_start3A_277, %dma_start3A_278] : memref<2x10000x128xf32, #tpu.memory_space<hbm>> -> memref<1x80x128xf32, #tpu.memory_space<hbm>>
        %dma_start3A_280 = tpu.memref_squeeze %dma_start3A_279 : memref<1x80x128xf32, #tpu.memory_space<hbm>> -> memref<80x128xf32, #tpu.memory_space<hbm>>
        %dma_start3A_281 = arith.constant 0 : i32
        %dma_start3A_282 = arith.constant 0 : i32
        %dma_start3A_283 = tpu.memref_slice %arg11[%dma_start3A_281, %dma_start3A_282] : memref<80x128xf32, #tpu.memory_space<vmem>> -> memref<80x128xf32, #tpu.memory_space<vmem>>
        tpu.enqueue_dma source(%dma_start3A_283 : memref<80x128xf32, #tpu.memory_space<vmem>>) target(%dma_start3A_280 : memref<80x128xf32, #tpu.memory_space<hbm>>) target_semaphore(%run_scoped3A : memref<!tpu.dma_semaphore, #tpu.memory_space<semaphore_mem>>)
        %dma_wait3A = arith.constant 0 : i32
        %dma_wait3A_284 = arith.constant 0 : i32
        %dma_wait3A_285 = tpu.memref_slice %arg11[%dma_wait3A, %dma_wait3A_284] : memref<80x128xf32, #tpu.memory_space<vmem>> -> memref<80x128xf32, #tpu.memory_space<vmem>>
        %dma_wait3A_286 = arith.constant 9600 : i32
        %dma_wait3A_287 = arith.constant 0 : i32
        %dma_wait3A_288 = tpu.memref_slice %arg6[%arg0, %dma_wait3A_286, %dma_wait3A_287] : memref<2x10000x128xf32, #tpu.memory_space<hbm>> -> memref<1x80x128xf32, #tpu.memory_space<hbm>>
        %dma_wait3A_289 = tpu.memref_squeeze %dma_wait3A_288 : memref<1x80x128xf32, #tpu.memory_space<hbm>> -> memref<80x128xf32, #tpu.memory_space<hbm>>
        %dma_wait3A_290 = arith.constant 9600 : i32
        %dma_wait3A_291 = arith.constant 0 : i32
        %dma_wait3A_292 = tpu.memref_slice %arg6[%arg0, %dma_wait3A_290, %dma_wait3A_291] : memref<2x10000x128xf32, #tpu.memory_space<hbm>> -> memref<1x80x128xf32, #tpu.memory_space<hbm>>
        %dma_wait3A_293 = tpu.memref_squeeze %dma_wait3A_292 : memref<1x80x128xf32, #tpu.memory_space<hbm>> -> memref<80x128xf32, #tpu.memory_space<hbm>>
        %dma_wait3A_294 = arith.constant 0 : i32
        %dma_wait3A_295 = arith.constant 0 : i32
        %dma_wait3A_296 = tpu.memref_slice %arg11[%dma_wait3A_294, %dma_wait3A_295] : memref<80x128xf32, #tpu.memory_space<vmem>> -> memref<80x128xf32, #tpu.memory_space<vmem>>
        tpu.wait_dma2 semaphore(%run_scoped3A : memref<!tpu.dma_semaphore, #tpu.memory_space<semaphore_mem>>) src(%dma_wait3A_296 : memref<80x128xf32, #tpu.memory_space<vmem>>) dst(%dma_wait3A_293 : memref<80x128xf32, #tpu.memory_space<hbm>>)
        tpu.yield
      }) : () -> ()
      "tpu.region"() ({
        %run_scoped3A = tpu.sem_alloc : memref<!tpu.dma_semaphore, #tpu.memory_space<semaphore_mem>>
        %dma_start3A = arith.constant 0 : i32
        %dma_start3A_271 = arith.constant 0 : i32
        %dma_start3A_272 = tpu.memref_slice %arg11[%dma_start3A, %dma_start3A_271] : memref<80x128xf32, #tpu.memory_space<vmem>> -> memref<80x128xf32, #tpu.memory_space<vmem>>
        %dma_start3A_273 = arith.constant 9680 : i32
        %dma_start3A_274 = arith.constant 0 : i32
        %dma_start3A_275 = tpu.memref_slice %arg13[%dma_start3A_273, %dma_start3A_274] : memref<10000x128xf32, #tpu.memory_space<vmem_shared>> -> memref<80x128xf32, #tpu.memory_space<vmem_shared>>
        %dma_start3A_276 = arith.constant 0 : i32
        %dma_start3A_277 = arith.constant 0 : i32
        %dma_start3A_278 = tpu.memref_slice %arg11[%dma_start3A_276, %dma_start3A_277] : memref<80x128xf32, #tpu.memory_space<vmem>> -> memref<80x128xf32, #tpu.memory_space<vmem>>
        %dma_start3A_279 = arith.constant 9680 : i32
        %dma_start3A_280 = arith.constant 0 : i32
        %dma_start3A_281 = tpu.memref_slice %arg13[%dma_start3A_279, %dma_start3A_280] : memref<10000x128xf32, #tpu.memory_space<vmem_shared>> -> memref<80x128xf32, #tpu.memory_space<vmem_shared>>
        tpu.enqueue_dma source(%dma_start3A_281 : memref<80x128xf32, #tpu.memory_space<vmem_shared>>) target(%dma_start3A_278 : memref<80x128xf32, #tpu.memory_space<vmem>>) target_semaphore(%run_scoped3A : memref<!tpu.dma_semaphore, #tpu.memory_space<semaphore_mem>>)
        %dma_wait3A = arith.constant 0 : i32
        %dma_wait3A_282 = arith.constant 0 : i32
        %dma_wait3A_283 = tpu.memref_slice %arg11[%dma_wait3A, %dma_wait3A_282] : memref<80x128xf32, #tpu.memory_space<vmem>> -> memref<80x128xf32, #tpu.memory_space<vmem>>
        %dma_wait3A_284 = arith.constant 9680 : i32
        %dma_wait3A_285 = arith.constant 0 : i32
        %dma_wait3A_286 = tpu.memref_slice %arg13[%dma_wait3A_284, %dma_wait3A_285] : memref<10000x128xf32, #tpu.memory_space<vmem_shared>> -> memref<80x128xf32, #tpu.memory_space<vmem_shared>>
        %dma_wait3A_287 = arith.constant 0 : i32
        %dma_wait3A_288 = arith.constant 0 : i32
        %dma_wait3A_289 = tpu.memref_slice %arg11[%dma_wait3A_287, %dma_wait3A_288] : memref<80x128xf32, #tpu.memory_space<vmem>> -> memref<80x128xf32, #tpu.memory_space<vmem>>
        %dma_wait3A_290 = arith.constant 9680 : i32
        %dma_wait3A_291 = arith.constant 0 : i32
        %dma_wait3A_292 = tpu.memref_slice %arg13[%dma_wait3A_290, %dma_wait3A_291] : memref<10000x128xf32, #tpu.memory_space<vmem_shared>> -> memref<80x128xf32, #tpu.memory_space<vmem_shared>>
        tpu.wait_dma2 semaphore(%run_scoped3A : memref<!tpu.dma_semaphore, #tpu.memory_space<semaphore_mem>>) src(%dma_wait3A_292 : memref<80x128xf32, #tpu.memory_space<vmem_shared>>) dst(%dma_wait3A_289 : memref<80x128xf32, #tpu.memory_space<vmem>>)
        tpu.yield
      }) : () -> ()
      "tpu.region"() ({
        %run_scoped3A = tpu.sem_alloc : memref<!tpu.dma_semaphore, #tpu.memory_space<semaphore_mem>>
        %dma_start3A = arith.constant 0 : i32
        %dma_start3A_271 = arith.constant 0 : i32
        %dma_start3A_272 = tpu.memref_slice %arg11[%dma_start3A, %dma_start3A_271] : memref<80x128xf32, #tpu.memory_space<vmem>> -> memref<80x128xf32, #tpu.memory_space<vmem>>
        %dma_start3A_273 = arith.constant 9680 : i32
        %dma_start3A_274 = arith.constant 0 : i32
        %dma_start3A_275 = tpu.memref_slice %arg6[%arg0, %dma_start3A_273, %dma_start3A_274] : memref<2x10000x128xf32, #tpu.memory_space<hbm>> -> memref<1x80x128xf32, #tpu.memory_space<hbm>>
        %dma_start3A_276 = tpu.memref_squeeze %dma_start3A_275 : memref<1x80x128xf32, #tpu.memory_space<hbm>> -> memref<80x128xf32, #tpu.memory_space<hbm>>
        %dma_start3A_277 = arith.constant 9680 : i32
        %dma_start3A_278 = arith.constant 0 : i32
        %dma_start3A_279 = tpu.memref_slice %arg6[%arg0, %dma_start3A_277, %dma_start3A_278] : memref<2x10000x128xf32, #tpu.memory_space<hbm>> -> memref<1x80x128xf32, #tpu.memory_space<hbm>>
        %dma_start3A_280 = tpu.memref_squeeze %dma_start3A_279 : memref<1x80x128xf32, #tpu.memory_space<hbm>> -> memref<80x128xf32, #tpu.memory_space<hbm>>
        %dma_start3A_281 = arith.constant 0 : i32
        %dma_start3A_282 = arith.constant 0 : i32
        %dma_start3A_283 = tpu.memref_slice %arg11[%dma_start3A_281, %dma_start3A_282] : memref<80x128xf32, #tpu.memory_space<vmem>> -> memref<80x128xf32, #tpu.memory_space<vmem>>
        tpu.enqueue_dma source(%dma_start3A_283 : memref<80x128xf32, #tpu.memory_space<vmem>>) target(%dma_start3A_280 : memref<80x128xf32, #tpu.memory_space<hbm>>) target_semaphore(%run_scoped3A : memref<!tpu.dma_semaphore, #tpu.memory_space<semaphore_mem>>)
        %dma_wait3A = arith.constant 0 : i32
        %dma_wait3A_284 = arith.constant 0 : i32
        %dma_wait3A_285 = tpu.memref_slice %arg11[%dma_wait3A, %dma_wait3A_284] : memref<80x128xf32, #tpu.memory_space<vmem>> -> memref<80x128xf32, #tpu.memory_space<vmem>>
        %dma_wait3A_286 = arith.constant 9680 : i32
        %dma_wait3A_287 = arith.constant 0 : i32
        %dma_wait3A_288 = tpu.memref_slice %arg6[%arg0, %dma_wait3A_286, %dma_wait3A_287] : memref<2x10000x128xf32, #tpu.memory_space<hbm>> -> memref<1x80x128xf32, #tpu.memory_space<hbm>>
        %dma_wait3A_289 = tpu.memref_squeeze %dma_wait3A_288 : memref<1x80x128xf32, #tpu.memory_space<hbm>> -> memref<80x128xf32, #tpu.memory_space<hbm>>
        %dma_wait3A_290 = arith.constant 9680 : i32
        %dma_wait3A_291 = arith.constant 0 : i32
        %dma_wait3A_292 = tpu.memref_slice %arg6[%arg0, %dma_wait3A_290, %dma_wait3A_291] : memref<2x10000x128xf32, #tpu.memory_space<hbm>> -> memref<1x80x128xf32, #tpu.memory_space<hbm>>
        %dma_wait3A_293 = tpu.memref_squeeze %dma_wait3A_292 : memref<1x80x128xf32, #tpu.memory_space<hbm>> -> memref<80x128xf32, #tpu.memory_space<hbm>>
        %dma_wait3A_294 = arith.constant 0 : i32
        %dma_wait3A_295 = arith.constant 0 : i32
        %dma_wait3A_296 = tpu.memref_slice %arg11[%dma_wait3A_294, %dma_wait3A_295] : memref<80x128xf32, #tpu.memory_space<vmem>> -> memref<80x128xf32, #tpu.memory_space<vmem>>
        tpu.wait_dma2 semaphore(%run_scoped3A : memref<!tpu.dma_semaphore, #tpu.memory_space<semaphore_mem>>) src(%dma_wait3A_296 : memref<80x128xf32, #tpu.memory_space<vmem>>) dst(%dma_wait3A_293 : memref<80x128xf32, #tpu.memory_space<hbm>>)
        tpu.yield
      }) : () -> ()
      "tpu.region"() ({
        %run_scoped3A = tpu.sem_alloc : memref<!tpu.dma_semaphore, #tpu.memory_space<semaphore_mem>>
        %dma_start3A = arith.constant 0 : i32
        %dma_start3A_271 = arith.constant 0 : i32
        %dma_start3A_272 = tpu.memref_slice %arg11[%dma_start3A, %dma_start3A_271] : memref<80x128xf32, #tpu.memory_space<vmem>> -> memref<80x128xf32, #tpu.memory_space<vmem>>
        %dma_start3A_273 = arith.constant 9760 : i32
        %dma_start3A_274 = arith.constant 0 : i32
        %dma_start3A_275 = tpu.memref_slice %arg13[%dma_start3A_273, %dma_start3A_274] : memref<10000x128xf32, #tpu.memory_space<vmem_shared>> -> memref<80x128xf32, #tpu.memory_space<vmem_shared>>
        %dma_start3A_276 = arith.constant 0 : i32
        %dma_start3A_277 = arith.constant 0 : i32
        %dma_start3A_278 = tpu.memref_slice %arg11[%dma_start3A_276, %dma_start3A_277] : memref<80x128xf32, #tpu.memory_space<vmem>> -> memref<80x128xf32, #tpu.memory_space<vmem>>
        %dma_start3A_279 = arith.constant 9760 : i32
        %dma_start3A_280 = arith.constant 0 : i32
        %dma_start3A_281 = tpu.memref_slice %arg13[%dma_start3A_279, %dma_start3A_280] : memref<10000x128xf32, #tpu.memory_space<vmem_shared>> -> memref<80x128xf32, #tpu.memory_space<vmem_shared>>
        tpu.enqueue_dma source(%dma_start3A_281 : memref<80x128xf32, #tpu.memory_space<vmem_shared>>) target(%dma_start3A_278 : memref<80x128xf32, #tpu.memory_space<vmem>>) target_semaphore(%run_scoped3A : memref<!tpu.dma_semaphore, #tpu.memory_space<semaphore_mem>>)
        %dma_wait3A = arith.constant 0 : i32
        %dma_wait3A_282 = arith.constant 0 : i32
        %dma_wait3A_283 = tpu.memref_slice %arg11[%dma_wait3A, %dma_wait3A_282] : memref<80x128xf32, #tpu.memory_space<vmem>> -> memref<80x128xf32, #tpu.memory_space<vmem>>
        %dma_wait3A_284 = arith.constant 9760 : i32
        %dma_wait3A_285 = arith.constant 0 : i32
        %dma_wait3A_286 = tpu.memref_slice %arg13[%dma_wait3A_284, %dma_wait3A_285] : memref<10000x128xf32, #tpu.memory_space<vmem_shared>> -> memref<80x128xf32, #tpu.memory_space<vmem_shared>>
        %dma_wait3A_287 = arith.constant 0 : i32
        %dma_wait3A_288 = arith.constant 0 : i32
        %dma_wait3A_289 = tpu.memref_slice %arg11[%dma_wait3A_287, %dma_wait3A_288] : memref<80x128xf32, #tpu.memory_space<vmem>> -> memref<80x128xf32, #tpu.memory_space<vmem>>
        %dma_wait3A_290 = arith.constant 9760 : i32
        %dma_wait3A_291 = arith.constant 0 : i32
        %dma_wait3A_292 = tpu.memref_slice %arg13[%dma_wait3A_290, %dma_wait3A_291] : memref<10000x128xf32, #tpu.memory_space<vmem_shared>> -> memref<80x128xf32, #tpu.memory_space<vmem_shared>>
        tpu.wait_dma2 semaphore(%run_scoped3A : memref<!tpu.dma_semaphore, #tpu.memory_space<semaphore_mem>>) src(%dma_wait3A_292 : memref<80x128xf32, #tpu.memory_space<vmem_shared>>) dst(%dma_wait3A_289 : memref<80x128xf32, #tpu.memory_space<vmem>>)
        tpu.yield
      }) : () -> ()
      "tpu.region"() ({
        %run_scoped3A = tpu.sem_alloc : memref<!tpu.dma_semaphore, #tpu.memory_space<semaphore_mem>>
        %dma_start3A = arith.constant 0 : i32
        %dma_start3A_271 = arith.constant 0 : i32
        %dma_start3A_272 = tpu.memref_slice %arg11[%dma_start3A, %dma_start3A_271] : memref<80x128xf32, #tpu.memory_space<vmem>> -> memref<80x128xf32, #tpu.memory_space<vmem>>
        %dma_start3A_273 = arith.constant 9760 : i32
        %dma_start3A_274 = arith.constant 0 : i32
        %dma_start3A_275 = tpu.memref_slice %arg6[%arg0, %dma_start3A_273, %dma_start3A_274] : memref<2x10000x128xf32, #tpu.memory_space<hbm>> -> memref<1x80x128xf32, #tpu.memory_space<hbm>>
        %dma_start3A_276 = tpu.memref_squeeze %dma_start3A_275 : memref<1x80x128xf32, #tpu.memory_space<hbm>> -> memref<80x128xf32, #tpu.memory_space<hbm>>
        %dma_start3A_277 = arith.constant 9760 : i32
        %dma_start3A_278 = arith.constant 0 : i32
        %dma_start3A_279 = tpu.memref_slice %arg6[%arg0, %dma_start3A_277, %dma_start3A_278] : memref<2x10000x128xf32, #tpu.memory_space<hbm>> -> memref<1x80x128xf32, #tpu.memory_space<hbm>>
        %dma_start3A_280 = tpu.memref_squeeze %dma_start3A_279 : memref<1x80x128xf32, #tpu.memory_space<hbm>> -> memref<80x128xf32, #tpu.memory_space<hbm>>
        %dma_start3A_281 = arith.constant 0 : i32
        %dma_start3A_282 = arith.constant 0 : i32
        %dma_start3A_283 = tpu.memref_slice %arg11[%dma_start3A_281, %dma_start3A_282] : memref<80x128xf32, #tpu.memory_space<vmem>> -> memref<80x128xf32, #tpu.memory_space<vmem>>
        tpu.enqueue_dma source(%dma_start3A_283 : memref<80x128xf32, #tpu.memory_space<vmem>>) target(%dma_start3A_280 : memref<80x128xf32, #tpu.memory_space<hbm>>) target_semaphore(%run_scoped3A : memref<!tpu.dma_semaphore, #tpu.memory_space<semaphore_mem>>)
        %dma_wait3A = arith.constant 0 : i32
        %dma_wait3A_284 = arith.constant 0 : i32
        %dma_wait3A_285 = tpu.memref_slice %arg11[%dma_wait3A, %dma_wait3A_284] : memref<80x128xf32, #tpu.memory_space<vmem>> -> memref<80x128xf32, #tpu.memory_space<vmem>>
        %dma_wait3A_286 = arith.constant 9760 : i32
        %dma_wait3A_287 = arith.constant 0 : i32
        %dma_wait3A_288 = tpu.memref_slice %arg6[%arg0, %dma_wait3A_286, %dma_wait3A_287] : memref<2x10000x128xf32, #tpu.memory_space<hbm>> -> memref<1x80x128xf32, #tpu.memory_space<hbm>>
        %dma_wait3A_289 = tpu.memref_squeeze %dma_wait3A_288 : memref<1x80x128xf32, #tpu.memory_space<hbm>> -> memref<80x128xf32, #tpu.memory_space<hbm>>
        %dma_wait3A_290 = arith.constant 9760 : i32
        %dma_wait3A_291 = arith.constant 0 : i32
        %dma_wait3A_292 = tpu.memref_slice %arg6[%arg0, %dma_wait3A_290, %dma_wait3A_291] : memref<2x10000x128xf32, #tpu.memory_space<hbm>> -> memref<1x80x128xf32, #tpu.memory_space<hbm>>
        %dma_wait3A_293 = tpu.memref_squeeze %dma_wait3A_292 : memref<1x80x128xf32, #tpu.memory_space<hbm>> -> memref<80x128xf32, #tpu.memory_space<hbm>>
        %dma_wait3A_294 = arith.constant 0 : i32
        %dma_wait3A_295 = arith.constant 0 : i32
        %dma_wait3A_296 = tpu.memref_slice %arg11[%dma_wait3A_294, %dma_wait3A_295] : memref<80x128xf32, #tpu.memory_space<vmem>> -> memref<80x128xf32, #tpu.memory_space<vmem>>
        tpu.wait_dma2 semaphore(%run_scoped3A : memref<!tpu.dma_semaphore, #tpu.memory_space<semaphore_mem>>) src(%dma_wait3A_296 : memref<80x128xf32, #tpu.memory_space<vmem>>) dst(%dma_wait3A_293 : memref<80x128xf32, #tpu.memory_space<hbm>>)
        tpu.yield
      }) : () -> ()
      "tpu.region"() ({
        %run_scoped3A = tpu.sem_alloc : memref<!tpu.dma_semaphore, #tpu.memory_space<semaphore_mem>>
        %dma_start3A = arith.constant 0 : i32
        %dma_start3A_271 = arith.constant 0 : i32
        %dma_start3A_272 = tpu.memref_slice %arg11[%dma_start3A, %dma_start3A_271] : memref<80x128xf32, #tpu.memory_space<vmem>> -> memref<80x128xf32, #tpu.memory_space<vmem>>
        %dma_start3A_273 = arith.constant 9840 : i32
        %dma_start3A_274 = arith.constant 0 : i32
        %dma_start3A_275 = tpu.memref_slice %arg13[%dma_start3A_273, %dma_start3A_274] : memref<10000x128xf32, #tpu.memory_space<vmem_shared>> -> memref<80x128xf32, #tpu.memory_space<vmem_shared>>
        %dma_start3A_276 = arith.constant 0 : i32
        %dma_start3A_277 = arith.constant 0 : i32
        %dma_start3A_278 = tpu.memref_slice %arg11[%dma_start3A_276, %dma_start3A_277] : memref<80x128xf32, #tpu.memory_space<vmem>> -> memref<80x128xf32, #tpu.memory_space<vmem>>
        %dma_start3A_279 = arith.constant 9840 : i32
        %dma_start3A_280 = arith.constant 0 : i32
        %dma_start3A_281 = tpu.memref_slice %arg13[%dma_start3A_279, %dma_start3A_280] : memref<10000x128xf32, #tpu.memory_space<vmem_shared>> -> memref<80x128xf32, #tpu.memory_space<vmem_shared>>
        tpu.enqueue_dma source(%dma_start3A_281 : memref<80x128xf32, #tpu.memory_space<vmem_shared>>) target(%dma_start3A_278 : memref<80x128xf32, #tpu.memory_space<vmem>>) target_semaphore(%run_scoped3A : memref<!tpu.dma_semaphore, #tpu.memory_space<semaphore_mem>>)
        %dma_wait3A = arith.constant 0 : i32
        %dma_wait3A_282 = arith.constant 0 : i32
        %dma_wait3A_283 = tpu.memref_slice %arg11[%dma_wait3A, %dma_wait3A_282] : memref<80x128xf32, #tpu.memory_space<vmem>> -> memref<80x128xf32, #tpu.memory_space<vmem>>
        %dma_wait3A_284 = arith.constant 9840 : i32
        %dma_wait3A_285 = arith.constant 0 : i32
        %dma_wait3A_286 = tpu.memref_slice %arg13[%dma_wait3A_284, %dma_wait3A_285] : memref<10000x128xf32, #tpu.memory_space<vmem_shared>> -> memref<80x128xf32, #tpu.memory_space<vmem_shared>>
        %dma_wait3A_287 = arith.constant 0 : i32
        %dma_wait3A_288 = arith.constant 0 : i32
        %dma_wait3A_289 = tpu.memref_slice %arg11[%dma_wait3A_287, %dma_wait3A_288] : memref<80x128xf32, #tpu.memory_space<vmem>> -> memref<80x128xf32, #tpu.memory_space<vmem>>
        %dma_wait3A_290 = arith.constant 9840 : i32
        %dma_wait3A_291 = arith.constant 0 : i32
        %dma_wait3A_292 = tpu.memref_slice %arg13[%dma_wait3A_290, %dma_wait3A_291] : memref<10000x128xf32, #tpu.memory_space<vmem_shared>> -> memref<80x128xf32, #tpu.memory_space<vmem_shared>>
        tpu.wait_dma2 semaphore(%run_scoped3A : memref<!tpu.dma_semaphore, #tpu.memory_space<semaphore_mem>>) src(%dma_wait3A_292 : memref<80x128xf32, #tpu.memory_space<vmem_shared>>) dst(%dma_wait3A_289 : memref<80x128xf32, #tpu.memory_space<vmem>>)
        tpu.yield
      }) : () -> ()
      "tpu.region"() ({
        %run_scoped3A = tpu.sem_alloc : memref<!tpu.dma_semaphore, #tpu.memory_space<semaphore_mem>>
        %dma_start3A = arith.constant 0 : i32
        %dma_start3A_271 = arith.constant 0 : i32
        %dma_start3A_272 = tpu.memref_slice %arg11[%dma_start3A, %dma_start3A_271] : memref<80x128xf32, #tpu.memory_space<vmem>> -> memref<80x128xf32, #tpu.memory_space<vmem>>
        %dma_start3A_273 = arith.constant 9840 : i32
        %dma_start3A_274 = arith.constant 0 : i32
        %dma_start3A_275 = tpu.memref_slice %arg6[%arg0, %dma_start3A_273, %dma_start3A_274] : memref<2x10000x128xf32, #tpu.memory_space<hbm>> -> memref<1x80x128xf32, #tpu.memory_space<hbm>>
        %dma_start3A_276 = tpu.memref_squeeze %dma_start3A_275 : memref<1x80x128xf32, #tpu.memory_space<hbm>> -> memref<80x128xf32, #tpu.memory_space<hbm>>
        %dma_start3A_277 = arith.constant 9840 : i32
        %dma_start3A_278 = arith.constant 0 : i32
        %dma_start3A_279 = tpu.memref_slice %arg6[%arg0, %dma_start3A_277, %dma_start3A_278] : memref<2x10000x128xf32, #tpu.memory_space<hbm>> -> memref<1x80x128xf32, #tpu.memory_space<hbm>>
        %dma_start3A_280 = tpu.memref_squeeze %dma_start3A_279 : memref<1x80x128xf32, #tpu.memory_space<hbm>> -> memref<80x128xf32, #tpu.memory_space<hbm>>
        %dma_start3A_281 = arith.constant 0 : i32
        %dma_start3A_282 = arith.constant 0 : i32
        %dma_start3A_283 = tpu.memref_slice %arg11[%dma_start3A_281, %dma_start3A_282] : memref<80x128xf32, #tpu.memory_space<vmem>> -> memref<80x128xf32, #tpu.memory_space<vmem>>
        tpu.enqueue_dma source(%dma_start3A_283 : memref<80x128xf32, #tpu.memory_space<vmem>>) target(%dma_start3A_280 : memref<80x128xf32, #tpu.memory_space<hbm>>) target_semaphore(%run_scoped3A : memref<!tpu.dma_semaphore, #tpu.memory_space<semaphore_mem>>)
        %dma_wait3A = arith.constant 0 : i32
        %dma_wait3A_284 = arith.constant 0 : i32
        %dma_wait3A_285 = tpu.memref_slice %arg11[%dma_wait3A, %dma_wait3A_284] : memref<80x128xf32, #tpu.memory_space<vmem>> -> memref<80x128xf32, #tpu.memory_space<vmem>>
        %dma_wait3A_286 = arith.constant 9840 : i32
        %dma_wait3A_287 = arith.constant 0 : i32
        %dma_wait3A_288 = tpu.memref_slice %arg6[%arg0, %dma_wait3A_286, %dma_wait3A_287] : memref<2x10000x128xf32, #tpu.memory_space<hbm>> -> memref<1x80x128xf32, #tpu.memory_space<hbm>>
        %dma_wait3A_289 = tpu.memref_squeeze %dma_wait3A_288 : memref<1x80x128xf32, #tpu.memory_space<hbm>> -> memref<80x128xf32, #tpu.memory_space<hbm>>
        %dma_wait3A_290 = arith.constant 9840 : i32
        %dma_wait3A_291 = arith.constant 0 : i32
        %dma_wait3A_292 = tpu.memref_slice %arg6[%arg0, %dma_wait3A_290, %dma_wait3A_291] : memref<2x10000x128xf32, #tpu.memory_space<hbm>> -> memref<1x80x128xf32, #tpu.memory_space<hbm>>
        %dma_wait3A_293 = tpu.memref_squeeze %dma_wait3A_292 : memref<1x80x128xf32, #tpu.memory_space<hbm>> -> memref<80x128xf32, #tpu.memory_space<hbm>>
        %dma_wait3A_294 = arith.constant 0 : i32
        %dma_wait3A_295 = arith.constant 0 : i32
        %dma_wait3A_296 = tpu.memref_slice %arg11[%dma_wait3A_294, %dma_wait3A_295] : memref<80x128xf32, #tpu.memory_space<vmem>> -> memref<80x128xf32, #tpu.memory_space<vmem>>
        tpu.wait_dma2 semaphore(%run_scoped3A : memref<!tpu.dma_semaphore, #tpu.memory_space<semaphore_mem>>) src(%dma_wait3A_296 : memref<80x128xf32, #tpu.memory_space<vmem>>) dst(%dma_wait3A_293 : memref<80x128xf32, #tpu.memory_space<hbm>>)
        tpu.yield
      }) : () -> ()
      "tpu.region"() ({
        %run_scoped3A = tpu.sem_alloc : memref<!tpu.dma_semaphore, #tpu.memory_space<semaphore_mem>>
        %dma_start3A = arith.constant 0 : i32
        %dma_start3A_271 = arith.constant 0 : i32
        %dma_start3A_272 = tpu.memref_slice %arg11[%dma_start3A, %dma_start3A_271] : memref<80x128xf32, #tpu.memory_space<vmem>> -> memref<80x128xf32, #tpu.memory_space<vmem>>
        %dma_start3A_273 = arith.constant 9920 : i32
        %dma_start3A_274 = arith.constant 0 : i32
        %dma_start3A_275 = tpu.memref_slice %arg13[%dma_start3A_273, %dma_start3A_274] : memref<10000x128xf32, #tpu.memory_space<vmem_shared>> -> memref<80x128xf32, #tpu.memory_space<vmem_shared>>
        %dma_start3A_276 = arith.constant 0 : i32
        %dma_start3A_277 = arith.constant 0 : i32
        %dma_start3A_278 = tpu.memref_slice %arg11[%dma_start3A_276, %dma_start3A_277] : memref<80x128xf32, #tpu.memory_space<vmem>> -> memref<80x128xf32, #tpu.memory_space<vmem>>
        %dma_start3A_279 = arith.constant 9920 : i32
        %dma_start3A_280 = arith.constant 0 : i32
        %dma_start3A_281 = tpu.memref_slice %arg13[%dma_start3A_279, %dma_start3A_280] : memref<10000x128xf32, #tpu.memory_space<vmem_shared>> -> memref<80x128xf32, #tpu.memory_space<vmem_shared>>
        tpu.enqueue_dma source(%dma_start3A_281 : memref<80x128xf32, #tpu.memory_space<vmem_shared>>) target(%dma_start3A_278 : memref<80x128xf32, #tpu.memory_space<vmem>>) target_semaphore(%run_scoped3A : memref<!tpu.dma_semaphore, #tpu.memory_space<semaphore_mem>>)
        %dma_wait3A = arith.constant 0 : i32
        %dma_wait3A_282 = arith.constant 0 : i32
        %dma_wait3A_283 = tpu.memref_slice %arg11[%dma_wait3A, %dma_wait3A_282] : memref<80x128xf32, #tpu.memory_space<vmem>> -> memref<80x128xf32, #tpu.memory_space<vmem>>
        %dma_wait3A_284 = arith.constant 9920 : i32
        %dma_wait3A_285 = arith.constant 0 : i32
        %dma_wait3A_286 = tpu.memref_slice %arg13[%dma_wait3A_284, %dma_wait3A_285] : memref<10000x128xf32, #tpu.memory_space<vmem_shared>> -> memref<80x128xf32, #tpu.memory_space<vmem_shared>>
        %dma_wait3A_287 = arith.constant 0 : i32
        %dma_wait3A_288 = arith.constant 0 : i32
        %dma_wait3A_289 = tpu.memref_slice %arg11[%dma_wait3A_287, %dma_wait3A_288] : memref<80x128xf32, #tpu.memory_space<vmem>> -> memref<80x128xf32, #tpu.memory_space<vmem>>
        %dma_wait3A_290 = arith.constant 9920 : i32
        %dma_wait3A_291 = arith.constant 0 : i32
        %dma_wait3A_292 = tpu.memref_slice %arg13[%dma_wait3A_290, %dma_wait3A_291] : memref<10000x128xf32, #tpu.memory_space<vmem_shared>> -> memref<80x128xf32, #tpu.memory_space<vmem_shared>>
        tpu.wait_dma2 semaphore(%run_scoped3A : memref<!tpu.dma_semaphore, #tpu.memory_space<semaphore_mem>>) src(%dma_wait3A_292 : memref<80x128xf32, #tpu.memory_space<vmem_shared>>) dst(%dma_wait3A_289 : memref<80x128xf32, #tpu.memory_space<vmem>>)
        tpu.yield
      }) : () -> ()
      "tpu.region"() ({
        %run_scoped3A = tpu.sem_alloc : memref<!tpu.dma_semaphore, #tpu.memory_space<semaphore_mem>>
        %dma_start3A = arith.constant 0 : i32
        %dma_start3A_271 = arith.constant 0 : i32
        %dma_start3A_272 = tpu.memref_slice %arg11[%dma_start3A, %dma_start3A_271] : memref<80x128xf32, #tpu.memory_space<vmem>> -> memref<80x128xf32, #tpu.memory_space<vmem>>
        %dma_start3A_273 = arith.constant 9920 : i32
        %dma_start3A_274 = arith.constant 0 : i32
        %dma_start3A_275 = tpu.memref_slice %arg6[%arg0, %dma_start3A_273, %dma_start3A_274] : memref<2x10000x128xf32, #tpu.memory_space<hbm>> -> memref<1x80x128xf32, #tpu.memory_space<hbm>>
        %dma_start3A_276 = tpu.memref_squeeze %dma_start3A_275 : memref<1x80x128xf32, #tpu.memory_space<hbm>> -> memref<80x128xf32, #tpu.memory_space<hbm>>
        %dma_start3A_277 = arith.constant 9920 : i32
        %dma_start3A_278 = arith.constant 0 : i32
        %dma_start3A_279 = tpu.memref_slice %arg6[%arg0, %dma_start3A_277, %dma_start3A_278] : memref<2x10000x128xf32, #tpu.memory_space<hbm>> -> memref<1x80x128xf32, #tpu.memory_space<hbm>>
        %dma_start3A_280 = tpu.memref_squeeze %dma_start3A_279 : memref<1x80x128xf32, #tpu.memory_space<hbm>> -> memref<80x128xf32, #tpu.memory_space<hbm>>
        %dma_start3A_281 = arith.constant 0 : i32
        %dma_start3A_282 = arith.constant 0 : i32
        %dma_start3A_283 = tpu.memref_slice %arg11[%dma_start3A_281, %dma_start3A_282] : memref<80x128xf32, #tpu.memory_space<vmem>> -> memref<80x128xf32, #tpu.memory_space<vmem>>
        tpu.enqueue_dma source(%dma_start3A_283 : memref<80x128xf32, #tpu.memory_space<vmem>>) target(%dma_start3A_280 : memref<80x128xf32, #tpu.memory_space<hbm>>) target_semaphore(%run_scoped3A : memref<!tpu.dma_semaphore, #tpu.memory_space<semaphore_mem>>)
        %dma_wait3A = arith.constant 0 : i32
        %dma_wait3A_284 = arith.constant 0 : i32
        %dma_wait3A_285 = tpu.memref_slice %arg11[%dma_wait3A, %dma_wait3A_284] : memref<80x128xf32, #tpu.memory_space<vmem>> -> memref<80x128xf32, #tpu.memory_space<vmem>>
        %dma_wait3A_286 = arith.constant 9920 : i32
        %dma_wait3A_287 = arith.constant 0 : i32
        %dma_wait3A_288 = tpu.memref_slice %arg6[%arg0, %dma_wait3A_286, %dma_wait3A_287] : memref<2x10000x128xf32, #tpu.memory_space<hbm>> -> memref<1x80x128xf32, #tpu.memory_space<hbm>>
        %dma_wait3A_289 = tpu.memref_squeeze %dma_wait3A_288 : memref<1x80x128xf32, #tpu.memory_space<hbm>> -> memref<80x128xf32, #tpu.memory_space<hbm>>
        %dma_wait3A_290 = arith.constant 9920 : i32
        %dma_wait3A_291 = arith.constant 0 : i32
        %dma_wait3A_292 = tpu.memref_slice %arg6[%arg0, %dma_wait3A_290, %dma_wait3A_291] : memref<2x10000x128xf32, #tpu.memory_space<hbm>> -> memref<1x80x128xf32, #tpu.memory_space<hbm>>
        %dma_wait3A_293 = tpu.memref_squeeze %dma_wait3A_292 : memref<1x80x128xf32, #tpu.memory_space<hbm>> -> memref<80x128xf32, #tpu.memory_space<hbm>>
        %dma_wait3A_294 = arith.constant 0 : i32
        %dma_wait3A_295 = arith.constant 0 : i32
        %dma_wait3A_296 = tpu.memref_slice %arg11[%dma_wait3A_294, %dma_wait3A_295] : memref<80x128xf32, #tpu.memory_space<vmem>> -> memref<80x128xf32, #tpu.memory_space<vmem>>
        tpu.wait_dma2 semaphore(%run_scoped3A : memref<!tpu.dma_semaphore, #tpu.memory_space<semaphore_mem>>) src(%dma_wait3A_296 : memref<80x128xf32, #tpu.memory_space<vmem>>) dst(%dma_wait3A_293 : memref<80x128xf32, #tpu.memory_space<hbm>>)
        tpu.yield
      }) : () -> ()
    } else {
    }
    return
  }
}

#map = affine_map<(d0, d1) -> (0, 0)>
#map1 = affine_map<(d0, d1) -> (0)>
#map2 = affine_map<(d0, d1) -> (0, 0, 0)>
module attributes {stable_mosaic.version = 14 : i64} {
  func.func @body(%arg0: i32, %arg1: i32, %arg2: memref<10000x128xf32, #tpu.memory_space<hbm>>, %arg3: memref<320000xi32, #tpu.memory_space<hbm>>, %arg4: memref<320000xi32, #tpu.memory_space<hbm>>, %arg5: memref<320000xf32, #tpu.memory_space<hbm>>, %arg6: memref<2x10000x128xf32, #tpu.memory_space<hbm>>, %arg7: memref<20000xf32, #tpu.memory_space<hbm>>, %arg8: memref<80xi32, #tpu.memory_space<vmem>>, %arg9: memref<80xi32, #tpu.memory_space<vmem>>, %arg10: memref<96xf32, #tpu.memory_space<vmem>>, %arg11: memref<80x128xf32, #tpu.memory_space<vmem>>, %arg12: memref<80x128xf32, #tpu.memory_space<vmem>>, %arg13: memref<640xf32, #tpu.memory_space<vmem>>, %arg14: memref<10000x128xf32, #tpu.memory_space<vmem_shared>>, %arg15: memref<10000xf32, #tpu.memory_space<vmem_shared>>, %arg16: memref<!tpu.dma_semaphore, #tpu.memory_space<semaphore_mem>>) attributes {dimension_semantics = [#tpu.dimension_semantics<core_parallel>, #tpu.dimension_semantics<subcore_parallel>], iteration_bounds = array<i64: 2, 16>, scalar_prefetch = 0 : i64, scratch_operands = 9 : i64, tpu.core_type = #tpu.core_type<sc_vector_subcore>, window_params = [{transform_indices = #map}, {transform_indices = #map1}, {transform_indices = #map1}, {transform_indices = #map1}, {transform_indices = #map2}, {transform_indices = #map1}]} {
    %scan3A = arith.constant 0 : i32
    %scan3A_0 = arith.constant 0 : i32
    %scan3A_1 = arith.constant 80 : i32
    %scan3A_2 = arith.addi %scan3A_0, %scan3A_1 : i32
    %scan3A_3 = arith.constant 1 : i32
    %scan3A_4 = scf.for %scan3A_271 = %scan3A_0 to %scan3A_2 step %scan3A_3 iter_args(%scan3A_272 = %scan3A) -> (i32)  : i32 {
      %broadcast_in_dim3A_273 = arith.constant 0.000000e+00 : f32
      %broadcast_in_dim3A_274 = vector.broadcast %broadcast_in_dim3A_273 : f32 to vector<16xf32>
      %swap3A_275 = arith.index_cast %scan3A_271 : i32 to index
      %swap3A_276 = arith.constant 0 : index
      %swap3A_277 = tpu.vector_load %arg12[%swap3A_275, %swap3A_276] {strides = array<i32>} : memref<80x128xf32, #tpu.memory_space<vmem>>, vector<1x16xf32>,
      %swap3A_278 = vector.shape_cast %swap3A_277 : vector<1x16xf32> to vector<16xf32>
      %swap3A_279 = vector.shape_cast %broadcast_in_dim3A_274 : vector<16xf32> to vector<1x16xf32>
      tpu.vector_store %arg12[%swap3A_275, %swap3A_276], %swap3A_279 {strides = array<i32>} : memref<80x128xf32, #tpu.memory_space<vmem>>, vector<1x16xf32>,
      %broadcast_in_dim3A_280 = arith.constant 0.000000e+00 : f32
      %broadcast_in_dim3A_281 = vector.broadcast %broadcast_in_dim3A_280 : f32 to vector<16xf32>
      %swap3A_282 = arith.index_cast %scan3A_271 : i32 to index
      %swap3A_283 = arith.constant 16 : index
      %swap3A_284 = tpu.vector_load %arg12[%swap3A_282, %swap3A_283] {strides = array<i32>} : memref<80x128xf32, #tpu.memory_space<vmem>>, vector<1x16xf32>,
      %swap3A_285 = vector.shape_cast %swap3A_284 : vector<1x16xf32> to vector<16xf32>
      %swap3A_286 = vector.shape_cast %broadcast_in_dim3A_281 : vector<16xf32> to vector<1x16xf32>
      tpu.vector_store %arg12[%swap3A_282, %swap3A_283], %swap3A_286 {strides = array<i32>} : memref<80x128xf32, #tpu.memory_space<vmem>>, vector<1x16xf32>,
      %broadcast_in_dim3A_287 = arith.constant 0.000000e+00 : f32
      %broadcast_in_dim3A_288 = vector.broadcast %broadcast_in_dim3A_287 : f32 to vector<16xf32>
      %swap3A_289 = arith.index_cast %scan3A_271 : i32 to index
      %swap3A_290 = arith.constant 32 : index
      %swap3A_291 = tpu.vector_load %arg12[%swap3A_289, %swap3A_290] {strides = array<i32>} : memref<80x128xf32, #tpu.memory_space<vmem>>, vector<1x16xf32>,
      %swap3A_292 = vector.shape_cast %swap3A_291 : vector<1x16xf32> to vector<16xf32>
      %swap3A_293 = vector.shape_cast %broadcast_in_dim3A_288 : vector<16xf32> to vector<1x16xf32>
      tpu.vector_store %arg12[%swap3A_289, %swap3A_290], %swap3A_293 {strides = array<i32>} : memref<80x128xf32, #tpu.memory_space<vmem>>, vector<1x16xf32>,
      %broadcast_in_dim3A_294 = arith.constant 0.000000e+00 : f32
      %broadcast_in_dim3A_295 = vector.broadcast %broadcast_in_dim3A_294 : f32 to vector<16xf32>
      %swap3A_296 = arith.index_cast %scan3A_271 : i32 to index
      %swap3A_297 = arith.constant 48 : index
      %swap3A_298 = tpu.vector_load %arg12[%swap3A_296, %swap3A_297] {strides = array<i32>} : memref<80x128xf32, #tpu.memory_space<vmem>>, vector<1x16xf32>,
      %swap3A_299 = vector.shape_cast %swap3A_298 : vector<1x16xf32> to vector<16xf32>
      %swap3A_300 = vector.shape_cast %broadcast_in_dim3A_295 : vector<16xf32> to vector<1x16xf32>
      tpu.vector_store %arg12[%swap3A_296, %swap3A_297], %swap3A_300 {strides = array<i32>} : memref<80x128xf32, #tpu.memory_space<vmem>>, vector<1x16xf32>,
      %broadcast_in_dim3A_301 = arith.constant 0.000000e+00 : f32
      %broadcast_in_dim3A_302 = vector.broadcast %broadcast_in_dim3A_301 : f32 to vector<16xf32>
      %swap3A_303 = arith.index_cast %scan3A_271 : i32 to index
      %swap3A_304 = arith.constant 64 : index
      %swap3A_305 = tpu.vector_load %arg12[%swap3A_303, %swap3A_304] {strides = array<i32>} : memref<80x128xf32, #tpu.memory_space<vmem>>, vector<1x16xf32>,
      %swap3A_306 = vector.shape_cast %swap3A_305 : vector<1x16xf32> to vector<16xf32>
      %swap3A_307 = vector.shape_cast %broadcast_in_dim3A_302 : vector<16xf32> to vector<1x16xf32>
      tpu.vector_store %arg12[%swap3A_303, %swap3A_304], %swap3A_307 {strides = array<i32>} : memref<80x128xf32, #tpu.memory_space<vmem>>, vector<1x16xf32>,
      %broadcast_in_dim3A_308 = arith.constant 0.000000e+00 : f32
      %broadcast_in_dim3A_309 = vector.broadcast %broadcast_in_dim3A_308 : f32 to vector<16xf32>
      %swap3A_310 = arith.index_cast %scan3A_271 : i32 to index
      %swap3A_311 = arith.constant 80 : index
      %swap3A_312 = tpu.vector_load %arg12[%swap3A_310, %swap3A_311] {strides = array<i32>} : memref<80x128xf32, #tpu.memory_space<vmem>>, vector<1x16xf32>,
      %swap3A_313 = vector.shape_cast %swap3A_312 : vector<1x16xf32> to vector<16xf32>
      %swap3A_314 = vector.shape_cast %broadcast_in_dim3A_309 : vector<16xf32> to vector<1x16xf32>
      tpu.vector_store %arg12[%swap3A_310, %swap3A_311], %swap3A_314 {strides = array<i32>} : memref<80x128xf32, #tpu.memory_space<vmem>>, vector<1x16xf32>,
      %broadcast_in_dim3A_315 = arith.constant 0.000000e+00 : f32
      %broadcast_in_dim3A_316 = vector.broadcast %broadcast_in_dim3A_315 : f32 to vector<16xf32>
      %swap3A_317 = arith.index_cast %scan3A_271 : i32 to index
      %swap3A_318 = arith.constant 96 : index
      %swap3A_319 = tpu.vector_load %arg12[%swap3A_317, %swap3A_318] {strides = array<i32>} : memref<80x128xf32, #tpu.memory_space<vmem>>, vector<1x16xf32>,
      %swap3A_320 = vector.shape_cast %swap3A_319 : vector<1x16xf32> to vector<16xf32>
      %swap3A_321 = vector.shape_cast %broadcast_in_dim3A_316 : vector<16xf32> to vector<1x16xf32>
      tpu.vector_store %arg12[%swap3A_317, %swap3A_318], %swap3A_321 {strides = array<i32>} : memref<80x128xf32, #tpu.memory_space<vmem>>, vector<1x16xf32>,
      %broadcast_in_dim3A_322 = arith.constant 0.000000e+00 : f32
      %broadcast_in_dim3A_323 = vector.broadcast %broadcast_in_dim3A_322 : f32 to vector<16xf32>
      %swap3A_324 = arith.index_cast %scan3A_271 : i32 to index
      %swap3A_325 = arith.constant 112 : index
      %swap3A_326 = tpu.vector_load %arg12[%swap3A_324, %swap3A_325] {strides = array<i32>} : memref<80x128xf32, #tpu.memory_space<vmem>>, vector<1x16xf32>,
      %swap3A_327 = vector.shape_cast %swap3A_326 : vector<1x16xf32> to vector<16xf32>
      %swap3A_328 = vector.shape_cast %broadcast_in_dim3A_323 : vector<16xf32> to vector<1x16xf32>
      tpu.vector_store %arg12[%swap3A_324, %swap3A_325], %swap3A_328 {strides = array<i32>} : memref<80x128xf32, #tpu.memory_space<vmem>>, vector<1x16xf32>,
      %scan3A_329 = arith.constant 0 : i32
      scf.yield %scan3A_329 : i32
    }
    %scan3A_5 = arith.constant 80 : i32
    %broadcast_in_dim3A = arith.constant 0.000000e+00 : f32
    %broadcast_in_dim3A_6 = vector.broadcast %broadcast_in_dim3A : f32 to vector<16xf32>
    %swap3A = arith.constant 0 : index
    %swap3A_7 = tpu.vector_load %arg13[%swap3A] {strides = array<i32>} : memref<640xf32, #tpu.memory_space<vmem>>, vector<16xf32>,
    %swap3A_8 = vector.shape_cast %swap3A_7 : vector<16xf32> to vector<16xf32>
    %swap3A_9 = vector.shape_cast %broadcast_in_dim3A_6 : vector<16xf32> to vector<16xf32>
    tpu.vector_store %arg13[%swap3A], %swap3A_9 {strides = array<i32>} : memref<640xf32, #tpu.memory_space<vmem>>, vector<16xf32>,
    %broadcast_in_dim3A_10 = arith.constant 0.000000e+00 : f32
    %broadcast_in_dim3A_11 = vector.broadcast %broadcast_in_dim3A_10 : f32 to vector<16xf32>
    %swap3A_12 = arith.constant 16 : index
    %swap3A_13 = tpu.vector_load %arg13[%swap3A_12] {strides = array<i32>} : memref<640xf32, #tpu.memory_space<vmem>>, vector<16xf32>,
    %swap3A_14 = vector.shape_cast %swap3A_13 : vector<16xf32> to vector<16xf32>
    %swap3A_15 = vector.shape_cast %broadcast_in_dim3A_11 : vector<16xf32> to vector<16xf32>
    tpu.vector_store %arg13[%swap3A_12], %swap3A_15 {strides = array<i32>} : memref<640xf32, #tpu.memory_space<vmem>>, vector<16xf32>,
    %broadcast_in_dim3A_16 = arith.constant 0.000000e+00 : f32
    %broadcast_in_dim3A_17 = vector.broadcast %broadcast_in_dim3A_16 : f32 to vector<16xf32>
    %swap3A_18 = arith.constant 32 : index
    %swap3A_19 = tpu.vector_load %arg13[%swap3A_18] {strides = array<i32>} : memref<640xf32, #tpu.memory_space<vmem>>, vector<16xf32>,
    %swap3A_20 = vector.shape_cast %swap3A_19 : vector<16xf32> to vector<16xf32>
    %swap3A_21 = vector.shape_cast %broadcast_in_dim3A_17 : vector<16xf32> to vector<16xf32>
    tpu.vector_store %arg13[%swap3A_18], %swap3A_21 {strides = array<i32>} : memref<640xf32, #tpu.memory_space<vmem>>, vector<16xf32>,
    %broadcast_in_dim3A_22 = arith.constant 0.000000e+00 : f32
    %broadcast_in_dim3A_23 = vector.broadcast %broadcast_in_dim3A_22 : f32 to vector<16xf32>
    %swap3A_24 = arith.constant 48 : index
    %swap3A_25 = tpu.vector_load %arg13[%swap3A_24] {strides = array<i32>} : memref<640xf32, #tpu.memory_space<vmem>>, vector<16xf32>,
    %swap3A_26 = vector.shape_cast %swap3A_25 : vector<16xf32> to vector<16xf32>
    %swap3A_27 = vector.shape_cast %broadcast_in_dim3A_23 : vector<16xf32> to vector<16xf32>
    tpu.vector_store %arg13[%swap3A_24], %swap3A_27 {strides = array<i32>} : memref<640xf32, #tpu.memory_space<vmem>>, vector<16xf32>,
    %broadcast_in_dim3A_28 = arith.constant 0.000000e+00 : f32
    %broadcast_in_dim3A_29 = vector.broadcast %broadcast_in_dim3A_28 : f32 to vector<16xf32>
    %swap3A_30 = arith.constant 64 : index
    %swap3A_31 = tpu.vector_load %arg13[%swap3A_30] {strides = array<i32>} : memref<640xf32, #tpu.memory_space<vmem>>, vector<16xf32>,
    %swap3A_32 = vector.shape_cast %swap3A_31 : vector<16xf32> to vector<16xf32>
    %swap3A_33 = vector.shape_cast %broadcast_in_dim3A_29 : vector<16xf32> to vector<16xf32>
    tpu.vector_store %arg13[%swap3A_30], %swap3A_33 {strides = array<i32>} : memref<640xf32, #tpu.memory_space<vmem>>, vector<16xf32>,
    %broadcast_in_dim3A_34 = arith.constant 0.000000e+00 : f32
    %broadcast_in_dim3A_35 = vector.broadcast %broadcast_in_dim3A_34 : f32 to vector<16xf32>
    %swap3A_36 = arith.constant 80 : index
    %swap3A_37 = tpu.vector_load %arg13[%swap3A_36] {strides = array<i32>} : memref<640xf32, #tpu.memory_space<vmem>>, vector<16xf32>,
    %swap3A_38 = vector.shape_cast %swap3A_37 : vector<16xf32> to vector<16xf32>
    %swap3A_39 = vector.shape_cast %broadcast_in_dim3A_35 : vector<16xf32> to vector<16xf32>
    tpu.vector_store %arg13[%swap3A_36], %swap3A_39 {strides = array<i32>} : memref<640xf32, #tpu.memory_space<vmem>>, vector<16xf32>,
    %broadcast_in_dim3A_40 = arith.constant 0.000000e+00 : f32
    %broadcast_in_dim3A_41 = vector.broadcast %broadcast_in_dim3A_40 : f32 to vector<16xf32>
    %swap3A_42 = arith.constant 96 : index
    %swap3A_43 = tpu.vector_load %arg13[%swap3A_42] {strides = array<i32>} : memref<640xf32, #tpu.memory_space<vmem>>, vector<16xf32>,
    %swap3A_44 = vector.shape_cast %swap3A_43 : vector<16xf32> to vector<16xf32>
    %swap3A_45 = vector.shape_cast %broadcast_in_dim3A_41 : vector<16xf32> to vector<16xf32>
    tpu.vector_store %arg13[%swap3A_42], %swap3A_45 {strides = array<i32>} : memref<640xf32, #tpu.memory_space<vmem>>, vector<16xf32>,
    %broadcast_in_dim3A_46 = arith.constant 0.000000e+00 : f32
    %broadcast_in_dim3A_47 = vector.broadcast %broadcast_in_dim3A_46 : f32 to vector<16xf32>
    %swap3A_48 = arith.constant 112 : index
    %swap3A_49 = tpu.vector_load %arg13[%swap3A_48] {strides = array<i32>} : memref<640xf32, #tpu.memory_space<vmem>>, vector<16xf32>,
    %swap3A_50 = vector.shape_cast %swap3A_49 : vector<16xf32> to vector<16xf32>
    %swap3A_51 = vector.shape_cast %broadcast_in_dim3A_47 : vector<16xf32> to vector<16xf32>
    tpu.vector_store %arg13[%swap3A_48], %swap3A_51 {strides = array<i32>} : memref<640xf32, #tpu.memory_space<vmem>>, vector<16xf32>,
    %broadcast_in_dim3A_52 = arith.constant 0.000000e+00 : f32
    %broadcast_in_dim3A_53 = vector.broadcast %broadcast_in_dim3A_52 : f32 to vector<16xf32>
    %swap3A_54 = arith.constant 128 : index
    %swap3A_55 = tpu.vector_load %arg13[%swap3A_54] {strides = array<i32>} : memref<640xf32, #tpu.memory_space<vmem>>, vector<16xf32>,
    %swap3A_56 = vector.shape_cast %swap3A_55 : vector<16xf32> to vector<16xf32>
    %swap3A_57 = vector.shape_cast %broadcast_in_dim3A_53 : vector<16xf32> to vector<16xf32>
    tpu.vector_store %arg13[%swap3A_54], %swap3A_57 {strides = array<i32>} : memref<640xf32, #tpu.memory_space<vmem>>, vector<16xf32>,
    %broadcast_in_dim3A_58 = arith.constant 0.000000e+00 : f32
    %broadcast_in_dim3A_59 = vector.broadcast %broadcast_in_dim3A_58 : f32 to vector<16xf32>
    %swap3A_60 = arith.constant 144 : index
    %swap3A_61 = tpu.vector_load %arg13[%swap3A_60] {strides = array<i32>} : memref<640xf32, #tpu.memory_space<vmem>>, vector<16xf32>,
    %swap3A_62 = vector.shape_cast %swap3A_61 : vector<16xf32> to vector<16xf32>
    %swap3A_63 = vector.shape_cast %broadcast_in_dim3A_59 : vector<16xf32> to vector<16xf32>
    tpu.vector_store %arg13[%swap3A_60], %swap3A_63 {strides = array<i32>} : memref<640xf32, #tpu.memory_space<vmem>>, vector<16xf32>,
    %broadcast_in_dim3A_64 = arith.constant 0.000000e+00 : f32
    %broadcast_in_dim3A_65 = vector.broadcast %broadcast_in_dim3A_64 : f32 to vector<16xf32>
    %swap3A_66 = arith.constant 160 : index
    %swap3A_67 = tpu.vector_load %arg13[%swap3A_66] {strides = array<i32>} : memref<640xf32, #tpu.memory_space<vmem>>, vector<16xf32>,
    %swap3A_68 = vector.shape_cast %swap3A_67 : vector<16xf32> to vector<16xf32>
    %swap3A_69 = vector.shape_cast %broadcast_in_dim3A_65 : vector<16xf32> to vector<16xf32>
    tpu.vector_store %arg13[%swap3A_66], %swap3A_69 {strides = array<i32>} : memref<640xf32, #tpu.memory_space<vmem>>, vector<16xf32>,
    %broadcast_in_dim3A_70 = arith.constant 0.000000e+00 : f32
    %broadcast_in_dim3A_71 = vector.broadcast %broadcast_in_dim3A_70 : f32 to vector<16xf32>
    %swap3A_72 = arith.constant 176 : index
    %swap3A_73 = tpu.vector_load %arg13[%swap3A_72] {strides = array<i32>} : memref<640xf32, #tpu.memory_space<vmem>>, vector<16xf32>,
    %swap3A_74 = vector.shape_cast %swap3A_73 : vector<16xf32> to vector<16xf32>
    %swap3A_75 = vector.shape_cast %broadcast_in_dim3A_71 : vector<16xf32> to vector<16xf32>
    tpu.vector_store %arg13[%swap3A_72], %swap3A_75 {strides = array<i32>} : memref<640xf32, #tpu.memory_space<vmem>>, vector<16xf32>,
    %broadcast_in_dim3A_76 = arith.constant 0.000000e+00 : f32
    %broadcast_in_dim3A_77 = vector.broadcast %broadcast_in_dim3A_76 : f32 to vector<16xf32>
    %swap3A_78 = arith.constant 192 : index
    %swap3A_79 = tpu.vector_load %arg13[%swap3A_78] {strides = array<i32>} : memref<640xf32, #tpu.memory_space<vmem>>, vector<16xf32>,
    %swap3A_80 = vector.shape_cast %swap3A_79 : vector<16xf32> to vector<16xf32>
    %swap3A_81 = vector.shape_cast %broadcast_in_dim3A_77 : vector<16xf32> to vector<16xf32>
    tpu.vector_store %arg13[%swap3A_78], %swap3A_81 {strides = array<i32>} : memref<640xf32, #tpu.memory_space<vmem>>, vector<16xf32>,
    %broadcast_in_dim3A_82 = arith.constant 0.000000e+00 : f32
    %broadcast_in_dim3A_83 = vector.broadcast %broadcast_in_dim3A_82 : f32 to vector<16xf32>
    %swap3A_84 = arith.constant 208 : index
    %swap3A_85 = tpu.vector_load %arg13[%swap3A_84] {strides = array<i32>} : memref<640xf32, #tpu.memory_space<vmem>>, vector<16xf32>,
    %swap3A_86 = vector.shape_cast %swap3A_85 : vector<16xf32> to vector<16xf32>
    %swap3A_87 = vector.shape_cast %broadcast_in_dim3A_83 : vector<16xf32> to vector<16xf32>
    tpu.vector_store %arg13[%swap3A_84], %swap3A_87 {strides = array<i32>} : memref<640xf32, #tpu.memory_space<vmem>>, vector<16xf32>,
    %broadcast_in_dim3A_88 = arith.constant 0.000000e+00 : f32
    %broadcast_in_dim3A_89 = vector.broadcast %broadcast_in_dim3A_88 : f32 to vector<16xf32>
    %swap3A_90 = arith.constant 224 : index
    %swap3A_91 = tpu.vector_load %arg13[%swap3A_90] {strides = array<i32>} : memref<640xf32, #tpu.memory_space<vmem>>, vector<16xf32>,
    %swap3A_92 = vector.shape_cast %swap3A_91 : vector<16xf32> to vector<16xf32>
    %swap3A_93 = vector.shape_cast %broadcast_in_dim3A_89 : vector<16xf32> to vector<16xf32>
    tpu.vector_store %arg13[%swap3A_90], %swap3A_93 {strides = array<i32>} : memref<640xf32, #tpu.memory_space<vmem>>, vector<16xf32>,
    %broadcast_in_dim3A_94 = arith.constant 0.000000e+00 : f32
    %broadcast_in_dim3A_95 = vector.broadcast %broadcast_in_dim3A_94 : f32 to vector<16xf32>
    %swap3A_96 = arith.constant 240 : index
    %swap3A_97 = tpu.vector_load %arg13[%swap3A_96] {strides = array<i32>} : memref<640xf32, #tpu.memory_space<vmem>>, vector<16xf32>,
    %swap3A_98 = vector.shape_cast %swap3A_97 : vector<16xf32> to vector<16xf32>
    %swap3A_99 = vector.shape_cast %broadcast_in_dim3A_95 : vector<16xf32> to vector<16xf32>
    tpu.vector_store %arg13[%swap3A_96], %swap3A_99 {strides = array<i32>} : memref<640xf32, #tpu.memory_space<vmem>>, vector<16xf32>,
    %broadcast_in_dim3A_100 = arith.constant 0.000000e+00 : f32
    %broadcast_in_dim3A_101 = vector.broadcast %broadcast_in_dim3A_100 : f32 to vector<16xf32>
    %swap3A_102 = arith.constant 256 : index
    %swap3A_103 = tpu.vector_load %arg13[%swap3A_102] {strides = array<i32>} : memref<640xf32, #tpu.memory_space<vmem>>, vector<16xf32>,
    %swap3A_104 = vector.shape_cast %swap3A_103 : vector<16xf32> to vector<16xf32>
    %swap3A_105 = vector.shape_cast %broadcast_in_dim3A_101 : vector<16xf32> to vector<16xf32>
    tpu.vector_store %arg13[%swap3A_102], %swap3A_105 {strides = array<i32>} : memref<640xf32, #tpu.memory_space<vmem>>, vector<16xf32>,
    %broadcast_in_dim3A_106 = arith.constant 0.000000e+00 : f32
    %broadcast_in_dim3A_107 = vector.broadcast %broadcast_in_dim3A_106 : f32 to vector<16xf32>
    %swap3A_108 = arith.constant 272 : index
    %swap3A_109 = tpu.vector_load %arg13[%swap3A_108] {strides = array<i32>} : memref<640xf32, #tpu.memory_space<vmem>>, vector<16xf32>,
    %swap3A_110 = vector.shape_cast %swap3A_109 : vector<16xf32> to vector<16xf32>
    %swap3A_111 = vector.shape_cast %broadcast_in_dim3A_107 : vector<16xf32> to vector<16xf32>
    tpu.vector_store %arg13[%swap3A_108], %swap3A_111 {strides = array<i32>} : memref<640xf32, #tpu.memory_space<vmem>>, vector<16xf32>,
    %broadcast_in_dim3A_112 = arith.constant 0.000000e+00 : f32
    %broadcast_in_dim3A_113 = vector.broadcast %broadcast_in_dim3A_112 : f32 to vector<16xf32>
    %swap3A_114 = arith.constant 288 : index
    %swap3A_115 = tpu.vector_load %arg13[%swap3A_114] {strides = array<i32>} : memref<640xf32, #tpu.memory_space<vmem>>, vector<16xf32>,
    %swap3A_116 = vector.shape_cast %swap3A_115 : vector<16xf32> to vector<16xf32>
    %swap3A_117 = vector.shape_cast %broadcast_in_dim3A_113 : vector<16xf32> to vector<16xf32>
    tpu.vector_store %arg13[%swap3A_114], %swap3A_117 {strides = array<i32>} : memref<640xf32, #tpu.memory_space<vmem>>, vector<16xf32>,
    %broadcast_in_dim3A_118 = arith.constant 0.000000e+00 : f32
    %broadcast_in_dim3A_119 = vector.broadcast %broadcast_in_dim3A_118 : f32 to vector<16xf32>
    %swap3A_120 = arith.constant 304 : index
    %swap3A_121 = tpu.vector_load %arg13[%swap3A_120] {strides = array<i32>} : memref<640xf32, #tpu.memory_space<vmem>>, vector<16xf32>,
    %swap3A_122 = vector.shape_cast %swap3A_121 : vector<16xf32> to vector<16xf32>
    %swap3A_123 = vector.shape_cast %broadcast_in_dim3A_119 : vector<16xf32> to vector<16xf32>
    tpu.vector_store %arg13[%swap3A_120], %swap3A_123 {strides = array<i32>} : memref<640xf32, #tpu.memory_space<vmem>>, vector<16xf32>,
    %broadcast_in_dim3A_124 = arith.constant 0.000000e+00 : f32
    %broadcast_in_dim3A_125 = vector.broadcast %broadcast_in_dim3A_124 : f32 to vector<16xf32>
    %swap3A_126 = arith.constant 320 : index
    %swap3A_127 = tpu.vector_load %arg13[%swap3A_126] {strides = array<i32>} : memref<640xf32, #tpu.memory_space<vmem>>, vector<16xf32>,
    %swap3A_128 = vector.shape_cast %swap3A_127 : vector<16xf32> to vector<16xf32>
    %swap3A_129 = vector.shape_cast %broadcast_in_dim3A_125 : vector<16xf32> to vector<16xf32>
    tpu.vector_store %arg13[%swap3A_126], %swap3A_129 {strides = array<i32>} : memref<640xf32, #tpu.memory_space<vmem>>, vector<16xf32>,
    %broadcast_in_dim3A_130 = arith.constant 0.000000e+00 : f32
    %broadcast_in_dim3A_131 = vector.broadcast %broadcast_in_dim3A_130 : f32 to vector<16xf32>
    %swap3A_132 = arith.constant 336 : index
    %swap3A_133 = tpu.vector_load %arg13[%swap3A_132] {strides = array<i32>} : memref<640xf32, #tpu.memory_space<vmem>>, vector<16xf32>,
    %swap3A_134 = vector.shape_cast %swap3A_133 : vector<16xf32> to vector<16xf32>
    %swap3A_135 = vector.shape_cast %broadcast_in_dim3A_131 : vector<16xf32> to vector<16xf32>
    tpu.vector_store %arg13[%swap3A_132], %swap3A_135 {strides = array<i32>} : memref<640xf32, #tpu.memory_space<vmem>>, vector<16xf32>,
    %broadcast_in_dim3A_136 = arith.constant 0.000000e+00 : f32
    %broadcast_in_dim3A_137 = vector.broadcast %broadcast_in_dim3A_136 : f32 to vector<16xf32>
    %swap3A_138 = arith.constant 352 : index
    %swap3A_139 = tpu.vector_load %arg13[%swap3A_138] {strides = array<i32>} : memref<640xf32, #tpu.memory_space<vmem>>, vector<16xf32>,
    %swap3A_140 = vector.shape_cast %swap3A_139 : vector<16xf32> to vector<16xf32>
    %swap3A_141 = vector.shape_cast %broadcast_in_dim3A_137 : vector<16xf32> to vector<16xf32>
    tpu.vector_store %arg13[%swap3A_138], %swap3A_141 {strides = array<i32>} : memref<640xf32, #tpu.memory_space<vmem>>, vector<16xf32>,
    %broadcast_in_dim3A_142 = arith.constant 0.000000e+00 : f32
    %broadcast_in_dim3A_143 = vector.broadcast %broadcast_in_dim3A_142 : f32 to vector<16xf32>
    %swap3A_144 = arith.constant 368 : index
    %swap3A_145 = tpu.vector_load %arg13[%swap3A_144] {strides = array<i32>} : memref<640xf32, #tpu.memory_space<vmem>>, vector<16xf32>,
    %swap3A_146 = vector.shape_cast %swap3A_145 : vector<16xf32> to vector<16xf32>
    %swap3A_147 = vector.shape_cast %broadcast_in_dim3A_143 : vector<16xf32> to vector<16xf32>
    tpu.vector_store %arg13[%swap3A_144], %swap3A_147 {strides = array<i32>} : memref<640xf32, #tpu.memory_space<vmem>>, vector<16xf32>,
    %broadcast_in_dim3A_148 = arith.constant 0.000000e+00 : f32
    %broadcast_in_dim3A_149 = vector.broadcast %broadcast_in_dim3A_148 : f32 to vector<16xf32>
    %swap3A_150 = arith.constant 384 : index
    %swap3A_151 = tpu.vector_load %arg13[%swap3A_150] {strides = array<i32>} : memref<640xf32, #tpu.memory_space<vmem>>, vector<16xf32>,
    %swap3A_152 = vector.shape_cast %swap3A_151 : vector<16xf32> to vector<16xf32>
    %swap3A_153 = vector.shape_cast %broadcast_in_dim3A_149 : vector<16xf32> to vector<16xf32>
    tpu.vector_store %arg13[%swap3A_150], %swap3A_153 {strides = array<i32>} : memref<640xf32, #tpu.memory_space<vmem>>, vector<16xf32>,
    %broadcast_in_dim3A_154 = arith.constant 0.000000e+00 : f32
    %broadcast_in_dim3A_155 = vector.broadcast %broadcast_in_dim3A_154 : f32 to vector<16xf32>
    %swap3A_156 = arith.constant 400 : index
    %swap3A_157 = tpu.vector_load %arg13[%swap3A_156] {strides = array<i32>} : memref<640xf32, #tpu.memory_space<vmem>>, vector<16xf32>,
    %swap3A_158 = vector.shape_cast %swap3A_157 : vector<16xf32> to vector<16xf32>
    %swap3A_159 = vector.shape_cast %broadcast_in_dim3A_155 : vector<16xf32> to vector<16xf32>
    tpu.vector_store %arg13[%swap3A_156], %swap3A_159 {strides = array<i32>} : memref<640xf32, #tpu.memory_space<vmem>>, vector<16xf32>,
    %broadcast_in_dim3A_160 = arith.constant 0.000000e+00 : f32
    %broadcast_in_dim3A_161 = vector.broadcast %broadcast_in_dim3A_160 : f32 to vector<16xf32>
    %swap3A_162 = arith.constant 416 : index
    %swap3A_163 = tpu.vector_load %arg13[%swap3A_162] {strides = array<i32>} : memref<640xf32, #tpu.memory_space<vmem>>, vector<16xf32>,
    %swap3A_164 = vector.shape_cast %swap3A_163 : vector<16xf32> to vector<16xf32>
    %swap3A_165 = vector.shape_cast %broadcast_in_dim3A_161 : vector<16xf32> to vector<16xf32>
    tpu.vector_store %arg13[%swap3A_162], %swap3A_165 {strides = array<i32>} : memref<640xf32, #tpu.memory_space<vmem>>, vector<16xf32>,
    %broadcast_in_dim3A_166 = arith.constant 0.000000e+00 : f32
    %broadcast_in_dim3A_167 = vector.broadcast %broadcast_in_dim3A_166 : f32 to vector<16xf32>
    %swap3A_168 = arith.constant 432 : index
    %swap3A_169 = tpu.vector_load %arg13[%swap3A_168] {strides = array<i32>} : memref<640xf32, #tpu.memory_space<vmem>>, vector<16xf32>,
    %swap3A_170 = vector.shape_cast %swap3A_169 : vector<16xf32> to vector<16xf32>
    %swap3A_171 = vector.shape_cast %broadcast_in_dim3A_167 : vector<16xf32> to vector<16xf32>
    tpu.vector_store %arg13[%swap3A_168], %swap3A_171 {strides = array<i32>} : memref<640xf32, #tpu.memory_space<vmem>>, vector<16xf32>,
    %broadcast_in_dim3A_172 = arith.constant 0.000000e+00 : f32
    %broadcast_in_dim3A_173 = vector.broadcast %broadcast_in_dim3A_172 : f32 to vector<16xf32>
    %swap3A_174 = arith.constant 448 : index
    %swap3A_175 = tpu.vector_load %arg13[%swap3A_174] {strides = array<i32>} : memref<640xf32, #tpu.memory_space<vmem>>, vector<16xf32>,
    %swap3A_176 = vector.shape_cast %swap3A_175 : vector<16xf32> to vector<16xf32>
    %swap3A_177 = vector.shape_cast %broadcast_in_dim3A_173 : vector<16xf32> to vector<16xf32>
    tpu.vector_store %arg13[%swap3A_174], %swap3A_177 {strides = array<i32>} : memref<640xf32, #tpu.memory_space<vmem>>, vector<16xf32>,
    %broadcast_in_dim3A_178 = arith.constant 0.000000e+00 : f32
    %broadcast_in_dim3A_179 = vector.broadcast %broadcast_in_dim3A_178 : f32 to vector<16xf32>
    %swap3A_180 = arith.constant 464 : index
    %swap3A_181 = tpu.vector_load %arg13[%swap3A_180] {strides = array<i32>} : memref<640xf32, #tpu.memory_space<vmem>>, vector<16xf32>,
    %swap3A_182 = vector.shape_cast %swap3A_181 : vector<16xf32> to vector<16xf32>
    %swap3A_183 = vector.shape_cast %broadcast_in_dim3A_179 : vector<16xf32> to vector<16xf32>
    tpu.vector_store %arg13[%swap3A_180], %swap3A_183 {strides = array<i32>} : memref<640xf32, #tpu.memory_space<vmem>>, vector<16xf32>,
    %broadcast_in_dim3A_184 = arith.constant 0.000000e+00 : f32
    %broadcast_in_dim3A_185 = vector.broadcast %broadcast_in_dim3A_184 : f32 to vector<16xf32>
    %swap3A_186 = arith.constant 480 : index
    %swap3A_187 = tpu.vector_load %arg13[%swap3A_186] {strides = array<i32>} : memref<640xf32, #tpu.memory_space<vmem>>, vector<16xf32>,
    %swap3A_188 = vector.shape_cast %swap3A_187 : vector<16xf32> to vector<16xf32>
    %swap3A_189 = vector.shape_cast %broadcast_in_dim3A_185 : vector<16xf32> to vector<16xf32>
    tpu.vector_store %arg13[%swap3A_186], %swap3A_189 {strides = array<i32>} : memref<640xf32, #tpu.memory_space<vmem>>, vector<16xf32>,
    %broadcast_in_dim3A_190 = arith.constant 0.000000e+00 : f32
    %broadcast_in_dim3A_191 = vector.broadcast %broadcast_in_dim3A_190 : f32 to vector<16xf32>
    %swap3A_192 = arith.constant 496 : index
    %swap3A_193 = tpu.vector_load %arg13[%swap3A_192] {strides = array<i32>} : memref<640xf32, #tpu.memory_space<vmem>>, vector<16xf32>,
    %swap3A_194 = vector.shape_cast %swap3A_193 : vector<16xf32> to vector<16xf32>
    %swap3A_195 = vector.shape_cast %broadcast_in_dim3A_191 : vector<16xf32> to vector<16xf32>
    tpu.vector_store %arg13[%swap3A_192], %swap3A_195 {strides = array<i32>} : memref<640xf32, #tpu.memory_space<vmem>>, vector<16xf32>,
    %broadcast_in_dim3A_196 = arith.constant 0.000000e+00 : f32
    %broadcast_in_dim3A_197 = vector.broadcast %broadcast_in_dim3A_196 : f32 to vector<16xf32>
    %swap3A_198 = arith.constant 512 : index
    %swap3A_199 = tpu.vector_load %arg13[%swap3A_198] {strides = array<i32>} : memref<640xf32, #tpu.memory_space<vmem>>, vector<16xf32>,
    %swap3A_200 = vector.shape_cast %swap3A_199 : vector<16xf32> to vector<16xf32>
    %swap3A_201 = vector.shape_cast %broadcast_in_dim3A_197 : vector<16xf32> to vector<16xf32>
    tpu.vector_store %arg13[%swap3A_198], %swap3A_201 {strides = array<i32>} : memref<640xf32, #tpu.memory_space<vmem>>, vector<16xf32>,
    %broadcast_in_dim3A_202 = arith.constant 0.000000e+00 : f32
    %broadcast_in_dim3A_203 = vector.broadcast %broadcast_in_dim3A_202 : f32 to vector<16xf32>
    %swap3A_204 = arith.constant 528 : index
    %swap3A_205 = tpu.vector_load %arg13[%swap3A_204] {strides = array<i32>} : memref<640xf32, #tpu.memory_space<vmem>>, vector<16xf32>,
    %swap3A_206 = vector.shape_cast %swap3A_205 : vector<16xf32> to vector<16xf32>
    %swap3A_207 = vector.shape_cast %broadcast_in_dim3A_203 : vector<16xf32> to vector<16xf32>
    tpu.vector_store %arg13[%swap3A_204], %swap3A_207 {strides = array<i32>} : memref<640xf32, #tpu.memory_space<vmem>>, vector<16xf32>,
    %broadcast_in_dim3A_208 = arith.constant 0.000000e+00 : f32
    %broadcast_in_dim3A_209 = vector.broadcast %broadcast_in_dim3A_208 : f32 to vector<16xf32>
    %swap3A_210 = arith.constant 544 : index
    %swap3A_211 = tpu.vector_load %arg13[%swap3A_210] {strides = array<i32>} : memref<640xf32, #tpu.memory_space<vmem>>, vector<16xf32>,
    %swap3A_212 = vector.shape_cast %swap3A_211 : vector<16xf32> to vector<16xf32>
    %swap3A_213 = vector.shape_cast %broadcast_in_dim3A_209 : vector<16xf32> to vector<16xf32>
    tpu.vector_store %arg13[%swap3A_210], %swap3A_213 {strides = array<i32>} : memref<640xf32, #tpu.memory_space<vmem>>, vector<16xf32>,
    %broadcast_in_dim3A_214 = arith.constant 0.000000e+00 : f32
    %broadcast_in_dim3A_215 = vector.broadcast %broadcast_in_dim3A_214 : f32 to vector<16xf32>
    %swap3A_216 = arith.constant 560 : index
    %swap3A_217 = tpu.vector_load %arg13[%swap3A_216] {strides = array<i32>} : memref<640xf32, #tpu.memory_space<vmem>>, vector<16xf32>,
    %swap3A_218 = vector.shape_cast %swap3A_217 : vector<16xf32> to vector<16xf32>
    %swap3A_219 = vector.shape_cast %broadcast_in_dim3A_215 : vector<16xf32> to vector<16xf32>
    tpu.vector_store %arg13[%swap3A_216], %swap3A_219 {strides = array<i32>} : memref<640xf32, #tpu.memory_space<vmem>>, vector<16xf32>,
    %broadcast_in_dim3A_220 = arith.constant 0.000000e+00 : f32
    %broadcast_in_dim3A_221 = vector.broadcast %broadcast_in_dim3A_220 : f32 to vector<16xf32>
    %swap3A_222 = arith.constant 576 : index
    %swap3A_223 = tpu.vector_load %arg13[%swap3A_222] {strides = array<i32>} : memref<640xf32, #tpu.memory_space<vmem>>, vector<16xf32>,
    %swap3A_224 = vector.shape_cast %swap3A_223 : vector<16xf32> to vector<16xf32>
    %swap3A_225 = vector.shape_cast %broadcast_in_dim3A_221 : vector<16xf32> to vector<16xf32>
    tpu.vector_store %arg13[%swap3A_222], %swap3A_225 {strides = array<i32>} : memref<640xf32, #tpu.memory_space<vmem>>, vector<16xf32>,
    %broadcast_in_dim3A_226 = arith.constant 0.000000e+00 : f32
    %broadcast_in_dim3A_227 = vector.broadcast %broadcast_in_dim3A_226 : f32 to vector<16xf32>
    %swap3A_228 = arith.constant 592 : index
    %swap3A_229 = tpu.vector_load %arg13[%swap3A_228] {strides = array<i32>} : memref<640xf32, #tpu.memory_space<vmem>>, vector<16xf32>,
    %swap3A_230 = vector.shape_cast %swap3A_229 : vector<16xf32> to vector<16xf32>
    %swap3A_231 = vector.shape_cast %broadcast_in_dim3A_227 : vector<16xf32> to vector<16xf32>
    tpu.vector_store %arg13[%swap3A_228], %swap3A_231 {strides = array<i32>} : memref<640xf32, #tpu.memory_space<vmem>>, vector<16xf32>,
    %broadcast_in_dim3A_232 = arith.constant 0.000000e+00 : f32
    %broadcast_in_dim3A_233 = vector.broadcast %broadcast_in_dim3A_232 : f32 to vector<16xf32>
    %swap3A_234 = arith.constant 608 : index
    %swap3A_235 = tpu.vector_load %arg13[%swap3A_234] {strides = array<i32>} : memref<640xf32, #tpu.memory_space<vmem>>, vector<16xf32>,
    %swap3A_236 = vector.shape_cast %swap3A_235 : vector<16xf32> to vector<16xf32>
    %swap3A_237 = vector.shape_cast %broadcast_in_dim3A_233 : vector<16xf32> to vector<16xf32>
    tpu.vector_store %arg13[%swap3A_234], %swap3A_237 {strides = array<i32>} : memref<640xf32, #tpu.memory_space<vmem>>, vector<16xf32>,
    %broadcast_in_dim3A_238 = arith.constant 0.000000e+00 : f32
    %broadcast_in_dim3A_239 = vector.broadcast %broadcast_in_dim3A_238 : f32 to vector<16xf32>
    %swap3A_240 = arith.constant 624 : index
    %swap3A_241 = tpu.vector_load %arg13[%swap3A_240] {strides = array<i32>} : memref<640xf32, #tpu.memory_space<vmem>>, vector<16xf32>,
    %swap3A_242 = vector.shape_cast %swap3A_241 : vector<16xf32> to vector<16xf32>
    %swap3A_243 = vector.shape_cast %broadcast_in_dim3A_239 : vector<16xf32> to vector<16xf32>
    tpu.vector_store %arg13[%swap3A_240], %swap3A_243 {strides = array<i32>} : memref<640xf32, #tpu.memory_space<vmem>>, vector<16xf32>,
    %lt3A = arith.constant 15 : i32
    %lt3A_244 = arith.cmpi slt, %arg1, %lt3A : i32
    %convert_element_type3A = arith.extui %lt3A_244 : i1 to i32
    %cond3A = arith.constant 0 : i32
    %cond3A_245 = arith.cmpi ne, %convert_element_type3A, %cond3A : i32
    scf.if %cond3A_245 {
      %mul3A_271 = arith.constant 624 : i32
      %mul3A_272 = arith.muli %arg1, %mul3A_271 : i32
      %add3A_273 = arith.constant 0 : i32
      %add3A_274 = arith.addi %mul3A_272, %add3A_273 : i32
      "tpu.region"() ({
        %run_scoped3A = tpu.sem_alloc : memref<!tpu.dma_semaphore, #tpu.memory_space<semaphore_mem>>
        %dma_start3A = arith.constant 0 : i32
        %dma_start3A_305 = arith.constant 0 : i32
        %dma_start3A_306 = tpu.memref_slice %arg12[%dma_start3A, %dma_start3A_305] : memref<80x128xf32, #tpu.memory_space<vmem>> -> memref<80x128xf32, #tpu.memory_space<vmem>>
        %dma_start3A_307 = arith.constant 0 : i32
        %dma_start3A_308 = tpu.memref_slice %arg14[%add3A_274, %dma_start3A_307] : memref<10000x128xf32, #tpu.memory_space<vmem_shared>> -> memref<80x128xf32, #tpu.memory_space<vmem_shared>>
        %dma_start3A_309 = arith.constant 0 : i32
        %dma_start3A_310 = tpu.memref_slice %arg14[%add3A_274, %dma_start3A_309] : memref<10000x128xf32, #tpu.memory_space<vmem_shared>> -> memref<80x128xf32, #tpu.memory_space<vmem_shared>>
        %dma_start3A_311 = arith.constant 0 : i32
        %dma_start3A_312 = arith.constant 0 : i32
        %dma_start3A_313 = tpu.memref_slice %arg12[%dma_start3A_311, %dma_start3A_312] : memref<80x128xf32, #tpu.memory_space<vmem>> -> memref<80x128xf32, #tpu.memory_space<vmem>>
        tpu.enqueue_dma source(%dma_start3A_313 : memref<80x128xf32, #tpu.memory_space<vmem>>) target(%dma_start3A_310 : memref<80x128xf32, #tpu.memory_space<vmem_shared>>) target_semaphore(%run_scoped3A : memref<!tpu.dma_semaphore, #tpu.memory_space<semaphore_mem>>)
        %dma_wait3A = arith.constant 0 : i32
        %dma_wait3A_314 = arith.constant 0 : i32
        %dma_wait3A_315 = tpu.memref_slice %arg12[%dma_wait3A, %dma_wait3A_314] : memref<80x128xf32, #tpu.memory_space<vmem>> -> memref<80x128xf32, #tpu.memory_space<vmem>>
        %dma_wait3A_316 = arith.constant 0 : i32
        %dma_wait3A_317 = tpu.memref_slice %arg14[%add3A_274, %dma_wait3A_316] : memref<10000x128xf32, #tpu.memory_space<vmem_shared>> -> memref<80x128xf32, #tpu.memory_space<vmem_shared>>
        %dma_wait3A_318 = arith.constant 0 : i32
        %dma_wait3A_319 = tpu.memref_slice %arg14[%add3A_274, %dma_wait3A_318] : memref<10000x128xf32, #tpu.memory_space<vmem_shared>> -> memref<80x128xf32, #tpu.memory_space<vmem_shared>>
        %dma_wait3A_320 = arith.constant 0 : i32
        %dma_wait3A_321 = arith.constant 0 : i32
        %dma_wait3A_322 = tpu.memref_slice %arg12[%dma_wait3A_320, %dma_wait3A_321] : memref<80x128xf32, #tpu.memory_space<vmem>> -> memref<80x128xf32, #tpu.memory_space<vmem>>
        tpu.wait_dma2 semaphore(%run_scoped3A : memref<!tpu.dma_semaphore, #tpu.memory_space<semaphore_mem>>) src(%dma_wait3A_322 : memref<80x128xf32, #tpu.memory_space<vmem>>) dst(%dma_wait3A_319 : memref<80x128xf32, #tpu.memory_space<vmem_shared>>)
        tpu.yield
      }) : () -> ()
      %mul3A_275 = arith.constant 624 : i32
      %mul3A_276 = arith.muli %arg1, %mul3A_275 : i32
      %add3A_277 = arith.constant 80 : i32
      %add3A_278 = arith.addi %mul3A_276, %add3A_277 : i32
      "tpu.region"() ({
        %run_scoped3A = tpu.sem_alloc : memref<!tpu.dma_semaphore, #tpu.memory_space<semaphore_mem>>
        %dma_start3A = arith.constant 0 : i32
        %dma_start3A_305 = arith.constant 0 : i32
        %dma_start3A_306 = tpu.memref_slice %arg12[%dma_start3A, %dma_start3A_305] : memref<80x128xf32, #tpu.memory_space<vmem>> -> memref<80x128xf32, #tpu.memory_space<vmem>>
        %dma_start3A_307 = arith.constant 0 : i32
        %dma_start3A_308 = tpu.memref_slice %arg14[%add3A_278, %dma_start3A_307] : memref<10000x128xf32, #tpu.memory_space<vmem_shared>> -> memref<80x128xf32, #tpu.memory_space<vmem_shared>>
        %dma_start3A_309 = arith.constant 0 : i32
        %dma_start3A_310 = tpu.memref_slice %arg14[%add3A_278, %dma_start3A_309] : memref<10000x128xf32, #tpu.memory_space<vmem_shared>> -> memref<80x128xf32, #tpu.memory_space<vmem_shared>>
        %dma_start3A_311 = arith.constant 0 : i32
        %dma_start3A_312 = arith.constant 0 : i32
        %dma_start3A_313 = tpu.memref_slice %arg12[%dma_start3A_311, %dma_start3A_312] : memref<80x128xf32, #tpu.memory_space<vmem>> -> memref<80x128xf32, #tpu.memory_space<vmem>>
        tpu.enqueue_dma source(%dma_start3A_313 : memref<80x128xf32, #tpu.memory_space<vmem>>) target(%dma_start3A_310 : memref<80x128xf32, #tpu.memory_space<vmem_shared>>) target_semaphore(%run_scoped3A : memref<!tpu.dma_semaphore, #tpu.memory_space<semaphore_mem>>)
        %dma_wait3A = arith.constant 0 : i32
        %dma_wait3A_314 = arith.constant 0 : i32
        %dma_wait3A_315 = tpu.memref_slice %arg12[%dma_wait3A, %dma_wait3A_314] : memref<80x128xf32, #tpu.memory_space<vmem>> -> memref<80x128xf32, #tpu.memory_space<vmem>>
        %dma_wait3A_316 = arith.constant 0 : i32
        %dma_wait3A_317 = tpu.memref_slice %arg14[%add3A_278, %dma_wait3A_316] : memref<10000x128xf32, #tpu.memory_space<vmem_shared>> -> memref<80x128xf32, #tpu.memory_space<vmem_shared>>
        %dma_wait3A_318 = arith.constant 0 : i32
        %dma_wait3A_319 = tpu.memref_slice %arg14[%add3A_278, %dma_wait3A_318] : memref<10000x128xf32, #tpu.memory_space<vmem_shared>> -> memref<80x128xf32, #tpu.memory_space<vmem_shared>>
        %dma_wait3A_320 = arith.constant 0 : i32
        %dma_wait3A_321 = arith.constant 0 : i32
        %dma_wait3A_322 = tpu.memref_slice %arg12[%dma_wait3A_320, %dma_wait3A_321] : memref<80x128xf32, #tpu.memory_space<vmem>> -> memref<80x128xf32, #tpu.memory_space<vmem>>
        tpu.wait_dma2 semaphore(%run_scoped3A : memref<!tpu.dma_semaphore, #tpu.memory_space<semaphore_mem>>) src(%dma_wait3A_322 : memref<80x128xf32, #tpu.memory_space<vmem>>) dst(%dma_wait3A_319 : memref<80x128xf32, #tpu.memory_space<vmem_shared>>)
        tpu.yield
      }) : () -> ()
      %mul3A_279 = arith.constant 624 : i32
      %mul3A_280 = arith.muli %arg1, %mul3A_279 : i32
      %add3A_281 = arith.constant 160 : i32
      %add3A_282 = arith.addi %mul3A_280, %add3A_281 : i32
      "tpu.region"() ({
        %run_scoped3A = tpu.sem_alloc : memref<!tpu.dma_semaphore, #tpu.memory_space<semaphore_mem>>
        %dma_start3A = arith.constant 0 : i32
        %dma_start3A_305 = arith.constant 0 : i32
        %dma_start3A_306 = tpu.memref_slice %arg12[%dma_start3A, %dma_start3A_305] : memref<80x128xf32, #tpu.memory_space<vmem>> -> memref<80x128xf32, #tpu.memory_space<vmem>>
        %dma_start3A_307 = arith.constant 0 : i32
        %dma_start3A_308 = tpu.memref_slice %arg14[%add3A_282, %dma_start3A_307] : memref<10000x128xf32, #tpu.memory_space<vmem_shared>> -> memref<80x128xf32, #tpu.memory_space<vmem_shared>>
        %dma_start3A_309 = arith.constant 0 : i32
        %dma_start3A_310 = tpu.memref_slice %arg14[%add3A_282, %dma_start3A_309] : memref<10000x128xf32, #tpu.memory_space<vmem_shared>> -> memref<80x128xf32, #tpu.memory_space<vmem_shared>>
        %dma_start3A_311 = arith.constant 0 : i32
        %dma_start3A_312 = arith.constant 0 : i32
        %dma_start3A_313 = tpu.memref_slice %arg12[%dma_start3A_311, %dma_start3A_312] : memref<80x128xf32, #tpu.memory_space<vmem>> -> memref<80x128xf32, #tpu.memory_space<vmem>>
        tpu.enqueue_dma source(%dma_start3A_313 : memref<80x128xf32, #tpu.memory_space<vmem>>) target(%dma_start3A_310 : memref<80x128xf32, #tpu.memory_space<vmem_shared>>) target_semaphore(%run_scoped3A : memref<!tpu.dma_semaphore, #tpu.memory_space<semaphore_mem>>)
        %dma_wait3A = arith.constant 0 : i32
        %dma_wait3A_314 = arith.constant 0 : i32
        %dma_wait3A_315 = tpu.memref_slice %arg12[%dma_wait3A, %dma_wait3A_314] : memref<80x128xf32, #tpu.memory_space<vmem>> -> memref<80x128xf32, #tpu.memory_space<vmem>>
        %dma_wait3A_316 = arith.constant 0 : i32
        %dma_wait3A_317 = tpu.memref_slice %arg14[%add3A_282, %dma_wait3A_316] : memref<10000x128xf32, #tpu.memory_space<vmem_shared>> -> memref<80x128xf32, #tpu.memory_space<vmem_shared>>
        %dma_wait3A_318 = arith.constant 0 : i32
        %dma_wait3A_319 = tpu.memref_slice %arg14[%add3A_282, %dma_wait3A_318] : memref<10000x128xf32, #tpu.memory_space<vmem_shared>> -> memref<80x128xf32, #tpu.memory_space<vmem_shared>>
        %dma_wait3A_320 = arith.constant 0 : i32
        %dma_wait3A_321 = arith.constant 0 : i32
        %dma_wait3A_322 = tpu.memref_slice %arg12[%dma_wait3A_320, %dma_wait3A_321] : memref<80x128xf32, #tpu.memory_space<vmem>> -> memref<80x128xf32, #tpu.memory_space<vmem>>
        tpu.wait_dma2 semaphore(%run_scoped3A : memref<!tpu.dma_semaphore, #tpu.memory_space<semaphore_mem>>) src(%dma_wait3A_322 : memref<80x128xf32, #tpu.memory_space<vmem>>) dst(%dma_wait3A_319 : memref<80x128xf32, #tpu.memory_space<vmem_shared>>)
        tpu.yield
      }) : () -> ()
      %mul3A_283 = arith.constant 624 : i32
      %mul3A_284 = arith.muli %arg1, %mul3A_283 : i32
      %add3A_285 = arith.constant 240 : i32
      %add3A_286 = arith.addi %mul3A_284, %add3A_285 : i32
      "tpu.region"() ({
        %run_scoped3A = tpu.sem_alloc : memref<!tpu.dma_semaphore, #tpu.memory_space<semaphore_mem>>
        %dma_start3A = arith.constant 0 : i32
        %dma_start3A_305 = arith.constant 0 : i32
        %dma_start3A_306 = tpu.memref_slice %arg12[%dma_start3A, %dma_start3A_305] : memref<80x128xf32, #tpu.memory_space<vmem>> -> memref<80x128xf32, #tpu.memory_space<vmem>>
        %dma_start3A_307 = arith.constant 0 : i32
        %dma_start3A_308 = tpu.memref_slice %arg14[%add3A_286, %dma_start3A_307] : memref<10000x128xf32, #tpu.memory_space<vmem_shared>> -> memref<80x128xf32, #tpu.memory_space<vmem_shared>>
        %dma_start3A_309 = arith.constant 0 : i32
        %dma_start3A_310 = tpu.memref_slice %arg14[%add3A_286, %dma_start3A_309] : memref<10000x128xf32, #tpu.memory_space<vmem_shared>> -> memref<80x128xf32, #tpu.memory_space<vmem_shared>>
        %dma_start3A_311 = arith.constant 0 : i32
        %dma_start3A_312 = arith.constant 0 : i32
        %dma_start3A_313 = tpu.memref_slice %arg12[%dma_start3A_311, %dma_start3A_312] : memref<80x128xf32, #tpu.memory_space<vmem>> -> memref<80x128xf32, #tpu.memory_space<vmem>>
        tpu.enqueue_dma source(%dma_start3A_313 : memref<80x128xf32, #tpu.memory_space<vmem>>) target(%dma_start3A_310 : memref<80x128xf32, #tpu.memory_space<vmem_shared>>) target_semaphore(%run_scoped3A : memref<!tpu.dma_semaphore, #tpu.memory_space<semaphore_mem>>)
        %dma_wait3A = arith.constant 0 : i32
        %dma_wait3A_314 = arith.constant 0 : i32
        %dma_wait3A_315 = tpu.memref_slice %arg12[%dma_wait3A, %dma_wait3A_314] : memref<80x128xf32, #tpu.memory_space<vmem>> -> memref<80x128xf32, #tpu.memory_space<vmem>>
        %dma_wait3A_316 = arith.constant 0 : i32
        %dma_wait3A_317 = tpu.memref_slice %arg14[%add3A_286, %dma_wait3A_316] : memref<10000x128xf32, #tpu.memory_space<vmem_shared>> -> memref<80x128xf32, #tpu.memory_space<vmem_shared>>
        %dma_wait3A_318 = arith.constant 0 : i32
        %dma_wait3A_319 = tpu.memref_slice %arg14[%add3A_286, %dma_wait3A_318] : memref<10000x128xf32, #tpu.memory_space<vmem_shared>> -> memref<80x128xf32, #tpu.memory_space<vmem_shared>>
        %dma_wait3A_320 = arith.constant 0 : i32
        %dma_wait3A_321 = arith.constant 0 : i32
        %dma_wait3A_322 = tpu.memref_slice %arg12[%dma_wait3A_320, %dma_wait3A_321] : memref<80x128xf32, #tpu.memory_space<vmem>> -> memref<80x128xf32, #tpu.memory_space<vmem>>
        tpu.wait_dma2 semaphore(%run_scoped3A : memref<!tpu.dma_semaphore, #tpu.memory_space<semaphore_mem>>) src(%dma_wait3A_322 : memref<80x128xf32, #tpu.memory_space<vmem>>) dst(%dma_wait3A_319 : memref<80x128xf32, #tpu.memory_space<vmem_shared>>)
        tpu.yield
      }) : () -> ()
      %mul3A_287 = arith.constant 624 : i32
      %mul3A_288 = arith.muli %arg1, %mul3A_287 : i32
      %add3A_289 = arith.constant 320 : i32
      %add3A_290 = arith.addi %mul3A_288, %add3A_289 : i32
      "tpu.region"() ({
        %run_scoped3A = tpu.sem_alloc : memref<!tpu.dma_semaphore, #tpu.memory_space<semaphore_mem>>
        %dma_start3A = arith.constant 0 : i32
        %dma_start3A_305 = arith.constant 0 : i32
        %dma_start3A_306 = tpu.memref_slice %arg12[%dma_start3A, %dma_start3A_305] : memref<80x128xf32, #tpu.memory_space<vmem>> -> memref<80x128xf32, #tpu.memory_space<vmem>>
        %dma_start3A_307 = arith.constant 0 : i32
        %dma_start3A_308 = tpu.memref_slice %arg14[%add3A_290, %dma_start3A_307] : memref<10000x128xf32, #tpu.memory_space<vmem_shared>> -> memref<80x128xf32, #tpu.memory_space<vmem_shared>>
        %dma_start3A_309 = arith.constant 0 : i32
        %dma_start3A_310 = tpu.memref_slice %arg14[%add3A_290, %dma_start3A_309] : memref<10000x128xf32, #tpu.memory_space<vmem_shared>> -> memref<80x128xf32, #tpu.memory_space<vmem_shared>>
        %dma_start3A_311 = arith.constant 0 : i32
        %dma_start3A_312 = arith.constant 0 : i32
        %dma_start3A_313 = tpu.memref_slice %arg12[%dma_start3A_311, %dma_start3A_312] : memref<80x128xf32, #tpu.memory_space<vmem>> -> memref<80x128xf32, #tpu.memory_space<vmem>>
        tpu.enqueue_dma source(%dma_start3A_313 : memref<80x128xf32, #tpu.memory_space<vmem>>) target(%dma_start3A_310 : memref<80x128xf32, #tpu.memory_space<vmem_shared>>) target_semaphore(%run_scoped3A : memref<!tpu.dma_semaphore, #tpu.memory_space<semaphore_mem>>)
        %dma_wait3A = arith.constant 0 : i32
        %dma_wait3A_314 = arith.constant 0 : i32
        %dma_wait3A_315 = tpu.memref_slice %arg12[%dma_wait3A, %dma_wait3A_314] : memref<80x128xf32, #tpu.memory_space<vmem>> -> memref<80x128xf32, #tpu.memory_space<vmem>>
        %dma_wait3A_316 = arith.constant 0 : i32
        %dma_wait3A_317 = tpu.memref_slice %arg14[%add3A_290, %dma_wait3A_316] : memref<10000x128xf32, #tpu.memory_space<vmem_shared>> -> memref<80x128xf32, #tpu.memory_space<vmem_shared>>
        %dma_wait3A_318 = arith.constant 0 : i32
        %dma_wait3A_319 = tpu.memref_slice %arg14[%add3A_290, %dma_wait3A_318] : memref<10000x128xf32, #tpu.memory_space<vmem_shared>> -> memref<80x128xf32, #tpu.memory_space<vmem_shared>>
        %dma_wait3A_320 = arith.constant 0 : i32
        %dma_wait3A_321 = arith.constant 0 : i32
        %dma_wait3A_322 = tpu.memref_slice %arg12[%dma_wait3A_320, %dma_wait3A_321] : memref<80x128xf32, #tpu.memory_space<vmem>> -> memref<80x128xf32, #tpu.memory_space<vmem>>
        tpu.wait_dma2 semaphore(%run_scoped3A : memref<!tpu.dma_semaphore, #tpu.memory_space<semaphore_mem>>) src(%dma_wait3A_322 : memref<80x128xf32, #tpu.memory_space<vmem>>) dst(%dma_wait3A_319 : memref<80x128xf32, #tpu.memory_space<vmem_shared>>)
        tpu.yield
      }) : () -> ()
      %mul3A_291 = arith.constant 624 : i32
      %mul3A_292 = arith.muli %arg1, %mul3A_291 : i32
      %add3A_293 = arith.constant 400 : i32
      %add3A_294 = arith.addi %mul3A_292, %add3A_293 : i32
      "tpu.region"() ({
        %run_scoped3A = tpu.sem_alloc : memref<!tpu.dma_semaphore, #tpu.memory_space<semaphore_mem>>
        %dma_start3A = arith.constant 0 : i32
        %dma_start3A_305 = arith.constant 0 : i32
        %dma_start3A_306 = tpu.memref_slice %arg12[%dma_start3A, %dma_start3A_305] : memref<80x128xf32, #tpu.memory_space<vmem>> -> memref<80x128xf32, #tpu.memory_space<vmem>>
        %dma_start3A_307 = arith.constant 0 : i32
        %dma_start3A_308 = tpu.memref_slice %arg14[%add3A_294, %dma_start3A_307] : memref<10000x128xf32, #tpu.memory_space<vmem_shared>> -> memref<80x128xf32, #tpu.memory_space<vmem_shared>>
        %dma_start3A_309 = arith.constant 0 : i32
        %dma_start3A_310 = tpu.memref_slice %arg14[%add3A_294, %dma_start3A_309] : memref<10000x128xf32, #tpu.memory_space<vmem_shared>> -> memref<80x128xf32, #tpu.memory_space<vmem_shared>>
        %dma_start3A_311 = arith.constant 0 : i32
        %dma_start3A_312 = arith.constant 0 : i32
        %dma_start3A_313 = tpu.memref_slice %arg12[%dma_start3A_311, %dma_start3A_312] : memref<80x128xf32, #tpu.memory_space<vmem>> -> memref<80x128xf32, #tpu.memory_space<vmem>>
        tpu.enqueue_dma source(%dma_start3A_313 : memref<80x128xf32, #tpu.memory_space<vmem>>) target(%dma_start3A_310 : memref<80x128xf32, #tpu.memory_space<vmem_shared>>) target_semaphore(%run_scoped3A : memref<!tpu.dma_semaphore, #tpu.memory_space<semaphore_mem>>)
        %dma_wait3A = arith.constant 0 : i32
        %dma_wait3A_314 = arith.constant 0 : i32
        %dma_wait3A_315 = tpu.memref_slice %arg12[%dma_wait3A, %dma_wait3A_314] : memref<80x128xf32, #tpu.memory_space<vmem>> -> memref<80x128xf32, #tpu.memory_space<vmem>>
        %dma_wait3A_316 = arith.constant 0 : i32
        %dma_wait3A_317 = tpu.memref_slice %arg14[%add3A_294, %dma_wait3A_316] : memref<10000x128xf32, #tpu.memory_space<vmem_shared>> -> memref<80x128xf32, #tpu.memory_space<vmem_shared>>
        %dma_wait3A_318 = arith.constant 0 : i32
        %dma_wait3A_319 = tpu.memref_slice %arg14[%add3A_294, %dma_wait3A_318] : memref<10000x128xf32, #tpu.memory_space<vmem_shared>> -> memref<80x128xf32, #tpu.memory_space<vmem_shared>>
        %dma_wait3A_320 = arith.constant 0 : i32
        %dma_wait3A_321 = arith.constant 0 : i32
        %dma_wait3A_322 = tpu.memref_slice %arg12[%dma_wait3A_320, %dma_wait3A_321] : memref<80x128xf32, #tpu.memory_space<vmem>> -> memref<80x128xf32, #tpu.memory_space<vmem>>
        tpu.wait_dma2 semaphore(%run_scoped3A : memref<!tpu.dma_semaphore, #tpu.memory_space<semaphore_mem>>) src(%dma_wait3A_322 : memref<80x128xf32, #tpu.memory_space<vmem>>) dst(%dma_wait3A_319 : memref<80x128xf32, #tpu.memory_space<vmem_shared>>)
        tpu.yield
      }) : () -> ()
      %mul3A_295 = arith.constant 624 : i32
      %mul3A_296 = arith.muli %arg1, %mul3A_295 : i32
      %add3A_297 = arith.constant 480 : i32
      %add3A_298 = arith.addi %mul3A_296, %add3A_297 : i32
      "tpu.region"() ({
        %run_scoped3A = tpu.sem_alloc : memref<!tpu.dma_semaphore, #tpu.memory_space<semaphore_mem>>
        %dma_start3A = arith.constant 0 : i32
        %dma_start3A_305 = arith.constant 0 : i32
        %dma_start3A_306 = tpu.memref_slice %arg12[%dma_start3A, %dma_start3A_305] : memref<80x128xf32, #tpu.memory_space<vmem>> -> memref<80x128xf32, #tpu.memory_space<vmem>>
        %dma_start3A_307 = arith.constant 0 : i32
        %dma_start3A_308 = tpu.memref_slice %arg14[%add3A_298, %dma_start3A_307] : memref<10000x128xf32, #tpu.memory_space<vmem_shared>> -> memref<80x128xf32, #tpu.memory_space<vmem_shared>>
        %dma_start3A_309 = arith.constant 0 : i32
        %dma_start3A_310 = tpu.memref_slice %arg14[%add3A_298, %dma_start3A_309] : memref<10000x128xf32, #tpu.memory_space<vmem_shared>> -> memref<80x128xf32, #tpu.memory_space<vmem_shared>>
        %dma_start3A_311 = arith.constant 0 : i32
        %dma_start3A_312 = arith.constant 0 : i32
        %dma_start3A_313 = tpu.memref_slice %arg12[%dma_start3A_311, %dma_start3A_312] : memref<80x128xf32, #tpu.memory_space<vmem>> -> memref<80x128xf32, #tpu.memory_space<vmem>>
        tpu.enqueue_dma source(%dma_start3A_313 : memref<80x128xf32, #tpu.memory_space<vmem>>) target(%dma_start3A_310 : memref<80x128xf32, #tpu.memory_space<vmem_shared>>) target_semaphore(%run_scoped3A : memref<!tpu.dma_semaphore, #tpu.memory_space<semaphore_mem>>)
        %dma_wait3A = arith.constant 0 : i32
        %dma_wait3A_314 = arith.constant 0 : i32
        %dma_wait3A_315 = tpu.memref_slice %arg12[%dma_wait3A, %dma_wait3A_314] : memref<80x128xf32, #tpu.memory_space<vmem>> -> memref<80x128xf32, #tpu.memory_space<vmem>>
        %dma_wait3A_316 = arith.constant 0 : i32
        %dma_wait3A_317 = tpu.memref_slice %arg14[%add3A_298, %dma_wait3A_316] : memref<10000x128xf32, #tpu.memory_space<vmem_shared>> -> memref<80x128xf32, #tpu.memory_space<vmem_shared>>
        %dma_wait3A_318 = arith.constant 0 : i32
        %dma_wait3A_319 = tpu.memref_slice %arg14[%add3A_298, %dma_wait3A_318] : memref<10000x128xf32, #tpu.memory_space<vmem_shared>> -> memref<80x128xf32, #tpu.memory_space<vmem_shared>>
        %dma_wait3A_320 = arith.constant 0 : i32
        %dma_wait3A_321 = arith.constant 0 : i32
        %dma_wait3A_322 = tpu.memref_slice %arg12[%dma_wait3A_320, %dma_wait3A_321] : memref<80x128xf32, #tpu.memory_space<vmem>> -> memref<80x128xf32, #tpu.memory_space<vmem>>
        tpu.wait_dma2 semaphore(%run_scoped3A : memref<!tpu.dma_semaphore, #tpu.memory_space<semaphore_mem>>) src(%dma_wait3A_322 : memref<80x128xf32, #tpu.memory_space<vmem>>) dst(%dma_wait3A_319 : memref<80x128xf32, #tpu.memory_space<vmem_shared>>)
        tpu.yield
      }) : () -> ()
      %mul3A_299 = arith.constant 624 : i32
      %mul3A_300 = arith.muli %arg1, %mul3A_299 : i32
      %add3A_301 = arith.constant 560 : i32
      %add3A_302 = arith.addi %mul3A_300, %add3A_301 : i32
      "tpu.region"() ({
        %run_scoped3A = tpu.sem_alloc : memref<!tpu.dma_semaphore, #tpu.memory_space<semaphore_mem>>
        %dma_start3A = arith.constant 0 : i32
        %dma_start3A_305 = arith.constant 0 : i32
        %dma_start3A_306 = tpu.memref_slice %arg12[%dma_start3A, %dma_start3A_305] : memref<80x128xf32, #tpu.memory_space<vmem>> -> memref<64x128xf32, #tpu.memory_space<vmem>>
        %dma_start3A_307 = arith.constant 0 : i32
        %dma_start3A_308 = tpu.memref_slice %arg14[%add3A_302, %dma_start3A_307] : memref<10000x128xf32, #tpu.memory_space<vmem_shared>> -> memref<64x128xf32, #tpu.memory_space<vmem_shared>>
        %dma_start3A_309 = arith.constant 0 : i32
        %dma_start3A_310 = tpu.memref_slice %arg14[%add3A_302, %dma_start3A_309] : memref<10000x128xf32, #tpu.memory_space<vmem_shared>> -> memref<64x128xf32, #tpu.memory_space<vmem_shared>>
        %dma_start3A_311 = arith.constant 0 : i32
        %dma_start3A_312 = arith.constant 0 : i32
        %dma_start3A_313 = tpu.memref_slice %arg12[%dma_start3A_311, %dma_start3A_312] : memref<80x128xf32, #tpu.memory_space<vmem>> -> memref<64x128xf32, #tpu.memory_space<vmem>>
        tpu.enqueue_dma source(%dma_start3A_313 : memref<64x128xf32, #tpu.memory_space<vmem>>) target(%dma_start3A_310 : memref<64x128xf32, #tpu.memory_space<vmem_shared>>) target_semaphore(%run_scoped3A : memref<!tpu.dma_semaphore, #tpu.memory_space<semaphore_mem>>)
        %dma_wait3A = arith.constant 0 : i32
        %dma_wait3A_314 = arith.constant 0 : i32
        %dma_wait3A_315 = tpu.memref_slice %arg12[%dma_wait3A, %dma_wait3A_314] : memref<80x128xf32, #tpu.memory_space<vmem>> -> memref<64x128xf32, #tpu.memory_space<vmem>>
        %dma_wait3A_316 = arith.constant 0 : i32
        %dma_wait3A_317 = tpu.memref_slice %arg14[%add3A_302, %dma_wait3A_316] : memref<10000x128xf32, #tpu.memory_space<vmem_shared>> -> memref<64x128xf32, #tpu.memory_space<vmem_shared>>
        %dma_wait3A_318 = arith.constant 0 : i32
        %dma_wait3A_319 = tpu.memref_slice %arg14[%add3A_302, %dma_wait3A_318] : memref<10000x128xf32, #tpu.memory_space<vmem_shared>> -> memref<64x128xf32, #tpu.memory_space<vmem_shared>>
        %dma_wait3A_320 = arith.constant 0 : i32
        %dma_wait3A_321 = arith.constant 0 : i32
        %dma_wait3A_322 = tpu.memref_slice %arg12[%dma_wait3A_320, %dma_wait3A_321] : memref<80x128xf32, #tpu.memory_space<vmem>> -> memref<64x128xf32, #tpu.memory_space<vmem>>
        tpu.wait_dma2 semaphore(%run_scoped3A : memref<!tpu.dma_semaphore, #tpu.memory_space<semaphore_mem>>) src(%dma_wait3A_322 : memref<64x128xf32, #tpu.memory_space<vmem>>) dst(%dma_wait3A_319 : memref<64x128xf32, #tpu.memory_space<vmem_shared>>)
        tpu.yield
      }) : () -> ()
      %mul3A_303 = arith.constant 624 : i32
      %mul3A_304 = arith.muli %arg1, %mul3A_303 : i32
      "tpu.region"() ({
        %run_scoped3A = tpu.sem_alloc : memref<!tpu.dma_semaphore, #tpu.memory_space<semaphore_mem>>
        %dma_start3A = arith.constant 0 : i32
        %dma_start3A_305 = tpu.memref_slice %arg13[%dma_start3A] : memref<640xf32, #tpu.memory_space<vmem>> -> memref<624xf32, #tpu.memory_space<vmem>>
        %dma_start3A_306 = tpu.memref_slice %arg15[%mul3A_304] : memref<10000xf32, #tpu.memory_space<vmem_shared>> -> memref<624xf32, #tpu.memory_space<vmem_shared>>
        %dma_start3A_307 = tpu.memref_slice %arg15[%mul3A_304] : memref<10000xf32, #tpu.memory_space<vmem_shared>> -> memref<624xf32, #tpu.memory_space<vmem_shared>>
        %dma_start3A_308 = arith.constant 0 : i32
        %dma_start3A_309 = tpu.memref_slice %arg13[%dma_start3A_308] : memref<640xf32, #tpu.memory_space<vmem>> -> memref<624xf32, #tpu.memory_space<vmem>>
        tpu.enqueue_dma source(%dma_start3A_309 : memref<624xf32, #tpu.memory_space<vmem>>) target(%dma_start3A_307 : memref<624xf32, #tpu.memory_space<vmem_shared>>) target_semaphore(%run_scoped3A : memref<!tpu.dma_semaphore, #tpu.memory_space<semaphore_mem>>)
        %dma_wait3A = arith.constant 0 : i32
        %dma_wait3A_310 = tpu.memref_slice %arg13[%dma_wait3A] : memref<640xf32, #tpu.memory_space<vmem>> -> memref<624xf32, #tpu.memory_space<vmem>>
        %dma_wait3A_311 = tpu.memref_slice %arg15[%mul3A_304] : memref<10000xf32, #tpu.memory_space<vmem_shared>> -> memref<624xf32, #tpu.memory_space<vmem_shared>>
        %dma_wait3A_312 = tpu.memref_slice %arg15[%mul3A_304] : memref<10000xf32, #tpu.memory_space<vmem_shared>> -> memref<624xf32, #tpu.memory_space<vmem_shared>>
        %dma_wait3A_313 = arith.constant 0 : i32
        %dma_wait3A_314 = tpu.memref_slice %arg13[%dma_wait3A_313] : memref<640xf32, #tpu.memory_space<vmem>> -> memref<624xf32, #tpu.memory_space<vmem>>
        tpu.wait_dma2 semaphore(%run_scoped3A : memref<!tpu.dma_semaphore, #tpu.memory_space<semaphore_mem>>) src(%dma_wait3A_314 : memref<624xf32, #tpu.memory_space<vmem>>) dst(%dma_wait3A_312 : memref<624xf32, #tpu.memory_space<vmem_shared>>)
        tpu.yield
      }) : () -> ()
    } else {
    }
    %eq3A = arith.constant 15 : i32
    %eq3A_246 = arith.cmpi eq, %arg1, %eq3A : i32
    %convert_element_type3A_247 = arith.extui %eq3A_246 : i1 to i32
    %cond3A_248 = arith.constant 0 : i32
    %cond3A_249 = arith.cmpi ne, %convert_element_type3A_247, %cond3A_248 : i32
    scf.if %cond3A_249 {
      "tpu.region"() ({
        %run_scoped3A = tpu.sem_alloc : memref<!tpu.dma_semaphore, #tpu.memory_space<semaphore_mem>>
        %dma_start3A = arith.constant 0 : i32
        %dma_start3A_271 = arith.constant 0 : i32
        %dma_start3A_272 = tpu.memref_slice %arg12[%dma_start3A, %dma_start3A_271] : memref<80x128xf32, #tpu.memory_space<vmem>> -> memref<80x128xf32, #tpu.memory_space<vmem>>
        %dma_start3A_273 = arith.constant 9360 : i32
        %dma_start3A_274 = arith.constant 0 : i32
        %dma_start3A_275 = tpu.memref_slice %arg14[%dma_start3A_273, %dma_start3A_274] : memref<10000x128xf32, #tpu.memory_space<vmem_shared>> -> memref<80x128xf32, #tpu.memory_space<vmem_shared>>
        %dma_start3A_276 = arith.constant 9360 : i32
        %dma_start3A_277 = arith.constant 0 : i32
        %dma_start3A_278 = tpu.memref_slice %arg14[%dma_start3A_276, %dma_start3A_277] : memref<10000x128xf32, #tpu.memory_space<vmem_shared>> -> memref<80x128xf32, #tpu.memory_space<vmem_shared>>
        %dma_start3A_279 = arith.constant 0 : i32
        %dma_start3A_280 = arith.constant 0 : i32
        %dma_start3A_281 = tpu.memref_slice %arg12[%dma_start3A_279, %dma_start3A_280] : memref<80x128xf32, #tpu.memory_space<vmem>> -> memref<80x128xf32, #tpu.memory_space<vmem>>
        tpu.enqueue_dma source(%dma_start3A_281 : memref<80x128xf32, #tpu.memory_space<vmem>>) target(%dma_start3A_278 : memref<80x128xf32, #tpu.memory_space<vmem_shared>>) target_semaphore(%run_scoped3A : memref<!tpu.dma_semaphore, #tpu.memory_space<semaphore_mem>>)
        %dma_wait3A = arith.constant 0 : i32
        %dma_wait3A_282 = arith.constant 0 : i32
        %dma_wait3A_283 = tpu.memref_slice %arg12[%dma_wait3A, %dma_wait3A_282] : memref<80x128xf32, #tpu.memory_space<vmem>> -> memref<80x128xf32, #tpu.memory_space<vmem>>
        %dma_wait3A_284 = arith.constant 9360 : i32
        %dma_wait3A_285 = arith.constant 0 : i32
        %dma_wait3A_286 = tpu.memref_slice %arg14[%dma_wait3A_284, %dma_wait3A_285] : memref<10000x128xf32, #tpu.memory_space<vmem_shared>> -> memref<80x128xf32, #tpu.memory_space<vmem_shared>>
        %dma_wait3A_287 = arith.constant 9360 : i32
        %dma_wait3A_288 = arith.constant 0 : i32
        %dma_wait3A_289 = tpu.memref_slice %arg14[%dma_wait3A_287, %dma_wait3A_288] : memref<10000x128xf32, #tpu.memory_space<vmem_shared>> -> memref<80x128xf32, #tpu.memory_space<vmem_shared>>
        %dma_wait3A_290 = arith.constant 0 : i32
        %dma_wait3A_291 = arith.constant 0 : i32
        %dma_wait3A_292 = tpu.memref_slice %arg12[%dma_wait3A_290, %dma_wait3A_291] : memref<80x128xf32, #tpu.memory_space<vmem>> -> memref<80x128xf32, #tpu.memory_space<vmem>>
        tpu.wait_dma2 semaphore(%run_scoped3A : memref<!tpu.dma_semaphore, #tpu.memory_space<semaphore_mem>>) src(%dma_wait3A_292 : memref<80x128xf32, #tpu.memory_space<vmem>>) dst(%dma_wait3A_289 : memref<80x128xf32, #tpu.memory_space<vmem_shared>>)
        tpu.yield
      }) : () -> ()
      "tpu.region"() ({
        %run_scoped3A = tpu.sem_alloc : memref<!tpu.dma_semaphore, #tpu.memory_space<semaphore_mem>>
        %dma_start3A = arith.constant 0 : i32
        %dma_start3A_271 = arith.constant 0 : i32
        %dma_start3A_272 = tpu.memref_slice %arg12[%dma_start3A, %dma_start3A_271] : memref<80x128xf32, #tpu.memory_space<vmem>> -> memref<80x128xf32, #tpu.memory_space<vmem>>
        %dma_start3A_273 = arith.constant 9440 : i32
        %dma_start3A_274 = arith.constant 0 : i32
        %dma_start3A_275 = tpu.memref_slice %arg14[%dma_start3A_273, %dma_start3A_274] : memref<10000x128xf32, #tpu.memory_space<vmem_shared>> -> memref<80x128xf32, #tpu.memory_space<vmem_shared>>
        %dma_start3A_276 = arith.constant 9440 : i32
        %dma_start3A_277 = arith.constant 0 : i32
        %dma_start3A_278 = tpu.memref_slice %arg14[%dma_start3A_276, %dma_start3A_277] : memref<10000x128xf32, #tpu.memory_space<vmem_shared>> -> memref<80x128xf32, #tpu.memory_space<vmem_shared>>
        %dma_start3A_279 = arith.constant 0 : i32
        %dma_start3A_280 = arith.constant 0 : i32
        %dma_start3A_281 = tpu.memref_slice %arg12[%dma_start3A_279, %dma_start3A_280] : memref<80x128xf32, #tpu.memory_space<vmem>> -> memref<80x128xf32, #tpu.memory_space<vmem>>
        tpu.enqueue_dma source(%dma_start3A_281 : memref<80x128xf32, #tpu.memory_space<vmem>>) target(%dma_start3A_278 : memref<80x128xf32, #tpu.memory_space<vmem_shared>>) target_semaphore(%run_scoped3A : memref<!tpu.dma_semaphore, #tpu.memory_space<semaphore_mem>>)
        %dma_wait3A = arith.constant 0 : i32
        %dma_wait3A_282 = arith.constant 0 : i32
        %dma_wait3A_283 = tpu.memref_slice %arg12[%dma_wait3A, %dma_wait3A_282] : memref<80x128xf32, #tpu.memory_space<vmem>> -> memref<80x128xf32, #tpu.memory_space<vmem>>
        %dma_wait3A_284 = arith.constant 9440 : i32
        %dma_wait3A_285 = arith.constant 0 : i32
        %dma_wait3A_286 = tpu.memref_slice %arg14[%dma_wait3A_284, %dma_wait3A_285] : memref<10000x128xf32, #tpu.memory_space<vmem_shared>> -> memref<80x128xf32, #tpu.memory_space<vmem_shared>>
        %dma_wait3A_287 = arith.constant 9440 : i32
        %dma_wait3A_288 = arith.constant 0 : i32
        %dma_wait3A_289 = tpu.memref_slice %arg14[%dma_wait3A_287, %dma_wait3A_288] : memref<10000x128xf32, #tpu.memory_space<vmem_shared>> -> memref<80x128xf32, #tpu.memory_space<vmem_shared>>
        %dma_wait3A_290 = arith.constant 0 : i32
        %dma_wait3A_291 = arith.constant 0 : i32
        %dma_wait3A_292 = tpu.memref_slice %arg12[%dma_wait3A_290, %dma_wait3A_291] : memref<80x128xf32, #tpu.memory_space<vmem>> -> memref<80x128xf32, #tpu.memory_space<vmem>>
        tpu.wait_dma2 semaphore(%run_scoped3A : memref<!tpu.dma_semaphore, #tpu.memory_space<semaphore_mem>>) src(%dma_wait3A_292 : memref<80x128xf32, #tpu.memory_space<vmem>>) dst(%dma_wait3A_289 : memref<80x128xf32, #tpu.memory_space<vmem_shared>>)
        tpu.yield
      }) : () -> ()
      "tpu.region"() ({
        %run_scoped3A = tpu.sem_alloc : memref<!tpu.dma_semaphore, #tpu.memory_space<semaphore_mem>>
        %dma_start3A = arith.constant 0 : i32
        %dma_start3A_271 = arith.constant 0 : i32
        %dma_start3A_272 = tpu.memref_slice %arg12[%dma_start3A, %dma_start3A_271] : memref<80x128xf32, #tpu.memory_space<vmem>> -> memref<80x128xf32, #tpu.memory_space<vmem>>
        %dma_start3A_273 = arith.constant 9520 : i32
        %dma_start3A_274 = arith.constant 0 : i32
        %dma_start3A_275 = tpu.memref_slice %arg14[%dma_start3A_273, %dma_start3A_274] : memref<10000x128xf32, #tpu.memory_space<vmem_shared>> -> memref<80x128xf32, #tpu.memory_space<vmem_shared>>
        %dma_start3A_276 = arith.constant 9520 : i32
        %dma_start3A_277 = arith.constant 0 : i32
        %dma_start3A_278 = tpu.memref_slice %arg14[%dma_start3A_276, %dma_start3A_277] : memref<10000x128xf32, #tpu.memory_space<vmem_shared>> -> memref<80x128xf32, #tpu.memory_space<vmem_shared>>
        %dma_start3A_279 = arith.constant 0 : i32
        %dma_start3A_280 = arith.constant 0 : i32
        %dma_start3A_281 = tpu.memref_slice %arg12[%dma_start3A_279, %dma_start3A_280] : memref<80x128xf32, #tpu.memory_space<vmem>> -> memref<80x128xf32, #tpu.memory_space<vmem>>
        tpu.enqueue_dma source(%dma_start3A_281 : memref<80x128xf32, #tpu.memory_space<vmem>>) target(%dma_start3A_278 : memref<80x128xf32, #tpu.memory_space<vmem_shared>>) target_semaphore(%run_scoped3A : memref<!tpu.dma_semaphore, #tpu.memory_space<semaphore_mem>>)
        %dma_wait3A = arith.constant 0 : i32
        %dma_wait3A_282 = arith.constant 0 : i32
        %dma_wait3A_283 = tpu.memref_slice %arg12[%dma_wait3A, %dma_wait3A_282] : memref<80x128xf32, #tpu.memory_space<vmem>> -> memref<80x128xf32, #tpu.memory_space<vmem>>
        %dma_wait3A_284 = arith.constant 9520 : i32
        %dma_wait3A_285 = arith.constant 0 : i32
        %dma_wait3A_286 = tpu.memref_slice %arg14[%dma_wait3A_284, %dma_wait3A_285] : memref<10000x128xf32, #tpu.memory_space<vmem_shared>> -> memref<80x128xf32, #tpu.memory_space<vmem_shared>>
        %dma_wait3A_287 = arith.constant 9520 : i32
        %dma_wait3A_288 = arith.constant 0 : i32
        %dma_wait3A_289 = tpu.memref_slice %arg14[%dma_wait3A_287, %dma_wait3A_288] : memref<10000x128xf32, #tpu.memory_space<vmem_shared>> -> memref<80x128xf32, #tpu.memory_space<vmem_shared>>
        %dma_wait3A_290 = arith.constant 0 : i32
        %dma_wait3A_291 = arith.constant 0 : i32
        %dma_wait3A_292 = tpu.memref_slice %arg12[%dma_wait3A_290, %dma_wait3A_291] : memref<80x128xf32, #tpu.memory_space<vmem>> -> memref<80x128xf32, #tpu.memory_space<vmem>>
        tpu.wait_dma2 semaphore(%run_scoped3A : memref<!tpu.dma_semaphore, #tpu.memory_space<semaphore_mem>>) src(%dma_wait3A_292 : memref<80x128xf32, #tpu.memory_space<vmem>>) dst(%dma_wait3A_289 : memref<80x128xf32, #tpu.memory_space<vmem_shared>>)
        tpu.yield
      }) : () -> ()
      "tpu.region"() ({
        %run_scoped3A = tpu.sem_alloc : memref<!tpu.dma_semaphore, #tpu.memory_space<semaphore_mem>>
        %dma_start3A = arith.constant 0 : i32
        %dma_start3A_271 = arith.constant 0 : i32
        %dma_start3A_272 = tpu.memref_slice %arg12[%dma_start3A, %dma_start3A_271] : memref<80x128xf32, #tpu.memory_space<vmem>> -> memref<80x128xf32, #tpu.memory_space<vmem>>
        %dma_start3A_273 = arith.constant 9600 : i32
        %dma_start3A_274 = arith.constant 0 : i32
        %dma_start3A_275 = tpu.memref_slice %arg14[%dma_start3A_273, %dma_start3A_274] : memref<10000x128xf32, #tpu.memory_space<vmem_shared>> -> memref<80x128xf32, #tpu.memory_space<vmem_shared>>
        %dma_start3A_276 = arith.constant 9600 : i32
        %dma_start3A_277 = arith.constant 0 : i32
        %dma_start3A_278 = tpu.memref_slice %arg14[%dma_start3A_276, %dma_start3A_277] : memref<10000x128xf32, #tpu.memory_space<vmem_shared>> -> memref<80x128xf32, #tpu.memory_space<vmem_shared>>
        %dma_start3A_279 = arith.constant 0 : i32
        %dma_start3A_280 = arith.constant 0 : i32
        %dma_start3A_281 = tpu.memref_slice %arg12[%dma_start3A_279, %dma_start3A_280] : memref<80x128xf32, #tpu.memory_space<vmem>> -> memref<80x128xf32, #tpu.memory_space<vmem>>
        tpu.enqueue_dma source(%dma_start3A_281 : memref<80x128xf32, #tpu.memory_space<vmem>>) target(%dma_start3A_278 : memref<80x128xf32, #tpu.memory_space<vmem_shared>>) target_semaphore(%run_scoped3A : memref<!tpu.dma_semaphore, #tpu.memory_space<semaphore_mem>>)
        %dma_wait3A = arith.constant 0 : i32
        %dma_wait3A_282 = arith.constant 0 : i32
        %dma_wait3A_283 = tpu.memref_slice %arg12[%dma_wait3A, %dma_wait3A_282] : memref<80x128xf32, #tpu.memory_space<vmem>> -> memref<80x128xf32, #tpu.memory_space<vmem>>
        %dma_wait3A_284 = arith.constant 9600 : i32
        %dma_wait3A_285 = arith.constant 0 : i32
        %dma_wait3A_286 = tpu.memref_slice %arg14[%dma_wait3A_284, %dma_wait3A_285] : memref<10000x128xf32, #tpu.memory_space<vmem_shared>> -> memref<80x128xf32, #tpu.memory_space<vmem_shared>>
        %dma_wait3A_287 = arith.constant 9600 : i32
        %dma_wait3A_288 = arith.constant 0 : i32
        %dma_wait3A_289 = tpu.memref_slice %arg14[%dma_wait3A_287, %dma_wait3A_288] : memref<10000x128xf32, #tpu.memory_space<vmem_shared>> -> memref<80x128xf32, #tpu.memory_space<vmem_shared>>
        %dma_wait3A_290 = arith.constant 0 : i32
        %dma_wait3A_291 = arith.constant 0 : i32
        %dma_wait3A_292 = tpu.memref_slice %arg12[%dma_wait3A_290, %dma_wait3A_291] : memref<80x128xf32, #tpu.memory_space<vmem>> -> memref<80x128xf32, #tpu.memory_space<vmem>>
        tpu.wait_dma2 semaphore(%run_scoped3A : memref<!tpu.dma_semaphore, #tpu.memory_space<semaphore_mem>>) src(%dma_wait3A_292 : memref<80x128xf32, #tpu.memory_space<vmem>>) dst(%dma_wait3A_289 : memref<80x128xf32, #tpu.memory_space<vmem_shared>>)
        tpu.yield
      }) : () -> ()
      "tpu.region"() ({
        %run_scoped3A = tpu.sem_alloc : memref<!tpu.dma_semaphore, #tpu.memory_space<semaphore_mem>>
        %dma_start3A = arith.constant 0 : i32
        %dma_start3A_271 = arith.constant 0 : i32
        %dma_start3A_272 = tpu.memref_slice %arg12[%dma_start3A, %dma_start3A_271] : memref<80x128xf32, #tpu.memory_space<vmem>> -> memref<80x128xf32, #tpu.memory_space<vmem>>
        %dma_start3A_273 = arith.constant 9680 : i32
        %dma_start3A_274 = arith.constant 0 : i32
        %dma_start3A_275 = tpu.memref_slice %arg14[%dma_start3A_273, %dma_start3A_274] : memref<10000x128xf32, #tpu.memory_space<vmem_shared>> -> memref<80x128xf32, #tpu.memory_space<vmem_shared>>
        %dma_start3A_276 = arith.constant 9680 : i32
        %dma_start3A_277 = arith.constant 0 : i32
        %dma_start3A_278 = tpu.memref_slice %arg14[%dma_start3A_276, %dma_start3A_277] : memref<10000x128xf32, #tpu.memory_space<vmem_shared>> -> memref<80x128xf32, #tpu.memory_space<vmem_shared>>
        %dma_start3A_279 = arith.constant 0 : i32
        %dma_start3A_280 = arith.constant 0 : i32
        %dma_start3A_281 = tpu.memref_slice %arg12[%dma_start3A_279, %dma_start3A_280] : memref<80x128xf32, #tpu.memory_space<vmem>> -> memref<80x128xf32, #tpu.memory_space<vmem>>
        tpu.enqueue_dma source(%dma_start3A_281 : memref<80x128xf32, #tpu.memory_space<vmem>>) target(%dma_start3A_278 : memref<80x128xf32, #tpu.memory_space<vmem_shared>>) target_semaphore(%run_scoped3A : memref<!tpu.dma_semaphore, #tpu.memory_space<semaphore_mem>>)
        %dma_wait3A = arith.constant 0 : i32
        %dma_wait3A_282 = arith.constant 0 : i32
        %dma_wait3A_283 = tpu.memref_slice %arg12[%dma_wait3A, %dma_wait3A_282] : memref<80x128xf32, #tpu.memory_space<vmem>> -> memref<80x128xf32, #tpu.memory_space<vmem>>
        %dma_wait3A_284 = arith.constant 9680 : i32
        %dma_wait3A_285 = arith.constant 0 : i32
        %dma_wait3A_286 = tpu.memref_slice %arg14[%dma_wait3A_284, %dma_wait3A_285] : memref<10000x128xf32, #tpu.memory_space<vmem_shared>> -> memref<80x128xf32, #tpu.memory_space<vmem_shared>>
        %dma_wait3A_287 = arith.constant 9680 : i32
        %dma_wait3A_288 = arith.constant 0 : i32
        %dma_wait3A_289 = tpu.memref_slice %arg14[%dma_wait3A_287, %dma_wait3A_288] : memref<10000x128xf32, #tpu.memory_space<vmem_shared>> -> memref<80x128xf32, #tpu.memory_space<vmem_shared>>
        %dma_wait3A_290 = arith.constant 0 : i32
        %dma_wait3A_291 = arith.constant 0 : i32
        %dma_wait3A_292 = tpu.memref_slice %arg12[%dma_wait3A_290, %dma_wait3A_291] : memref<80x128xf32, #tpu.memory_space<vmem>> -> memref<80x128xf32, #tpu.memory_space<vmem>>
        tpu.wait_dma2 semaphore(%run_scoped3A : memref<!tpu.dma_semaphore, #tpu.memory_space<semaphore_mem>>) src(%dma_wait3A_292 : memref<80x128xf32, #tpu.memory_space<vmem>>) dst(%dma_wait3A_289 : memref<80x128xf32, #tpu.memory_space<vmem_shared>>)
        tpu.yield
      }) : () -> ()
      "tpu.region"() ({
        %run_scoped3A = tpu.sem_alloc : memref<!tpu.dma_semaphore, #tpu.memory_space<semaphore_mem>>
        %dma_start3A = arith.constant 0 : i32
        %dma_start3A_271 = arith.constant 0 : i32
        %dma_start3A_272 = tpu.memref_slice %arg12[%dma_start3A, %dma_start3A_271] : memref<80x128xf32, #tpu.memory_space<vmem>> -> memref<80x128xf32, #tpu.memory_space<vmem>>
        %dma_start3A_273 = arith.constant 9760 : i32
        %dma_start3A_274 = arith.constant 0 : i32
        %dma_start3A_275 = tpu.memref_slice %arg14[%dma_start3A_273, %dma_start3A_274] : memref<10000x128xf32, #tpu.memory_space<vmem_shared>> -> memref<80x128xf32, #tpu.memory_space<vmem_shared>>
        %dma_start3A_276 = arith.constant 9760 : i32
        %dma_start3A_277 = arith.constant 0 : i32
        %dma_start3A_278 = tpu.memref_slice %arg14[%dma_start3A_276, %dma_start3A_277] : memref<10000x128xf32, #tpu.memory_space<vmem_shared>> -> memref<80x128xf32, #tpu.memory_space<vmem_shared>>
        %dma_start3A_279 = arith.constant 0 : i32
        %dma_start3A_280 = arith.constant 0 : i32
        %dma_start3A_281 = tpu.memref_slice %arg12[%dma_start3A_279, %dma_start3A_280] : memref<80x128xf32, #tpu.memory_space<vmem>> -> memref<80x128xf32, #tpu.memory_space<vmem>>
        tpu.enqueue_dma source(%dma_start3A_281 : memref<80x128xf32, #tpu.memory_space<vmem>>) target(%dma_start3A_278 : memref<80x128xf32, #tpu.memory_space<vmem_shared>>) target_semaphore(%run_scoped3A : memref<!tpu.dma_semaphore, #tpu.memory_space<semaphore_mem>>)
        %dma_wait3A = arith.constant 0 : i32
        %dma_wait3A_282 = arith.constant 0 : i32
        %dma_wait3A_283 = tpu.memref_slice %arg12[%dma_wait3A, %dma_wait3A_282] : memref<80x128xf32, #tpu.memory_space<vmem>> -> memref<80x128xf32, #tpu.memory_space<vmem>>
        %dma_wait3A_284 = arith.constant 9760 : i32
        %dma_wait3A_285 = arith.constant 0 : i32
        %dma_wait3A_286 = tpu.memref_slice %arg14[%dma_wait3A_284, %dma_wait3A_285] : memref<10000x128xf32, #tpu.memory_space<vmem_shared>> -> memref<80x128xf32, #tpu.memory_space<vmem_shared>>
        %dma_wait3A_287 = arith.constant 9760 : i32
        %dma_wait3A_288 = arith.constant 0 : i32
        %dma_wait3A_289 = tpu.memref_slice %arg14[%dma_wait3A_287, %dma_wait3A_288] : memref<10000x128xf32, #tpu.memory_space<vmem_shared>> -> memref<80x128xf32, #tpu.memory_space<vmem_shared>>
        %dma_wait3A_290 = arith.constant 0 : i32
        %dma_wait3A_291 = arith.constant 0 : i32
        %dma_wait3A_292 = tpu.memref_slice %arg12[%dma_wait3A_290, %dma_wait3A_291] : memref<80x128xf32, #tpu.memory_space<vmem>> -> memref<80x128xf32, #tpu.memory_space<vmem>>
        tpu.wait_dma2 semaphore(%run_scoped3A : memref<!tpu.dma_semaphore, #tpu.memory_space<semaphore_mem>>) src(%dma_wait3A_292 : memref<80x128xf32, #tpu.memory_space<vmem>>) dst(%dma_wait3A_289 : memref<80x128xf32, #tpu.memory_space<vmem_shared>>)
        tpu.yield
      }) : () -> ()
      "tpu.region"() ({
        %run_scoped3A = tpu.sem_alloc : memref<!tpu.dma_semaphore, #tpu.memory_space<semaphore_mem>>
        %dma_start3A = arith.constant 0 : i32
        %dma_start3A_271 = arith.constant 0 : i32
        %dma_start3A_272 = tpu.memref_slice %arg12[%dma_start3A, %dma_start3A_271] : memref<80x128xf32, #tpu.memory_space<vmem>> -> memref<80x128xf32, #tpu.memory_space<vmem>>
        %dma_start3A_273 = arith.constant 9840 : i32
        %dma_start3A_274 = arith.constant 0 : i32
        %dma_start3A_275 = tpu.memref_slice %arg14[%dma_start3A_273, %dma_start3A_274] : memref<10000x128xf32, #tpu.memory_space<vmem_shared>> -> memref<80x128xf32, #tpu.memory_space<vmem_shared>>
        %dma_start3A_276 = arith.constant 9840 : i32
        %dma_start3A_277 = arith.constant 0 : i32
        %dma_start3A_278 = tpu.memref_slice %arg14[%dma_start3A_276, %dma_start3A_277] : memref<10000x128xf32, #tpu.memory_space<vmem_shared>> -> memref<80x128xf32, #tpu.memory_space<vmem_shared>>
        %dma_start3A_279 = arith.constant 0 : i32
        %dma_start3A_280 = arith.constant 0 : i32
        %dma_start3A_281 = tpu.memref_slice %arg12[%dma_start3A_279, %dma_start3A_280] : memref<80x128xf32, #tpu.memory_space<vmem>> -> memref<80x128xf32, #tpu.memory_space<vmem>>
        tpu.enqueue_dma source(%dma_start3A_281 : memref<80x128xf32, #tpu.memory_space<vmem>>) target(%dma_start3A_278 : memref<80x128xf32, #tpu.memory_space<vmem_shared>>) target_semaphore(%run_scoped3A : memref<!tpu.dma_semaphore, #tpu.memory_space<semaphore_mem>>)
        %dma_wait3A = arith.constant 0 : i32
        %dma_wait3A_282 = arith.constant 0 : i32
        %dma_wait3A_283 = tpu.memref_slice %arg12[%dma_wait3A, %dma_wait3A_282] : memref<80x128xf32, #tpu.memory_space<vmem>> -> memref<80x128xf32, #tpu.memory_space<vmem>>
        %dma_wait3A_284 = arith.constant 9840 : i32
        %dma_wait3A_285 = arith.constant 0 : i32
        %dma_wait3A_286 = tpu.memref_slice %arg14[%dma_wait3A_284, %dma_wait3A_285] : memref<10000x128xf32, #tpu.memory_space<vmem_shared>> -> memref<80x128xf32, #tpu.memory_space<vmem_shared>>
        %dma_wait3A_287 = arith.constant 9840 : i32
        %dma_wait3A_288 = arith.constant 0 : i32
        %dma_wait3A_289 = tpu.memref_slice %arg14[%dma_wait3A_287, %dma_wait3A_288] : memref<10000x128xf32, #tpu.memory_space<vmem_shared>> -> memref<80x128xf32, #tpu.memory_space<vmem_shared>>
        %dma_wait3A_290 = arith.constant 0 : i32
        %dma_wait3A_291 = arith.constant 0 : i32
        %dma_wait3A_292 = tpu.memref_slice %arg12[%dma_wait3A_290, %dma_wait3A_291] : memref<80x128xf32, #tpu.memory_space<vmem>> -> memref<80x128xf32, #tpu.memory_space<vmem>>
        tpu.wait_dma2 semaphore(%run_scoped3A : memref<!tpu.dma_semaphore, #tpu.memory_space<semaphore_mem>>) src(%dma_wait3A_292 : memref<80x128xf32, #tpu.memory_space<vmem>>) dst(%dma_wait3A_289 : memref<80x128xf32, #tpu.memory_space<vmem_shared>>)
        tpu.yield
      }) : () -> ()
      "tpu.region"() ({
        %run_scoped3A = tpu.sem_alloc : memref<!tpu.dma_semaphore, #tpu.memory_space<semaphore_mem>>
        %dma_start3A = arith.constant 0 : i32
        %dma_start3A_271 = arith.constant 0 : i32
        %dma_start3A_272 = tpu.memref_slice %arg12[%dma_start3A, %dma_start3A_271] : memref<80x128xf32, #tpu.memory_space<vmem>> -> memref<80x128xf32, #tpu.memory_space<vmem>>
        %dma_start3A_273 = arith.constant 9920 : i32
        %dma_start3A_274 = arith.constant 0 : i32
        %dma_start3A_275 = tpu.memref_slice %arg14[%dma_start3A_273, %dma_start3A_274] : memref<10000x128xf32, #tpu.memory_space<vmem_shared>> -> memref<80x128xf32, #tpu.memory_space<vmem_shared>>
        %dma_start3A_276 = arith.constant 9920 : i32
        %dma_start3A_277 = arith.constant 0 : i32
        %dma_start3A_278 = tpu.memref_slice %arg14[%dma_start3A_276, %dma_start3A_277] : memref<10000x128xf32, #tpu.memory_space<vmem_shared>> -> memref<80x128xf32, #tpu.memory_space<vmem_shared>>
        %dma_start3A_279 = arith.constant 0 : i32
        %dma_start3A_280 = arith.constant 0 : i32
        %dma_start3A_281 = tpu.memref_slice %arg12[%dma_start3A_279, %dma_start3A_280] : memref<80x128xf32, #tpu.memory_space<vmem>> -> memref<80x128xf32, #tpu.memory_space<vmem>>
        tpu.enqueue_dma source(%dma_start3A_281 : memref<80x128xf32, #tpu.memory_space<vmem>>) target(%dma_start3A_278 : memref<80x128xf32, #tpu.memory_space<vmem_shared>>) target_semaphore(%run_scoped3A : memref<!tpu.dma_semaphore, #tpu.memory_space<semaphore_mem>>)
        %dma_wait3A = arith.constant 0 : i32
        %dma_wait3A_282 = arith.constant 0 : i32
        %dma_wait3A_283 = tpu.memref_slice %arg12[%dma_wait3A, %dma_wait3A_282] : memref<80x128xf32, #tpu.memory_space<vmem>> -> memref<80x128xf32, #tpu.memory_space<vmem>>
        %dma_wait3A_284 = arith.constant 9920 : i32
        %dma_wait3A_285 = arith.constant 0 : i32
        %dma_wait3A_286 = tpu.memref_slice %arg14[%dma_wait3A_284, %dma_wait3A_285] : memref<10000x128xf32, #tpu.memory_space<vmem_shared>> -> memref<80x128xf32, #tpu.memory_space<vmem_shared>>
        %dma_wait3A_287 = arith.constant 9920 : i32
        %dma_wait3A_288 = arith.constant 0 : i32
        %dma_wait3A_289 = tpu.memref_slice %arg14[%dma_wait3A_287, %dma_wait3A_288] : memref<10000x128xf32, #tpu.memory_space<vmem_shared>> -> memref<80x128xf32, #tpu.memory_space<vmem_shared>>
        %dma_wait3A_290 = arith.constant 0 : i32
        %dma_wait3A_291 = arith.constant 0 : i32
        %dma_wait3A_292 = tpu.memref_slice %arg12[%dma_wait3A_290, %dma_wait3A_291] : memref<80x128xf32, #tpu.memory_space<vmem>> -> memref<80x128xf32, #tpu.memory_space<vmem>>
        tpu.wait_dma2 semaphore(%run_scoped3A : memref<!tpu.dma_semaphore, #tpu.memory_space<semaphore_mem>>) src(%dma_wait3A_292 : memref<80x128xf32, #tpu.memory_space<vmem>>) dst(%dma_wait3A_289 : memref<80x128xf32, #tpu.memory_space<vmem_shared>>)
        tpu.yield
      }) : () -> ()
      "tpu.region"() ({
        %run_scoped3A = tpu.sem_alloc : memref<!tpu.dma_semaphore, #tpu.memory_space<semaphore_mem>>
        %dma_start3A = arith.constant 9360 : i32
        %dma_start3A_271 = tpu.memref_slice %arg15[%dma_start3A] : memref<10000xf32, #tpu.memory_space<vmem_shared>> -> memref<640xf32, #tpu.memory_space<vmem_shared>>
        %dma_start3A_272 = arith.constant 9360 : i32
        %dma_start3A_273 = tpu.memref_slice %arg15[%dma_start3A_272] : memref<10000xf32, #tpu.memory_space<vmem_shared>> -> memref<640xf32, #tpu.memory_space<vmem_shared>>
        tpu.enqueue_dma source(%arg13 : memref<640xf32, #tpu.memory_space<vmem>>) target(%dma_start3A_273 : memref<640xf32, #tpu.memory_space<vmem_shared>>) target_semaphore(%run_scoped3A : memref<!tpu.dma_semaphore, #tpu.memory_space<semaphore_mem>>)
        %dma_wait3A = arith.constant 9360 : i32
        %dma_wait3A_274 = tpu.memref_slice %arg15[%dma_wait3A] : memref<10000xf32, #tpu.memory_space<vmem_shared>> -> memref<640xf32, #tpu.memory_space<vmem_shared>>
        %dma_wait3A_275 = arith.constant 9360 : i32
        %dma_wait3A_276 = tpu.memref_slice %arg15[%dma_wait3A_275] : memref<10000xf32, #tpu.memory_space<vmem_shared>> -> memref<640xf32, #tpu.memory_space<vmem_shared>>
        tpu.wait_dma2 semaphore(%run_scoped3A : memref<!tpu.dma_semaphore, #tpu.memory_space<semaphore_mem>>) src(%arg13 : memref<640xf32, #tpu.memory_space<vmem>>) dst(%dma_wait3A_276 : memref<640xf32, #tpu.memory_space<vmem_shared>>)
        tpu.yield
      }) : () -> ()
    } else {
    }
    %barrier3A = arith.constant 0 : index
    tpu.barrier barrier_id(%barrier3A)
    %mul3A = arith.constant 16 : i32
    %mul3A_250 = arith.muli %arg0, %mul3A : i32
    %add3A = arith.addi %mul3A_250, %arg1 : i32
    %mul3A_251 = arith.constant 10000 : i32
    %mul3A_252 = arith.muli %add3A, %mul3A_251 : i32
    %scan3A_253 = arith.constant 0 : i32
    %scan3A_254 = arith.constant 0 : i32
    %scan3A_255 = arith.constant 125 : i32
    %scan3A_256 = arith.addi %scan3A_254, %scan3A_255 : i32
    %scan3A_257 = arith.constant 1 : i32
    %scan3A_258 = scf.for %scan3A_271 = %scan3A_254 to %scan3A_256 step %scan3A_257 iter_args(%scan3A_272 = %scan3A_253) -> (i32)  : i32 {
      %mul3A_273 = arith.constant 80 : i32
      %mul3A_274 = arith.muli %scan3A_271, %mul3A_273 : i32
      %add3A_275 = arith.addi %mul3A_252, %mul3A_274 : i32
      "tpu.region"() ({
        %run_scoped3A = tpu.sem_alloc : memref<!tpu.dma_semaphore, #tpu.memory_space<semaphore_mem>>
        %dma_start3A_288 = tpu.memref_slice %arg4[%add3A_275] : memref<320000xi32, #tpu.memory_space<hbm>> -> memref<80xi32, #tpu.memory_space<hbm>>
        %dma_start3A_289 = tpu.memref_slice %arg4[%add3A_275] : memref<320000xi32, #tpu.memory_space<hbm>> -> memref<80xi32, #tpu.memory_space<hbm>>
        tpu.enqueue_dma source(%dma_start3A_289 : memref<80xi32, #tpu.memory_space<hbm>>) target(%arg8 : memref<80xi32, #tpu.memory_space<vmem>>) target_semaphore(%run_scoped3A : memref<!tpu.dma_semaphore, #tpu.memory_space<semaphore_mem>>)
        %dma_wait3A_290 = tpu.memref_slice %arg4[%add3A_275] : memref<320000xi32, #tpu.memory_space<hbm>> -> memref<80xi32, #tpu.memory_space<hbm>>
        %dma_wait3A_291 = tpu.memref_slice %arg4[%add3A_275] : memref<320000xi32, #tpu.memory_space<hbm>> -> memref<80xi32, #tpu.memory_space<hbm>>
        tpu.wait_dma2 semaphore(%run_scoped3A : memref<!tpu.dma_semaphore, #tpu.memory_space<semaphore_mem>>) src(%dma_wait3A_291 : memref<80xi32, #tpu.memory_space<hbm>>) dst(%arg8 : memref<80xi32, #tpu.memory_space<vmem>>)
        tpu.yield
      }) : () -> ()
      "tpu.region"() ({
        %run_scoped3A = tpu.sem_alloc : memref<!tpu.dma_semaphore, #tpu.memory_space<semaphore_mem>>
        %dma_start3A_288 = tpu.memref_slice %arg3[%add3A_275] : memref<320000xi32, #tpu.memory_space<hbm>> -> memref<80xi32, #tpu.memory_space<hbm>>
        %dma_start3A_289 = tpu.memref_slice %arg3[%add3A_275] : memref<320000xi32, #tpu.memory_space<hbm>> -> memref<80xi32, #tpu.memory_space<hbm>>
        tpu.enqueue_dma source(%dma_start3A_289 : memref<80xi32, #tpu.memory_space<hbm>>) target(%arg9 : memref<80xi32, #tpu.memory_space<vmem>>) target_semaphore(%run_scoped3A : memref<!tpu.dma_semaphore, #tpu.memory_space<semaphore_mem>>)
        %dma_wait3A_290 = tpu.memref_slice %arg3[%add3A_275] : memref<320000xi32, #tpu.memory_space<hbm>> -> memref<80xi32, #tpu.memory_space<hbm>>
        %dma_wait3A_291 = tpu.memref_slice %arg3[%add3A_275] : memref<320000xi32, #tpu.memory_space<hbm>> -> memref<80xi32, #tpu.memory_space<hbm>>
        tpu.wait_dma2 semaphore(%run_scoped3A : memref<!tpu.dma_semaphore, #tpu.memory_space<semaphore_mem>>) src(%dma_wait3A_291 : memref<80xi32, #tpu.memory_space<hbm>>) dst(%arg9 : memref<80xi32, #tpu.memory_space<vmem>>)
        tpu.yield
      }) : () -> ()
      "tpu.region"() ({
        %run_scoped3A = tpu.sem_alloc : memref<!tpu.dma_semaphore, #tpu.memory_space<semaphore_mem>>
        %dma_start3A_288 = arith.constant 0 : i32
        %dma_start3A_289 = tpu.memref_slice %arg10[%dma_start3A_288] : memref<96xf32, #tpu.memory_space<vmem>> -> memref<80xf32, #tpu.memory_space<vmem>>
        %dma_start3A_290 = tpu.memref_slice %arg5[%add3A_275] : memref<320000xf32, #tpu.memory_space<hbm>> -> memref<80xf32, #tpu.memory_space<hbm>>
        %dma_start3A_291 = arith.constant 0 : i32
        %dma_start3A_292 = tpu.memref_slice %arg10[%dma_start3A_291] : memref<96xf32, #tpu.memory_space<vmem>> -> memref<80xf32, #tpu.memory_space<vmem>>
        %dma_start3A_293 = tpu.memref_slice %arg5[%add3A_275] : memref<320000xf32, #tpu.memory_space<hbm>> -> memref<80xf32, #tpu.memory_space<hbm>>
        tpu.enqueue_dma source(%dma_start3A_293 : memref<80xf32, #tpu.memory_space<hbm>>) target(%dma_start3A_292 : memref<80xf32, #tpu.memory_space<vmem>>) target_semaphore(%run_scoped3A : memref<!tpu.dma_semaphore, #tpu.memory_space<semaphore_mem>>)
        %dma_wait3A_294 = arith.constant 0 : i32
        %dma_wait3A_295 = tpu.memref_slice %arg10[%dma_wait3A_294] : memref<96xf32, #tpu.memory_space<vmem>> -> memref<80xf32, #tpu.memory_space<vmem>>
        %dma_wait3A_296 = tpu.memref_slice %arg5[%add3A_275] : memref<320000xf32, #tpu.memory_space<hbm>> -> memref<80xf32, #tpu.memory_space<hbm>>
        %dma_wait3A_297 = arith.constant 0 : i32
        %dma_wait3A_298 = tpu.memref_slice %arg10[%dma_wait3A_297] : memref<96xf32, #tpu.memory_space<vmem>> -> memref<80xf32, #tpu.memory_space<vmem>>
        %dma_wait3A_299 = tpu.memref_slice %arg5[%add3A_275] : memref<320000xf32, #tpu.memory_space<hbm>> -> memref<80xf32, #tpu.memory_space<hbm>>
        tpu.wait_dma2 semaphore(%run_scoped3A : memref<!tpu.dma_semaphore, #tpu.memory_space<semaphore_mem>>) src(%dma_wait3A_299 : memref<80xf32, #tpu.memory_space<hbm>>) dst(%dma_wait3A_298 : memref<80xf32, #tpu.memory_space<vmem>>)
        tpu.yield
      }) : () -> ()
      %dma_start3A = arith.constant 0 : i32
      %dma_start3A_276 = arith.constant 0 : i32
      %dma_start3A_277 = tpu.memref_slice %arg2[%dma_start3A, %dma_start3A_276] : memref<10000x128xf32, #tpu.memory_space<hbm>> -> memref<10000x128xf32, #tpu.memory_space<hbm>>
      tpu.enqueue_indirect_dma source(%dma_start3A_277 : memref<10000x128xf32, #tpu.memory_space<hbm>>) target(%arg11 : memref<80x128xf32, #tpu.memory_space<vmem>>) offsets(%arg8 : memref<80xi32, #tpu.memory_space<vmem>>) semaphore(%arg16 : memref<!tpu.dma_semaphore, #tpu.memory_space<semaphore_mem>>)
      %dma_wait3A = arith.constant 0 : i32
      %dma_wait3A_278 = arith.constant 0 : i32
      %dma_wait3A_279 = tpu.memref_slice %arg2[%dma_wait3A, %dma_wait3A_278] : memref<10000x128xf32, #tpu.memory_space<hbm>> -> memref<10000x128xf32, #tpu.memory_space<hbm>>
      tpu.wait_indirect_dma semaphore(%arg16 : memref<!tpu.dma_semaphore, #tpu.memory_space<semaphore_mem>>) src(%dma_wait3A_279 : memref<10000x128xf32, #tpu.memory_space<hbm>>) dst(%arg11 : memref<80x128xf32, #tpu.memory_space<vmem>>)
      "tpu.region"() ({
        %run_scoped3A = tpu.sem_alloc : memref<!tpu.dma_semaphore, #tpu.memory_space<semaphore_mem>>
        %dma_start3A_288 = arith.constant 0 : i32
        %dma_start3A_289 = tpu.memref_slice %arg10[%dma_start3A_288] : memref<96xf32, #tpu.memory_space<vmem>> -> memref<80xf32, #tpu.memory_space<vmem>>
        %dma_start3A_290 = arith.constant 0 : i32
        %dma_start3A_291 = tpu.memref_slice %arg15[%dma_start3A_290] : memref<10000xf32, #tpu.memory_space<vmem_shared>> -> memref<10000xf32, #tpu.memory_space<vmem_shared>>
        tpu.enqueue_indirect_dma source(%dma_start3A_289 : memref<80xf32, #tpu.memory_space<vmem>>) target(%dma_start3A_291 : memref<10000xf32, #tpu.memory_space<vmem_shared>>) offsets(%arg9 : memref<80xi32, #tpu.memory_space<vmem>>) semaphore(%run_scoped3A : memref<!tpu.dma_semaphore, #tpu.memory_space<semaphore_mem>>) {add = true}
        %dma_wait3A_292 = arith.constant 0 : i32
        %dma_wait3A_293 = tpu.memref_slice %arg10[%dma_wait3A_292] : memref<96xf32, #tpu.memory_space<vmem>> -> memref<80xf32, #tpu.memory_space<vmem>>
        %dma_wait3A_294 = arith.constant 0 : i32
        %dma_wait3A_295 = tpu.memref_slice %arg15[%dma_wait3A_294] : memref<10000xf32, #tpu.memory_space<vmem_shared>> -> memref<10000xf32, #tpu.memory_space<vmem_shared>>
        tpu.wait_indirect_dma semaphore(%run_scoped3A : memref<!tpu.dma_semaphore, #tpu.memory_space<semaphore_mem>>) src(%dma_wait3A_293 : memref<80xf32, #tpu.memory_space<vmem>>) dst(%dma_wait3A_295 : memref<10000xf32, #tpu.memory_space<vmem_shared>>)
        tpu.yield
      }) : () -> ()
      %scan3A_280 = arith.constant 0 : i32
      %scan3A_281 = arith.constant 0 : i32
      %scan3A_282 = arith.constant 80 : i32
      %scan3A_283 = arith.addi %scan3A_281, %scan3A_282 : i32
      %scan3A_284 = arith.constant 1 : i32
      %scan3A_285 = scf.for %scan3A_288 = %scan3A_281 to %scan3A_283 step %scan3A_284 iter_args(%scan3A_289 = %scan3A_280) -> (i32)  : i32 {
        %get3A = arith.index_cast %scan3A_288 : i32 to index
        %get3A_290 = tpu.vector_load %arg10[%get3A] {strides = array<i32>} : memref<96xf32, #tpu.memory_space<vmem>>, vector<16xf32>,
        %get3A_291 = vector.shape_cast %get3A_290 : vector<16xf32> to vector<16xf32>
        %slice3A = vector.extract_strided_slice %get3A_291 {offsets = [0], sizes = [1], strides = [1]} : vector<16xf32> to vector<1xf32>
        %squeeze3A = vector.extract %slice3A[0] : f32 from vector<1xf32>
        %get3A_292 = arith.index_cast %scan3A_288 : i32 to index
        %get3A_293 = arith.constant 0 : index
        %get3A_294 = tpu.vector_load %arg11[%get3A_292, %get3A_293] {strides = array<i32>} : memref<80x128xf32, #tpu.memory_space<vmem>>, vector<1x16xf32>,
        %get3A_295 = vector.shape_cast %get3A_294 : vector<1x16xf32> to vector<16xf32>
        %mul3A_296 = vector.broadcast %squeeze3A : f32 to vector<16xf32>
        %mul3A_297 = arith.mulf %get3A_295, %mul3A_296 : vector<16xf32>
        %swap3A_298 = arith.index_cast %scan3A_288 : i32 to index
        %swap3A_299 = arith.constant 0 : index
        %swap3A_300 = tpu.vector_load %arg11[%swap3A_298, %swap3A_299] {strides = array<i32>} : memref<80x128xf32, #tpu.memory_space<vmem>>, vector<1x16xf32>,
        %swap3A_301 = vector.shape_cast %swap3A_300 : vector<1x16xf32> to vector<16xf32>
        %swap3A_302 = vector.shape_cast %mul3A_297 : vector<16xf32> to vector<1x16xf32>
        tpu.vector_store %arg11[%swap3A_298, %swap3A_299], %swap3A_302 {strides = array<i32>} : memref<80x128xf32, #tpu.memory_space<vmem>>, vector<1x16xf32>,
        %get3A_303 = arith.index_cast %scan3A_288 : i32 to index
        %get3A_304 = arith.constant 16 : index
        %get3A_305 = tpu.vector_load %arg11[%get3A_303, %get3A_304] {strides = array<i32>} : memref<80x128xf32, #tpu.memory_space<vmem>>, vector<1x16xf32>,
        %get3A_306 = vector.shape_cast %get3A_305 : vector<1x16xf32> to vector<16xf32>
        %mul3A_307 = vector.broadcast %squeeze3A : f32 to vector<16xf32>
        %mul3A_308 = arith.mulf %get3A_306, %mul3A_307 : vector<16xf32>
        %swap3A_309 = arith.index_cast %scan3A_288 : i32 to index
        %swap3A_310 = arith.constant 16 : index
        %swap3A_311 = tpu.vector_load %arg11[%swap3A_309, %swap3A_310] {strides = array<i32>} : memref<80x128xf32, #tpu.memory_space<vmem>>, vector<1x16xf32>,
        %swap3A_312 = vector.shape_cast %swap3A_311 : vector<1x16xf32> to vector<16xf32>
        %swap3A_313 = vector.shape_cast %mul3A_308 : vector<16xf32> to vector<1x16xf32>
        tpu.vector_store %arg11[%swap3A_309, %swap3A_310], %swap3A_313 {strides = array<i32>} : memref<80x128xf32, #tpu.memory_space<vmem>>, vector<1x16xf32>,
        %get3A_314 = arith.index_cast %scan3A_288 : i32 to index
        %get3A_315 = arith.constant 32 : index
        %get3A_316 = tpu.vector_load %arg11[%get3A_314, %get3A_315] {strides = array<i32>} : memref<80x128xf32, #tpu.memory_space<vmem>>, vector<1x16xf32>,
        %get3A_317 = vector.shape_cast %get3A_316 : vector<1x16xf32> to vector<16xf32>
        %mul3A_318 = vector.broadcast %squeeze3A : f32 to vector<16xf32>
        %mul3A_319 = arith.mulf %get3A_317, %mul3A_318 : vector<16xf32>
        %swap3A_320 = arith.index_cast %scan3A_288 : i32 to index
        %swap3A_321 = arith.constant 32 : index
        %swap3A_322 = tpu.vector_load %arg11[%swap3A_320, %swap3A_321] {strides = array<i32>} : memref<80x128xf32, #tpu.memory_space<vmem>>, vector<1x16xf32>,
        %swap3A_323 = vector.shape_cast %swap3A_322 : vector<1x16xf32> to vector<16xf32>
        %swap3A_324 = vector.shape_cast %mul3A_319 : vector<16xf32> to vector<1x16xf32>
        tpu.vector_store %arg11[%swap3A_320, %swap3A_321], %swap3A_324 {strides = array<i32>} : memref<80x128xf32, #tpu.memory_space<vmem>>, vector<1x16xf32>,
        %get3A_325 = arith.index_cast %scan3A_288 : i32 to index
        %get3A_326 = arith.constant 48 : index
        %get3A_327 = tpu.vector_load %arg11[%get3A_325, %get3A_326] {strides = array<i32>} : memref<80x128xf32, #tpu.memory_space<vmem>>, vector<1x16xf32>,
        %get3A_328 = vector.shape_cast %get3A_327 : vector<1x16xf32> to vector<16xf32>
        %mul3A_329 = vector.broadcast %squeeze3A : f32 to vector<16xf32>
        %mul3A_330 = arith.mulf %get3A_328, %mul3A_329 : vector<16xf32>
        %swap3A_331 = arith.index_cast %scan3A_288 : i32 to index
        %swap3A_332 = arith.constant 48 : index
        %swap3A_333 = tpu.vector_load %arg11[%swap3A_331, %swap3A_332] {strides = array<i32>} : memref<80x128xf32, #tpu.memory_space<vmem>>, vector<1x16xf32>,
        %swap3A_334 = vector.shape_cast %swap3A_333 : vector<1x16xf32> to vector<16xf32>
        %swap3A_335 = vector.shape_cast %mul3A_330 : vector<16xf32> to vector<1x16xf32>
        tpu.vector_store %arg11[%swap3A_331, %swap3A_332], %swap3A_335 {strides = array<i32>} : memref<80x128xf32, #tpu.memory_space<vmem>>, vector<1x16xf32>,
        %get3A_336 = arith.index_cast %scan3A_288 : i32 to index
        %get3A_337 = arith.constant 64 : index
        %get3A_338 = tpu.vector_load %arg11[%get3A_336, %get3A_337] {strides = array<i32>} : memref<80x128xf32, #tpu.memory_space<vmem>>, vector<1x16xf32>,
        %get3A_339 = vector.shape_cast %get3A_338 : vector<1x16xf32> to vector<16xf32>
        %mul3A_340 = vector.broadcast %squeeze3A : f32 to vector<16xf32>
        %mul3A_341 = arith.mulf %get3A_339, %mul3A_340 : vector<16xf32>
        %swap3A_342 = arith.index_cast %scan3A_288 : i32 to index
        %swap3A_343 = arith.constant 64 : index
        %swap3A_344 = tpu.vector_load %arg11[%swap3A_342, %swap3A_343] {strides = array<i32>} : memref<80x128xf32, #tpu.memory_space<vmem>>, vector<1x16xf32>,
        %swap3A_345 = vector.shape_cast %swap3A_344 : vector<1x16xf32> to vector<16xf32>
        %swap3A_346 = vector.shape_cast %mul3A_341 : vector<16xf32> to vector<1x16xf32>
        tpu.vector_store %arg11[%swap3A_342, %swap3A_343], %swap3A_346 {strides = array<i32>} : memref<80x128xf32, #tpu.memory_space<vmem>>, vector<1x16xf32>,
        %get3A_347 = arith.index_cast %scan3A_288 : i32 to index
        %get3A_348 = arith.constant 80 : index
        %get3A_349 = tpu.vector_load %arg11[%get3A_347, %get3A_348] {strides = array<i32>} : memref<80x128xf32, #tpu.memory_space<vmem>>, vector<1x16xf32>,
        %get3A_350 = vector.shape_cast %get3A_349 : vector<1x16xf32> to vector<16xf32>
        %mul3A_351 = vector.broadcast %squeeze3A : f32 to vector<16xf32>
        %mul3A_352 = arith.mulf %get3A_350, %mul3A_351 : vector<16xf32>
        %swap3A_353 = arith.index_cast %scan3A_288 : i32 to index
        %swap3A_354 = arith.constant 80 : index
        %swap3A_355 = tpu.vector_load %arg11[%swap3A_353, %swap3A_354] {strides = array<i32>} : memref<80x128xf32, #tpu.memory_space<vmem>>, vector<1x16xf32>,
        %swap3A_356 = vector.shape_cast %swap3A_355 : vector<1x16xf32> to vector<16xf32>
        %swap3A_357 = vector.shape_cast %mul3A_352 : vector<16xf32> to vector<1x16xf32>
        tpu.vector_store %arg11[%swap3A_353, %swap3A_354], %swap3A_357 {strides = array<i32>} : memref<80x128xf32, #tpu.memory_space<vmem>>, vector<1x16xf32>,
        %get3A_358 = arith.index_cast %scan3A_288 : i32 to index
        %get3A_359 = arith.constant 96 : index
        %get3A_360 = tpu.vector_load %arg11[%get3A_358, %get3A_359] {strides = array<i32>} : memref<80x128xf32, #tpu.memory_space<vmem>>, vector<1x16xf32>,
        %get3A_361 = vector.shape_cast %get3A_360 : vector<1x16xf32> to vector<16xf32>
        %mul3A_362 = vector.broadcast %squeeze3A : f32 to vector<16xf32>
        %mul3A_363 = arith.mulf %get3A_361, %mul3A_362 : vector<16xf32>
        %swap3A_364 = arith.index_cast %scan3A_288 : i32 to index
        %swap3A_365 = arith.constant 96 : index
        %swap3A_366 = tpu.vector_load %arg11[%swap3A_364, %swap3A_365] {strides = array<i32>} : memref<80x128xf32, #tpu.memory_space<vmem>>, vector<1x16xf32>,
        %swap3A_367 = vector.shape_cast %swap3A_366 : vector<1x16xf32> to vector<16xf32>
        %swap3A_368 = vector.shape_cast %mul3A_363 : vector<16xf32> to vector<1x16xf32>
        tpu.vector_store %arg11[%swap3A_364, %swap3A_365], %swap3A_368 {strides = array<i32>} : memref<80x128xf32, #tpu.memory_space<vmem>>, vector<1x16xf32>,
        %get3A_369 = arith.index_cast %scan3A_288 : i32 to index
        %get3A_370 = arith.constant 112 : index
        %get3A_371 = tpu.vector_load %arg11[%get3A_369, %get3A_370] {strides = array<i32>} : memref<80x128xf32, #tpu.memory_space<vmem>>, vector<1x16xf32>,
        %get3A_372 = vector.shape_cast %get3A_371 : vector<1x16xf32> to vector<16xf32>
        %mul3A_373 = vector.broadcast %squeeze3A : f32 to vector<16xf32>
        %mul3A_374 = arith.mulf %get3A_372, %mul3A_373 : vector<16xf32>
        %swap3A_375 = arith.index_cast %scan3A_288 : i32 to index
        %swap3A_376 = arith.constant 112 : index
        %swap3A_377 = tpu.vector_load %arg11[%swap3A_375, %swap3A_376] {strides = array<i32>} : memref<80x128xf32, #tpu.memory_space<vmem>>, vector<1x16xf32>,
        %swap3A_378 = vector.shape_cast %swap3A_377 : vector<1x16xf32> to vector<16xf32>
        %swap3A_379 = vector.shape_cast %mul3A_374 : vector<16xf32> to vector<1x16xf32>
        tpu.vector_store %arg11[%swap3A_375, %swap3A_376], %swap3A_379 {strides = array<i32>} : memref<80x128xf32, #tpu.memory_space<vmem>>, vector<1x16xf32>,
        %scan3A_380 = arith.constant 0 : i32
        scf.yield %scan3A_380 : i32
      }
      %scan3A_286 = arith.constant 80 : i32
      "tpu.region"() ({
        %run_scoped3A = tpu.sem_alloc : memref<!tpu.dma_semaphore, #tpu.memory_space<semaphore_mem>>
        %dma_start3A_288 = arith.constant 0 : i32
        %dma_start3A_289 = arith.constant 0 : i32
        %dma_start3A_290 = tpu.memref_slice %arg14[%dma_start3A_288, %dma_start3A_289] : memref<10000x128xf32, #tpu.memory_space<vmem_shared>> -> memref<10000x128xf32, #tpu.memory_space<vmem_shared>>
        tpu.enqueue_indirect_dma source(%arg11 : memref<80x128xf32, #tpu.memory_space<vmem>>) target(%dma_start3A_290 : memref<10000x128xf32, #tpu.memory_space<vmem_shared>>) offsets(%arg9 : memref<80xi32, #tpu.memory_space<vmem>>) semaphore(%run_scoped3A : memref<!tpu.dma_semaphore, #tpu.memory_space<semaphore_mem>>) {add = true}
        %dma_wait3A_291 = arith.constant 0 : i32
        %dma_wait3A_292 = arith.constant 0 : i32
        %dma_wait3A_293 = tpu.memref_slice %arg14[%dma_wait3A_291, %dma_wait3A_292] : memref<10000x128xf32, #tpu.memory_space<vmem_shared>> -> memref<10000x128xf32, #tpu.memory_space<vmem_shared>>
        tpu.wait_indirect_dma semaphore(%run_scoped3A : memref<!tpu.dma_semaphore, #tpu.memory_space<semaphore_mem>>) src(%arg11 : memref<80x128xf32, #tpu.memory_space<vmem>>) dst(%dma_wait3A_293 : memref<10000x128xf32, #tpu.memory_space<vmem_shared>>)
        tpu.yield
      }) : () -> ()
      %scan3A_287 = arith.constant 0 : i32
      scf.yield %scan3A_287 : i32
    }
    %scan3A_259 = arith.constant 125 : i32
    %barrier3A_260 = arith.constant 0 : index
    tpu.barrier barrier_id(%barrier3A_260)
    %lt3A_261 = arith.constant 15 : i32
    %lt3A_262 = arith.cmpi slt, %arg1, %lt3A_261 : i32
    %convert_element_type3A_263 = arith.extui %lt3A_262 : i1 to i32
    %cond3A_264 = arith.constant 0 : i32
    %cond3A_265 = arith.cmpi ne, %convert_element_type3A_263, %cond3A_264 : i32
    scf.if %cond3A_265 {
      %mul3A_271 = arith.constant 624 : i32
      %mul3A_272 = arith.muli %arg1, %mul3A_271 : i32
      %add3A_273 = arith.constant 0 : i32
      %add3A_274 = arith.addi %mul3A_272, %add3A_273 : i32
      "tpu.region"() ({
        %run_scoped3A = tpu.sem_alloc : memref<!tpu.dma_semaphore, #tpu.memory_space<semaphore_mem>>
        %dma_start3A = arith.constant 0 : i32
        %dma_start3A_310 = arith.constant 0 : i32
        %dma_start3A_311 = tpu.memref_slice %arg12[%dma_start3A, %dma_start3A_310] : memref<80x128xf32, #tpu.memory_space<vmem>> -> memref<80x128xf32, #tpu.memory_space<vmem>>
        %dma_start3A_312 = arith.constant 0 : i32
        %dma_start3A_313 = tpu.memref_slice %arg14[%add3A_274, %dma_start3A_312] : memref<10000x128xf32, #tpu.memory_space<vmem_shared>> -> memref<80x128xf32, #tpu.memory_space<vmem_shared>>
        %dma_start3A_314 = arith.constant 0 : i32
        %dma_start3A_315 = arith.constant 0 : i32
        %dma_start3A_316 = tpu.memref_slice %arg12[%dma_start3A_314, %dma_start3A_315] : memref<80x128xf32, #tpu.memory_space<vmem>> -> memref<80x128xf32, #tpu.memory_space<vmem>>
        %dma_start3A_317 = arith.constant 0 : i32
        %dma_start3A_318 = tpu.memref_slice %arg14[%add3A_274, %dma_start3A_317] : memref<10000x128xf32, #tpu.memory_space<vmem_shared>> -> memref<80x128xf32, #tpu.memory_space<vmem_shared>>
        tpu.enqueue_dma source(%dma_start3A_318 : memref<80x128xf32, #tpu.memory_space<vmem_shared>>) target(%dma_start3A_316 : memref<80x128xf32, #tpu.memory_space<vmem>>) target_semaphore(%run_scoped3A : memref<!tpu.dma_semaphore, #tpu.memory_space<semaphore_mem>>)
        %dma_wait3A = arith.constant 0 : i32
        %dma_wait3A_319 = arith.constant 0 : i32
        %dma_wait3A_320 = tpu.memref_slice %arg12[%dma_wait3A, %dma_wait3A_319] : memref<80x128xf32, #tpu.memory_space<vmem>> -> memref<80x128xf32, #tpu.memory_space<vmem>>
        %dma_wait3A_321 = arith.constant 0 : i32
        %dma_wait3A_322 = tpu.memref_slice %arg14[%add3A_274, %dma_wait3A_321] : memref<10000x128xf32, #tpu.memory_space<vmem_shared>> -> memref<80x128xf32, #tpu.memory_space<vmem_shared>>
        %dma_wait3A_323 = arith.constant 0 : i32
        %dma_wait3A_324 = arith.constant 0 : i32
        %dma_wait3A_325 = tpu.memref_slice %arg12[%dma_wait3A_323, %dma_wait3A_324] : memref<80x128xf32, #tpu.memory_space<vmem>> -> memref<80x128xf32, #tpu.memory_space<vmem>>
        %dma_wait3A_326 = arith.constant 0 : i32
        %dma_wait3A_327 = tpu.memref_slice %arg14[%add3A_274, %dma_wait3A_326] : memref<10000x128xf32, #tpu.memory_space<vmem_shared>> -> memref<80x128xf32, #tpu.memory_space<vmem_shared>>
        tpu.wait_dma2 semaphore(%run_scoped3A : memref<!tpu.dma_semaphore, #tpu.memory_space<semaphore_mem>>) src(%dma_wait3A_327 : memref<80x128xf32, #tpu.memory_space<vmem_shared>>) dst(%dma_wait3A_325 : memref<80x128xf32, #tpu.memory_space<vmem>>)
        tpu.yield
      }) : () -> ()
      "tpu.region"() ({
        %run_scoped3A = tpu.sem_alloc : memref<!tpu.dma_semaphore, #tpu.memory_space<semaphore_mem>>
        %dma_start3A = arith.constant 0 : i32
        %dma_start3A_310 = arith.constant 0 : i32
        %dma_start3A_311 = tpu.memref_slice %arg12[%dma_start3A, %dma_start3A_310] : memref<80x128xf32, #tpu.memory_space<vmem>> -> memref<80x128xf32, #tpu.memory_space<vmem>>
        %dma_start3A_312 = arith.constant 0 : i32
        %dma_start3A_313 = tpu.memref_slice %arg6[%arg0, %add3A_274, %dma_start3A_312] : memref<2x10000x128xf32, #tpu.memory_space<hbm>> -> memref<1x80x128xf32, #tpu.memory_space<hbm>>
        %dma_start3A_314 = tpu.memref_squeeze %dma_start3A_313 : memref<1x80x128xf32, #tpu.memory_space<hbm>> -> memref<80x128xf32, #tpu.memory_space<hbm>>
        %dma_start3A_315 = arith.constant 0 : i32
        %dma_start3A_316 = tpu.memref_slice %arg6[%arg0, %add3A_274, %dma_start3A_315] : memref<2x10000x128xf32, #tpu.memory_space<hbm>> -> memref<1x80x128xf32, #tpu.memory_space<hbm>>
        %dma_start3A_317 = tpu.memref_squeeze %dma_start3A_316 : memref<1x80x128xf32, #tpu.memory_space<hbm>> -> memref<80x128xf32, #tpu.memory_space<hbm>>
        %dma_start3A_318 = arith.constant 0 : i32
        %dma_start3A_319 = arith.constant 0 : i32
        %dma_start3A_320 = tpu.memref_slice %arg12[%dma_start3A_318, %dma_start3A_319] : memref<80x128xf32, #tpu.memory_space<vmem>> -> memref<80x128xf32, #tpu.memory_space<vmem>>
        tpu.enqueue_dma source(%dma_start3A_320 : memref<80x128xf32, #tpu.memory_space<vmem>>) target(%dma_start3A_317 : memref<80x128xf32, #tpu.memory_space<hbm>>) target_semaphore(%run_scoped3A : memref<!tpu.dma_semaphore, #tpu.memory_space<semaphore_mem>>)
        %dma_wait3A = arith.constant 0 : i32
        %dma_wait3A_321 = arith.constant 0 : i32
        %dma_wait3A_322 = tpu.memref_slice %arg12[%dma_wait3A, %dma_wait3A_321] : memref<80x128xf32, #tpu.memory_space<vmem>> -> memref<80x128xf32, #tpu.memory_space<vmem>>
        %dma_wait3A_323 = arith.constant 0 : i32
        %dma_wait3A_324 = tpu.memref_slice %arg6[%arg0, %add3A_274, %dma_wait3A_323] : memref<2x10000x128xf32, #tpu.memory_space<hbm>> -> memref<1x80x128xf32, #tpu.memory_space<hbm>>
        %dma_wait3A_325 = tpu.memref_squeeze %dma_wait3A_324 : memref<1x80x128xf32, #tpu.memory_space<hbm>> -> memref<80x128xf32, #tpu.memory_space<hbm>>
        %dma_wait3A_326 = arith.constant 0 : i32
        %dma_wait3A_327 = tpu.memref_slice %arg6[%arg0, %add3A_274, %dma_wait3A_326] : memref<2x10000x128xf32, #tpu.memory_space<hbm>> -> memref<1x80x128xf32, #tpu.memory_space<hbm>>
        %dma_wait3A_328 = tpu.memref_squeeze %dma_wait3A_327 : memref<1x80x128xf32, #tpu.memory_space<hbm>> -> memref<80x128xf32, #tpu.memory_space<hbm>>
        %dma_wait3A_329 = arith.constant 0 : i32
        %dma_wait3A_330 = arith.constant 0 : i32
        %dma_wait3A_331 = tpu.memref_slice %arg12[%dma_wait3A_329, %dma_wait3A_330] : memref<80x128xf32, #tpu.memory_space<vmem>> -> memref<80x128xf32, #tpu.memory_space<vmem>>
        tpu.wait_dma2 semaphore(%run_scoped3A : memref<!tpu.dma_semaphore, #tpu.memory_space<semaphore_mem>>) src(%dma_wait3A_331 : memref<80x128xf32, #tpu.memory_space<vmem>>) dst(%dma_wait3A_328 : memref<80x128xf32, #tpu.memory_space<hbm>>)
        tpu.yield
      }) : () -> ()
      %mul3A_275 = arith.constant 624 : i32
      %mul3A_276 = arith.muli %arg1, %mul3A_275 : i32
      %add3A_277 = arith.constant 80 : i32
      %add3A_278 = arith.addi %mul3A_276, %add3A_277 : i32
      "tpu.region"() ({
        %run_scoped3A = tpu.sem_alloc : memref<!tpu.dma_semaphore, #tpu.memory_space<semaphore_mem>>
        %dma_start3A = arith.constant 0 : i32
        %dma_start3A_310 = arith.constant 0 : i32
        %dma_start3A_311 = tpu.memref_slice %arg12[%dma_start3A, %dma_start3A_310] : memref<80x128xf32, #tpu.memory_space<vmem>> -> memref<80x128xf32, #tpu.memory_space<vmem>>
        %dma_start3A_312 = arith.constant 0 : i32
        %dma_start3A_313 = tpu.memref_slice %arg14[%add3A_278, %dma_start3A_312] : memref<10000x128xf32, #tpu.memory_space<vmem_shared>> -> memref<80x128xf32, #tpu.memory_space<vmem_shared>>
        %dma_start3A_314 = arith.constant 0 : i32
        %dma_start3A_315 = arith.constant 0 : i32
        %dma_start3A_316 = tpu.memref_slice %arg12[%dma_start3A_314, %dma_start3A_315] : memref<80x128xf32, #tpu.memory_space<vmem>> -> memref<80x128xf32, #tpu.memory_space<vmem>>
        %dma_start3A_317 = arith.constant 0 : i32
        %dma_start3A_318 = tpu.memref_slice %arg14[%add3A_278, %dma_start3A_317] : memref<10000x128xf32, #tpu.memory_space<vmem_shared>> -> memref<80x128xf32, #tpu.memory_space<vmem_shared>>
        tpu.enqueue_dma source(%dma_start3A_318 : memref<80x128xf32, #tpu.memory_space<vmem_shared>>) target(%dma_start3A_316 : memref<80x128xf32, #tpu.memory_space<vmem>>) target_semaphore(%run_scoped3A : memref<!tpu.dma_semaphore, #tpu.memory_space<semaphore_mem>>)
        %dma_wait3A = arith.constant 0 : i32
        %dma_wait3A_319 = arith.constant 0 : i32
        %dma_wait3A_320 = tpu.memref_slice %arg12[%dma_wait3A, %dma_wait3A_319] : memref<80x128xf32, #tpu.memory_space<vmem>> -> memref<80x128xf32, #tpu.memory_space<vmem>>
        %dma_wait3A_321 = arith.constant 0 : i32
        %dma_wait3A_322 = tpu.memref_slice %arg14[%add3A_278, %dma_wait3A_321] : memref<10000x128xf32, #tpu.memory_space<vmem_shared>> -> memref<80x128xf32, #tpu.memory_space<vmem_shared>>
        %dma_wait3A_323 = arith.constant 0 : i32
        %dma_wait3A_324 = arith.constant 0 : i32
        %dma_wait3A_325 = tpu.memref_slice %arg12[%dma_wait3A_323, %dma_wait3A_324] : memref<80x128xf32, #tpu.memory_space<vmem>> -> memref<80x128xf32, #tpu.memory_space<vmem>>
        %dma_wait3A_326 = arith.constant 0 : i32
        %dma_wait3A_327 = tpu.memref_slice %arg14[%add3A_278, %dma_wait3A_326] : memref<10000x128xf32, #tpu.memory_space<vmem_shared>> -> memref<80x128xf32, #tpu.memory_space<vmem_shared>>
        tpu.wait_dma2 semaphore(%run_scoped3A : memref<!tpu.dma_semaphore, #tpu.memory_space<semaphore_mem>>) src(%dma_wait3A_327 : memref<80x128xf32, #tpu.memory_space<vmem_shared>>) dst(%dma_wait3A_325 : memref<80x128xf32, #tpu.memory_space<vmem>>)
        tpu.yield
      }) : () -> ()
      "tpu.region"() ({
        %run_scoped3A = tpu.sem_alloc : memref<!tpu.dma_semaphore, #tpu.memory_space<semaphore_mem>>
        %dma_start3A = arith.constant 0 : i32
        %dma_start3A_310 = arith.constant 0 : i32
        %dma_start3A_311 = tpu.memref_slice %arg12[%dma_start3A, %dma_start3A_310] : memref<80x128xf32, #tpu.memory_space<vmem>> -> memref<80x128xf32, #tpu.memory_space<vmem>>
        %dma_start3A_312 = arith.constant 0 : i32
        %dma_start3A_313 = tpu.memref_slice %arg6[%arg0, %add3A_278, %dma_start3A_312] : memref<2x10000x128xf32, #tpu.memory_space<hbm>> -> memref<1x80x128xf32, #tpu.memory_space<hbm>>
        %dma_start3A_314 = tpu.memref_squeeze %dma_start3A_313 : memref<1x80x128xf32, #tpu.memory_space<hbm>> -> memref<80x128xf32, #tpu.memory_space<hbm>>
        %dma_start3A_315 = arith.constant 0 : i32
        %dma_start3A_316 = tpu.memref_slice %arg6[%arg0, %add3A_278, %dma_start3A_315] : memref<2x10000x128xf32, #tpu.memory_space<hbm>> -> memref<1x80x128xf32, #tpu.memory_space<hbm>>
        %dma_start3A_317 = tpu.memref_squeeze %dma_start3A_316 : memref<1x80x128xf32, #tpu.memory_space<hbm>> -> memref<80x128xf32, #tpu.memory_space<hbm>>
        %dma_start3A_318 = arith.constant 0 : i32
        %dma_start3A_319 = arith.constant 0 : i32
        %dma_start3A_320 = tpu.memref_slice %arg12[%dma_start3A_318, %dma_start3A_319] : memref<80x128xf32, #tpu.memory_space<vmem>> -> memref<80x128xf32, #tpu.memory_space<vmem>>
        tpu.enqueue_dma source(%dma_start3A_320 : memref<80x128xf32, #tpu.memory_space<vmem>>) target(%dma_start3A_317 : memref<80x128xf32, #tpu.memory_space<hbm>>) target_semaphore(%run_scoped3A : memref<!tpu.dma_semaphore, #tpu.memory_space<semaphore_mem>>)
        %dma_wait3A = arith.constant 0 : i32
        %dma_wait3A_321 = arith.constant 0 : i32
        %dma_wait3A_322 = tpu.memref_slice %arg12[%dma_wait3A, %dma_wait3A_321] : memref<80x128xf32, #tpu.memory_space<vmem>> -> memref<80x128xf32, #tpu.memory_space<vmem>>
        %dma_wait3A_323 = arith.constant 0 : i32
        %dma_wait3A_324 = tpu.memref_slice %arg6[%arg0, %add3A_278, %dma_wait3A_323] : memref<2x10000x128xf32, #tpu.memory_space<hbm>> -> memref<1x80x128xf32, #tpu.memory_space<hbm>>
        %dma_wait3A_325 = tpu.memref_squeeze %dma_wait3A_324 : memref<1x80x128xf32, #tpu.memory_space<hbm>> -> memref<80x128xf32, #tpu.memory_space<hbm>>
        %dma_wait3A_326 = arith.constant 0 : i32
        %dma_wait3A_327 = tpu.memref_slice %arg6[%arg0, %add3A_278, %dma_wait3A_326] : memref<2x10000x128xf32, #tpu.memory_space<hbm>> -> memref<1x80x128xf32, #tpu.memory_space<hbm>>
        %dma_wait3A_328 = tpu.memref_squeeze %dma_wait3A_327 : memref<1x80x128xf32, #tpu.memory_space<hbm>> -> memref<80x128xf32, #tpu.memory_space<hbm>>
        %dma_wait3A_329 = arith.constant 0 : i32
        %dma_wait3A_330 = arith.constant 0 : i32
        %dma_wait3A_331 = tpu.memref_slice %arg12[%dma_wait3A_329, %dma_wait3A_330] : memref<80x128xf32, #tpu.memory_space<vmem>> -> memref<80x128xf32, #tpu.memory_space<vmem>>
        tpu.wait_dma2 semaphore(%run_scoped3A : memref<!tpu.dma_semaphore, #tpu.memory_space<semaphore_mem>>) src(%dma_wait3A_331 : memref<80x128xf32, #tpu.memory_space<vmem>>) dst(%dma_wait3A_328 : memref<80x128xf32, #tpu.memory_space<hbm>>)
        tpu.yield
      }) : () -> ()
      %mul3A_279 = arith.constant 624 : i32
      %mul3A_280 = arith.muli %arg1, %mul3A_279 : i32
      %add3A_281 = arith.constant 160 : i32
      %add3A_282 = arith.addi %mul3A_280, %add3A_281 : i32
      "tpu.region"() ({
        %run_scoped3A = tpu.sem_alloc : memref<!tpu.dma_semaphore, #tpu.memory_space<semaphore_mem>>
        %dma_start3A = arith.constant 0 : i32
        %dma_start3A_310 = arith.constant 0 : i32
        %dma_start3A_311 = tpu.memref_slice %arg12[%dma_start3A, %dma_start3A_310] : memref<80x128xf32, #tpu.memory_space<vmem>> -> memref<80x128xf32, #tpu.memory_space<vmem>>
        %dma_start3A_312 = arith.constant 0 : i32
        %dma_start3A_313 = tpu.memref_slice %arg14[%add3A_282, %dma_start3A_312] : memref<10000x128xf32, #tpu.memory_space<vmem_shared>> -> memref<80x128xf32, #tpu.memory_space<vmem_shared>>
        %dma_start3A_314 = arith.constant 0 : i32
        %dma_start3A_315 = arith.constant 0 : i32
        %dma_start3A_316 = tpu.memref_slice %arg12[%dma_start3A_314, %dma_start3A_315] : memref<80x128xf32, #tpu.memory_space<vmem>> -> memref<80x128xf32, #tpu.memory_space<vmem>>
        %dma_start3A_317 = arith.constant 0 : i32
        %dma_start3A_318 = tpu.memref_slice %arg14[%add3A_282, %dma_start3A_317] : memref<10000x128xf32, #tpu.memory_space<vmem_shared>> -> memref<80x128xf32, #tpu.memory_space<vmem_shared>>
        tpu.enqueue_dma source(%dma_start3A_318 : memref<80x128xf32, #tpu.memory_space<vmem_shared>>) target(%dma_start3A_316 : memref<80x128xf32, #tpu.memory_space<vmem>>) target_semaphore(%run_scoped3A : memref<!tpu.dma_semaphore, #tpu.memory_space<semaphore_mem>>)
        %dma_wait3A = arith.constant 0 : i32
        %dma_wait3A_319 = arith.constant 0 : i32
        %dma_wait3A_320 = tpu.memref_slice %arg12[%dma_wait3A, %dma_wait3A_319] : memref<80x128xf32, #tpu.memory_space<vmem>> -> memref<80x128xf32, #tpu.memory_space<vmem>>
        %dma_wait3A_321 = arith.constant 0 : i32
        %dma_wait3A_322 = tpu.memref_slice %arg14[%add3A_282, %dma_wait3A_321] : memref<10000x128xf32, #tpu.memory_space<vmem_shared>> -> memref<80x128xf32, #tpu.memory_space<vmem_shared>>
        %dma_wait3A_323 = arith.constant 0 : i32
        %dma_wait3A_324 = arith.constant 0 : i32
        %dma_wait3A_325 = tpu.memref_slice %arg12[%dma_wait3A_323, %dma_wait3A_324] : memref<80x128xf32, #tpu.memory_space<vmem>> -> memref<80x128xf32, #tpu.memory_space<vmem>>
        %dma_wait3A_326 = arith.constant 0 : i32
        %dma_wait3A_327 = tpu.memref_slice %arg14[%add3A_282, %dma_wait3A_326] : memref<10000x128xf32, #tpu.memory_space<vmem_shared>> -> memref<80x128xf32, #tpu.memory_space<vmem_shared>>
        tpu.wait_dma2 semaphore(%run_scoped3A : memref<!tpu.dma_semaphore, #tpu.memory_space<semaphore_mem>>) src(%dma_wait3A_327 : memref<80x128xf32, #tpu.memory_space<vmem_shared>>) dst(%dma_wait3A_325 : memref<80x128xf32, #tpu.memory_space<vmem>>)
        tpu.yield
      }) : () -> ()
      "tpu.region"() ({
        %run_scoped3A = tpu.sem_alloc : memref<!tpu.dma_semaphore, #tpu.memory_space<semaphore_mem>>
        %dma_start3A = arith.constant 0 : i32
        %dma_start3A_310 = arith.constant 0 : i32
        %dma_start3A_311 = tpu.memref_slice %arg12[%dma_start3A, %dma_start3A_310] : memref<80x128xf32, #tpu.memory_space<vmem>> -> memref<80x128xf32, #tpu.memory_space<vmem>>
        %dma_start3A_312 = arith.constant 0 : i32
        %dma_start3A_313 = tpu.memref_slice %arg6[%arg0, %add3A_282, %dma_start3A_312] : memref<2x10000x128xf32, #tpu.memory_space<hbm>> -> memref<1x80x128xf32, #tpu.memory_space<hbm>>
        %dma_start3A_314 = tpu.memref_squeeze %dma_start3A_313 : memref<1x80x128xf32, #tpu.memory_space<hbm>> -> memref<80x128xf32, #tpu.memory_space<hbm>>
        %dma_start3A_315 = arith.constant 0 : i32
        %dma_start3A_316 = tpu.memref_slice %arg6[%arg0, %add3A_282, %dma_start3A_315] : memref<2x10000x128xf32, #tpu.memory_space<hbm>> -> memref<1x80x128xf32, #tpu.memory_space<hbm>>
        %dma_start3A_317 = tpu.memref_squeeze %dma_start3A_316 : memref<1x80x128xf32, #tpu.memory_space<hbm>> -> memref<80x128xf32, #tpu.memory_space<hbm>>
        %dma_start3A_318 = arith.constant 0 : i32
        %dma_start3A_319 = arith.constant 0 : i32
        %dma_start3A_320 = tpu.memref_slice %arg12[%dma_start3A_318, %dma_start3A_319] : memref<80x128xf32, #tpu.memory_space<vmem>> -> memref<80x128xf32, #tpu.memory_space<vmem>>
        tpu.enqueue_dma source(%dma_start3A_320 : memref<80x128xf32, #tpu.memory_space<vmem>>) target(%dma_start3A_317 : memref<80x128xf32, #tpu.memory_space<hbm>>) target_semaphore(%run_scoped3A : memref<!tpu.dma_semaphore, #tpu.memory_space<semaphore_mem>>)
        %dma_wait3A = arith.constant 0 : i32
        %dma_wait3A_321 = arith.constant 0 : i32
        %dma_wait3A_322 = tpu.memref_slice %arg12[%dma_wait3A, %dma_wait3A_321] : memref<80x128xf32, #tpu.memory_space<vmem>> -> memref<80x128xf32, #tpu.memory_space<vmem>>
        %dma_wait3A_323 = arith.constant 0 : i32
        %dma_wait3A_324 = tpu.memref_slice %arg6[%arg0, %add3A_282, %dma_wait3A_323] : memref<2x10000x128xf32, #tpu.memory_space<hbm>> -> memref<1x80x128xf32, #tpu.memory_space<hbm>>
        %dma_wait3A_325 = tpu.memref_squeeze %dma_wait3A_324 : memref<1x80x128xf32, #tpu.memory_space<hbm>> -> memref<80x128xf32, #tpu.memory_space<hbm>>
        %dma_wait3A_326 = arith.constant 0 : i32
        %dma_wait3A_327 = tpu.memref_slice %arg6[%arg0, %add3A_282, %dma_wait3A_326] : memref<2x10000x128xf32, #tpu.memory_space<hbm>> -> memref<1x80x128xf32, #tpu.memory_space<hbm>>
        %dma_wait3A_328 = tpu.memref_squeeze %dma_wait3A_327 : memref<1x80x128xf32, #tpu.memory_space<hbm>> -> memref<80x128xf32, #tpu.memory_space<hbm>>
        %dma_wait3A_329 = arith.constant 0 : i32
        %dma_wait3A_330 = arith.constant 0 : i32
        %dma_wait3A_331 = tpu.memref_slice %arg12[%dma_wait3A_329, %dma_wait3A_330] : memref<80x128xf32, #tpu.memory_space<vmem>> -> memref<80x128xf32, #tpu.memory_space<vmem>>
        tpu.wait_dma2 semaphore(%run_scoped3A : memref<!tpu.dma_semaphore, #tpu.memory_space<semaphore_mem>>) src(%dma_wait3A_331 : memref<80x128xf32, #tpu.memory_space<vmem>>) dst(%dma_wait3A_328 : memref<80x128xf32, #tpu.memory_space<hbm>>)
        tpu.yield
      }) : () -> ()
      %mul3A_283 = arith.constant 624 : i32
      %mul3A_284 = arith.muli %arg1, %mul3A_283 : i32
      %add3A_285 = arith.constant 240 : i32
      %add3A_286 = arith.addi %mul3A_284, %add3A_285 : i32
      "tpu.region"() ({
        %run_scoped3A = tpu.sem_alloc : memref<!tpu.dma_semaphore, #tpu.memory_space<semaphore_mem>>
        %dma_start3A = arith.constant 0 : i32
        %dma_start3A_310 = arith.constant 0 : i32
        %dma_start3A_311 = tpu.memref_slice %arg12[%dma_start3A, %dma_start3A_310] : memref<80x128xf32, #tpu.memory_space<vmem>> -> memref<80x128xf32, #tpu.memory_space<vmem>>
        %dma_start3A_312 = arith.constant 0 : i32
        %dma_start3A_313 = tpu.memref_slice %arg14[%add3A_286, %dma_start3A_312] : memref<10000x128xf32, #tpu.memory_space<vmem_shared>> -> memref<80x128xf32, #tpu.memory_space<vmem_shared>>
        %dma_start3A_314 = arith.constant 0 : i32
        %dma_start3A_315 = arith.constant 0 : i32
        %dma_start3A_316 = tpu.memref_slice %arg12[%dma_start3A_314, %dma_start3A_315] : memref<80x128xf32, #tpu.memory_space<vmem>> -> memref<80x128xf32, #tpu.memory_space<vmem>>
        %dma_start3A_317 = arith.constant 0 : i32
        %dma_start3A_318 = tpu.memref_slice %arg14[%add3A_286, %dma_start3A_317] : memref<10000x128xf32, #tpu.memory_space<vmem_shared>> -> memref<80x128xf32, #tpu.memory_space<vmem_shared>>
        tpu.enqueue_dma source(%dma_start3A_318 : memref<80x128xf32, #tpu.memory_space<vmem_shared>>) target(%dma_start3A_316 : memref<80x128xf32, #tpu.memory_space<vmem>>) target_semaphore(%run_scoped3A : memref<!tpu.dma_semaphore, #tpu.memory_space<semaphore_mem>>)
        %dma_wait3A = arith.constant 0 : i32
        %dma_wait3A_319 = arith.constant 0 : i32
        %dma_wait3A_320 = tpu.memref_slice %arg12[%dma_wait3A, %dma_wait3A_319] : memref<80x128xf32, #tpu.memory_space<vmem>> -> memref<80x128xf32, #tpu.memory_space<vmem>>
        %dma_wait3A_321 = arith.constant 0 : i32
        %dma_wait3A_322 = tpu.memref_slice %arg14[%add3A_286, %dma_wait3A_321] : memref<10000x128xf32, #tpu.memory_space<vmem_shared>> -> memref<80x128xf32, #tpu.memory_space<vmem_shared>>
        %dma_wait3A_323 = arith.constant 0 : i32
        %dma_wait3A_324 = arith.constant 0 : i32
        %dma_wait3A_325 = tpu.memref_slice %arg12[%dma_wait3A_323, %dma_wait3A_324] : memref<80x128xf32, #tpu.memory_space<vmem>> -> memref<80x128xf32, #tpu.memory_space<vmem>>
        %dma_wait3A_326 = arith.constant 0 : i32
        %dma_wait3A_327 = tpu.memref_slice %arg14[%add3A_286, %dma_wait3A_326] : memref<10000x128xf32, #tpu.memory_space<vmem_shared>> -> memref<80x128xf32, #tpu.memory_space<vmem_shared>>
        tpu.wait_dma2 semaphore(%run_scoped3A : memref<!tpu.dma_semaphore, #tpu.memory_space<semaphore_mem>>) src(%dma_wait3A_327 : memref<80x128xf32, #tpu.memory_space<vmem_shared>>) dst(%dma_wait3A_325 : memref<80x128xf32, #tpu.memory_space<vmem>>)
        tpu.yield
      }) : () -> ()
      "tpu.region"() ({
        %run_scoped3A = tpu.sem_alloc : memref<!tpu.dma_semaphore, #tpu.memory_space<semaphore_mem>>
        %dma_start3A = arith.constant 0 : i32
        %dma_start3A_310 = arith.constant 0 : i32
        %dma_start3A_311 = tpu.memref_slice %arg12[%dma_start3A, %dma_start3A_310] : memref<80x128xf32, #tpu.memory_space<vmem>> -> memref<80x128xf32, #tpu.memory_space<vmem>>
        %dma_start3A_312 = arith.constant 0 : i32
        %dma_start3A_313 = tpu.memref_slice %arg6[%arg0, %add3A_286, %dma_start3A_312] : memref<2x10000x128xf32, #tpu.memory_space<hbm>> -> memref<1x80x128xf32, #tpu.memory_space<hbm>>
        %dma_start3A_314 = tpu.memref_squeeze %dma_start3A_313 : memref<1x80x128xf32, #tpu.memory_space<hbm>> -> memref<80x128xf32, #tpu.memory_space<hbm>>
        %dma_start3A_315 = arith.constant 0 : i32
        %dma_start3A_316 = tpu.memref_slice %arg6[%arg0, %add3A_286, %dma_start3A_315] : memref<2x10000x128xf32, #tpu.memory_space<hbm>> -> memref<1x80x128xf32, #tpu.memory_space<hbm>>
        %dma_start3A_317 = tpu.memref_squeeze %dma_start3A_316 : memref<1x80x128xf32, #tpu.memory_space<hbm>> -> memref<80x128xf32, #tpu.memory_space<hbm>>
        %dma_start3A_318 = arith.constant 0 : i32
        %dma_start3A_319 = arith.constant 0 : i32
        %dma_start3A_320 = tpu.memref_slice %arg12[%dma_start3A_318, %dma_start3A_319] : memref<80x128xf32, #tpu.memory_space<vmem>> -> memref<80x128xf32, #tpu.memory_space<vmem>>
        tpu.enqueue_dma source(%dma_start3A_320 : memref<80x128xf32, #tpu.memory_space<vmem>>) target(%dma_start3A_317 : memref<80x128xf32, #tpu.memory_space<hbm>>) target_semaphore(%run_scoped3A : memref<!tpu.dma_semaphore, #tpu.memory_space<semaphore_mem>>)
        %dma_wait3A = arith.constant 0 : i32
        %dma_wait3A_321 = arith.constant 0 : i32
        %dma_wait3A_322 = tpu.memref_slice %arg12[%dma_wait3A, %dma_wait3A_321] : memref<80x128xf32, #tpu.memory_space<vmem>> -> memref<80x128xf32, #tpu.memory_space<vmem>>
        %dma_wait3A_323 = arith.constant 0 : i32
        %dma_wait3A_324 = tpu.memref_slice %arg6[%arg0, %add3A_286, %dma_wait3A_323] : memref<2x10000x128xf32, #tpu.memory_space<hbm>> -> memref<1x80x128xf32, #tpu.memory_space<hbm>>
        %dma_wait3A_325 = tpu.memref_squeeze %dma_wait3A_324 : memref<1x80x128xf32, #tpu.memory_space<hbm>> -> memref<80x128xf32, #tpu.memory_space<hbm>>
        %dma_wait3A_326 = arith.constant 0 : i32
        %dma_wait3A_327 = tpu.memref_slice %arg6[%arg0, %add3A_286, %dma_wait3A_326] : memref<2x10000x128xf32, #tpu.memory_space<hbm>> -> memref<1x80x128xf32, #tpu.memory_space<hbm>>
        %dma_wait3A_328 = tpu.memref_squeeze %dma_wait3A_327 : memref<1x80x128xf32, #tpu.memory_space<hbm>> -> memref<80x128xf32, #tpu.memory_space<hbm>>
        %dma_wait3A_329 = arith.constant 0 : i32
        %dma_wait3A_330 = arith.constant 0 : i32
        %dma_wait3A_331 = tpu.memref_slice %arg12[%dma_wait3A_329, %dma_wait3A_330] : memref<80x128xf32, #tpu.memory_space<vmem>> -> memref<80x128xf32, #tpu.memory_space<vmem>>
        tpu.wait_dma2 semaphore(%run_scoped3A : memref<!tpu.dma_semaphore, #tpu.memory_space<semaphore_mem>>) src(%dma_wait3A_331 : memref<80x128xf32, #tpu.memory_space<vmem>>) dst(%dma_wait3A_328 : memref<80x128xf32, #tpu.memory_space<hbm>>)
        tpu.yield
      }) : () -> ()
      %mul3A_287 = arith.constant 624 : i32
      %mul3A_288 = arith.muli %arg1, %mul3A_287 : i32
      %add3A_289 = arith.constant 320 : i32
      %add3A_290 = arith.addi %mul3A_288, %add3A_289 : i32
      "tpu.region"() ({
        %run_scoped3A = tpu.sem_alloc : memref<!tpu.dma_semaphore, #tpu.memory_space<semaphore_mem>>
        %dma_start3A = arith.constant 0 : i32
        %dma_start3A_310 = arith.constant 0 : i32
        %dma_start3A_311 = tpu.memref_slice %arg12[%dma_start3A, %dma_start3A_310] : memref<80x128xf32, #tpu.memory_space<vmem>> -> memref<80x128xf32, #tpu.memory_space<vmem>>
        %dma_start3A_312 = arith.constant 0 : i32
        %dma_start3A_313 = tpu.memref_slice %arg14[%add3A_290, %dma_start3A_312] : memref<10000x128xf32, #tpu.memory_space<vmem_shared>> -> memref<80x128xf32, #tpu.memory_space<vmem_shared>>
        %dma_start3A_314 = arith.constant 0 : i32
        %dma_start3A_315 = arith.constant 0 : i32
        %dma_start3A_316 = tpu.memref_slice %arg12[%dma_start3A_314, %dma_start3A_315] : memref<80x128xf32, #tpu.memory_space<vmem>> -> memref<80x128xf32, #tpu.memory_space<vmem>>
        %dma_start3A_317 = arith.constant 0 : i32
        %dma_start3A_318 = tpu.memref_slice %arg14[%add3A_290, %dma_start3A_317] : memref<10000x128xf32, #tpu.memory_space<vmem_shared>> -> memref<80x128xf32, #tpu.memory_space<vmem_shared>>
        tpu.enqueue_dma source(%dma_start3A_318 : memref<80x128xf32, #tpu.memory_space<vmem_shared>>) target(%dma_start3A_316 : memref<80x128xf32, #tpu.memory_space<vmem>>) target_semaphore(%run_scoped3A : memref<!tpu.dma_semaphore, #tpu.memory_space<semaphore_mem>>)
        %dma_wait3A = arith.constant 0 : i32
        %dma_wait3A_319 = arith.constant 0 : i32
        %dma_wait3A_320 = tpu.memref_slice %arg12[%dma_wait3A, %dma_wait3A_319] : memref<80x128xf32, #tpu.memory_space<vmem>> -> memref<80x128xf32, #tpu.memory_space<vmem>>
        %dma_wait3A_321 = arith.constant 0 : i32
        %dma_wait3A_322 = tpu.memref_slice %arg14[%add3A_290, %dma_wait3A_321] : memref<10000x128xf32, #tpu.memory_space<vmem_shared>> -> memref<80x128xf32, #tpu.memory_space<vmem_shared>>
        %dma_wait3A_323 = arith.constant 0 : i32
        %dma_wait3A_324 = arith.constant 0 : i32
        %dma_wait3A_325 = tpu.memref_slice %arg12[%dma_wait3A_323, %dma_wait3A_324] : memref<80x128xf32, #tpu.memory_space<vmem>> -> memref<80x128xf32, #tpu.memory_space<vmem>>
        %dma_wait3A_326 = arith.constant 0 : i32
        %dma_wait3A_327 = tpu.memref_slice %arg14[%add3A_290, %dma_wait3A_326] : memref<10000x128xf32, #tpu.memory_space<vmem_shared>> -> memref<80x128xf32, #tpu.memory_space<vmem_shared>>
        tpu.wait_dma2 semaphore(%run_scoped3A : memref<!tpu.dma_semaphore, #tpu.memory_space<semaphore_mem>>) src(%dma_wait3A_327 : memref<80x128xf32, #tpu.memory_space<vmem_shared>>) dst(%dma_wait3A_325 : memref<80x128xf32, #tpu.memory_space<vmem>>)
        tpu.yield
      }) : () -> ()
      "tpu.region"() ({
        %run_scoped3A = tpu.sem_alloc : memref<!tpu.dma_semaphore, #tpu.memory_space<semaphore_mem>>
        %dma_start3A = arith.constant 0 : i32
        %dma_start3A_310 = arith.constant 0 : i32
        %dma_start3A_311 = tpu.memref_slice %arg12[%dma_start3A, %dma_start3A_310] : memref<80x128xf32, #tpu.memory_space<vmem>> -> memref<80x128xf32, #tpu.memory_space<vmem>>
        %dma_start3A_312 = arith.constant 0 : i32
        %dma_start3A_313 = tpu.memref_slice %arg6[%arg0, %add3A_290, %dma_start3A_312] : memref<2x10000x128xf32, #tpu.memory_space<hbm>> -> memref<1x80x128xf32, #tpu.memory_space<hbm>>
        %dma_start3A_314 = tpu.memref_squeeze %dma_start3A_313 : memref<1x80x128xf32, #tpu.memory_space<hbm>> -> memref<80x128xf32, #tpu.memory_space<hbm>>
        %dma_start3A_315 = arith.constant 0 : i32
        %dma_start3A_316 = tpu.memref_slice %arg6[%arg0, %add3A_290, %dma_start3A_315] : memref<2x10000x128xf32, #tpu.memory_space<hbm>> -> memref<1x80x128xf32, #tpu.memory_space<hbm>>
        %dma_start3A_317 = tpu.memref_squeeze %dma_start3A_316 : memref<1x80x128xf32, #tpu.memory_space<hbm>> -> memref<80x128xf32, #tpu.memory_space<hbm>>
        %dma_start3A_318 = arith.constant 0 : i32
        %dma_start3A_319 = arith.constant 0 : i32
        %dma_start3A_320 = tpu.memref_slice %arg12[%dma_start3A_318, %dma_start3A_319] : memref<80x128xf32, #tpu.memory_space<vmem>> -> memref<80x128xf32, #tpu.memory_space<vmem>>
        tpu.enqueue_dma source(%dma_start3A_320 : memref<80x128xf32, #tpu.memory_space<vmem>>) target(%dma_start3A_317 : memref<80x128xf32, #tpu.memory_space<hbm>>) target_semaphore(%run_scoped3A : memref<!tpu.dma_semaphore, #tpu.memory_space<semaphore_mem>>)
        %dma_wait3A = arith.constant 0 : i32
        %dma_wait3A_321 = arith.constant 0 : i32
        %dma_wait3A_322 = tpu.memref_slice %arg12[%dma_wait3A, %dma_wait3A_321] : memref<80x128xf32, #tpu.memory_space<vmem>> -> memref<80x128xf32, #tpu.memory_space<vmem>>
        %dma_wait3A_323 = arith.constant 0 : i32
        %dma_wait3A_324 = tpu.memref_slice %arg6[%arg0, %add3A_290, %dma_wait3A_323] : memref<2x10000x128xf32, #tpu.memory_space<hbm>> -> memref<1x80x128xf32, #tpu.memory_space<hbm>>
        %dma_wait3A_325 = tpu.memref_squeeze %dma_wait3A_324 : memref<1x80x128xf32, #tpu.memory_space<hbm>> -> memref<80x128xf32, #tpu.memory_space<hbm>>
        %dma_wait3A_326 = arith.constant 0 : i32
        %dma_wait3A_327 = tpu.memref_slice %arg6[%arg0, %add3A_290, %dma_wait3A_326] : memref<2x10000x128xf32, #tpu.memory_space<hbm>> -> memref<1x80x128xf32, #tpu.memory_space<hbm>>
        %dma_wait3A_328 = tpu.memref_squeeze %dma_wait3A_327 : memref<1x80x128xf32, #tpu.memory_space<hbm>> -> memref<80x128xf32, #tpu.memory_space<hbm>>
        %dma_wait3A_329 = arith.constant 0 : i32
        %dma_wait3A_330 = arith.constant 0 : i32
        %dma_wait3A_331 = tpu.memref_slice %arg12[%dma_wait3A_329, %dma_wait3A_330] : memref<80x128xf32, #tpu.memory_space<vmem>> -> memref<80x128xf32, #tpu.memory_space<vmem>>
        tpu.wait_dma2 semaphore(%run_scoped3A : memref<!tpu.dma_semaphore, #tpu.memory_space<semaphore_mem>>) src(%dma_wait3A_331 : memref<80x128xf32, #tpu.memory_space<vmem>>) dst(%dma_wait3A_328 : memref<80x128xf32, #tpu.memory_space<hbm>>)
        tpu.yield
      }) : () -> ()
      %mul3A_291 = arith.constant 624 : i32
      %mul3A_292 = arith.muli %arg1, %mul3A_291 : i32
      %add3A_293 = arith.constant 400 : i32
      %add3A_294 = arith.addi %mul3A_292, %add3A_293 : i32
      "tpu.region"() ({
        %run_scoped3A = tpu.sem_alloc : memref<!tpu.dma_semaphore, #tpu.memory_space<semaphore_mem>>
        %dma_start3A = arith.constant 0 : i32
        %dma_start3A_310 = arith.constant 0 : i32
        %dma_start3A_311 = tpu.memref_slice %arg12[%dma_start3A, %dma_start3A_310] : memref<80x128xf32, #tpu.memory_space<vmem>> -> memref<80x128xf32, #tpu.memory_space<vmem>>
        %dma_start3A_312 = arith.constant 0 : i32
        %dma_start3A_313 = tpu.memref_slice %arg14[%add3A_294, %dma_start3A_312] : memref<10000x128xf32, #tpu.memory_space<vmem_shared>> -> memref<80x128xf32, #tpu.memory_space<vmem_shared>>
        %dma_start3A_314 = arith.constant 0 : i32
        %dma_start3A_315 = arith.constant 0 : i32
        %dma_start3A_316 = tpu.memref_slice %arg12[%dma_start3A_314, %dma_start3A_315] : memref<80x128xf32, #tpu.memory_space<vmem>> -> memref<80x128xf32, #tpu.memory_space<vmem>>
        %dma_start3A_317 = arith.constant 0 : i32
        %dma_start3A_318 = tpu.memref_slice %arg14[%add3A_294, %dma_start3A_317] : memref<10000x128xf32, #tpu.memory_space<vmem_shared>> -> memref<80x128xf32, #tpu.memory_space<vmem_shared>>
        tpu.enqueue_dma source(%dma_start3A_318 : memref<80x128xf32, #tpu.memory_space<vmem_shared>>) target(%dma_start3A_316 : memref<80x128xf32, #tpu.memory_space<vmem>>) target_semaphore(%run_scoped3A : memref<!tpu.dma_semaphore, #tpu.memory_space<semaphore_mem>>)
        %dma_wait3A = arith.constant 0 : i32
        %dma_wait3A_319 = arith.constant 0 : i32
        %dma_wait3A_320 = tpu.memref_slice %arg12[%dma_wait3A, %dma_wait3A_319] : memref<80x128xf32, #tpu.memory_space<vmem>> -> memref<80x128xf32, #tpu.memory_space<vmem>>
        %dma_wait3A_321 = arith.constant 0 : i32
        %dma_wait3A_322 = tpu.memref_slice %arg14[%add3A_294, %dma_wait3A_321] : memref<10000x128xf32, #tpu.memory_space<vmem_shared>> -> memref<80x128xf32, #tpu.memory_space<vmem_shared>>
        %dma_wait3A_323 = arith.constant 0 : i32
        %dma_wait3A_324 = arith.constant 0 : i32
        %dma_wait3A_325 = tpu.memref_slice %arg12[%dma_wait3A_323, %dma_wait3A_324] : memref<80x128xf32, #tpu.memory_space<vmem>> -> memref<80x128xf32, #tpu.memory_space<vmem>>
        %dma_wait3A_326 = arith.constant 0 : i32
        %dma_wait3A_327 = tpu.memref_slice %arg14[%add3A_294, %dma_wait3A_326] : memref<10000x128xf32, #tpu.memory_space<vmem_shared>> -> memref<80x128xf32, #tpu.memory_space<vmem_shared>>
        tpu.wait_dma2 semaphore(%run_scoped3A : memref<!tpu.dma_semaphore, #tpu.memory_space<semaphore_mem>>) src(%dma_wait3A_327 : memref<80x128xf32, #tpu.memory_space<vmem_shared>>) dst(%dma_wait3A_325 : memref<80x128xf32, #tpu.memory_space<vmem>>)
        tpu.yield
      }) : () -> ()
      "tpu.region"() ({
        %run_scoped3A = tpu.sem_alloc : memref<!tpu.dma_semaphore, #tpu.memory_space<semaphore_mem>>
        %dma_start3A = arith.constant 0 : i32
        %dma_start3A_310 = arith.constant 0 : i32
        %dma_start3A_311 = tpu.memref_slice %arg12[%dma_start3A, %dma_start3A_310] : memref<80x128xf32, #tpu.memory_space<vmem>> -> memref<80x128xf32, #tpu.memory_space<vmem>>
        %dma_start3A_312 = arith.constant 0 : i32
        %dma_start3A_313 = tpu.memref_slice %arg6[%arg0, %add3A_294, %dma_start3A_312] : memref<2x10000x128xf32, #tpu.memory_space<hbm>> -> memref<1x80x128xf32, #tpu.memory_space<hbm>>
        %dma_start3A_314 = tpu.memref_squeeze %dma_start3A_313 : memref<1x80x128xf32, #tpu.memory_space<hbm>> -> memref<80x128xf32, #tpu.memory_space<hbm>>
        %dma_start3A_315 = arith.constant 0 : i32
        %dma_start3A_316 = tpu.memref_slice %arg6[%arg0, %add3A_294, %dma_start3A_315] : memref<2x10000x128xf32, #tpu.memory_space<hbm>> -> memref<1x80x128xf32, #tpu.memory_space<hbm>>
        %dma_start3A_317 = tpu.memref_squeeze %dma_start3A_316 : memref<1x80x128xf32, #tpu.memory_space<hbm>> -> memref<80x128xf32, #tpu.memory_space<hbm>>
        %dma_start3A_318 = arith.constant 0 : i32
        %dma_start3A_319 = arith.constant 0 : i32
        %dma_start3A_320 = tpu.memref_slice %arg12[%dma_start3A_318, %dma_start3A_319] : memref<80x128xf32, #tpu.memory_space<vmem>> -> memref<80x128xf32, #tpu.memory_space<vmem>>
        tpu.enqueue_dma source(%dma_start3A_320 : memref<80x128xf32, #tpu.memory_space<vmem>>) target(%dma_start3A_317 : memref<80x128xf32, #tpu.memory_space<hbm>>) target_semaphore(%run_scoped3A : memref<!tpu.dma_semaphore, #tpu.memory_space<semaphore_mem>>)
        %dma_wait3A = arith.constant 0 : i32
        %dma_wait3A_321 = arith.constant 0 : i32
        %dma_wait3A_322 = tpu.memref_slice %arg12[%dma_wait3A, %dma_wait3A_321] : memref<80x128xf32, #tpu.memory_space<vmem>> -> memref<80x128xf32, #tpu.memory_space<vmem>>
        %dma_wait3A_323 = arith.constant 0 : i32
        %dma_wait3A_324 = tpu.memref_slice %arg6[%arg0, %add3A_294, %dma_wait3A_323] : memref<2x10000x128xf32, #tpu.memory_space<hbm>> -> memref<1x80x128xf32, #tpu.memory_space<hbm>>
        %dma_wait3A_325 = tpu.memref_squeeze %dma_wait3A_324 : memref<1x80x128xf32, #tpu.memory_space<hbm>> -> memref<80x128xf32, #tpu.memory_space<hbm>>
        %dma_wait3A_326 = arith.constant 0 : i32
        %dma_wait3A_327 = tpu.memref_slice %arg6[%arg0, %add3A_294, %dma_wait3A_326] : memref<2x10000x128xf32, #tpu.memory_space<hbm>> -> memref<1x80x128xf32, #tpu.memory_space<hbm>>
        %dma_wait3A_328 = tpu.memref_squeeze %dma_wait3A_327 : memref<1x80x128xf32, #tpu.memory_space<hbm>> -> memref<80x128xf32, #tpu.memory_space<hbm>>
        %dma_wait3A_329 = arith.constant 0 : i32
        %dma_wait3A_330 = arith.constant 0 : i32
        %dma_wait3A_331 = tpu.memref_slice %arg12[%dma_wait3A_329, %dma_wait3A_330] : memref<80x128xf32, #tpu.memory_space<vmem>> -> memref<80x128xf32, #tpu.memory_space<vmem>>
        tpu.wait_dma2 semaphore(%run_scoped3A : memref<!tpu.dma_semaphore, #tpu.memory_space<semaphore_mem>>) src(%dma_wait3A_331 : memref<80x128xf32, #tpu.memory_space<vmem>>) dst(%dma_wait3A_328 : memref<80x128xf32, #tpu.memory_space<hbm>>)
        tpu.yield
      }) : () -> ()
      %mul3A_295 = arith.constant 624 : i32
      %mul3A_296 = arith.muli %arg1, %mul3A_295 : i32
      %add3A_297 = arith.constant 480 : i32
      %add3A_298 = arith.addi %mul3A_296, %add3A_297 : i32
      "tpu.region"() ({
        %run_scoped3A = tpu.sem_alloc : memref<!tpu.dma_semaphore, #tpu.memory_space<semaphore_mem>>
        %dma_start3A = arith.constant 0 : i32
        %dma_start3A_310 = arith.constant 0 : i32
        %dma_start3A_311 = tpu.memref_slice %arg12[%dma_start3A, %dma_start3A_310] : memref<80x128xf32, #tpu.memory_space<vmem>> -> memref<80x128xf32, #tpu.memory_space<vmem>>
        %dma_start3A_312 = arith.constant 0 : i32
        %dma_start3A_313 = tpu.memref_slice %arg14[%add3A_298, %dma_start3A_312] : memref<10000x128xf32, #tpu.memory_space<vmem_shared>> -> memref<80x128xf32, #tpu.memory_space<vmem_shared>>
        %dma_start3A_314 = arith.constant 0 : i32
        %dma_start3A_315 = arith.constant 0 : i32
        %dma_start3A_316 = tpu.memref_slice %arg12[%dma_start3A_314, %dma_start3A_315] : memref<80x128xf32, #tpu.memory_space<vmem>> -> memref<80x128xf32, #tpu.memory_space<vmem>>
        %dma_start3A_317 = arith.constant 0 : i32
        %dma_start3A_318 = tpu.memref_slice %arg14[%add3A_298, %dma_start3A_317] : memref<10000x128xf32, #tpu.memory_space<vmem_shared>> -> memref<80x128xf32, #tpu.memory_space<vmem_shared>>
        tpu.enqueue_dma source(%dma_start3A_318 : memref<80x128xf32, #tpu.memory_space<vmem_shared>>) target(%dma_start3A_316 : memref<80x128xf32, #tpu.memory_space<vmem>>) target_semaphore(%run_scoped3A : memref<!tpu.dma_semaphore, #tpu.memory_space<semaphore_mem>>)
        %dma_wait3A = arith.constant 0 : i32
        %dma_wait3A_319 = arith.constant 0 : i32
        %dma_wait3A_320 = tpu.memref_slice %arg12[%dma_wait3A, %dma_wait3A_319] : memref<80x128xf32, #tpu.memory_space<vmem>> -> memref<80x128xf32, #tpu.memory_space<vmem>>
        %dma_wait3A_321 = arith.constant 0 : i32
        %dma_wait3A_322 = tpu.memref_slice %arg14[%add3A_298, %dma_wait3A_321] : memref<10000x128xf32, #tpu.memory_space<vmem_shared>> -> memref<80x128xf32, #tpu.memory_space<vmem_shared>>
        %dma_wait3A_323 = arith.constant 0 : i32
        %dma_wait3A_324 = arith.constant 0 : i32
        %dma_wait3A_325 = tpu.memref_slice %arg12[%dma_wait3A_323, %dma_wait3A_324] : memref<80x128xf32, #tpu.memory_space<vmem>> -> memref<80x128xf32, #tpu.memory_space<vmem>>
        %dma_wait3A_326 = arith.constant 0 : i32
        %dma_wait3A_327 = tpu.memref_slice %arg14[%add3A_298, %dma_wait3A_326] : memref<10000x128xf32, #tpu.memory_space<vmem_shared>> -> memref<80x128xf32, #tpu.memory_space<vmem_shared>>
        tpu.wait_dma2 semaphore(%run_scoped3A : memref<!tpu.dma_semaphore, #tpu.memory_space<semaphore_mem>>) src(%dma_wait3A_327 : memref<80x128xf32, #tpu.memory_space<vmem_shared>>) dst(%dma_wait3A_325 : memref<80x128xf32, #tpu.memory_space<vmem>>)
        tpu.yield
      }) : () -> ()
      "tpu.region"() ({
        %run_scoped3A = tpu.sem_alloc : memref<!tpu.dma_semaphore, #tpu.memory_space<semaphore_mem>>
        %dma_start3A = arith.constant 0 : i32
        %dma_start3A_310 = arith.constant 0 : i32
        %dma_start3A_311 = tpu.memref_slice %arg12[%dma_start3A, %dma_start3A_310] : memref<80x128xf32, #tpu.memory_space<vmem>> -> memref<80x128xf32, #tpu.memory_space<vmem>>
        %dma_start3A_312 = arith.constant 0 : i32
        %dma_start3A_313 = tpu.memref_slice %arg6[%arg0, %add3A_298, %dma_start3A_312] : memref<2x10000x128xf32, #tpu.memory_space<hbm>> -> memref<1x80x128xf32, #tpu.memory_space<hbm>>
        %dma_start3A_314 = tpu.memref_squeeze %dma_start3A_313 : memref<1x80x128xf32, #tpu.memory_space<hbm>> -> memref<80x128xf32, #tpu.memory_space<hbm>>
        %dma_start3A_315 = arith.constant 0 : i32
        %dma_start3A_316 = tpu.memref_slice %arg6[%arg0, %add3A_298, %dma_start3A_315] : memref<2x10000x128xf32, #tpu.memory_space<hbm>> -> memref<1x80x128xf32, #tpu.memory_space<hbm>>
        %dma_start3A_317 = tpu.memref_squeeze %dma_start3A_316 : memref<1x80x128xf32, #tpu.memory_space<hbm>> -> memref<80x128xf32, #tpu.memory_space<hbm>>
        %dma_start3A_318 = arith.constant 0 : i32
        %dma_start3A_319 = arith.constant 0 : i32
        %dma_start3A_320 = tpu.memref_slice %arg12[%dma_start3A_318, %dma_start3A_319] : memref<80x128xf32, #tpu.memory_space<vmem>> -> memref<80x128xf32, #tpu.memory_space<vmem>>
        tpu.enqueue_dma source(%dma_start3A_320 : memref<80x128xf32, #tpu.memory_space<vmem>>) target(%dma_start3A_317 : memref<80x128xf32, #tpu.memory_space<hbm>>) target_semaphore(%run_scoped3A : memref<!tpu.dma_semaphore, #tpu.memory_space<semaphore_mem>>)
        %dma_wait3A = arith.constant 0 : i32
        %dma_wait3A_321 = arith.constant 0 : i32
        %dma_wait3A_322 = tpu.memref_slice %arg12[%dma_wait3A, %dma_wait3A_321] : memref<80x128xf32, #tpu.memory_space<vmem>> -> memref<80x128xf32, #tpu.memory_space<vmem>>
        %dma_wait3A_323 = arith.constant 0 : i32
        %dma_wait3A_324 = tpu.memref_slice %arg6[%arg0, %add3A_298, %dma_wait3A_323] : memref<2x10000x128xf32, #tpu.memory_space<hbm>> -> memref<1x80x128xf32, #tpu.memory_space<hbm>>
        %dma_wait3A_325 = tpu.memref_squeeze %dma_wait3A_324 : memref<1x80x128xf32, #tpu.memory_space<hbm>> -> memref<80x128xf32, #tpu.memory_space<hbm>>
        %dma_wait3A_326 = arith.constant 0 : i32
        %dma_wait3A_327 = tpu.memref_slice %arg6[%arg0, %add3A_298, %dma_wait3A_326] : memref<2x10000x128xf32, #tpu.memory_space<hbm>> -> memref<1x80x128xf32, #tpu.memory_space<hbm>>
        %dma_wait3A_328 = tpu.memref_squeeze %dma_wait3A_327 : memref<1x80x128xf32, #tpu.memory_space<hbm>> -> memref<80x128xf32, #tpu.memory_space<hbm>>
        %dma_wait3A_329 = arith.constant 0 : i32
        %dma_wait3A_330 = arith.constant 0 : i32
        %dma_wait3A_331 = tpu.memref_slice %arg12[%dma_wait3A_329, %dma_wait3A_330] : memref<80x128xf32, #tpu.memory_space<vmem>> -> memref<80x128xf32, #tpu.memory_space<vmem>>
        tpu.wait_dma2 semaphore(%run_scoped3A : memref<!tpu.dma_semaphore, #tpu.memory_space<semaphore_mem>>) src(%dma_wait3A_331 : memref<80x128xf32, #tpu.memory_space<vmem>>) dst(%dma_wait3A_328 : memref<80x128xf32, #tpu.memory_space<hbm>>)
        tpu.yield
      }) : () -> ()
      %mul3A_299 = arith.constant 624 : i32
      %mul3A_300 = arith.muli %arg1, %mul3A_299 : i32
      %add3A_301 = arith.constant 560 : i32
      %add3A_302 = arith.addi %mul3A_300, %add3A_301 : i32
      "tpu.region"() ({
        %run_scoped3A = tpu.sem_alloc : memref<!tpu.dma_semaphore, #tpu.memory_space<semaphore_mem>>
        %dma_start3A = arith.constant 0 : i32
        %dma_start3A_310 = arith.constant 0 : i32
        %dma_start3A_311 = tpu.memref_slice %arg12[%dma_start3A, %dma_start3A_310] : memref<80x128xf32, #tpu.memory_space<vmem>> -> memref<64x128xf32, #tpu.memory_space<vmem>>
        %dma_start3A_312 = arith.constant 0 : i32
        %dma_start3A_313 = tpu.memref_slice %arg14[%add3A_302, %dma_start3A_312] : memref<10000x128xf32, #tpu.memory_space<vmem_shared>> -> memref<64x128xf32, #tpu.memory_space<vmem_shared>>
        %dma_start3A_314 = arith.constant 0 : i32
        %dma_start3A_315 = arith.constant 0 : i32
        %dma_start3A_316 = tpu.memref_slice %arg12[%dma_start3A_314, %dma_start3A_315] : memref<80x128xf32, #tpu.memory_space<vmem>> -> memref<64x128xf32, #tpu.memory_space<vmem>>
        %dma_start3A_317 = arith.constant 0 : i32
        %dma_start3A_318 = tpu.memref_slice %arg14[%add3A_302, %dma_start3A_317] : memref<10000x128xf32, #tpu.memory_space<vmem_shared>> -> memref<64x128xf32, #tpu.memory_space<vmem_shared>>
        tpu.enqueue_dma source(%dma_start3A_318 : memref<64x128xf32, #tpu.memory_space<vmem_shared>>) target(%dma_start3A_316 : memref<64x128xf32, #tpu.memory_space<vmem>>) target_semaphore(%run_scoped3A : memref<!tpu.dma_semaphore, #tpu.memory_space<semaphore_mem>>)
        %dma_wait3A = arith.constant 0 : i32
        %dma_wait3A_319 = arith.constant 0 : i32
        %dma_wait3A_320 = tpu.memref_slice %arg12[%dma_wait3A, %dma_wait3A_319] : memref<80x128xf32, #tpu.memory_space<vmem>> -> memref<64x128xf32, #tpu.memory_space<vmem>>
        %dma_wait3A_321 = arith.constant 0 : i32
        %dma_wait3A_322 = tpu.memref_slice %arg14[%add3A_302, %dma_wait3A_321] : memref<10000x128xf32, #tpu.memory_space<vmem_shared>> -> memref<64x128xf32, #tpu.memory_space<vmem_shared>>
        %dma_wait3A_323 = arith.constant 0 : i32
        %dma_wait3A_324 = arith.constant 0 : i32
        %dma_wait3A_325 = tpu.memref_slice %arg12[%dma_wait3A_323, %dma_wait3A_324] : memref<80x128xf32, #tpu.memory_space<vmem>> -> memref<64x128xf32, #tpu.memory_space<vmem>>
        %dma_wait3A_326 = arith.constant 0 : i32
        %dma_wait3A_327 = tpu.memref_slice %arg14[%add3A_302, %dma_wait3A_326] : memref<10000x128xf32, #tpu.memory_space<vmem_shared>> -> memref<64x128xf32, #tpu.memory_space<vmem_shared>>
        tpu.wait_dma2 semaphore(%run_scoped3A : memref<!tpu.dma_semaphore, #tpu.memory_space<semaphore_mem>>) src(%dma_wait3A_327 : memref<64x128xf32, #tpu.memory_space<vmem_shared>>) dst(%dma_wait3A_325 : memref<64x128xf32, #tpu.memory_space<vmem>>)
        tpu.yield
      }) : () -> ()
      "tpu.region"() ({
        %run_scoped3A = tpu.sem_alloc : memref<!tpu.dma_semaphore, #tpu.memory_space<semaphore_mem>>
        %dma_start3A = arith.constant 0 : i32
        %dma_start3A_310 = arith.constant 0 : i32
        %dma_start3A_311 = tpu.memref_slice %arg12[%dma_start3A, %dma_start3A_310] : memref<80x128xf32, #tpu.memory_space<vmem>> -> memref<64x128xf32, #tpu.memory_space<vmem>>
        %dma_start3A_312 = arith.constant 0 : i32
        %dma_start3A_313 = tpu.memref_slice %arg6[%arg0, %add3A_302, %dma_start3A_312] : memref<2x10000x128xf32, #tpu.memory_space<hbm>> -> memref<1x64x128xf32, #tpu.memory_space<hbm>>
        %dma_start3A_314 = tpu.memref_squeeze %dma_start3A_313 : memref<1x64x128xf32, #tpu.memory_space<hbm>> -> memref<64x128xf32, #tpu.memory_space<hbm>>
        %dma_start3A_315 = arith.constant 0 : i32
        %dma_start3A_316 = tpu.memref_slice %arg6[%arg0, %add3A_302, %dma_start3A_315] : memref<2x10000x128xf32, #tpu.memory_space<hbm>> -> memref<1x64x128xf32, #tpu.memory_space<hbm>>
        %dma_start3A_317 = tpu.memref_squeeze %dma_start3A_316 : memref<1x64x128xf32, #tpu.memory_space<hbm>> -> memref<64x128xf32, #tpu.memory_space<hbm>>
        %dma_start3A_318 = arith.constant 0 : i32
        %dma_start3A_319 = arith.constant 0 : i32
        %dma_start3A_320 = tpu.memref_slice %arg12[%dma_start3A_318, %dma_start3A_319] : memref<80x128xf32, #tpu.memory_space<vmem>> -> memref<64x128xf32, #tpu.memory_space<vmem>>
        tpu.enqueue_dma source(%dma_start3A_320 : memref<64x128xf32, #tpu.memory_space<vmem>>) target(%dma_start3A_317 : memref<64x128xf32, #tpu.memory_space<hbm>>) target_semaphore(%run_scoped3A : memref<!tpu.dma_semaphore, #tpu.memory_space<semaphore_mem>>)
        %dma_wait3A = arith.constant 0 : i32
        %dma_wait3A_321 = arith.constant 0 : i32
        %dma_wait3A_322 = tpu.memref_slice %arg12[%dma_wait3A, %dma_wait3A_321] : memref<80x128xf32, #tpu.memory_space<vmem>> -> memref<64x128xf32, #tpu.memory_space<vmem>>
        %dma_wait3A_323 = arith.constant 0 : i32
        %dma_wait3A_324 = tpu.memref_slice %arg6[%arg0, %add3A_302, %dma_wait3A_323] : memref<2x10000x128xf32, #tpu.memory_space<hbm>> -> memref<1x64x128xf32, #tpu.memory_space<hbm>>
        %dma_wait3A_325 = tpu.memref_squeeze %dma_wait3A_324 : memref<1x64x128xf32, #tpu.memory_space<hbm>> -> memref<64x128xf32, #tpu.memory_space<hbm>>
        %dma_wait3A_326 = arith.constant 0 : i32
        %dma_wait3A_327 = tpu.memref_slice %arg6[%arg0, %add3A_302, %dma_wait3A_326] : memref<2x10000x128xf32, #tpu.memory_space<hbm>> -> memref<1x64x128xf32, #tpu.memory_space<hbm>>
        %dma_wait3A_328 = tpu.memref_squeeze %dma_wait3A_327 : memref<1x64x128xf32, #tpu.memory_space<hbm>> -> memref<64x128xf32, #tpu.memory_space<hbm>>
        %dma_wait3A_329 = arith.constant 0 : i32
        %dma_wait3A_330 = arith.constant 0 : i32
        %dma_wait3A_331 = tpu.memref_slice %arg12[%dma_wait3A_329, %dma_wait3A_330] : memref<80x128xf32, #tpu.memory_space<vmem>> -> memref<64x128xf32, #tpu.memory_space<vmem>>
        tpu.wait_dma2 semaphore(%run_scoped3A : memref<!tpu.dma_semaphore, #tpu.memory_space<semaphore_mem>>) src(%dma_wait3A_331 : memref<64x128xf32, #tpu.memory_space<vmem>>) dst(%dma_wait3A_328 : memref<64x128xf32, #tpu.memory_space<hbm>>)
        tpu.yield
      }) : () -> ()
      %mul3A_303 = arith.constant 624 : i32
      %mul3A_304 = arith.muli %arg1, %mul3A_303 : i32
      "tpu.region"() ({
        %run_scoped3A = tpu.sem_alloc : memref<!tpu.dma_semaphore, #tpu.memory_space<semaphore_mem>>
        %dma_start3A = arith.constant 0 : i32
        %dma_start3A_310 = tpu.memref_slice %arg13[%dma_start3A] : memref<640xf32, #tpu.memory_space<vmem>> -> memref<624xf32, #tpu.memory_space<vmem>>
        %dma_start3A_311 = tpu.memref_slice %arg15[%mul3A_304] : memref<10000xf32, #tpu.memory_space<vmem_shared>> -> memref<624xf32, #tpu.memory_space<vmem_shared>>
        %dma_start3A_312 = arith.constant 0 : i32
        %dma_start3A_313 = tpu.memref_slice %arg13[%dma_start3A_312] : memref<640xf32, #tpu.memory_space<vmem>> -> memref<624xf32, #tpu.memory_space<vmem>>
        %dma_start3A_314 = tpu.memref_slice %arg15[%mul3A_304] : memref<10000xf32, #tpu.memory_space<vmem_shared>> -> memref<624xf32, #tpu.memory_space<vmem_shared>>
        tpu.enqueue_dma source(%dma_start3A_314 : memref<624xf32, #tpu.memory_space<vmem_shared>>) target(%dma_start3A_313 : memref<624xf32, #tpu.memory_space<vmem>>) target_semaphore(%run_scoped3A : memref<!tpu.dma_semaphore, #tpu.memory_space<semaphore_mem>>)
        %dma_wait3A = arith.constant 0 : i32
        %dma_wait3A_315 = tpu.memref_slice %arg13[%dma_wait3A] : memref<640xf32, #tpu.memory_space<vmem>> -> memref<624xf32, #tpu.memory_space<vmem>>
        %dma_wait3A_316 = tpu.memref_slice %arg15[%mul3A_304] : memref<10000xf32, #tpu.memory_space<vmem_shared>> -> memref<624xf32, #tpu.memory_space<vmem_shared>>
        %dma_wait3A_317 = arith.constant 0 : i32
        %dma_wait3A_318 = tpu.memref_slice %arg13[%dma_wait3A_317] : memref<640xf32, #tpu.memory_space<vmem>> -> memref<624xf32, #tpu.memory_space<vmem>>
        %dma_wait3A_319 = tpu.memref_slice %arg15[%mul3A_304] : memref<10000xf32, #tpu.memory_space<vmem_shared>> -> memref<624xf32, #tpu.memory_space<vmem_shared>>
        tpu.wait_dma2 semaphore(%run_scoped3A : memref<!tpu.dma_semaphore, #tpu.memory_space<semaphore_mem>>) src(%dma_wait3A_319 : memref<624xf32, #tpu.memory_space<vmem_shared>>) dst(%dma_wait3A_318 : memref<624xf32, #tpu.memory_space<vmem>>)
        tpu.yield
      }) : () -> ()
      %mul3A_305 = arith.constant 10000 : i32
      %mul3A_306 = arith.muli %arg0, %mul3A_305 : i32
      %mul3A_307 = arith.constant 624 : i32
      %mul3A_308 = arith.muli %arg1, %mul3A_307 : i32
      %add3A_309 = arith.addi %mul3A_306, %mul3A_308 : i32
      "tpu.region"() ({
        %run_scoped3A = tpu.sem_alloc : memref<!tpu.dma_semaphore, #tpu.memory_space<semaphore_mem>>
        %dma_start3A = arith.constant 0 : i32
        %dma_start3A_310 = tpu.memref_slice %arg13[%dma_start3A] : memref<640xf32, #tpu.memory_space<vmem>> -> memref<624xf32, #tpu.memory_space<vmem>>
        %dma_start3A_311 = tpu.memref_slice %arg7[%add3A_309] : memref<20000xf32, #tpu.memory_space<hbm>> -> memref<624xf32, #tpu.memory_space<hbm>>
        %dma_start3A_312 = tpu.memref_slice %arg7[%add3A_309] : memref<20000xf32, #tpu.memory_space<hbm>> -> memref<624xf32, #tpu.memory_space<hbm>>
        %dma_start3A_313 = arith.constant 0 : i32
        %dma_start3A_314 = tpu.memref_slice %arg13[%dma_start3A_313] : memref<640xf32, #tpu.memory_space<vmem>> -> memref<624xf32, #tpu.memory_space<vmem>>
        tpu.enqueue_dma source(%dma_start3A_314 : memref<624xf32, #tpu.memory_space<vmem>>) target(%dma_start3A_312 : memref<624xf32, #tpu.memory_space<hbm>>) target_semaphore(%run_scoped3A : memref<!tpu.dma_semaphore, #tpu.memory_space<semaphore_mem>>)
        %dma_wait3A = arith.constant 0 : i32
        %dma_wait3A_315 = tpu.memref_slice %arg13[%dma_wait3A] : memref<640xf32, #tpu.memory_space<vmem>> -> memref<624xf32, #tpu.memory_space<vmem>>
        %dma_wait3A_316 = tpu.memref_slice %arg7[%add3A_309] : memref<20000xf32, #tpu.memory_space<hbm>> -> memref<624xf32, #tpu.memory_space<hbm>>
        %dma_wait3A_317 = tpu.memref_slice %arg7[%add3A_309] : memref<20000xf32, #tpu.memory_space<hbm>> -> memref<624xf32, #tpu.memory_space<hbm>>
        %dma_wait3A_318 = arith.constant 0 : i32
        %dma_wait3A_319 = tpu.memref_slice %arg13[%dma_wait3A_318] : memref<640xf32, #tpu.memory_space<vmem>> -> memref<624xf32, #tpu.memory_space<vmem>>
        tpu.wait_dma2 semaphore(%run_scoped3A : memref<!tpu.dma_semaphore, #tpu.memory_space<semaphore_mem>>) src(%dma_wait3A_319 : memref<624xf32, #tpu.memory_space<vmem>>) dst(%dma_wait3A_317 : memref<624xf32, #tpu.memory_space<hbm>>)
        tpu.yield
      }) : () -> ()
    } else {
    }
    %eq3A_266 = arith.constant 15 : i32
    %eq3A_267 = arith.cmpi eq, %arg1, %eq3A_266 : i32
    %convert_element_type3A_268 = arith.extui %eq3A_267 : i1 to i32
    %cond3A_269 = arith.constant 0 : i32
    %cond3A_270 = arith.cmpi ne, %convert_element_type3A_268, %cond3A_269 : i32
    scf.if %cond3A_270 {
      "tpu.region"() ({
        %run_scoped3A = tpu.sem_alloc : memref<!tpu.dma_semaphore, #tpu.memory_space<semaphore_mem>>
        %dma_start3A = arith.constant 0 : i32
        %dma_start3A_275 = arith.constant 0 : i32
        %dma_start3A_276 = tpu.memref_slice %arg12[%dma_start3A, %dma_start3A_275] : memref<80x128xf32, #tpu.memory_space<vmem>> -> memref<80x128xf32, #tpu.memory_space<vmem>>
        %dma_start3A_277 = arith.constant 9360 : i32
        %dma_start3A_278 = arith.constant 0 : i32
        %dma_start3A_279 = tpu.memref_slice %arg14[%dma_start3A_277, %dma_start3A_278] : memref<10000x128xf32, #tpu.memory_space<vmem_shared>> -> memref<80x128xf32, #tpu.memory_space<vmem_shared>>
        %dma_start3A_280 = arith.constant 0 : i32
        %dma_start3A_281 = arith.constant 0 : i32
        %dma_start3A_282 = tpu.memref_slice %arg12[%dma_start3A_280, %dma_start3A_281] : memref<80x128xf32, #tpu.memory_space<vmem>> -> memref<80x128xf32, #tpu.memory_space<vmem>>
        %dma_start3A_283 = arith.constant 9360 : i32
        %dma_start3A_284 = arith.constant 0 : i32
        %dma_start3A_285 = tpu.memref_slice %arg14[%dma_start3A_283, %dma_start3A_284] : memref<10000x128xf32, #tpu.memory_space<vmem_shared>> -> memref<80x128xf32, #tpu.memory_space<vmem_shared>>
        tpu.enqueue_dma source(%dma_start3A_285 : memref<80x128xf32, #tpu.memory_space<vmem_shared>>) target(%dma_start3A_282 : memref<80x128xf32, #tpu.memory_space<vmem>>) target_semaphore(%run_scoped3A : memref<!tpu.dma_semaphore, #tpu.memory_space<semaphore_mem>>)
        %dma_wait3A = arith.constant 0 : i32
        %dma_wait3A_286 = arith.constant 0 : i32
        %dma_wait3A_287 = tpu.memref_slice %arg12[%dma_wait3A, %dma_wait3A_286] : memref<80x128xf32, #tpu.memory_space<vmem>> -> memref<80x128xf32, #tpu.memory_space<vmem>>
        %dma_wait3A_288 = arith.constant 9360 : i32
        %dma_wait3A_289 = arith.constant 0 : i32
        %dma_wait3A_290 = tpu.memref_slice %arg14[%dma_wait3A_288, %dma_wait3A_289] : memref<10000x128xf32, #tpu.memory_space<vmem_shared>> -> memref<80x128xf32, #tpu.memory_space<vmem_shared>>
        %dma_wait3A_291 = arith.constant 0 : i32
        %dma_wait3A_292 = arith.constant 0 : i32
        %dma_wait3A_293 = tpu.memref_slice %arg12[%dma_wait3A_291, %dma_wait3A_292] : memref<80x128xf32, #tpu.memory_space<vmem>> -> memref<80x128xf32, #tpu.memory_space<vmem>>
        %dma_wait3A_294 = arith.constant 9360 : i32
        %dma_wait3A_295 = arith.constant 0 : i32
        %dma_wait3A_296 = tpu.memref_slice %arg14[%dma_wait3A_294, %dma_wait3A_295] : memref<10000x128xf32, #tpu.memory_space<vmem_shared>> -> memref<80x128xf32, #tpu.memory_space<vmem_shared>>
        tpu.wait_dma2 semaphore(%run_scoped3A : memref<!tpu.dma_semaphore, #tpu.memory_space<semaphore_mem>>) src(%dma_wait3A_296 : memref<80x128xf32, #tpu.memory_space<vmem_shared>>) dst(%dma_wait3A_293 : memref<80x128xf32, #tpu.memory_space<vmem>>)
        tpu.yield
      }) : () -> ()
      "tpu.region"() ({
        %run_scoped3A = tpu.sem_alloc : memref<!tpu.dma_semaphore, #tpu.memory_space<semaphore_mem>>
        %dma_start3A = arith.constant 0 : i32
        %dma_start3A_275 = arith.constant 0 : i32
        %dma_start3A_276 = tpu.memref_slice %arg12[%dma_start3A, %dma_start3A_275] : memref<80x128xf32, #tpu.memory_space<vmem>> -> memref<80x128xf32, #tpu.memory_space<vmem>>
        %dma_start3A_277 = arith.constant 9360 : i32
        %dma_start3A_278 = arith.constant 0 : i32
        %dma_start3A_279 = tpu.memref_slice %arg6[%arg0, %dma_start3A_277, %dma_start3A_278] : memref<2x10000x128xf32, #tpu.memory_space<hbm>> -> memref<1x80x128xf32, #tpu.memory_space<hbm>>
        %dma_start3A_280 = tpu.memref_squeeze %dma_start3A_279 : memref<1x80x128xf32, #tpu.memory_space<hbm>> -> memref<80x128xf32, #tpu.memory_space<hbm>>
        %dma_start3A_281 = arith.constant 9360 : i32
        %dma_start3A_282 = arith.constant 0 : i32
        %dma_start3A_283 = tpu.memref_slice %arg6[%arg0, %dma_start3A_281, %dma_start3A_282] : memref<2x10000x128xf32, #tpu.memory_space<hbm>> -> memref<1x80x128xf32, #tpu.memory_space<hbm>>
        %dma_start3A_284 = tpu.memref_squeeze %dma_start3A_283 : memref<1x80x128xf32, #tpu.memory_space<hbm>> -> memref<80x128xf32, #tpu.memory_space<hbm>>
        %dma_start3A_285 = arith.constant 0 : i32
        %dma_start3A_286 = arith.constant 0 : i32
        %dma_start3A_287 = tpu.memref_slice %arg12[%dma_start3A_285, %dma_start3A_286] : memref<80x128xf32, #tpu.memory_space<vmem>> -> memref<80x128xf32, #tpu.memory_space<vmem>>
        tpu.enqueue_dma source(%dma_start3A_287 : memref<80x128xf32, #tpu.memory_space<vmem>>) target(%dma_start3A_284 : memref<80x128xf32, #tpu.memory_space<hbm>>) target_semaphore(%run_scoped3A : memref<!tpu.dma_semaphore, #tpu.memory_space<semaphore_mem>>)
        %dma_wait3A = arith.constant 0 : i32
        %dma_wait3A_288 = arith.constant 0 : i32
        %dma_wait3A_289 = tpu.memref_slice %arg12[%dma_wait3A, %dma_wait3A_288] : memref<80x128xf32, #tpu.memory_space<vmem>> -> memref<80x128xf32, #tpu.memory_space<vmem>>
        %dma_wait3A_290 = arith.constant 9360 : i32
        %dma_wait3A_291 = arith.constant 0 : i32
        %dma_wait3A_292 = tpu.memref_slice %arg6[%arg0, %dma_wait3A_290, %dma_wait3A_291] : memref<2x10000x128xf32, #tpu.memory_space<hbm>> -> memref<1x80x128xf32, #tpu.memory_space<hbm>>
        %dma_wait3A_293 = tpu.memref_squeeze %dma_wait3A_292 : memref<1x80x128xf32, #tpu.memory_space<hbm>> -> memref<80x128xf32, #tpu.memory_space<hbm>>
        %dma_wait3A_294 = arith.constant 9360 : i32
        %dma_wait3A_295 = arith.constant 0 : i32
        %dma_wait3A_296 = tpu.memref_slice %arg6[%arg0, %dma_wait3A_294, %dma_wait3A_295] : memref<2x10000x128xf32, #tpu.memory_space<hbm>> -> memref<1x80x128xf32, #tpu.memory_space<hbm>>
        %dma_wait3A_297 = tpu.memref_squeeze %dma_wait3A_296 : memref<1x80x128xf32, #tpu.memory_space<hbm>> -> memref<80x128xf32, #tpu.memory_space<hbm>>
        %dma_wait3A_298 = arith.constant 0 : i32
        %dma_wait3A_299 = arith.constant 0 : i32
        %dma_wait3A_300 = tpu.memref_slice %arg12[%dma_wait3A_298, %dma_wait3A_299] : memref<80x128xf32, #tpu.memory_space<vmem>> -> memref<80x128xf32, #tpu.memory_space<vmem>>
        tpu.wait_dma2 semaphore(%run_scoped3A : memref<!tpu.dma_semaphore, #tpu.memory_space<semaphore_mem>>) src(%dma_wait3A_300 : memref<80x128xf32, #tpu.memory_space<vmem>>) dst(%dma_wait3A_297 : memref<80x128xf32, #tpu.memory_space<hbm>>)
        tpu.yield
      }) : () -> ()
      "tpu.region"() ({
        %run_scoped3A = tpu.sem_alloc : memref<!tpu.dma_semaphore, #tpu.memory_space<semaphore_mem>>
        %dma_start3A = arith.constant 0 : i32
        %dma_start3A_275 = arith.constant 0 : i32
        %dma_start3A_276 = tpu.memref_slice %arg12[%dma_start3A, %dma_start3A_275] : memref<80x128xf32, #tpu.memory_space<vmem>> -> memref<80x128xf32, #tpu.memory_space<vmem>>
        %dma_start3A_277 = arith.constant 9440 : i32
        %dma_start3A_278 = arith.constant 0 : i32
        %dma_start3A_279 = tpu.memref_slice %arg14[%dma_start3A_277, %dma_start3A_278] : memref<10000x128xf32, #tpu.memory_space<vmem_shared>> -> memref<80x128xf32, #tpu.memory_space<vmem_shared>>
        %dma_start3A_280 = arith.constant 0 : i32
        %dma_start3A_281 = arith.constant 0 : i32
        %dma_start3A_282 = tpu.memref_slice %arg12[%dma_start3A_280, %dma_start3A_281] : memref<80x128xf32, #tpu.memory_space<vmem>> -> memref<80x128xf32, #tpu.memory_space<vmem>>
        %dma_start3A_283 = arith.constant 9440 : i32
        %dma_start3A_284 = arith.constant 0 : i32
        %dma_start3A_285 = tpu.memref_slice %arg14[%dma_start3A_283, %dma_start3A_284] : memref<10000x128xf32, #tpu.memory_space<vmem_shared>> -> memref<80x128xf32, #tpu.memory_space<vmem_shared>>
        tpu.enqueue_dma source(%dma_start3A_285 : memref<80x128xf32, #tpu.memory_space<vmem_shared>>) target(%dma_start3A_282 : memref<80x128xf32, #tpu.memory_space<vmem>>) target_semaphore(%run_scoped3A : memref<!tpu.dma_semaphore, #tpu.memory_space<semaphore_mem>>)
        %dma_wait3A = arith.constant 0 : i32
        %dma_wait3A_286 = arith.constant 0 : i32
        %dma_wait3A_287 = tpu.memref_slice %arg12[%dma_wait3A, %dma_wait3A_286] : memref<80x128xf32, #tpu.memory_space<vmem>> -> memref<80x128xf32, #tpu.memory_space<vmem>>
        %dma_wait3A_288 = arith.constant 9440 : i32
        %dma_wait3A_289 = arith.constant 0 : i32
        %dma_wait3A_290 = tpu.memref_slice %arg14[%dma_wait3A_288, %dma_wait3A_289] : memref<10000x128xf32, #tpu.memory_space<vmem_shared>> -> memref<80x128xf32, #tpu.memory_space<vmem_shared>>
        %dma_wait3A_291 = arith.constant 0 : i32
        %dma_wait3A_292 = arith.constant 0 : i32
        %dma_wait3A_293 = tpu.memref_slice %arg12[%dma_wait3A_291, %dma_wait3A_292] : memref<80x128xf32, #tpu.memory_space<vmem>> -> memref<80x128xf32, #tpu.memory_space<vmem>>
        %dma_wait3A_294 = arith.constant 9440 : i32
        %dma_wait3A_295 = arith.constant 0 : i32
        %dma_wait3A_296 = tpu.memref_slice %arg14[%dma_wait3A_294, %dma_wait3A_295] : memref<10000x128xf32, #tpu.memory_space<vmem_shared>> -> memref<80x128xf32, #tpu.memory_space<vmem_shared>>
        tpu.wait_dma2 semaphore(%run_scoped3A : memref<!tpu.dma_semaphore, #tpu.memory_space<semaphore_mem>>) src(%dma_wait3A_296 : memref<80x128xf32, #tpu.memory_space<vmem_shared>>) dst(%dma_wait3A_293 : memref<80x128xf32, #tpu.memory_space<vmem>>)
        tpu.yield
      }) : () -> ()
      "tpu.region"() ({
        %run_scoped3A = tpu.sem_alloc : memref<!tpu.dma_semaphore, #tpu.memory_space<semaphore_mem>>
        %dma_start3A = arith.constant 0 : i32
        %dma_start3A_275 = arith.constant 0 : i32
        %dma_start3A_276 = tpu.memref_slice %arg12[%dma_start3A, %dma_start3A_275] : memref<80x128xf32, #tpu.memory_space<vmem>> -> memref<80x128xf32, #tpu.memory_space<vmem>>
        %dma_start3A_277 = arith.constant 9440 : i32
        %dma_start3A_278 = arith.constant 0 : i32
        %dma_start3A_279 = tpu.memref_slice %arg6[%arg0, %dma_start3A_277, %dma_start3A_278] : memref<2x10000x128xf32, #tpu.memory_space<hbm>> -> memref<1x80x128xf32, #tpu.memory_space<hbm>>
        %dma_start3A_280 = tpu.memref_squeeze %dma_start3A_279 : memref<1x80x128xf32, #tpu.memory_space<hbm>> -> memref<80x128xf32, #tpu.memory_space<hbm>>
        %dma_start3A_281 = arith.constant 9440 : i32
        %dma_start3A_282 = arith.constant 0 : i32
        %dma_start3A_283 = tpu.memref_slice %arg6[%arg0, %dma_start3A_281, %dma_start3A_282] : memref<2x10000x128xf32, #tpu.memory_space<hbm>> -> memref<1x80x128xf32, #tpu.memory_space<hbm>>
        %dma_start3A_284 = tpu.memref_squeeze %dma_start3A_283 : memref<1x80x128xf32, #tpu.memory_space<hbm>> -> memref<80x128xf32, #tpu.memory_space<hbm>>
        %dma_start3A_285 = arith.constant 0 : i32
        %dma_start3A_286 = arith.constant 0 : i32
        %dma_start3A_287 = tpu.memref_slice %arg12[%dma_start3A_285, %dma_start3A_286] : memref<80x128xf32, #tpu.memory_space<vmem>> -> memref<80x128xf32, #tpu.memory_space<vmem>>
        tpu.enqueue_dma source(%dma_start3A_287 : memref<80x128xf32, #tpu.memory_space<vmem>>) target(%dma_start3A_284 : memref<80x128xf32, #tpu.memory_space<hbm>>) target_semaphore(%run_scoped3A : memref<!tpu.dma_semaphore, #tpu.memory_space<semaphore_mem>>)
        %dma_wait3A = arith.constant 0 : i32
        %dma_wait3A_288 = arith.constant 0 : i32
        %dma_wait3A_289 = tpu.memref_slice %arg12[%dma_wait3A, %dma_wait3A_288] : memref<80x128xf32, #tpu.memory_space<vmem>> -> memref<80x128xf32, #tpu.memory_space<vmem>>
        %dma_wait3A_290 = arith.constant 9440 : i32
        %dma_wait3A_291 = arith.constant 0 : i32
        %dma_wait3A_292 = tpu.memref_slice %arg6[%arg0, %dma_wait3A_290, %dma_wait3A_291] : memref<2x10000x128xf32, #tpu.memory_space<hbm>> -> memref<1x80x128xf32, #tpu.memory_space<hbm>>
        %dma_wait3A_293 = tpu.memref_squeeze %dma_wait3A_292 : memref<1x80x128xf32, #tpu.memory_space<hbm>> -> memref<80x128xf32, #tpu.memory_space<hbm>>
        %dma_wait3A_294 = arith.constant 9440 : i32
        %dma_wait3A_295 = arith.constant 0 : i32
        %dma_wait3A_296 = tpu.memref_slice %arg6[%arg0, %dma_wait3A_294, %dma_wait3A_295] : memref<2x10000x128xf32, #tpu.memory_space<hbm>> -> memref<1x80x128xf32, #tpu.memory_space<hbm>>
        %dma_wait3A_297 = tpu.memref_squeeze %dma_wait3A_296 : memref<1x80x128xf32, #tpu.memory_space<hbm>> -> memref<80x128xf32, #tpu.memory_space<hbm>>
        %dma_wait3A_298 = arith.constant 0 : i32
        %dma_wait3A_299 = arith.constant 0 : i32
        %dma_wait3A_300 = tpu.memref_slice %arg12[%dma_wait3A_298, %dma_wait3A_299] : memref<80x128xf32, #tpu.memory_space<vmem>> -> memref<80x128xf32, #tpu.memory_space<vmem>>
        tpu.wait_dma2 semaphore(%run_scoped3A : memref<!tpu.dma_semaphore, #tpu.memory_space<semaphore_mem>>) src(%dma_wait3A_300 : memref<80x128xf32, #tpu.memory_space<vmem>>) dst(%dma_wait3A_297 : memref<80x128xf32, #tpu.memory_space<hbm>>)
        tpu.yield
      }) : () -> ()
      "tpu.region"() ({
        %run_scoped3A = tpu.sem_alloc : memref<!tpu.dma_semaphore, #tpu.memory_space<semaphore_mem>>
        %dma_start3A = arith.constant 0 : i32
        %dma_start3A_275 = arith.constant 0 : i32
        %dma_start3A_276 = tpu.memref_slice %arg12[%dma_start3A, %dma_start3A_275] : memref<80x128xf32, #tpu.memory_space<vmem>> -> memref<80x128xf32, #tpu.memory_space<vmem>>
        %dma_start3A_277 = arith.constant 9520 : i32
        %dma_start3A_278 = arith.constant 0 : i32
        %dma_start3A_279 = tpu.memref_slice %arg14[%dma_start3A_277, %dma_start3A_278] : memref<10000x128xf32, #tpu.memory_space<vmem_shared>> -> memref<80x128xf32, #tpu.memory_space<vmem_shared>>
        %dma_start3A_280 = arith.constant 0 : i32
        %dma_start3A_281 = arith.constant 0 : i32
        %dma_start3A_282 = tpu.memref_slice %arg12[%dma_start3A_280, %dma_start3A_281] : memref<80x128xf32, #tpu.memory_space<vmem>> -> memref<80x128xf32, #tpu.memory_space<vmem>>
        %dma_start3A_283 = arith.constant 9520 : i32
        %dma_start3A_284 = arith.constant 0 : i32
        %dma_start3A_285 = tpu.memref_slice %arg14[%dma_start3A_283, %dma_start3A_284] : memref<10000x128xf32, #tpu.memory_space<vmem_shared>> -> memref<80x128xf32, #tpu.memory_space<vmem_shared>>
        tpu.enqueue_dma source(%dma_start3A_285 : memref<80x128xf32, #tpu.memory_space<vmem_shared>>) target(%dma_start3A_282 : memref<80x128xf32, #tpu.memory_space<vmem>>) target_semaphore(%run_scoped3A : memref<!tpu.dma_semaphore, #tpu.memory_space<semaphore_mem>>)
        %dma_wait3A = arith.constant 0 : i32
        %dma_wait3A_286 = arith.constant 0 : i32
        %dma_wait3A_287 = tpu.memref_slice %arg12[%dma_wait3A, %dma_wait3A_286] : memref<80x128xf32, #tpu.memory_space<vmem>> -> memref<80x128xf32, #tpu.memory_space<vmem>>
        %dma_wait3A_288 = arith.constant 9520 : i32
        %dma_wait3A_289 = arith.constant 0 : i32
        %dma_wait3A_290 = tpu.memref_slice %arg14[%dma_wait3A_288, %dma_wait3A_289] : memref<10000x128xf32, #tpu.memory_space<vmem_shared>> -> memref<80x128xf32, #tpu.memory_space<vmem_shared>>
        %dma_wait3A_291 = arith.constant 0 : i32
        %dma_wait3A_292 = arith.constant 0 : i32
        %dma_wait3A_293 = tpu.memref_slice %arg12[%dma_wait3A_291, %dma_wait3A_292] : memref<80x128xf32, #tpu.memory_space<vmem>> -> memref<80x128xf32, #tpu.memory_space<vmem>>
        %dma_wait3A_294 = arith.constant 9520 : i32
        %dma_wait3A_295 = arith.constant 0 : i32
        %dma_wait3A_296 = tpu.memref_slice %arg14[%dma_wait3A_294, %dma_wait3A_295] : memref<10000x128xf32, #tpu.memory_space<vmem_shared>> -> memref<80x128xf32, #tpu.memory_space<vmem_shared>>
        tpu.wait_dma2 semaphore(%run_scoped3A : memref<!tpu.dma_semaphore, #tpu.memory_space<semaphore_mem>>) src(%dma_wait3A_296 : memref<80x128xf32, #tpu.memory_space<vmem_shared>>) dst(%dma_wait3A_293 : memref<80x128xf32, #tpu.memory_space<vmem>>)
        tpu.yield
      }) : () -> ()
      "tpu.region"() ({
        %run_scoped3A = tpu.sem_alloc : memref<!tpu.dma_semaphore, #tpu.memory_space<semaphore_mem>>
        %dma_start3A = arith.constant 0 : i32
        %dma_start3A_275 = arith.constant 0 : i32
        %dma_start3A_276 = tpu.memref_slice %arg12[%dma_start3A, %dma_start3A_275] : memref<80x128xf32, #tpu.memory_space<vmem>> -> memref<80x128xf32, #tpu.memory_space<vmem>>
        %dma_start3A_277 = arith.constant 9520 : i32
        %dma_start3A_278 = arith.constant 0 : i32
        %dma_start3A_279 = tpu.memref_slice %arg6[%arg0, %dma_start3A_277, %dma_start3A_278] : memref<2x10000x128xf32, #tpu.memory_space<hbm>> -> memref<1x80x128xf32, #tpu.memory_space<hbm>>
        %dma_start3A_280 = tpu.memref_squeeze %dma_start3A_279 : memref<1x80x128xf32, #tpu.memory_space<hbm>> -> memref<80x128xf32, #tpu.memory_space<hbm>>
        %dma_start3A_281 = arith.constant 9520 : i32
        %dma_start3A_282 = arith.constant 0 : i32
        %dma_start3A_283 = tpu.memref_slice %arg6[%arg0, %dma_start3A_281, %dma_start3A_282] : memref<2x10000x128xf32, #tpu.memory_space<hbm>> -> memref<1x80x128xf32, #tpu.memory_space<hbm>>
        %dma_start3A_284 = tpu.memref_squeeze %dma_start3A_283 : memref<1x80x128xf32, #tpu.memory_space<hbm>> -> memref<80x128xf32, #tpu.memory_space<hbm>>
        %dma_start3A_285 = arith.constant 0 : i32
        %dma_start3A_286 = arith.constant 0 : i32
        %dma_start3A_287 = tpu.memref_slice %arg12[%dma_start3A_285, %dma_start3A_286] : memref<80x128xf32, #tpu.memory_space<vmem>> -> memref<80x128xf32, #tpu.memory_space<vmem>>
        tpu.enqueue_dma source(%dma_start3A_287 : memref<80x128xf32, #tpu.memory_space<vmem>>) target(%dma_start3A_284 : memref<80x128xf32, #tpu.memory_space<hbm>>) target_semaphore(%run_scoped3A : memref<!tpu.dma_semaphore, #tpu.memory_space<semaphore_mem>>)
        %dma_wait3A = arith.constant 0 : i32
        %dma_wait3A_288 = arith.constant 0 : i32
        %dma_wait3A_289 = tpu.memref_slice %arg12[%dma_wait3A, %dma_wait3A_288] : memref<80x128xf32, #tpu.memory_space<vmem>> -> memref<80x128xf32, #tpu.memory_space<vmem>>
        %dma_wait3A_290 = arith.constant 9520 : i32
        %dma_wait3A_291 = arith.constant 0 : i32
        %dma_wait3A_292 = tpu.memref_slice %arg6[%arg0, %dma_wait3A_290, %dma_wait3A_291] : memref<2x10000x128xf32, #tpu.memory_space<hbm>> -> memref<1x80x128xf32, #tpu.memory_space<hbm>>
        %dma_wait3A_293 = tpu.memref_squeeze %dma_wait3A_292 : memref<1x80x128xf32, #tpu.memory_space<hbm>> -> memref<80x128xf32, #tpu.memory_space<hbm>>
        %dma_wait3A_294 = arith.constant 9520 : i32
        %dma_wait3A_295 = arith.constant 0 : i32
        %dma_wait3A_296 = tpu.memref_slice %arg6[%arg0, %dma_wait3A_294, %dma_wait3A_295] : memref<2x10000x128xf32, #tpu.memory_space<hbm>> -> memref<1x80x128xf32, #tpu.memory_space<hbm>>
        %dma_wait3A_297 = tpu.memref_squeeze %dma_wait3A_296 : memref<1x80x128xf32, #tpu.memory_space<hbm>> -> memref<80x128xf32, #tpu.memory_space<hbm>>
        %dma_wait3A_298 = arith.constant 0 : i32
        %dma_wait3A_299 = arith.constant 0 : i32
        %dma_wait3A_300 = tpu.memref_slice %arg12[%dma_wait3A_298, %dma_wait3A_299] : memref<80x128xf32, #tpu.memory_space<vmem>> -> memref<80x128xf32, #tpu.memory_space<vmem>>
        tpu.wait_dma2 semaphore(%run_scoped3A : memref<!tpu.dma_semaphore, #tpu.memory_space<semaphore_mem>>) src(%dma_wait3A_300 : memref<80x128xf32, #tpu.memory_space<vmem>>) dst(%dma_wait3A_297 : memref<80x128xf32, #tpu.memory_space<hbm>>)
        tpu.yield
      }) : () -> ()
      "tpu.region"() ({
        %run_scoped3A = tpu.sem_alloc : memref<!tpu.dma_semaphore, #tpu.memory_space<semaphore_mem>>
        %dma_start3A = arith.constant 0 : i32
        %dma_start3A_275 = arith.constant 0 : i32
        %dma_start3A_276 = tpu.memref_slice %arg12[%dma_start3A, %dma_start3A_275] : memref<80x128xf32, #tpu.memory_space<vmem>> -> memref<80x128xf32, #tpu.memory_space<vmem>>
        %dma_start3A_277 = arith.constant 9600 : i32
        %dma_start3A_278 = arith.constant 0 : i32
        %dma_start3A_279 = tpu.memref_slice %arg14[%dma_start3A_277, %dma_start3A_278] : memref<10000x128xf32, #tpu.memory_space<vmem_shared>> -> memref<80x128xf32, #tpu.memory_space<vmem_shared>>
        %dma_start3A_280 = arith.constant 0 : i32
        %dma_start3A_281 = arith.constant 0 : i32
        %dma_start3A_282 = tpu.memref_slice %arg12[%dma_start3A_280, %dma_start3A_281] : memref<80x128xf32, #tpu.memory_space<vmem>> -> memref<80x128xf32, #tpu.memory_space<vmem>>
        %dma_start3A_283 = arith.constant 9600 : i32
        %dma_start3A_284 = arith.constant 0 : i32
        %dma_start3A_285 = tpu.memref_slice %arg14[%dma_start3A_283, %dma_start3A_284] : memref<10000x128xf32, #tpu.memory_space<vmem_shared>> -> memref<80x128xf32, #tpu.memory_space<vmem_shared>>
        tpu.enqueue_dma source(%dma_start3A_285 : memref<80x128xf32, #tpu.memory_space<vmem_shared>>) target(%dma_start3A_282 : memref<80x128xf32, #tpu.memory_space<vmem>>) target_semaphore(%run_scoped3A : memref<!tpu.dma_semaphore, #tpu.memory_space<semaphore_mem>>)
        %dma_wait3A = arith.constant 0 : i32
        %dma_wait3A_286 = arith.constant 0 : i32
        %dma_wait3A_287 = tpu.memref_slice %arg12[%dma_wait3A, %dma_wait3A_286] : memref<80x128xf32, #tpu.memory_space<vmem>> -> memref<80x128xf32, #tpu.memory_space<vmem>>
        %dma_wait3A_288 = arith.constant 9600 : i32
        %dma_wait3A_289 = arith.constant 0 : i32
        %dma_wait3A_290 = tpu.memref_slice %arg14[%dma_wait3A_288, %dma_wait3A_289] : memref<10000x128xf32, #tpu.memory_space<vmem_shared>> -> memref<80x128xf32, #tpu.memory_space<vmem_shared>>
        %dma_wait3A_291 = arith.constant 0 : i32
        %dma_wait3A_292 = arith.constant 0 : i32
        %dma_wait3A_293 = tpu.memref_slice %arg12[%dma_wait3A_291, %dma_wait3A_292] : memref<80x128xf32, #tpu.memory_space<vmem>> -> memref<80x128xf32, #tpu.memory_space<vmem>>
        %dma_wait3A_294 = arith.constant 9600 : i32
        %dma_wait3A_295 = arith.constant 0 : i32
        %dma_wait3A_296 = tpu.memref_slice %arg14[%dma_wait3A_294, %dma_wait3A_295] : memref<10000x128xf32, #tpu.memory_space<vmem_shared>> -> memref<80x128xf32, #tpu.memory_space<vmem_shared>>
        tpu.wait_dma2 semaphore(%run_scoped3A : memref<!tpu.dma_semaphore, #tpu.memory_space<semaphore_mem>>) src(%dma_wait3A_296 : memref<80x128xf32, #tpu.memory_space<vmem_shared>>) dst(%dma_wait3A_293 : memref<80x128xf32, #tpu.memory_space<vmem>>)
        tpu.yield
      }) : () -> ()
      "tpu.region"() ({
        %run_scoped3A = tpu.sem_alloc : memref<!tpu.dma_semaphore, #tpu.memory_space<semaphore_mem>>
        %dma_start3A = arith.constant 0 : i32
        %dma_start3A_275 = arith.constant 0 : i32
        %dma_start3A_276 = tpu.memref_slice %arg12[%dma_start3A, %dma_start3A_275] : memref<80x128xf32, #tpu.memory_space<vmem>> -> memref<80x128xf32, #tpu.memory_space<vmem>>
        %dma_start3A_277 = arith.constant 9600 : i32
        %dma_start3A_278 = arith.constant 0 : i32
        %dma_start3A_279 = tpu.memref_slice %arg6[%arg0, %dma_start3A_277, %dma_start3A_278] : memref<2x10000x128xf32, #tpu.memory_space<hbm>> -> memref<1x80x128xf32, #tpu.memory_space<hbm>>
        %dma_start3A_280 = tpu.memref_squeeze %dma_start3A_279 : memref<1x80x128xf32, #tpu.memory_space<hbm>> -> memref<80x128xf32, #tpu.memory_space<hbm>>
        %dma_start3A_281 = arith.constant 9600 : i32
        %dma_start3A_282 = arith.constant 0 : i32
        %dma_start3A_283 = tpu.memref_slice %arg6[%arg0, %dma_start3A_281, %dma_start3A_282] : memref<2x10000x128xf32, #tpu.memory_space<hbm>> -> memref<1x80x128xf32, #tpu.memory_space<hbm>>
        %dma_start3A_284 = tpu.memref_squeeze %dma_start3A_283 : memref<1x80x128xf32, #tpu.memory_space<hbm>> -> memref<80x128xf32, #tpu.memory_space<hbm>>
        %dma_start3A_285 = arith.constant 0 : i32
        %dma_start3A_286 = arith.constant 0 : i32
        %dma_start3A_287 = tpu.memref_slice %arg12[%dma_start3A_285, %dma_start3A_286] : memref<80x128xf32, #tpu.memory_space<vmem>> -> memref<80x128xf32, #tpu.memory_space<vmem>>
        tpu.enqueue_dma source(%dma_start3A_287 : memref<80x128xf32, #tpu.memory_space<vmem>>) target(%dma_start3A_284 : memref<80x128xf32, #tpu.memory_space<hbm>>) target_semaphore(%run_scoped3A : memref<!tpu.dma_semaphore, #tpu.memory_space<semaphore_mem>>)
        %dma_wait3A = arith.constant 0 : i32
        %dma_wait3A_288 = arith.constant 0 : i32
        %dma_wait3A_289 = tpu.memref_slice %arg12[%dma_wait3A, %dma_wait3A_288] : memref<80x128xf32, #tpu.memory_space<vmem>> -> memref<80x128xf32, #tpu.memory_space<vmem>>
        %dma_wait3A_290 = arith.constant 9600 : i32
        %dma_wait3A_291 = arith.constant 0 : i32
        %dma_wait3A_292 = tpu.memref_slice %arg6[%arg0, %dma_wait3A_290, %dma_wait3A_291] : memref<2x10000x128xf32, #tpu.memory_space<hbm>> -> memref<1x80x128xf32, #tpu.memory_space<hbm>>
        %dma_wait3A_293 = tpu.memref_squeeze %dma_wait3A_292 : memref<1x80x128xf32, #tpu.memory_space<hbm>> -> memref<80x128xf32, #tpu.memory_space<hbm>>
        %dma_wait3A_294 = arith.constant 9600 : i32
        %dma_wait3A_295 = arith.constant 0 : i32
        %dma_wait3A_296 = tpu.memref_slice %arg6[%arg0, %dma_wait3A_294, %dma_wait3A_295] : memref<2x10000x128xf32, #tpu.memory_space<hbm>> -> memref<1x80x128xf32, #tpu.memory_space<hbm>>
        %dma_wait3A_297 = tpu.memref_squeeze %dma_wait3A_296 : memref<1x80x128xf32, #tpu.memory_space<hbm>> -> memref<80x128xf32, #tpu.memory_space<hbm>>
        %dma_wait3A_298 = arith.constant 0 : i32
        %dma_wait3A_299 = arith.constant 0 : i32
        %dma_wait3A_300 = tpu.memref_slice %arg12[%dma_wait3A_298, %dma_wait3A_299] : memref<80x128xf32, #tpu.memory_space<vmem>> -> memref<80x128xf32, #tpu.memory_space<vmem>>
        tpu.wait_dma2 semaphore(%run_scoped3A : memref<!tpu.dma_semaphore, #tpu.memory_space<semaphore_mem>>) src(%dma_wait3A_300 : memref<80x128xf32, #tpu.memory_space<vmem>>) dst(%dma_wait3A_297 : memref<80x128xf32, #tpu.memory_space<hbm>>)
        tpu.yield
      }) : () -> ()
      "tpu.region"() ({
        %run_scoped3A = tpu.sem_alloc : memref<!tpu.dma_semaphore, #tpu.memory_space<semaphore_mem>>
        %dma_start3A = arith.constant 0 : i32
        %dma_start3A_275 = arith.constant 0 : i32
        %dma_start3A_276 = tpu.memref_slice %arg12[%dma_start3A, %dma_start3A_275] : memref<80x128xf32, #tpu.memory_space<vmem>> -> memref<80x128xf32, #tpu.memory_space<vmem>>
        %dma_start3A_277 = arith.constant 9680 : i32
        %dma_start3A_278 = arith.constant 0 : i32
        %dma_start3A_279 = tpu.memref_slice %arg14[%dma_start3A_277, %dma_start3A_278] : memref<10000x128xf32, #tpu.memory_space<vmem_shared>> -> memref<80x128xf32, #tpu.memory_space<vmem_shared>>
        %dma_start3A_280 = arith.constant 0 : i32
        %dma_start3A_281 = arith.constant 0 : i32
        %dma_start3A_282 = tpu.memref_slice %arg12[%dma_start3A_280, %dma_start3A_281] : memref<80x128xf32, #tpu.memory_space<vmem>> -> memref<80x128xf32, #tpu.memory_space<vmem>>
        %dma_start3A_283 = arith.constant 9680 : i32
        %dma_start3A_284 = arith.constant 0 : i32
        %dma_start3A_285 = tpu.memref_slice %arg14[%dma_start3A_283, %dma_start3A_284] : memref<10000x128xf32, #tpu.memory_space<vmem_shared>> -> memref<80x128xf32, #tpu.memory_space<vmem_shared>>
        tpu.enqueue_dma source(%dma_start3A_285 : memref<80x128xf32, #tpu.memory_space<vmem_shared>>) target(%dma_start3A_282 : memref<80x128xf32, #tpu.memory_space<vmem>>) target_semaphore(%run_scoped3A : memref<!tpu.dma_semaphore, #tpu.memory_space<semaphore_mem>>)
        %dma_wait3A = arith.constant 0 : i32
        %dma_wait3A_286 = arith.constant 0 : i32
        %dma_wait3A_287 = tpu.memref_slice %arg12[%dma_wait3A, %dma_wait3A_286] : memref<80x128xf32, #tpu.memory_space<vmem>> -> memref<80x128xf32, #tpu.memory_space<vmem>>
        %dma_wait3A_288 = arith.constant 9680 : i32
        %dma_wait3A_289 = arith.constant 0 : i32
        %dma_wait3A_290 = tpu.memref_slice %arg14[%dma_wait3A_288, %dma_wait3A_289] : memref<10000x128xf32, #tpu.memory_space<vmem_shared>> -> memref<80x128xf32, #tpu.memory_space<vmem_shared>>
        %dma_wait3A_291 = arith.constant 0 : i32
        %dma_wait3A_292 = arith.constant 0 : i32
        %dma_wait3A_293 = tpu.memref_slice %arg12[%dma_wait3A_291, %dma_wait3A_292] : memref<80x128xf32, #tpu.memory_space<vmem>> -> memref<80x128xf32, #tpu.memory_space<vmem>>
        %dma_wait3A_294 = arith.constant 9680 : i32
        %dma_wait3A_295 = arith.constant 0 : i32
        %dma_wait3A_296 = tpu.memref_slice %arg14[%dma_wait3A_294, %dma_wait3A_295] : memref<10000x128xf32, #tpu.memory_space<vmem_shared>> -> memref<80x128xf32, #tpu.memory_space<vmem_shared>>
        tpu.wait_dma2 semaphore(%run_scoped3A : memref<!tpu.dma_semaphore, #tpu.memory_space<semaphore_mem>>) src(%dma_wait3A_296 : memref<80x128xf32, #tpu.memory_space<vmem_shared>>) dst(%dma_wait3A_293 : memref<80x128xf32, #tpu.memory_space<vmem>>)
        tpu.yield
      }) : () -> ()
      "tpu.region"() ({
        %run_scoped3A = tpu.sem_alloc : memref<!tpu.dma_semaphore, #tpu.memory_space<semaphore_mem>>
        %dma_start3A = arith.constant 0 : i32
        %dma_start3A_275 = arith.constant 0 : i32
        %dma_start3A_276 = tpu.memref_slice %arg12[%dma_start3A, %dma_start3A_275] : memref<80x128xf32, #tpu.memory_space<vmem>> -> memref<80x128xf32, #tpu.memory_space<vmem>>
        %dma_start3A_277 = arith.constant 9680 : i32
        %dma_start3A_278 = arith.constant 0 : i32
        %dma_start3A_279 = tpu.memref_slice %arg6[%arg0, %dma_start3A_277, %dma_start3A_278] : memref<2x10000x128xf32, #tpu.memory_space<hbm>> -> memref<1x80x128xf32, #tpu.memory_space<hbm>>
        %dma_start3A_280 = tpu.memref_squeeze %dma_start3A_279 : memref<1x80x128xf32, #tpu.memory_space<hbm>> -> memref<80x128xf32, #tpu.memory_space<hbm>>
        %dma_start3A_281 = arith.constant 9680 : i32
        %dma_start3A_282 = arith.constant 0 : i32
        %dma_start3A_283 = tpu.memref_slice %arg6[%arg0, %dma_start3A_281, %dma_start3A_282] : memref<2x10000x128xf32, #tpu.memory_space<hbm>> -> memref<1x80x128xf32, #tpu.memory_space<hbm>>
        %dma_start3A_284 = tpu.memref_squeeze %dma_start3A_283 : memref<1x80x128xf32, #tpu.memory_space<hbm>> -> memref<80x128xf32, #tpu.memory_space<hbm>>
        %dma_start3A_285 = arith.constant 0 : i32
        %dma_start3A_286 = arith.constant 0 : i32
        %dma_start3A_287 = tpu.memref_slice %arg12[%dma_start3A_285, %dma_start3A_286] : memref<80x128xf32, #tpu.memory_space<vmem>> -> memref<80x128xf32, #tpu.memory_space<vmem>>
        tpu.enqueue_dma source(%dma_start3A_287 : memref<80x128xf32, #tpu.memory_space<vmem>>) target(%dma_start3A_284 : memref<80x128xf32, #tpu.memory_space<hbm>>) target_semaphore(%run_scoped3A : memref<!tpu.dma_semaphore, #tpu.memory_space<semaphore_mem>>)
        %dma_wait3A = arith.constant 0 : i32
        %dma_wait3A_288 = arith.constant 0 : i32
        %dma_wait3A_289 = tpu.memref_slice %arg12[%dma_wait3A, %dma_wait3A_288] : memref<80x128xf32, #tpu.memory_space<vmem>> -> memref<80x128xf32, #tpu.memory_space<vmem>>
        %dma_wait3A_290 = arith.constant 9680 : i32
        %dma_wait3A_291 = arith.constant 0 : i32
        %dma_wait3A_292 = tpu.memref_slice %arg6[%arg0, %dma_wait3A_290, %dma_wait3A_291] : memref<2x10000x128xf32, #tpu.memory_space<hbm>> -> memref<1x80x128xf32, #tpu.memory_space<hbm>>
        %dma_wait3A_293 = tpu.memref_squeeze %dma_wait3A_292 : memref<1x80x128xf32, #tpu.memory_space<hbm>> -> memref<80x128xf32, #tpu.memory_space<hbm>>
        %dma_wait3A_294 = arith.constant 9680 : i32
        %dma_wait3A_295 = arith.constant 0 : i32
        %dma_wait3A_296 = tpu.memref_slice %arg6[%arg0, %dma_wait3A_294, %dma_wait3A_295] : memref<2x10000x128xf32, #tpu.memory_space<hbm>> -> memref<1x80x128xf32, #tpu.memory_space<hbm>>
        %dma_wait3A_297 = tpu.memref_squeeze %dma_wait3A_296 : memref<1x80x128xf32, #tpu.memory_space<hbm>> -> memref<80x128xf32, #tpu.memory_space<hbm>>
        %dma_wait3A_298 = arith.constant 0 : i32
        %dma_wait3A_299 = arith.constant 0 : i32
        %dma_wait3A_300 = tpu.memref_slice %arg12[%dma_wait3A_298, %dma_wait3A_299] : memref<80x128xf32, #tpu.memory_space<vmem>> -> memref<80x128xf32, #tpu.memory_space<vmem>>
        tpu.wait_dma2 semaphore(%run_scoped3A : memref<!tpu.dma_semaphore, #tpu.memory_space<semaphore_mem>>) src(%dma_wait3A_300 : memref<80x128xf32, #tpu.memory_space<vmem>>) dst(%dma_wait3A_297 : memref<80x128xf32, #tpu.memory_space<hbm>>)
        tpu.yield
      }) : () -> ()
      "tpu.region"() ({
        %run_scoped3A = tpu.sem_alloc : memref<!tpu.dma_semaphore, #tpu.memory_space<semaphore_mem>>
        %dma_start3A = arith.constant 0 : i32
        %dma_start3A_275 = arith.constant 0 : i32
        %dma_start3A_276 = tpu.memref_slice %arg12[%dma_start3A, %dma_start3A_275] : memref<80x128xf32, #tpu.memory_space<vmem>> -> memref<80x128xf32, #tpu.memory_space<vmem>>
        %dma_start3A_277 = arith.constant 9760 : i32
        %dma_start3A_278 = arith.constant 0 : i32
        %dma_start3A_279 = tpu.memref_slice %arg14[%dma_start3A_277, %dma_start3A_278] : memref<10000x128xf32, #tpu.memory_space<vmem_shared>> -> memref<80x128xf32, #tpu.memory_space<vmem_shared>>
        %dma_start3A_280 = arith.constant 0 : i32
        %dma_start3A_281 = arith.constant 0 : i32
        %dma_start3A_282 = tpu.memref_slice %arg12[%dma_start3A_280, %dma_start3A_281] : memref<80x128xf32, #tpu.memory_space<vmem>> -> memref<80x128xf32, #tpu.memory_space<vmem>>
        %dma_start3A_283 = arith.constant 9760 : i32
        %dma_start3A_284 = arith.constant 0 : i32
        %dma_start3A_285 = tpu.memref_slice %arg14[%dma_start3A_283, %dma_start3A_284] : memref<10000x128xf32, #tpu.memory_space<vmem_shared>> -> memref<80x128xf32, #tpu.memory_space<vmem_shared>>
        tpu.enqueue_dma source(%dma_start3A_285 : memref<80x128xf32, #tpu.memory_space<vmem_shared>>) target(%dma_start3A_282 : memref<80x128xf32, #tpu.memory_space<vmem>>) target_semaphore(%run_scoped3A : memref<!tpu.dma_semaphore, #tpu.memory_space<semaphore_mem>>)
        %dma_wait3A = arith.constant 0 : i32
        %dma_wait3A_286 = arith.constant 0 : i32
        %dma_wait3A_287 = tpu.memref_slice %arg12[%dma_wait3A, %dma_wait3A_286] : memref<80x128xf32, #tpu.memory_space<vmem>> -> memref<80x128xf32, #tpu.memory_space<vmem>>
        %dma_wait3A_288 = arith.constant 9760 : i32
        %dma_wait3A_289 = arith.constant 0 : i32
        %dma_wait3A_290 = tpu.memref_slice %arg14[%dma_wait3A_288, %dma_wait3A_289] : memref<10000x128xf32, #tpu.memory_space<vmem_shared>> -> memref<80x128xf32, #tpu.memory_space<vmem_shared>>
        %dma_wait3A_291 = arith.constant 0 : i32
        %dma_wait3A_292 = arith.constant 0 : i32
        %dma_wait3A_293 = tpu.memref_slice %arg12[%dma_wait3A_291, %dma_wait3A_292] : memref<80x128xf32, #tpu.memory_space<vmem>> -> memref<80x128xf32, #tpu.memory_space<vmem>>
        %dma_wait3A_294 = arith.constant 9760 : i32
        %dma_wait3A_295 = arith.constant 0 : i32
        %dma_wait3A_296 = tpu.memref_slice %arg14[%dma_wait3A_294, %dma_wait3A_295] : memref<10000x128xf32, #tpu.memory_space<vmem_shared>> -> memref<80x128xf32, #tpu.memory_space<vmem_shared>>
        tpu.wait_dma2 semaphore(%run_scoped3A : memref<!tpu.dma_semaphore, #tpu.memory_space<semaphore_mem>>) src(%dma_wait3A_296 : memref<80x128xf32, #tpu.memory_space<vmem_shared>>) dst(%dma_wait3A_293 : memref<80x128xf32, #tpu.memory_space<vmem>>)
        tpu.yield
      }) : () -> ()
      "tpu.region"() ({
        %run_scoped3A = tpu.sem_alloc : memref<!tpu.dma_semaphore, #tpu.memory_space<semaphore_mem>>
        %dma_start3A = arith.constant 0 : i32
        %dma_start3A_275 = arith.constant 0 : i32
        %dma_start3A_276 = tpu.memref_slice %arg12[%dma_start3A, %dma_start3A_275] : memref<80x128xf32, #tpu.memory_space<vmem>> -> memref<80x128xf32, #tpu.memory_space<vmem>>
        %dma_start3A_277 = arith.constant 9760 : i32
        %dma_start3A_278 = arith.constant 0 : i32
        %dma_start3A_279 = tpu.memref_slice %arg6[%arg0, %dma_start3A_277, %dma_start3A_278] : memref<2x10000x128xf32, #tpu.memory_space<hbm>> -> memref<1x80x128xf32, #tpu.memory_space<hbm>>
        %dma_start3A_280 = tpu.memref_squeeze %dma_start3A_279 : memref<1x80x128xf32, #tpu.memory_space<hbm>> -> memref<80x128xf32, #tpu.memory_space<hbm>>
        %dma_start3A_281 = arith.constant 9760 : i32
        %dma_start3A_282 = arith.constant 0 : i32
        %dma_start3A_283 = tpu.memref_slice %arg6[%arg0, %dma_start3A_281, %dma_start3A_282] : memref<2x10000x128xf32, #tpu.memory_space<hbm>> -> memref<1x80x128xf32, #tpu.memory_space<hbm>>
        %dma_start3A_284 = tpu.memref_squeeze %dma_start3A_283 : memref<1x80x128xf32, #tpu.memory_space<hbm>> -> memref<80x128xf32, #tpu.memory_space<hbm>>
        %dma_start3A_285 = arith.constant 0 : i32
        %dma_start3A_286 = arith.constant 0 : i32
        %dma_start3A_287 = tpu.memref_slice %arg12[%dma_start3A_285, %dma_start3A_286] : memref<80x128xf32, #tpu.memory_space<vmem>> -> memref<80x128xf32, #tpu.memory_space<vmem>>
        tpu.enqueue_dma source(%dma_start3A_287 : memref<80x128xf32, #tpu.memory_space<vmem>>) target(%dma_start3A_284 : memref<80x128xf32, #tpu.memory_space<hbm>>) target_semaphore(%run_scoped3A : memref<!tpu.dma_semaphore, #tpu.memory_space<semaphore_mem>>)
        %dma_wait3A = arith.constant 0 : i32
        %dma_wait3A_288 = arith.constant 0 : i32
        %dma_wait3A_289 = tpu.memref_slice %arg12[%dma_wait3A, %dma_wait3A_288] : memref<80x128xf32, #tpu.memory_space<vmem>> -> memref<80x128xf32, #tpu.memory_space<vmem>>
        %dma_wait3A_290 = arith.constant 9760 : i32
        %dma_wait3A_291 = arith.constant 0 : i32
        %dma_wait3A_292 = tpu.memref_slice %arg6[%arg0, %dma_wait3A_290, %dma_wait3A_291] : memref<2x10000x128xf32, #tpu.memory_space<hbm>> -> memref<1x80x128xf32, #tpu.memory_space<hbm>>
        %dma_wait3A_293 = tpu.memref_squeeze %dma_wait3A_292 : memref<1x80x128xf32, #tpu.memory_space<hbm>> -> memref<80x128xf32, #tpu.memory_space<hbm>>
        %dma_wait3A_294 = arith.constant 9760 : i32
        %dma_wait3A_295 = arith.constant 0 : i32
        %dma_wait3A_296 = tpu.memref_slice %arg6[%arg0, %dma_wait3A_294, %dma_wait3A_295] : memref<2x10000x128xf32, #tpu.memory_space<hbm>> -> memref<1x80x128xf32, #tpu.memory_space<hbm>>
        %dma_wait3A_297 = tpu.memref_squeeze %dma_wait3A_296 : memref<1x80x128xf32, #tpu.memory_space<hbm>> -> memref<80x128xf32, #tpu.memory_space<hbm>>
        %dma_wait3A_298 = arith.constant 0 : i32
        %dma_wait3A_299 = arith.constant 0 : i32
        %dma_wait3A_300 = tpu.memref_slice %arg12[%dma_wait3A_298, %dma_wait3A_299] : memref<80x128xf32, #tpu.memory_space<vmem>> -> memref<80x128xf32, #tpu.memory_space<vmem>>
        tpu.wait_dma2 semaphore(%run_scoped3A : memref<!tpu.dma_semaphore, #tpu.memory_space<semaphore_mem>>) src(%dma_wait3A_300 : memref<80x128xf32, #tpu.memory_space<vmem>>) dst(%dma_wait3A_297 : memref<80x128xf32, #tpu.memory_space<hbm>>)
        tpu.yield
      }) : () -> ()
      "tpu.region"() ({
        %run_scoped3A = tpu.sem_alloc : memref<!tpu.dma_semaphore, #tpu.memory_space<semaphore_mem>>
        %dma_start3A = arith.constant 0 : i32
        %dma_start3A_275 = arith.constant 0 : i32
        %dma_start3A_276 = tpu.memref_slice %arg12[%dma_start3A, %dma_start3A_275] : memref<80x128xf32, #tpu.memory_space<vmem>> -> memref<80x128xf32, #tpu.memory_space<vmem>>
        %dma_start3A_277 = arith.constant 9840 : i32
        %dma_start3A_278 = arith.constant 0 : i32
        %dma_start3A_279 = tpu.memref_slice %arg14[%dma_start3A_277, %dma_start3A_278] : memref<10000x128xf32, #tpu.memory_space<vmem_shared>> -> memref<80x128xf32, #tpu.memory_space<vmem_shared>>
        %dma_start3A_280 = arith.constant 0 : i32
        %dma_start3A_281 = arith.constant 0 : i32
        %dma_start3A_282 = tpu.memref_slice %arg12[%dma_start3A_280, %dma_start3A_281] : memref<80x128xf32, #tpu.memory_space<vmem>> -> memref<80x128xf32, #tpu.memory_space<vmem>>
        %dma_start3A_283 = arith.constant 9840 : i32
        %dma_start3A_284 = arith.constant 0 : i32
        %dma_start3A_285 = tpu.memref_slice %arg14[%dma_start3A_283, %dma_start3A_284] : memref<10000x128xf32, #tpu.memory_space<vmem_shared>> -> memref<80x128xf32, #tpu.memory_space<vmem_shared>>
        tpu.enqueue_dma source(%dma_start3A_285 : memref<80x128xf32, #tpu.memory_space<vmem_shared>>) target(%dma_start3A_282 : memref<80x128xf32, #tpu.memory_space<vmem>>) target_semaphore(%run_scoped3A : memref<!tpu.dma_semaphore, #tpu.memory_space<semaphore_mem>>)
        %dma_wait3A = arith.constant 0 : i32
        %dma_wait3A_286 = arith.constant 0 : i32
        %dma_wait3A_287 = tpu.memref_slice %arg12[%dma_wait3A, %dma_wait3A_286] : memref<80x128xf32, #tpu.memory_space<vmem>> -> memref<80x128xf32, #tpu.memory_space<vmem>>
        %dma_wait3A_288 = arith.constant 9840 : i32
        %dma_wait3A_289 = arith.constant 0 : i32
        %dma_wait3A_290 = tpu.memref_slice %arg14[%dma_wait3A_288, %dma_wait3A_289] : memref<10000x128xf32, #tpu.memory_space<vmem_shared>> -> memref<80x128xf32, #tpu.memory_space<vmem_shared>>
        %dma_wait3A_291 = arith.constant 0 : i32
        %dma_wait3A_292 = arith.constant 0 : i32
        %dma_wait3A_293 = tpu.memref_slice %arg12[%dma_wait3A_291, %dma_wait3A_292] : memref<80x128xf32, #tpu.memory_space<vmem>> -> memref<80x128xf32, #tpu.memory_space<vmem>>
        %dma_wait3A_294 = arith.constant 9840 : i32
        %dma_wait3A_295 = arith.constant 0 : i32
        %dma_wait3A_296 = tpu.memref_slice %arg14[%dma_wait3A_294, %dma_wait3A_295] : memref<10000x128xf32, #tpu.memory_space<vmem_shared>> -> memref<80x128xf32, #tpu.memory_space<vmem_shared>>
        tpu.wait_dma2 semaphore(%run_scoped3A : memref<!tpu.dma_semaphore, #tpu.memory_space<semaphore_mem>>) src(%dma_wait3A_296 : memref<80x128xf32, #tpu.memory_space<vmem_shared>>) dst(%dma_wait3A_293 : memref<80x128xf32, #tpu.memory_space<vmem>>)
        tpu.yield
      }) : () -> ()
      "tpu.region"() ({
        %run_scoped3A = tpu.sem_alloc : memref<!tpu.dma_semaphore, #tpu.memory_space<semaphore_mem>>
        %dma_start3A = arith.constant 0 : i32
        %dma_start3A_275 = arith.constant 0 : i32
        %dma_start3A_276 = tpu.memref_slice %arg12[%dma_start3A, %dma_start3A_275] : memref<80x128xf32, #tpu.memory_space<vmem>> -> memref<80x128xf32, #tpu.memory_space<vmem>>
        %dma_start3A_277 = arith.constant 9840 : i32
        %dma_start3A_278 = arith.constant 0 : i32
        %dma_start3A_279 = tpu.memref_slice %arg6[%arg0, %dma_start3A_277, %dma_start3A_278] : memref<2x10000x128xf32, #tpu.memory_space<hbm>> -> memref<1x80x128xf32, #tpu.memory_space<hbm>>
        %dma_start3A_280 = tpu.memref_squeeze %dma_start3A_279 : memref<1x80x128xf32, #tpu.memory_space<hbm>> -> memref<80x128xf32, #tpu.memory_space<hbm>>
        %dma_start3A_281 = arith.constant 9840 : i32
        %dma_start3A_282 = arith.constant 0 : i32
        %dma_start3A_283 = tpu.memref_slice %arg6[%arg0, %dma_start3A_281, %dma_start3A_282] : memref<2x10000x128xf32, #tpu.memory_space<hbm>> -> memref<1x80x128xf32, #tpu.memory_space<hbm>>
        %dma_start3A_284 = tpu.memref_squeeze %dma_start3A_283 : memref<1x80x128xf32, #tpu.memory_space<hbm>> -> memref<80x128xf32, #tpu.memory_space<hbm>>
        %dma_start3A_285 = arith.constant 0 : i32
        %dma_start3A_286 = arith.constant 0 : i32
        %dma_start3A_287 = tpu.memref_slice %arg12[%dma_start3A_285, %dma_start3A_286] : memref<80x128xf32, #tpu.memory_space<vmem>> -> memref<80x128xf32, #tpu.memory_space<vmem>>
        tpu.enqueue_dma source(%dma_start3A_287 : memref<80x128xf32, #tpu.memory_space<vmem>>) target(%dma_start3A_284 : memref<80x128xf32, #tpu.memory_space<hbm>>) target_semaphore(%run_scoped3A : memref<!tpu.dma_semaphore, #tpu.memory_space<semaphore_mem>>)
        %dma_wait3A = arith.constant 0 : i32
        %dma_wait3A_288 = arith.constant 0 : i32
        %dma_wait3A_289 = tpu.memref_slice %arg12[%dma_wait3A, %dma_wait3A_288] : memref<80x128xf32, #tpu.memory_space<vmem>> -> memref<80x128xf32, #tpu.memory_space<vmem>>
        %dma_wait3A_290 = arith.constant 9840 : i32
        %dma_wait3A_291 = arith.constant 0 : i32
        %dma_wait3A_292 = tpu.memref_slice %arg6[%arg0, %dma_wait3A_290, %dma_wait3A_291] : memref<2x10000x128xf32, #tpu.memory_space<hbm>> -> memref<1x80x128xf32, #tpu.memory_space<hbm>>
        %dma_wait3A_293 = tpu.memref_squeeze %dma_wait3A_292 : memref<1x80x128xf32, #tpu.memory_space<hbm>> -> memref<80x128xf32, #tpu.memory_space<hbm>>
        %dma_wait3A_294 = arith.constant 9840 : i32
        %dma_wait3A_295 = arith.constant 0 : i32
        %dma_wait3A_296 = tpu.memref_slice %arg6[%arg0, %dma_wait3A_294, %dma_wait3A_295] : memref<2x10000x128xf32, #tpu.memory_space<hbm>> -> memref<1x80x128xf32, #tpu.memory_space<hbm>>
        %dma_wait3A_297 = tpu.memref_squeeze %dma_wait3A_296 : memref<1x80x128xf32, #tpu.memory_space<hbm>> -> memref<80x128xf32, #tpu.memory_space<hbm>>
        %dma_wait3A_298 = arith.constant 0 : i32
        %dma_wait3A_299 = arith.constant 0 : i32
        %dma_wait3A_300 = tpu.memref_slice %arg12[%dma_wait3A_298, %dma_wait3A_299] : memref<80x128xf32, #tpu.memory_space<vmem>> -> memref<80x128xf32, #tpu.memory_space<vmem>>
        tpu.wait_dma2 semaphore(%run_scoped3A : memref<!tpu.dma_semaphore, #tpu.memory_space<semaphore_mem>>) src(%dma_wait3A_300 : memref<80x128xf32, #tpu.memory_space<vmem>>) dst(%dma_wait3A_297 : memref<80x128xf32, #tpu.memory_space<hbm>>)
        tpu.yield
      }) : () -> ()
      "tpu.region"() ({
        %run_scoped3A = tpu.sem_alloc : memref<!tpu.dma_semaphore, #tpu.memory_space<semaphore_mem>>
        %dma_start3A = arith.constant 0 : i32
        %dma_start3A_275 = arith.constant 0 : i32
        %dma_start3A_276 = tpu.memref_slice %arg12[%dma_start3A, %dma_start3A_275] : memref<80x128xf32, #tpu.memory_space<vmem>> -> memref<80x128xf32, #tpu.memory_space<vmem>>
        %dma_start3A_277 = arith.constant 9920 : i32
        %dma_start3A_278 = arith.constant 0 : i32
        %dma_start3A_279 = tpu.memref_slice %arg14[%dma_start3A_277, %dma_start3A_278] : memref<10000x128xf32, #tpu.memory_space<vmem_shared>> -> memref<80x128xf32, #tpu.memory_space<vmem_shared>>
        %dma_start3A_280 = arith.constant 0 : i32
        %dma_start3A_281 = arith.constant 0 : i32
        %dma_start3A_282 = tpu.memref_slice %arg12[%dma_start3A_280, %dma_start3A_281] : memref<80x128xf32, #tpu.memory_space<vmem>> -> memref<80x128xf32, #tpu.memory_space<vmem>>
        %dma_start3A_283 = arith.constant 9920 : i32
        %dma_start3A_284 = arith.constant 0 : i32
        %dma_start3A_285 = tpu.memref_slice %arg14[%dma_start3A_283, %dma_start3A_284] : memref<10000x128xf32, #tpu.memory_space<vmem_shared>> -> memref<80x128xf32, #tpu.memory_space<vmem_shared>>
        tpu.enqueue_dma source(%dma_start3A_285 : memref<80x128xf32, #tpu.memory_space<vmem_shared>>) target(%dma_start3A_282 : memref<80x128xf32, #tpu.memory_space<vmem>>) target_semaphore(%run_scoped3A : memref<!tpu.dma_semaphore, #tpu.memory_space<semaphore_mem>>)
        %dma_wait3A = arith.constant 0 : i32
        %dma_wait3A_286 = arith.constant 0 : i32
        %dma_wait3A_287 = tpu.memref_slice %arg12[%dma_wait3A, %dma_wait3A_286] : memref<80x128xf32, #tpu.memory_space<vmem>> -> memref<80x128xf32, #tpu.memory_space<vmem>>
        %dma_wait3A_288 = arith.constant 9920 : i32
        %dma_wait3A_289 = arith.constant 0 : i32
        %dma_wait3A_290 = tpu.memref_slice %arg14[%dma_wait3A_288, %dma_wait3A_289] : memref<10000x128xf32, #tpu.memory_space<vmem_shared>> -> memref<80x128xf32, #tpu.memory_space<vmem_shared>>
        %dma_wait3A_291 = arith.constant 0 : i32
        %dma_wait3A_292 = arith.constant 0 : i32
        %dma_wait3A_293 = tpu.memref_slice %arg12[%dma_wait3A_291, %dma_wait3A_292] : memref<80x128xf32, #tpu.memory_space<vmem>> -> memref<80x128xf32, #tpu.memory_space<vmem>>
        %dma_wait3A_294 = arith.constant 9920 : i32
        %dma_wait3A_295 = arith.constant 0 : i32
        %dma_wait3A_296 = tpu.memref_slice %arg14[%dma_wait3A_294, %dma_wait3A_295] : memref<10000x128xf32, #tpu.memory_space<vmem_shared>> -> memref<80x128xf32, #tpu.memory_space<vmem_shared>>
        tpu.wait_dma2 semaphore(%run_scoped3A : memref<!tpu.dma_semaphore, #tpu.memory_space<semaphore_mem>>) src(%dma_wait3A_296 : memref<80x128xf32, #tpu.memory_space<vmem_shared>>) dst(%dma_wait3A_293 : memref<80x128xf32, #tpu.memory_space<vmem>>)
        tpu.yield
      }) : () -> ()
      "tpu.region"() ({
        %run_scoped3A = tpu.sem_alloc : memref<!tpu.dma_semaphore, #tpu.memory_space<semaphore_mem>>
        %dma_start3A = arith.constant 0 : i32
        %dma_start3A_275 = arith.constant 0 : i32
        %dma_start3A_276 = tpu.memref_slice %arg12[%dma_start3A, %dma_start3A_275] : memref<80x128xf32, #tpu.memory_space<vmem>> -> memref<80x128xf32, #tpu.memory_space<vmem>>
        %dma_start3A_277 = arith.constant 9920 : i32
        %dma_start3A_278 = arith.constant 0 : i32
        %dma_start3A_279 = tpu.memref_slice %arg6[%arg0, %dma_start3A_277, %dma_start3A_278] : memref<2x10000x128xf32, #tpu.memory_space<hbm>> -> memref<1x80x128xf32, #tpu.memory_space<hbm>>
        %dma_start3A_280 = tpu.memref_squeeze %dma_start3A_279 : memref<1x80x128xf32, #tpu.memory_space<hbm>> -> memref<80x128xf32, #tpu.memory_space<hbm>>
        %dma_start3A_281 = arith.constant 9920 : i32
        %dma_start3A_282 = arith.constant 0 : i32
        %dma_start3A_283 = tpu.memref_slice %arg6[%arg0, %dma_start3A_281, %dma_start3A_282] : memref<2x10000x128xf32, #tpu.memory_space<hbm>> -> memref<1x80x128xf32, #tpu.memory_space<hbm>>
        %dma_start3A_284 = tpu.memref_squeeze %dma_start3A_283 : memref<1x80x128xf32, #tpu.memory_space<hbm>> -> memref<80x128xf32, #tpu.memory_space<hbm>>
        %dma_start3A_285 = arith.constant 0 : i32
        %dma_start3A_286 = arith.constant 0 : i32
        %dma_start3A_287 = tpu.memref_slice %arg12[%dma_start3A_285, %dma_start3A_286] : memref<80x128xf32, #tpu.memory_space<vmem>> -> memref<80x128xf32, #tpu.memory_space<vmem>>
        tpu.enqueue_dma source(%dma_start3A_287 : memref<80x128xf32, #tpu.memory_space<vmem>>) target(%dma_start3A_284 : memref<80x128xf32, #tpu.memory_space<hbm>>) target_semaphore(%run_scoped3A : memref<!tpu.dma_semaphore, #tpu.memory_space<semaphore_mem>>)
        %dma_wait3A = arith.constant 0 : i32
        %dma_wait3A_288 = arith.constant 0 : i32
        %dma_wait3A_289 = tpu.memref_slice %arg12[%dma_wait3A, %dma_wait3A_288] : memref<80x128xf32, #tpu.memory_space<vmem>> -> memref<80x128xf32, #tpu.memory_space<vmem>>
        %dma_wait3A_290 = arith.constant 9920 : i32
        %dma_wait3A_291 = arith.constant 0 : i32
        %dma_wait3A_292 = tpu.memref_slice %arg6[%arg0, %dma_wait3A_290, %dma_wait3A_291] : memref<2x10000x128xf32, #tpu.memory_space<hbm>> -> memref<1x80x128xf32, #tpu.memory_space<hbm>>
        %dma_wait3A_293 = tpu.memref_squeeze %dma_wait3A_292 : memref<1x80x128xf32, #tpu.memory_space<hbm>> -> memref<80x128xf32, #tpu.memory_space<hbm>>
        %dma_wait3A_294 = arith.constant 9920 : i32
        %dma_wait3A_295 = arith.constant 0 : i32
        %dma_wait3A_296 = tpu.memref_slice %arg6[%arg0, %dma_wait3A_294, %dma_wait3A_295] : memref<2x10000x128xf32, #tpu.memory_space<hbm>> -> memref<1x80x128xf32, #tpu.memory_space<hbm>>
        %dma_wait3A_297 = tpu.memref_squeeze %dma_wait3A_296 : memref<1x80x128xf32, #tpu.memory_space<hbm>> -> memref<80x128xf32, #tpu.memory_space<hbm>>
        %dma_wait3A_298 = arith.constant 0 : i32
        %dma_wait3A_299 = arith.constant 0 : i32
        %dma_wait3A_300 = tpu.memref_slice %arg12[%dma_wait3A_298, %dma_wait3A_299] : memref<80x128xf32, #tpu.memory_space<vmem>> -> memref<80x128xf32, #tpu.memory_space<vmem>>
        tpu.wait_dma2 semaphore(%run_scoped3A : memref<!tpu.dma_semaphore, #tpu.memory_space<semaphore_mem>>) src(%dma_wait3A_300 : memref<80x128xf32, #tpu.memory_space<vmem>>) dst(%dma_wait3A_297 : memref<80x128xf32, #tpu.memory_space<hbm>>)
        tpu.yield
      }) : () -> ()
      "tpu.region"() ({
        %run_scoped3A = tpu.sem_alloc : memref<!tpu.dma_semaphore, #tpu.memory_space<semaphore_mem>>
        %dma_start3A = arith.constant 9360 : i32
        %dma_start3A_275 = tpu.memref_slice %arg15[%dma_start3A] : memref<10000xf32, #tpu.memory_space<vmem_shared>> -> memref<640xf32, #tpu.memory_space<vmem_shared>>
        %dma_start3A_276 = arith.constant 9360 : i32
        %dma_start3A_277 = tpu.memref_slice %arg15[%dma_start3A_276] : memref<10000xf32, #tpu.memory_space<vmem_shared>> -> memref<640xf32, #tpu.memory_space<vmem_shared>>
        tpu.enqueue_dma source(%dma_start3A_277 : memref<640xf32, #tpu.memory_space<vmem_shared>>) target(%arg13 : memref<640xf32, #tpu.memory_space<vmem>>) target_semaphore(%run_scoped3A : memref<!tpu.dma_semaphore, #tpu.memory_space<semaphore_mem>>)
        %dma_wait3A = arith.constant 9360 : i32
        %dma_wait3A_278 = tpu.memref_slice %arg15[%dma_wait3A] : memref<10000xf32, #tpu.memory_space<vmem_shared>> -> memref<640xf32, #tpu.memory_space<vmem_shared>>
        %dma_wait3A_279 = arith.constant 9360 : i32
        %dma_wait3A_280 = tpu.memref_slice %arg15[%dma_wait3A_279] : memref<10000xf32, #tpu.memory_space<vmem_shared>> -> memref<640xf32, #tpu.memory_space<vmem_shared>>
        tpu.wait_dma2 semaphore(%run_scoped3A : memref<!tpu.dma_semaphore, #tpu.memory_space<semaphore_mem>>) src(%dma_wait3A_280 : memref<640xf32, #tpu.memory_space<vmem_shared>>) dst(%arg13 : memref<640xf32, #tpu.memory_space<vmem>>)
        tpu.yield
      }) : () -> ()
      %mul3A_271 = arith.constant 10000 : i32
      %mul3A_272 = arith.muli %arg0, %mul3A_271 : i32
      %add3A_273 = arith.constant 9360 : i32
      %add3A_274 = arith.addi %mul3A_272, %add3A_273 : i32
      "tpu.region"() ({
        %run_scoped3A = tpu.sem_alloc : memref<!tpu.dma_semaphore, #tpu.memory_space<semaphore_mem>>
        %dma_start3A = tpu.memref_slice %arg7[%add3A_274] : memref<20000xf32, #tpu.memory_space<hbm>> -> memref<640xf32, #tpu.memory_space<hbm>>
        %dma_start3A_275 = tpu.memref_slice %arg7[%add3A_274] : memref<20000xf32, #tpu.memory_space<hbm>> -> memref<640xf32, #tpu.memory_space<hbm>>
        tpu.enqueue_dma source(%arg13 : memref<640xf32, #tpu.memory_space<vmem>>) target(%dma_start3A_275 : memref<640xf32, #tpu.memory_space<hbm>>) target_semaphore(%run_scoped3A : memref<!tpu.dma_semaphore, #tpu.memory_space<semaphore_mem>>)
        %dma_wait3A = tpu.memref_slice %arg7[%add3A_274] : memref<20000xf32, #tpu.memory_space<hbm>> -> memref<640xf32, #tpu.memory_space<hbm>>
        %dma_wait3A_276 = tpu.memref_slice %arg7[%add3A_274] : memref<20000xf32, #tpu.memory_space<hbm>> -> memref<640xf32, #tpu.memory_space<hbm>>
        tpu.wait_dma2 semaphore(%run_scoped3A : memref<!tpu.dma_semaphore, #tpu.memory_space<semaphore_mem>>) src(%arg13 : memref<640xf32, #tpu.memory_space<vmem>>) dst(%dma_wait3A_276 : memref<640xf32, #tpu.memory_space<hbm>>)
        tpu.yield
      }) : () -> ()
    } else {
    }
    return
  }
}

module attributes {stable_mosaic.version = 14 : i64} {
  func.func @_tc1_body(%arg0: memref<10000x1xi32, #tpu.memory_space<vmem>>, %arg1: memref<128x128xf32, #tpu.memory_space<vmem>>, %arg2: memref<128xf32, #tpu.memory_space<vmem>>, %arg3: memref<128xf32, #tpu.memory_space<vmem>>, %arg4: memref<128x128xf32, #tpu.memory_space<vmem>>, %arg5: memref<128xf32, #tpu.memory_space<vmem>>, %arg6: memref<10000x128xf32, #tpu.memory_space<vmem>>) attributes {dimension_semantics = [], scalar_prefetch = 0 : i64, scratch_operands = 0 : i64, tpu.core_type = #tpu.core_type<tc>} {
    %iota3A = tpu.iota {dimensions = array<i32: 1>} : vector<10000x128xi32>
    %get3A = arith.constant 0 : index
    %get3A_0 = arith.constant 0 : index
    %get3A_1 = vector.load %arg0[%get3A, %get3A_0] : memref<10000x1xi32, #tpu.memory_space<vmem>>, vector<10000x1xi32>
    %eq3A = vector.broadcast %get3A_1 : vector<10000x1xi32> to vector<10000x128xi32>
    %eq3A_2 = arith.cmpi eq, %iota3A, %eq3A : vector<10000x128xi32>
    %convert_element_type3A = arith.extui %eq3A_2 : vector<10000x128xi1> to vector<10000x128xi32>
    %convert_element_type3A_3 = arith.sitofp %convert_element_type3A : vector<10000x128xi32> to vector<10000x128xf32>
    %get3A_4 = arith.constant 0 : index
    %get3A_5 = arith.constant 0 : index
    %get3A_6 = vector.load %arg1[%get3A_4, %get3A_5] : memref<128x128xf32, #tpu.memory_space<vmem>>, vector<128x128xf32>
    %dot_general3A = arith.constant dense<0.000000e+00> : vector<10000x128xf32>
    %dot_general3A_7 = tpu.matmul %convert_element_type3A_3, %get3A_6, %dot_general3A {dimension_numbers = #tpu.dot_dimension_numbers<[1], [0], [0], [1], [0, 0, 1, 1], [], []>, precision = #tpu.contract_precision<fp32>, transpose_lhs_hint = false} : vector<10000x128xf32>, vector<128x128xf32>, vector<10000x128xf32> -> vector<10000x128xf32>
    %reduce_sum3A = arith.constant dense<0.000000e+00> : vector<128xf32>
    %reduce_sum3A_8 = vector.multi_reduction <add>, %dot_general3A_7, %reduce_sum3A [0] : vector<10000x128xf32> to vector<128xf32>
    %broadcast_in_dim3A = vector.shape_cast %reduce_sum3A_8 : vector<128xf32> to vector<1x128xf32>
    %div3A = arith.constant 1.000000e+04 : f32
    %div3A_9 = vector.broadcast %div3A : f32 to vector<1x128xf32>
    %div3A_10 = arith.divf %broadcast_in_dim3A, %div3A_9 : vector<1x128xf32>
    %sub3A = vector.broadcast %div3A_10 : vector<1x128xf32> to vector<10000x128xf32>
    %sub3A_11 = arith.subf %dot_general3A_7, %sub3A : vector<10000x128xf32>
    %integer_pow3A = arith.mulf %sub3A_11, %sub3A_11 : vector<10000x128xf32>
    %reduce_sum3A_12 = arith.constant dense<0.000000e+00> : vector<128xf32>
    %reduce_sum3A_13 = vector.multi_reduction <add>, %integer_pow3A, %reduce_sum3A_12 [0] : vector<10000x128xf32> to vector<128xf32>
    %broadcast_in_dim3A_14 = vector.shape_cast %reduce_sum3A_13 : vector<128xf32> to vector<1x128xf32>
    %div3A_15 = arith.constant 1.000000e+04 : f32
    %div3A_16 = vector.broadcast %div3A_15 : f32 to vector<1x128xf32>
    %div3A_17 = arith.divf %broadcast_in_dim3A_14, %div3A_16 : vector<1x128xf32>
    %get3A_18 = arith.constant 0 : index
    %get3A_19 = vector.load %arg2[%get3A_18] : memref<128xf32, #tpu.memory_space<vmem>>, vector<128xf32>
    %sub3A_20 = vector.broadcast %div3A_10 : vector<1x128xf32> to vector<10000x128xf32>
    %sub3A_21 = arith.subf %dot_general3A_7, %sub3A_20 : vector<10000x128xf32>
    %broadcast_in_dim3A_22 = vector.shape_cast %get3A_19 : vector<128xf32> to vector<1x128xf32>
    %mul3A = vector.broadcast %broadcast_in_dim3A_22 : vector<1x128xf32> to vector<10000x128xf32>
    %mul3A_23 = arith.mulf %mul3A, %sub3A_21 : vector<10000x128xf32>
    %add3A = arith.constant 9.99999974E-6 : f32
    %add3A_24 = vector.broadcast %add3A : f32 to vector<1x128xf32>
    %add3A_25 = arith.addf %div3A_17, %add3A_24 : vector<1x128xf32>
    %sqrt3A = math.sqrt %add3A_25 : vector<1x128xf32>
    %div3A_26 = vector.broadcast %sqrt3A : vector<1x128xf32> to vector<10000x128xf32>
    %div3A_27 = arith.divf %mul3A_23, %div3A_26 : vector<10000x128xf32>
    %get3A_28 = arith.constant 0 : index
    %get3A_29 = vector.load %arg3[%get3A_28] : memref<128xf32, #tpu.memory_space<vmem>>, vector<128xf32>
    %broadcast_in_dim3A_30 = vector.shape_cast %get3A_29 : vector<128xf32> to vector<1x128xf32>
    %add3A_31 = vector.broadcast %broadcast_in_dim3A_30 : vector<1x128xf32> to vector<10000x128xf32>
    %add3A_32 = arith.addf %div3A_27, %add3A_31 : vector<10000x128xf32>
    %convert_element_type3A_33 = arith.truncf %add3A_32 : vector<10000x128xf32> to vector<10000x128xbf16>
    %get3A_34 = arith.constant 0 : index
    %get3A_35 = arith.constant 0 : index
    %get3A_36 = vector.load %arg4[%get3A_34, %get3A_35] : memref<128x128xf32, #tpu.memory_space<vmem>>, vector<128x128xf32>
    %convert_element_type3A_37 = arith.truncf %get3A_36 : vector<128x128xf32> to vector<128x128xbf16>
    %dot_general3A_38 = arith.constant dense<0.000000e+00> : vector<10000x128xf32>
    %dot_general3A_39 = tpu.matmul %convert_element_type3A_33, %convert_element_type3A_37, %dot_general3A_38 {dimension_numbers = #tpu.dot_dimension_numbers<[1], [1], [0], [0], [0, 0, 1, 0], [], []>, transpose_lhs_hint = false} : vector<10000x128xbf16>, vector<128x128xbf16>, vector<10000x128xf32> -> vector<10000x128xf32>
    %get3A_40 = arith.constant 0 : index
    %get3A_41 = vector.load %arg5[%get3A_40] : memref<128xf32, #tpu.memory_space<vmem>>, vector<128xf32>
    %broadcast_in_dim3A_42 = vector.shape_cast %get3A_41 : vector<128xf32> to vector<1x128xf32>
    %add3A_43 = vector.broadcast %broadcast_in_dim3A_42 : vector<1x128xf32> to vector<10000x128xf32>
    %add3A_44 = arith.addf %dot_general3A_39, %add3A_43 : vector<10000x128xf32>
    %max3A = arith.constant 0.000000e+00 : f32
    %max3A_45 = vector.broadcast %max3A : f32 to vector<10000x128xf32>
    %max3A_46 = arith.maximumf %add3A_44, %max3A_45 : vector<10000x128xf32>
    %swap3A = arith.constant 0 : index
    %swap3A_47 = arith.constant 0 : index
    %swap3A_48 = vector.load %arg6[%swap3A, %swap3A_47] : memref<10000x128xf32, #tpu.memory_space<vmem>>, vector<10000x128xf32>
    tpu.vector_store %arg6[%swap3A, %swap3A_47], %max3A_46 {strides = array<i32>} : memref<10000x128xf32, #tpu.memory_space<vmem>>, vector<10000x128xf32>,
    return
  }
}

module attributes {stable_mosaic.version = 14 : i64} {
  func.func @_tc2_body(%arg0: memref<2x10000x128xf32, #tpu.memory_space<vmem>>, %arg1: memref<20000xf32, #tpu.memory_space<vmem>>, %arg2: memref<128xf32, #tpu.memory_space<vmem>>, %arg3: memref<128xf32, #tpu.memory_space<vmem>>, %arg4: memref<128x128xf32, #tpu.memory_space<vmem>>, %arg5: memref<128xf32, #tpu.memory_space<vmem>>, %arg6: memref<10000x128xf32, #tpu.memory_space<vmem>>, %arg7: memref<10000x1xf32, #tpu.memory_space<vmem>>, %arg8: memref<10000x128xf32, #tpu.memory_space<vmem>>) attributes {dimension_semantics = [], scalar_prefetch = 0 : i64, scratch_operands = 0 : i64, tpu.core_type = #tpu.core_type<tc>} {
    %get3A = arith.constant 0 : index
    %get3A_0 = vector.load %arg1[%get3A] : memref<20000xf32, #tpu.memory_space<vmem>>, vector<10000xf32>
    %get3A_1 = arith.constant 10000 : index
    %get3A_2 = vector.load %arg1[%get3A_1] : memref<20000xf32, #tpu.memory_space<vmem>>, vector<10000xf32>
    %add3A = arith.addf %get3A_0, %get3A_2 : vector<10000xf32>
    %lt3A = arith.constant 5.000000e-01 : f32
    %lt3A_3 = vector.broadcast %lt3A : f32 to vector<10000xf32>
    %lt3A_4 = arith.cmpf olt, %add3A, %lt3A_3 : vector<10000xf32>
    %add3A_5 = arith.constant 1.000000e+00 : f32
    %add3A_6 = vector.broadcast %add3A_5 : f32 to vector<10000xf32>
    %add3A_7 = arith.addf %add3A, %add3A_6 : vector<10000xf32>
    %select_n3A = arith.select %lt3A_4, %add3A_7, %add3A : vector<10000xi1>, vector<10000xf32>
    %div3A = arith.constant 1.000000e+00 : f32
    %div3A_8 = vector.broadcast %div3A : f32 to vector<10000xf32>
    %div3A_9 = arith.divf %div3A_8, %select_n3A : vector<10000xf32>
    %broadcast_in_dim3A = vector.shape_cast %div3A_9 : vector<10000xf32> to vector<10000x1xf32>
    %swap3A = arith.constant 0 : index
    %swap3A_10 = arith.constant 0 : index
    %swap3A_11 = vector.load %arg7[%swap3A, %swap3A_10] : memref<10000x1xf32, #tpu.memory_space<vmem>>, vector<10000x1xf32>
    tpu.vector_store %arg7[%swap3A, %swap3A_10], %broadcast_in_dim3A {strides = array<i32>} : memref<10000x1xf32, #tpu.memory_space<vmem>>, vector<10000x1xf32>,
    %get3A_12 = arith.constant 0 : index
    %get3A_13 = arith.constant 0 : index
    %get3A_14 = arith.constant 0 : index
    %get3A_15 = vector.load %arg0[%get3A_12, %get3A_13, %get3A_14] : memref<2x10000x128xf32, #tpu.memory_space<vmem>>, vector<2x10000x128xf32>
    %reduce_sum3A = arith.constant dense<0.000000e+00> : vector<10000x128xf32>
    %reduce_sum3A_16 = vector.multi_reduction <add>, %get3A_15, %reduce_sum3A [0] : vector<2x10000x128xf32> to vector<10000x128xf32>
    %broadcast_in_dim3A_17 = vector.shape_cast %div3A_9 : vector<10000xf32> to vector<10000x1xf32>
    %mul3A = vector.broadcast %broadcast_in_dim3A_17 : vector<10000x1xf32> to vector<10000x128xf32>
    %mul3A_18 = arith.mulf %reduce_sum3A_16, %mul3A : vector<10000x128xf32>
    %swap3A_19 = arith.constant 0 : index
    %swap3A_20 = arith.constant 0 : index
    %swap3A_21 = vector.load %arg6[%swap3A_19, %swap3A_20] : memref<10000x128xf32, #tpu.memory_space<vmem>>, vector<10000x128xf32>
    tpu.vector_store %arg6[%swap3A_19, %swap3A_20], %mul3A_18 {strides = array<i32>} : memref<10000x128xf32, #tpu.memory_space<vmem>>, vector<10000x128xf32>,
    %reduce_sum3A_22 = arith.constant dense<0.000000e+00> : vector<128xf32>
    %reduce_sum3A_23 = vector.multi_reduction <add>, %mul3A_18, %reduce_sum3A_22 [0] : vector<10000x128xf32> to vector<128xf32>
    %broadcast_in_dim3A_24 = vector.shape_cast %reduce_sum3A_23 : vector<128xf32> to vector<1x128xf32>
    %div3A_25 = arith.constant 1.000000e+04 : f32
    %div3A_26 = vector.broadcast %div3A_25 : f32 to vector<1x128xf32>
    %div3A_27 = arith.divf %broadcast_in_dim3A_24, %div3A_26 : vector<1x128xf32>
    %sub3A = vector.broadcast %div3A_27 : vector<1x128xf32> to vector<10000x128xf32>
    %sub3A_28 = arith.subf %mul3A_18, %sub3A : vector<10000x128xf32>
    %integer_pow3A = arith.mulf %sub3A_28, %sub3A_28 : vector<10000x128xf32>
    %reduce_sum3A_29 = arith.constant dense<0.000000e+00> : vector<128xf32>
    %reduce_sum3A_30 = vector.multi_reduction <add>, %integer_pow3A, %reduce_sum3A_29 [0] : vector<10000x128xf32> to vector<128xf32>
    %broadcast_in_dim3A_31 = vector.shape_cast %reduce_sum3A_30 : vector<128xf32> to vector<1x128xf32>
    %div3A_32 = arith.constant 1.000000e+04 : f32
    %div3A_33 = vector.broadcast %div3A_32 : f32 to vector<1x128xf32>
    %div3A_34 = arith.divf %broadcast_in_dim3A_31, %div3A_33 : vector<1x128xf32>
    %get3A_35 = arith.constant 0 : index
    %get3A_36 = vector.load %arg2[%get3A_35] : memref<128xf32, #tpu.memory_space<vmem>>, vector<128xf32>
    %sub3A_37 = vector.broadcast %div3A_27 : vector<1x128xf32> to vector<10000x128xf32>
    %sub3A_38 = arith.subf %mul3A_18, %sub3A_37 : vector<10000x128xf32>
    %broadcast_in_dim3A_39 = vector.shape_cast %get3A_36 : vector<128xf32> to vector<1x128xf32>
    %mul3A_40 = vector.broadcast %broadcast_in_dim3A_39 : vector<1x128xf32> to vector<10000x128xf32>
    %mul3A_41 = arith.mulf %mul3A_40, %sub3A_38 : vector<10000x128xf32>
    %add3A_42 = arith.constant 9.99999974E-6 : f32
    %add3A_43 = vector.broadcast %add3A_42 : f32 to vector<1x128xf32>
    %add3A_44 = arith.addf %div3A_34, %add3A_43 : vector<1x128xf32>
    %sqrt3A = math.sqrt %add3A_44 : vector<1x128xf32>
    %div3A_45 = vector.broadcast %sqrt3A : vector<1x128xf32> to vector<10000x128xf32>
    %div3A_46 = arith.divf %mul3A_41, %div3A_45 : vector<10000x128xf32>
    %get3A_47 = arith.constant 0 : index
    %get3A_48 = vector.load %arg3[%get3A_47] : memref<128xf32, #tpu.memory_space<vmem>>, vector<128xf32>
    %broadcast_in_dim3A_49 = vector.shape_cast %get3A_48 : vector<128xf32> to vector<1x128xf32>
    %add3A_50 = vector.broadcast %broadcast_in_dim3A_49 : vector<1x128xf32> to vector<10000x128xf32>
    %add3A_51 = arith.addf %div3A_46, %add3A_50 : vector<10000x128xf32>
    %max3A = arith.constant 0.000000e+00 : f32
    %max3A_52 = vector.broadcast %max3A : f32 to vector<10000x128xf32>
    %max3A_53 = arith.maximumf %add3A_51, %max3A_52 : vector<10000x128xf32>
    %convert_element_type3A = arith.truncf %max3A_53 : vector<10000x128xf32> to vector<10000x128xbf16>
    %get3A_54 = arith.constant 0 : index
    %get3A_55 = arith.constant 0 : index
    %get3A_56 = vector.load %arg4[%get3A_54, %get3A_55] : memref<128x128xf32, #tpu.memory_space<vmem>>, vector<128x128xf32>
    %convert_element_type3A_57 = arith.truncf %get3A_56 : vector<128x128xf32> to vector<128x128xbf16>
    %dot_general3A = arith.constant dense<0.000000e+00> : vector<10000x128xf32>
    %dot_general3A_58 = tpu.matmul %convert_element_type3A, %convert_element_type3A_57, %dot_general3A {dimension_numbers = #tpu.dot_dimension_numbers<[1], [1], [0], [0], [0, 0, 1, 0], [], []>, transpose_lhs_hint = false} : vector<10000x128xbf16>, vector<128x128xbf16>, vector<10000x128xf32> -> vector<10000x128xf32>
    %get3A_59 = arith.constant 0 : index
    %get3A_60 = vector.load %arg5[%get3A_59] : memref<128xf32, #tpu.memory_space<vmem>>, vector<128xf32>
    %broadcast_in_dim3A_61 = vector.shape_cast %get3A_60 : vector<128xf32> to vector<1x128xf32>
    %add3A_62 = vector.broadcast %broadcast_in_dim3A_61 : vector<1x128xf32> to vector<10000x128xf32>
    %add3A_63 = arith.addf %dot_general3A_58, %add3A_62 : vector<10000x128xf32>
    %max3A_64 = arith.constant 0.000000e+00 : f32
    %max3A_65 = vector.broadcast %max3A_64 : f32 to vector<10000x128xf32>
    %max3A_66 = arith.maximumf %add3A_63, %max3A_65 : vector<10000x128xf32>
    %swap3A_67 = arith.constant 0 : index
    %swap3A_68 = arith.constant 0 : index
    %swap3A_69 = vector.load %arg8[%swap3A_67, %swap3A_68] : memref<10000x128xf32, #tpu.memory_space<vmem>>, vector<10000x128xf32>
    tpu.vector_store %arg8[%swap3A_67, %swap3A_68], %max3A_66 {strides = array<i32>} : memref<10000x128xf32, #tpu.memory_space<vmem>>, vector<10000x128xf32>,
    return
  }
}

module attributes {stable_mosaic.version = 14 : i64} {
  func.func @_tc3a_body(%arg0: memref<2x10000x128xf32, #tpu.memory_space<vmem>>, %arg1: memref<10000x1xf32, #tpu.memory_space<vmem>>, %arg2: memref<10000x128xf32, #tpu.memory_space<vmem>>) attributes {dimension_semantics = [], scalar_prefetch = 0 : i64, scratch_operands = 0 : i64, tpu.core_type = #tpu.core_type<tc>} {
    %get3A = arith.constant 0 : index
    %get3A_0 = arith.constant 0 : index
    %get3A_1 = arith.constant 0 : index
    %get3A_2 = vector.load %arg0[%get3A, %get3A_0, %get3A_1] : memref<2x10000x128xf32, #tpu.memory_space<vmem>>, vector<2x10000x128xf32>
    %reduce_sum3A = arith.constant dense<0.000000e+00> : vector<10000x128xf32>
    %reduce_sum3A_3 = vector.multi_reduction <add>, %get3A_2, %reduce_sum3A [0] : vector<2x10000x128xf32> to vector<10000x128xf32>
    %get3A_4 = arith.constant 0 : index
    %get3A_5 = arith.constant 0 : index
    %get3A_6 = vector.load %arg1[%get3A_4, %get3A_5] : memref<10000x1xf32, #tpu.memory_space<vmem>>, vector<10000x1xf32>
    %mul3A = vector.broadcast %get3A_6 : vector<10000x1xf32> to vector<10000x128xf32>
    %mul3A_7 = arith.mulf %reduce_sum3A_3, %mul3A : vector<10000x128xf32>
    %swap3A = arith.constant 0 : index
    %swap3A_8 = arith.constant 0 : index
    %swap3A_9 = vector.load %arg2[%swap3A, %swap3A_8] : memref<10000x128xf32, #tpu.memory_space<vmem>>, vector<10000x128xf32>
    tpu.vector_store %arg2[%swap3A, %swap3A_8], %mul3A_7 {strides = array<i32>} : memref<10000x128xf32, #tpu.memory_space<vmem>>, vector<10000x128xf32>,
    return
  }
}

module attributes {stable_mosaic.version = 14 : i64} {
  func.func @_tc3_body(%arg0: memref<10000x128xf32, #tpu.memory_space<vmem>>, %arg1: memref<10000x128xf32, #tpu.memory_space<vmem>>, %arg2: memref<256xf32, #tpu.memory_space<vmem>>, %arg3: memref<256xf32, #tpu.memory_space<vmem>>, %arg4: memref<16x256xf32, #tpu.memory_space<vmem>>, %arg5: memref<16xf32, #tpu.memory_space<vmem>>, %arg6: memref<100x10000xf32, #tpu.memory_space<vmem>>, %arg7: memref<10000x16xf32, #tpu.memory_space<vmem>>, %arg8: memref<10000x16xf32, #tpu.memory_space<vmem>>, %arg9: memref<16x100xf32, #tpu.memory_space<vmem>>) attributes {dimension_semantics = [], scalar_prefetch = 0 : i64, scratch_operands = 0 : i64, tpu.core_type = #tpu.core_type<tc>} {
    %get3A = arith.constant 0 : index
    %get3A_0 = arith.constant 0 : index
    %get3A_1 = vector.load %arg0[%get3A, %get3A_0] : memref<10000x128xf32, #tpu.memory_space<vmem>>, vector<10000x128xf32>
    %reduce_sum3A = arith.constant dense<0.000000e+00> : vector<128xf32>
    %reduce_sum3A_2 = vector.multi_reduction <add>, %get3A_1, %reduce_sum3A [0] : vector<10000x128xf32> to vector<128xf32>
    %broadcast_in_dim3A = vector.shape_cast %reduce_sum3A_2 : vector<128xf32> to vector<1x128xf32>
    %div3A = arith.constant 1.000000e+04 : f32
    %div3A_3 = vector.broadcast %div3A : f32 to vector<1x128xf32>
    %div3A_4 = arith.divf %broadcast_in_dim3A, %div3A_3 : vector<1x128xf32>
    %sub3A = vector.broadcast %div3A_4 : vector<1x128xf32> to vector<10000x128xf32>
    %sub3A_5 = arith.subf %get3A_1, %sub3A : vector<10000x128xf32>
    %integer_pow3A = arith.mulf %sub3A_5, %sub3A_5 : vector<10000x128xf32>
    %reduce_sum3A_6 = arith.constant dense<0.000000e+00> : vector<128xf32>
    %reduce_sum3A_7 = vector.multi_reduction <add>, %integer_pow3A, %reduce_sum3A_6 [0] : vector<10000x128xf32> to vector<128xf32>
    %broadcast_in_dim3A_8 = vector.shape_cast %reduce_sum3A_7 : vector<128xf32> to vector<1x128xf32>
    %div3A_9 = arith.constant 1.000000e+04 : f32
    %div3A_10 = vector.broadcast %div3A_9 : f32 to vector<1x128xf32>
    %div3A_11 = arith.divf %broadcast_in_dim3A_8, %div3A_10 : vector<1x128xf32>
    %get3A_12 = arith.constant 0 : index
    %get3A_13 = vector.load %arg2[%get3A_12] : memref<256xf32, #tpu.memory_space<vmem>>, vector<128xf32>
    %get3A_14 = arith.constant 0 : index
    %get3A_15 = vector.load %arg3[%get3A_14] : memref<256xf32, #tpu.memory_space<vmem>>, vector<128xf32>
    %sub3A_16 = vector.broadcast %div3A_4 : vector<1x128xf32> to vector<10000x128xf32>
    %sub3A_17 = arith.subf %get3A_1, %sub3A_16 : vector<10000x128xf32>
    %broadcast_in_dim3A_18 = vector.shape_cast %get3A_13 : vector<128xf32> to vector<1x128xf32>
    %mul3A = vector.broadcast %broadcast_in_dim3A_18 : vector<1x128xf32> to vector<10000x128xf32>
    %mul3A_19 = arith.mulf %mul3A, %sub3A_17 : vector<10000x128xf32>
    %add3A = arith.constant 9.99999974E-6 : f32
    %add3A_20 = vector.broadcast %add3A : f32 to vector<1x128xf32>
    %add3A_21 = arith.addf %div3A_11, %add3A_20 : vector<1x128xf32>
    %sqrt3A = math.sqrt %add3A_21 : vector<1x128xf32>
    %div3A_22 = vector.broadcast %sqrt3A : vector<1x128xf32> to vector<10000x128xf32>
    %div3A_23 = arith.divf %mul3A_19, %div3A_22 : vector<10000x128xf32>
    %broadcast_in_dim3A_24 = vector.shape_cast %get3A_15 : vector<128xf32> to vector<1x128xf32>
    %add3A_25 = vector.broadcast %broadcast_in_dim3A_24 : vector<1x128xf32> to vector<10000x128xf32>
    %add3A_26 = arith.addf %div3A_23, %add3A_25 : vector<10000x128xf32>
    %get3A_27 = arith.constant 0 : index
    %get3A_28 = arith.constant 0 : index
    %get3A_29 = vector.load %arg1[%get3A_27, %get3A_28] : memref<10000x128xf32, #tpu.memory_space<vmem>>, vector<10000x128xf32>
    %reduce_sum3A_30 = arith.constant dense<0.000000e+00> : vector<128xf32>
    %reduce_sum3A_31 = vector.multi_reduction <add>, %get3A_29, %reduce_sum3A_30 [0] : vector<10000x128xf32> to vector<128xf32>
    %broadcast_in_dim3A_32 = vector.shape_cast %reduce_sum3A_31 : vector<128xf32> to vector<1x128xf32>
    %div3A_33 = arith.constant 1.000000e+04 : f32
    %div3A_34 = vector.broadcast %div3A_33 : f32 to vector<1x128xf32>
    %div3A_35 = arith.divf %broadcast_in_dim3A_32, %div3A_34 : vector<1x128xf32>
    %sub3A_36 = vector.broadcast %div3A_35 : vector<1x128xf32> to vector<10000x128xf32>
    %sub3A_37 = arith.subf %get3A_29, %sub3A_36 : vector<10000x128xf32>
    %integer_pow3A_38 = arith.mulf %sub3A_37, %sub3A_37 : vector<10000x128xf32>
    %reduce_sum3A_39 = arith.constant dense<0.000000e+00> : vector<128xf32>
    %reduce_sum3A_40 = vector.multi_reduction <add>, %integer_pow3A_38, %reduce_sum3A_39 [0] : vector<10000x128xf32> to vector<128xf32>
    %broadcast_in_dim3A_41 = vector.shape_cast %reduce_sum3A_40 : vector<128xf32> to vector<1x128xf32>
    %div3A_42 = arith.constant 1.000000e+04 : f32
    %div3A_43 = vector.broadcast %div3A_42 : f32 to vector<1x128xf32>
    %div3A_44 = arith.divf %broadcast_in_dim3A_41, %div3A_43 : vector<1x128xf32>
    %get3A_45 = arith.constant 128 : index
    %get3A_46 = vector.load %arg2[%get3A_45] : memref<256xf32, #tpu.memory_space<vmem>>, vector<128xf32>
    %get3A_47 = arith.constant 128 : index
    %get3A_48 = vector.load %arg3[%get3A_47] : memref<256xf32, #tpu.memory_space<vmem>>, vector<128xf32>
    %sub3A_49 = vector.broadcast %div3A_35 : vector<1x128xf32> to vector<10000x128xf32>
    %sub3A_50 = arith.subf %get3A_29, %sub3A_49 : vector<10000x128xf32>
    %broadcast_in_dim3A_51 = vector.shape_cast %get3A_46 : vector<128xf32> to vector<1x128xf32>
    %mul3A_52 = vector.broadcast %broadcast_in_dim3A_51 : vector<1x128xf32> to vector<10000x128xf32>
    %mul3A_53 = arith.mulf %mul3A_52, %sub3A_50 : vector<10000x128xf32>
    %add3A_54 = arith.constant 9.99999974E-6 : f32
    %add3A_55 = vector.broadcast %add3A_54 : f32 to vector<1x128xf32>
    %add3A_56 = arith.addf %div3A_44, %add3A_55 : vector<1x128xf32>
    %sqrt3A_57 = math.sqrt %add3A_56 : vector<1x128xf32>
    %div3A_58 = vector.broadcast %sqrt3A_57 : vector<1x128xf32> to vector<10000x128xf32>
    %div3A_59 = arith.divf %mul3A_53, %div3A_58 : vector<10000x128xf32>
    %broadcast_in_dim3A_60 = vector.shape_cast %get3A_48 : vector<128xf32> to vector<1x128xf32>
    %add3A_61 = vector.broadcast %broadcast_in_dim3A_60 : vector<1x128xf32> to vector<10000x128xf32>
    %add3A_62 = arith.addf %div3A_59, %add3A_61 : vector<10000x128xf32>
    %convert_element_type3A = arith.truncf %add3A_26 : vector<10000x128xf32> to vector<10000x128xbf16>
    %get3A_63 = arith.constant 0 : index
    %get3A_64 = arith.constant 0 : index
    %get3A_65 = vector.load %arg4[%get3A_63, %get3A_64] : memref<16x256xf32, #tpu.memory_space<vmem>>, vector<16x128xf32>
    %convert_element_type3A_66 = arith.truncf %get3A_65 : vector<16x128xf32> to vector<16x128xbf16>
    %dot_general3A = arith.constant dense<0.000000e+00> : vector<10000x16xf32>
    %dot_general3A_67 = tpu.matmul %convert_element_type3A, %convert_element_type3A_66, %dot_general3A {dimension_numbers = #tpu.dot_dimension_numbers<[1], [1], [0], [0], [0, 0, 1, 0], [], []>, transpose_lhs_hint = false} : vector<10000x128xbf16>, vector<16x128xbf16>, vector<10000x16xf32> -> vector<10000x16xf32>
    %convert_element_type3A_68 = arith.truncf %add3A_62 : vector<10000x128xf32> to vector<10000x128xbf16>
    %get3A_69 = arith.constant 0 : index
    %get3A_70 = arith.constant 128 : index
    %get3A_71 = vector.load %arg4[%get3A_69, %get3A_70] : memref<16x256xf32, #tpu.memory_space<vmem>>, vector<16x128xf32>
    %convert_element_type3A_72 = arith.truncf %get3A_71 : vector<16x128xf32> to vector<16x128xbf16>
    %dot_general3A_73 = arith.constant dense<0.000000e+00> : vector<10000x16xf32>
    %dot_general3A_74 = tpu.matmul %convert_element_type3A_68, %convert_element_type3A_72, %dot_general3A_73 {dimension_numbers = #tpu.dot_dimension_numbers<[1], [1], [0], [0], [0, 0, 1, 0], [], []>, transpose_lhs_hint = false} : vector<10000x128xbf16>, vector<16x128xbf16>, vector<10000x16xf32> -> vector<10000x16xf32>
    %add3A_75 = arith.addf %dot_general3A_67, %dot_general3A_74 : vector<10000x16xf32>
    %get3A_76 = arith.constant 0 : index
    %get3A_77 = vector.load %arg5[%get3A_76] : memref<16xf32, #tpu.memory_space<vmem>>, vector<16xf32>
    %broadcast_in_dim3A_78 = vector.shape_cast %get3A_77 : vector<16xf32> to vector<1x16xf32>
    %add3A_79 = vector.broadcast %broadcast_in_dim3A_78 : vector<1x16xf32> to vector<10000x16xf32>
    %add3A_80 = arith.addf %add3A_75, %add3A_79 : vector<10000x16xf32>
    %swap3A = arith.constant 0 : index
    %swap3A_81 = arith.constant 0 : index
    %swap3A_82 = vector.load %arg7[%swap3A, %swap3A_81] : memref<10000x16xf32, #tpu.memory_space<vmem>>, vector<10000x16xf32>
    tpu.vector_store %arg7[%swap3A, %swap3A_81], %add3A_80 {strides = array<i32>} : memref<10000x16xf32, #tpu.memory_space<vmem>>, vector<10000x16xf32>,
    %reduce_max3A = arith.constant dense<0xFF800000> : vector<10000xf32>
    %reduce_max3A_83 = vector.multi_reduction <maximumf>, %add3A_80, %reduce_max3A [1] : vector<10000x16xf32> to vector<10000xf32>
    %broadcast_in_dim3A_84 = vector.shape_cast %reduce_max3A_83 : vector<10000xf32> to vector<10000x1xf32>
    %iota3A = tpu.iota {dimensions = array<i32: 1>} : vector<10000x16xi32>
    %eq3A = vector.broadcast %broadcast_in_dim3A_84 : vector<10000x1xf32> to vector<10000x16xf32>
    %eq3A_85 = arith.cmpf oeq, %add3A_80, %eq3A : vector<10000x16xf32>
    %jit3A = arith.constant 16 : i32
    %broadcast_in_dim3A_86 = vector.broadcast %jit3A : i32 to vector<10000x16xi32>
    %select_n3A = arith.select %eq3A_85, %iota3A, %broadcast_in_dim3A_86 : vector<10000x16xi1>, vector<10000x16xi32>
    %reduce_min3A = arith.constant dense<2147483647> : vector<10000xi32>
    %reduce_min3A_87 = vector.multi_reduction <minsi>, %select_n3A, %reduce_min3A [1] : vector<10000x16xi32> to vector<10000xi32>
    %broadcast_in_dim3A_88 = vector.shape_cast %reduce_min3A_87 : vector<10000xi32> to vector<10000x1xi32>
    %eq3A_89 = vector.broadcast %broadcast_in_dim3A_88 : vector<10000x1xi32> to vector<10000x16xi32>
    %eq3A_90 = arith.cmpi eq, %iota3A, %eq3A_89 : vector<10000x16xi32>
    %convert_element_type3A_91 = arith.extui %eq3A_90 : vector<10000x16xi1> to vector<10000x16xi32>
    %convert_element_type3A_92 = arith.sitofp %convert_element_type3A_91 : vector<10000x16xi32> to vector<10000x16xf32>
    %swap3A_93 = arith.constant 0 : index
    %swap3A_94 = arith.constant 0 : index
    %swap3A_95 = vector.load %arg8[%swap3A_93, %swap3A_94] : memref<10000x16xf32, #tpu.memory_space<vmem>>, vector<10000x16xf32>
    tpu.vector_store %arg8[%swap3A_93, %swap3A_94], %convert_element_type3A_92 {strides = array<i32>} : memref<10000x16xf32, #tpu.memory_space<vmem>>, vector<10000x16xf32>,
    %sub3A_96 = vector.broadcast %broadcast_in_dim3A_84 : vector<10000x1xf32> to vector<10000x16xf32>
    %sub3A_97 = arith.subf %add3A_80, %sub3A_96 : vector<10000x16xf32>
    %exp3A = math.exp %sub3A_97 : vector<10000x16xf32>
    %reduce_sum3A_98 = arith.constant dense<0.000000e+00> : vector<10000xf32>
    %reduce_sum3A_99 = vector.multi_reduction <add>, %exp3A, %reduce_sum3A_98 [1] : vector<10000x16xf32> to vector<10000xf32>
    %broadcast_in_dim3A_100 = vector.shape_cast %reduce_sum3A_99 : vector<10000xf32> to vector<10000x1xf32>
    %div3A_101 = vector.broadcast %broadcast_in_dim3A_100 : vector<10000x1xf32> to vector<10000x16xf32>
    %div3A_102 = arith.divf %exp3A, %div3A_101 : vector<10000x16xf32>
    %reduce_sum3A_103 = arith.constant dense<0.000000e+00> : vector<16xf32>
    %reduce_sum3A_104 = vector.multi_reduction <add>, %div3A_102, %reduce_sum3A_103 [0] : vector<10000x16xf32> to vector<16xf32>
    %broadcast_in_dim3A_105 = vector.shape_cast %reduce_sum3A_104 : vector<16xf32> to vector<1x16xf32>
    %max3A = arith.constant 9.99999996E-13 : f32
    %max3A_106 = vector.broadcast %max3A : f32 to vector<1x16xf32>
    %max3A_107 = arith.maximumf %broadcast_in_dim3A_105, %max3A_106 : vector<1x16xf32>
    %div3A_108 = vector.broadcast %max3A_107 : vector<1x16xf32> to vector<10000x16xf32>
    %div3A_109 = arith.divf %div3A_102, %div3A_108 : vector<10000x16xf32>
    %convert_element_type3A_110 = arith.truncf %div3A_109 : vector<10000x16xf32> to vector<10000x16xbf16>
    %get3A_111 = arith.constant 0 : index
    %get3A_112 = arith.constant 0 : index
    %get3A_113 = vector.load %arg6[%get3A_111, %get3A_112] : memref<100x10000xf32, #tpu.memory_space<vmem>>, vector<100x10000xf32>
    %convert_element_type3A_114 = arith.truncf %get3A_113 : vector<100x10000xf32> to vector<100x10000xbf16>
    %dot_general3A_115 = arith.constant dense<0.000000e+00> : vector<16x100xf32>
    %dot_general3A_116 = tpu.matmul %convert_element_type3A_110, %convert_element_type3A_114, %dot_general3A_115 {dimension_numbers = #tpu.dot_dimension_numbers<[0], [1], [1], [0], [0, 1, 1, 0], [], []>, transpose_lhs_hint = false} : vector<10000x16xbf16>, vector<100x10000xbf16>, vector<16x100xf32> -> vector<16x100xf32>
    %swap3A_117 = arith.constant 0 : index
    %swap3A_118 = arith.constant 0 : index
    %swap3A_119 = vector.load %arg9[%swap3A_117, %swap3A_118] : memref<16x100xf32, #tpu.memory_space<vmem>>, vector<16x100xf32>
    tpu.vector_store %arg9[%swap3A_117, %swap3A_118], %dot_general3A_116 {strides = array<i32>} : memref<16x100xf32, #tpu.memory_space<vmem>>, vector<16x100xf32>,
    return
  }
}

</mosaic_0001>

<sc_bundles>
// kernel: kernel.11.cloned.1.call-start
scs
__scs_entry_jumppad:
0x0: {  	(pc) =	sbr.rel $0x88, $3  }
0x1: {  	(tag) =	ssettag $0x0;
	lr =	simm.s32 $0x1  }
0x2: {  	[smem:$0x3F90] =	sst lr;
	_ =	strace $0xD0000000  }
0x3: {  	_ = 	snop  }
0x4: {  	_ = 	snop  }
0x5: {  	_ = 	snop  }
0x6: {  	_ = 	snop  }
0x7: {  	_ = 	snop  }
__scs_overlays_trampoline_lowered:
0x8: {  	[smem:$0x3F9F] =	sst s0  }
0x9: {  	[smem:$0x3FA0] =	sst s1  }
0xa: {  	[smem:$0x3FA1] =	sst s2  }
0xb: {  	[smem:$0x3FA2] =	sst s3  }
0xc: {  	[smem:$0x3FA3] =	sst s4  }
0xd: {  	[smem:$0x3FA4] =	sst s5  }
0xe: {  	[smem:$0x3FA5] =	sst s6  }
0xf: {  	[smem:$0x3FA6] =	sst s7  }
0x10: {  	[smem:$0x3FA7] =	sst s8  }
0x11: {  	[smem:$0x3FA8] =	sst s9;
	s0 =	simm.s32 @!p0 $0x0  }
0x12: {  	s1 =	sld [smem:$0x3F8E];
	s0 =	simm.s32 @p0 $0x1  }
0x13: {  	[smem:$0x3FA9] =	sst s0;
	s0 =	simm.s32 @!p1 $0x0  }
0x14: {  	s2 =	sld [smem:$0x3F8D];
	s0 =	simm.s32 @p1 $0x1  }
0x15: {  	[smem:$0x3FAA] =	sst s0;
	s0 =	simm.s32 @!p2 $0x0  }
0x16: {  	s3 =	sld [smem:$0x3FDB];
	s0 =	simm.s32 @p2 $0x1  }
0x17: {  	s4 =	simm.s32 $0x1BF5;
	[smem:$0x3FAC] =	sst s0  }
0x18: {  	s0 =	sld [smem:$0x3F8F];
	_ =	swait.ge [sflag:s4], $0x0  }
0x19: {  	s7 =	sld [smem:$0x3F90]  }
0x1a: {  	s8 =	sadd.s32 $0xFFFFE003, lr  }
0x1b: {  	s9 =	sadd.s32 $0xFFFFFEF7, lr;
	s5 =	simm.s32 $0xFFFFFFFF;
	p2 =	slt.u32 s8, $0xFFFFF086  }
0x1c: {  	p1 =	slt.u32 s9, $0xF7A;
	s5 =	simm.s32 @!p2 $0x0  }
0x1d: {  	s5 =	simm.s32 @p1 $0x1;
	p0 =	seq.s32 s7, s2  }
0x1e: {  	s7 =	smul.u32 @!p0 $0xF7A, s2;
	p2 =	seq.s32 @!p0 s5, $0x0  }
0x1f: {  	s9 =	smul.u32 $0xF7A, s1;
	s8 =	simm.s32 @!p0 $0x1BF5;
	p2 =	por !p2, p0  }
0x20: {  	[sflag:s8] =	ssyncset.s32 @!p0 $0xFFFFF086;
	s6 =	sadd.s32 @!p0 s3, s7;
	s7 =	simm.s32 @!p0 $0x108  }
0x21: {  	s3 =	sadd.s32 s3, s9;
	s6 =	sadd.s32 @!p0 $0x88, s6;
	s7 =	simm.s32 @p2 $0x1082  }
0x22: {  	[simem:s7], [sflag:s8] =	dma.local @!p0 [hbm:s6], $0xF7A  }
0x23: {  	s9 =	sor.u32 $0xD0000000, s2;
	s6 =	simm.s32 $0x108;
	_ =	swait.ge @!p0 [sflag:s8], $0x0  }
0x24: {  	s3 =	sadd.s32 $0x88, s3;
	s6 =	simm.s32 @!p1 $0x1082;
	[sflag:s4] =	ssyncset.s32 $0xFFFFF086  }
0x25: {  	[simem:s6], [sflag:s4] =	dma.local [hbm:s3], $0xF7A  }
0x26: {  	[smem:$0x3F90] =	sst s1;
	(tag) =	ssettag s2;
	_ =	strace s9  }
0x27: {  	s1 =	sld [smem:$0x3FA0]  }
0x28: {  	s2 =	sld [smem:$0x3FA1]  }
0x29: {  	s4 =	sld [smem:$0x3FA3]  }
0x2a: {  	p0 =	seq.s32 s5, $0x0;
	s5 =	sld [smem:$0x3FA4]  }
0x2b: {  	s6 =	sld [smem:$0x3FA5]  }
0x2c: {  	s7 =	sld [smem:$0x3FA6]  }
0x2d: {  	s3 =	simm.s32 $0x108;
	s8 =	sld [smem:$0x3FA7]  }
0x2e: {  	s3 =	simm.s32 @!p0 $0x1082;
	s9 =	sld [smem:$0x3FA8]  }
0x2f: {  	lr =	sadd.s32 s0, s3;
	s0 =	sld [smem:$0x3F9F]  }
0x30: {  	s3 =	sld [smem:$0x3FA2]  }
0x31: {  	[smem:$0x3FAB] =	sst s10  }
0x32: {  	s10 =	sld [smem:$0x3FA9];
	_ =	sdelay $0x3  }
0x33: {  	p0 =	seq.s32 s10, $0x1;
	s10 =	sld [smem:$0x3FAB];
	_ =	sdelay $0x3  }
0x34: {  	[smem:$0x3FAB] =	sst s10  }
0x35: {  	s10 =	sld [smem:$0x3FAA];
	_ =	sdelay $0x3  }
0x36: {  	p1 =	seq.s32 s10, $0x1;
	s10 =	sld [smem:$0x3FAB];
	_ =	sdelay $0x3  }
0x37: {  	[smem:$0x3FAB] =	sst s10  }
0x38: {  	s10 =	sld [smem:$0x3FAC]  }
0x39: {  	_ = 	snop;
	(pc) =	sbr.ind lr, $3  }
0x3a: {  	_ = 	snop  }
0x3b: {  	_ = 	snop  }
0x3c: {  	p2 =	seq.s32 s10, $0x1;
	s10 =	sld [smem:$0x3FAB]  }
0x3d: {  	_ =	shalt  }
0x3e: {  	_ =	shalt  }
0x3f: {  	_ =	shalt  }
0x40: {  	_ =	shalt  }
0x41: {  	_ =	shalt  }
0x42: {  	_ =	shalt  }
0x43: {  	_ =	shalt  }
0x44: {  	_ =	shalt  }
0x45: {  	_ =	shalt  }
0x46: {  	_ =	shalt  }
0x47: {  	_ =	shalt  }
0x48: {  	_ =	shalt  }
0x49: {  	_ =	shalt  }
0x4a: {  	_ =	shalt  }
0x4b: {  	_ =	shalt  }
0x4c: {  	_ =	shalt  }
0x4d: {  	_ =	shalt  }
0x4e: {  	_ =	shalt  }
0x4f: {  	_ =	shalt  }
0x50: {  	_ =	shalt  }
0x51: {  	_ =	shalt  }
0x52: {  	_ =	shalt  }
0x53: {  	_ =	shalt  }
0x54: {  	_ =	shalt  }
0x55: {  	_ =	shalt  }
0x56: {  	_ =	shalt  }
0x57: {  	_ =	shalt  }
0x58: {  	_ =	shalt  }
0x59: {  	_ =	shalt  }
0x5a: {  	_ =	shalt  }
0x5b: {  	_ =	shalt  }
0x5c: {  	_ =	shalt  }
0x5d: {  	_ =	shalt  }
0x5e: {  	_ =	shalt  }
0x5f: {  	_ =	shalt  }
0x60: {  	_ =	shalt  }
0x61: {  	_ =	shalt  }
0x62: {  	_ =	shalt  }
0x63: {  	_ =	shalt  }
0x64: {  	_ =	shalt  }
0x65: {  	_ =	shalt  }
0x66: {  	_ =	shalt  }
0x67: {  	_ =	shalt  }
0x68: {  	_ =	shalt  }
0x69: {  	_ =	shalt  }
0x6a: {  	_ =	shalt  }
0x6b: {  	_ =	shalt  }
0x6c: {  	_ =	shalt  }
0x6d: {  	_ =	shalt  }
0x6e: {  	_ =	shalt  }
0x6f: {  	_ =	shalt  }
0x70: {  	_ =	shalt  }
0x71: {  	_ =	shalt  }
0x72: {  	_ =	shalt  }
0x73: {  	_ =	shalt  }
0x74: {  	_ =	shalt  }
0x75: {  	_ =	shalt  }
0x76: {  	_ =	shalt  }
0x77: {  	_ =	shalt  }
0x78: {  	_ =	shalt  }
0x79: {  	_ =	shalt  }
0x7a: {  	_ =	shalt  }
0x7b: {  	_ =	shalt  }
0x7c: {  	_ =	shalt  }
0x7d: {  	_ =	shalt  }
0x7e: {  	_ =	shalt  }
0x7f: {  	_ =	shalt  }
0x80: {  	_ =	shalt  }
0x81: {  	_ =	shalt  }
0x82: {  	_ =	shalt  }
0x83: {  	_ =	shalt  }
0x84: {  	_ =	shalt  }
0x85: {  	_ =	shalt  }
0x86: {  	_ =	shalt  }
0x87: {  	_ =	shalt  }
.Lfunc_end0:
.L_simem_size_0:
called_computation.1_lowered:
.L_overlay_start_0:
0x88: {  	s2 =	sld [smem:$0x3FD9]  }
0x89: {  	s3 =	sld [smem:$0x3FFE];
	_ =	sdelay $0x1  }
0x8a: {  	s1 =	srdreg.scid  }
0x8b: {  	s0 =	sand.u32 $0x1, s1  }
0x8c: {  	s17 =	sshll.u32 s0, $0xA;
	s2 =	sadd.s32 s3, s2  }
0x8d: {  	s2 =	sadd.s32 s2, s17  }
0x8e: {  	[smem:$0x3FB7] =	sst s2  }
0x8f: {  	_ = 	snop  }
0x90: {  	s2 =	sld [smem:$0x3FC7];
	(tm) =	ssettm $0x1  }
0x91: {  	s18 =	sld [smem:$0x3FFB];
	_ =	sdelay $0x3  }
0x92: {  	_ =	strace s18  }
0x93: {  	s3 =	sld [smem:$0x3FFC];
	_ =	sdelay $0x3  }
0x94: {  	_ =	strace s3  }
0x95: {  	s3 =	sld [smem:$0x3FFD];
	_ =	sdelay $0x3  }
0x96: {  	_ =	strace s3  }
0x97: {  	_ =	strace $0x8FFFFFFF  }
0x98: {  	s19 =	sld [smem:$0x3FDB];
	_ =	sdelay $0x1  }
0x99: {  	s4 =	simm.s32 $_scs_section_size  }
0x9a: {  	s5 =	simm.s32 $_size__tile_overlayer_lowered;
	s6 =	simm.s32 $_tile_overlayer_lowered  }
0x9b: {  	s22 =	simm.s32 $0x1BFF;
	s21 =	sshll.u32 s6, $0x1;
	s3 =	sadd.s32 s4, s19  }
0x9c: {  	s7 =	simm.s32 $0x0;
	s20 =	sshll.u32 s5, $0x1;
	s5 =	sadd.s32 s21, s3  }
0x9d: {  	[timem:s7], [sflag:s22] =	dma.local [hbm:s5], s20  }
0x9e: {  	_ =	swait.ge [sflag:s22], s20  }
0x9f: {  	s4 =	ssub.s32 $0x0, s20;
	[sflag:s22] =	ssyncset.done $0x0  }
0xa0: {  	[sflag:s22] =	ssyncadd.s32 s4;
	_ =	sdelay $0x1  }
0xa1: {  	s23 =	simm.s32 $0x1B8B  }
0xa2: {  	_ =	swait.ge [sflag:s23], $0x1  }
0xa3: {  	[sflag:s23] =	ssyncset.done $0x0  }
0xa4: {  	s25 =	simm.s32 $0x1B8E;
	s24 =	sld [smem:$0x3FFE];
	[sflag:s23] =	ssyncadd.s32 $0xFFFFFFFF  }
0xa5: {  	s26 =	simm.s32 $execute0_lowered;
	[smem:$0x3FD2] =	sst s25  }
0xa6: {  	s5 =	sshll.u32 s26, $0x1;
	_ =	strace $0x80000049;
	[dreg:$0x1] =	wrdreg $0xFFFFFFFF  }
0xa7: {  	s28 =	simm.s32 $_size_execute0_lowered;
	s3 =	sadd.s32 s3, s5;
	[dreg:$0x0] =	wrdreg $0x0  }
0xa8: {  	s5 =	sshll.u32 s28, $0x1;
	[dreg:$0x2] =	wrdreg s3  }
0xa9: {  	[dreg:$0x3] =	wrdreg s5  }
0xaa: {  	[dreg:$0x4] =	wrdreg $0xC0  }
0xab: {  	_ =	task [dreg:s7], $0x5FFFF  }
0xac: {  	[dreg:$0x1] =	wrdreg $0xFFFFFFFF  }
0xad: {  	[dreg:$0x0] =	wrdreg $0x60  }
0xae: {  	[dreg:$0x2] =	wrdreg s24  }
0xaf: {  	[dreg:$0x3] =	wrdreg s2  }
0xb0: {  	[dreg:$0x4] =	wrdreg $0x54000  }
0xb1: {  	[dreg:$0x5] =	wrdreg $0x9  }
0xb2: {  	_ =	task.clear_ibuf [dreg:s7], $0x6FFFF;
	_ =	strace $0x90000049  }
0xb3: {  	s29 =	simm.s32 $0x9;
	_ =	strace $0x8000004B  }
0xb4: {  	_ =	swait.ge [sflag:s29], $0x1  }
0xb5: {  	[sflag:s29] =	ssyncadd.s32 $0xFFFFFFFF  }
0xb6: {  	_ =	strace $0x9000004B  }
0xb7: {  	_ =	sfence  }
0xb8: {  	s30 =	sld [smem:$0x0];
	_ =	sdelay $0x2  }
0xb9: {  	s31 =	sshll.u32 s1, $0xD;
	s1 =	sshrl.u32 s1, $0x2  }
0xba: {  	s3 =	sand.u32 $0x4000, s31;
	s1 =	sadd.s32 s1, s30  }
0xbb: {  	s0 =	sor.u32 s3, s0;
	s1 =	sshll.u32 s1, $0x11  }
0xbc: {  	s0 =	sor.u32 s1, s0  }
0xbd: {  	s0 =	sadd.s32 $0x8F2B, s0  }
0xbe: {  	[sflag:s0] =	ssyncadd.remote.s32 $0x1  }
0xbf: {  	_ =	sfence.sel $0xFFFF  }
0xc0: {  	[dreg:$0x0] =	wrdreg $0xFFFFFFFF;
	(pc) =	sbr.abs _section_cstart, $3  }
0xc1: {  	[dreg:$0x1] =	wrdreg $0xFFFFFFFF  }
0xc2: {  	_ =	task.clear_ibuf [dreg:s7], $0x2FFFF;
	_ =	strace $0x9FFFFFFF  }
0xc3: {  	(tm) =	ssettm $0x7FFFFFFF  }
tec
execute0_lowered:
.L_overlay_start_1:
0x0: {  	(tag) =	ssettag $0x1  }
0x1: {  	s2 =	rddreg [dreg:$0x0]  }
0x2: {  	s1 =	rddreg [dreg:$0x1]  }
0x3: {  	s3 =	rddreg [dreg:$0x2];
	s0 =	srdreg.scid;
	s4 =	simm.s32 $0x0  }
0x4: {  	s22 =	stileid.u32;
	s28 =	simm.s32 $0x80;
	s29 =	simm.s32 $0x100  }
0x5: {  	s30 =	simm.s32 $0x50;
	s5 =	sand.u32 $0x1, s0;
	s6 =	smul.u32 $0x13800, s22  }
0x6: {  	[smem:$0x7FF] =	sst s4;
	s9 =	sadd.s32 $0x3E400, s2;
	s10 =	smul.u32 $0x4E000, s22  }
0x7: {  	p0 =	seq.s32 s22, $0xF;
	s0 =	ssub.s32 $0x2, s5;
	_ =	strace $0x8000004A  }
0x8: {  	s8 =	smul.u32 $0x138800, s5;
	s5 =	sshll.u32 s5, $0x4;
	s7 =	sshrl.u32 s0, $0x1  }
0x9: {  	s18 =	sadd.s32 $0x5000, s6;
	s10 =	sshrl.u32 s10, $0x2;
	s5 =	sor.u32 s22, s5  }
0xa: {  	s0 =	ssub.s32 s0, s7;
	s7 =	sadd.s32 $0x2800, s6;
	s11 =	sadd.s32 s6, s8  }
0xb: {  	s19 =	sadd.s32 s8, s18;
	s16 =	sadd.s32 s10, s3;
	s18 =	sadd.s32 s18, s3  }
0xc: {  	s11 =	sshrl.u32 s11, $0x3;
	[dreg:$0xd] =	wrdreg s18;
	s22 =	sadd.s32 $0x7800, s16  }
0xd: {  	s12 =	sadd.s32 s8, s7;
	s11 =	sadd.s32 s9, s11;
	[dreg:$0x1d] =	wrdreg s22  }
0xe: {  	s31 =	simm.s32 $0x180;
	s12 =	sshrl.u32 s12, $0x3;
	[dreg:$0x4] =	wrdreg s11  }
0xf: {  	s17 =	sadd.s32 s9, s12;
	s11 =	sshrl.u32 s19, $0x3;
	s12 =	sadd.s32 $0x7800, s6  }
0x10: {  	s19 =	sadd.s32 $0xA000, s6;
	s11 =	sadd.s32 s9, s11;
	s20 =	sadd.s32 s8, s12  }
0x11: {  	s13 =	sadd.s32 s8, s19;
	[dreg:$0x6] =	wrdreg s11;
	s11 =	sshrl.u32 s20, $0x3  }
0x12: {  	[dreg:$0x5] =	wrdreg s17;
	s13 =	sshrl.u32 s13, $0x3;
	s11 =	sadd.s32 s9, s11  }
0x13: {  	s20 =	sadd.s32 $0xC800, s6;
	s21 =	sadd.s32 s9, s13;
	[dreg:$0x7] =	wrdreg s11  }
0x14: {  	s17 =	smul.u32 $0x2710, s5;
	s23 =	sadd.s32 s8, s20;
	[dreg:$0x8] =	wrdreg s21  }
0x15: {  	s11 =	sshrl.u32 s23, $0x3;
	s21 =	sadd.s32 $0xF000, s6;
	s23 =	sadd.s32 s12, s3  }
0x16: {  	s6 =	sadd.s32 $0x11800, s6;
	s11 =	sadd.s32 s9, s11;
	[dreg:$0xe] =	wrdreg s23  }
0x17: {  	s24 =	sadd.s32 s8, s21;
	s5 =	sadd.s32 s6, s3;
	[dreg:$0x9] =	wrdreg s11  }
0x18: {  	s25 =	sadd.s32 s8, s6;
	s23 =	sadd.s32 $0xA000, s16;
	[dreg:$0x12] =	wrdreg s5  }
0x19: {  	s11 =	sshrl.u32 s24, $0x3;
	s24 =	sadd.s32 s19, s3;
	[dreg:$0x1e] =	wrdreg s23  }
0x1a: {  	s13 =	sshrl.u32 s25, $0x3;
	s25 =	sadd.s32 s20, s3;
	[dreg:$0xf] =	wrdreg s24  }
0x1b: {  	s14 =	sadd.s32 $0xD400, s2;
	s20 =	sadd.s32 $0x2800, s16;
	[dreg:$0x10] =	wrdreg s25  }
0x1c: {  	s8 =	sshrl.u32 s8, $0x3;
	s11 =	sadd.s32 s9, s11;
	[dreg:$0x1b] =	wrdreg s20  }
0x1d: {  	s8 =	sadd.s32 s9, s8;
	s26 =	sadd.s32 s9, s13;
	[dreg:$0xa] =	wrdreg s11  }
0x1e: {  	s15 =	sadd.s32 $0x3600, s2;
	s6 =	sadd.s32 $0x24900, s8;
	[dreg:$0xb] =	wrdreg s26  }
0x1f: {  	s22 =	sadd.s32 $0x12C000, s3;
	s9 =	sadd.s32 $0x25300, s8;
	[dreg:$0x13] =	wrdreg s6  }
0x20: {  	s23 =	sadd.s32 $0x131000, s3;
	s10 =	sadd.s32 $0x25800, s8;
	[dreg:$0x15] =	wrdreg s9  }
0x21: {  	s5 =	simm.s32 $0x0;
	s12 =	sadd.s32 $0x26200, s8;
	[dreg:$0x16] =	wrdreg s10  }
0x22: {  	s13 =	sadd.s32 $0x17200, s2;
	s18 =	sadd.s32 $0x26700, s8;
	[dreg:$0x18] =	wrdreg s12  }
0x23: {  	s19 =	sadd.s32 $0x26C00, s8;
	s24 =	sadd.s32 $0xC800, s16;
	[dreg:$0x19] =	wrdreg s18  }
0x24: {  	s25 =	sadd.s32 $0xF000, s16;
	s20 =	sadd.s32 $0x129800, s3;
	[dreg:$0x1a] =	wrdreg s19  }
0x25: {  	s2 =	simm.s32 $0x2980;
	s11 =	sadd.s32 s7, s3;
	[dreg:$0x1f] =	wrdreg s24  }
0x26: {  	s26 =	sadd.s32 s21, s3;
	s7 =	sadd.s32 $0x24E00, s8;
	[smem:$0x7FC] =	sst s25  }
0x27: {  	s21 =	sadd.s32 $0x5000, s16;
	s12 =	sadd.s32 $0x124800, s3;
	[dreg:$0xc] =	wrdreg s11  }
.Ltmp0:
0x28: {  	s18 =	sadd.s32 $0x127000, s3;
	[dreg:$0x11] =	wrdreg s26;
	(pc) =	sbr.rel .LBB2_1-.Ltmp0, $4  }
0x29: {  	s19 =	smax.u32 s0, $0x1;
	s24 =	sadd.s32 $0x133800, s3;
	[dreg:$0x14] =	wrdreg s7  }
0x2a: {  	s25 =	sadd.s32 $0x136000, s3;
	s11 =	sadd.s32 $0x25D00, s8;
	[dreg:$0x1c] =	wrdreg s21  }
0x2b: {  	s0 =	simm.s32 $0x1;
	s26 =	sadd.s32 $0x11800, s16;
	[dreg:$0x17] =	wrdreg s11  }
0x2c: {  	v0 =	vimm.f32 $0.0e+00;
	s21 =	sadd.s32 $0x12E800, s3;
	[smem:$0x7FD] =	sst s26;
	s26 =	simm.s32 $0x2  }
.LBB2_9:
0x2d: {  	[tilespmem:s2], [sflag:$0x2] =	stream.linear.gather [spmem:s12], $0x2800, $0x38;
	[tilespmem:$0x18C80] =	vst v63  }
0x2e: {  	_ =	swait.ge [sflag:s26], $0x2800  }
0x2f: {  	[sflag:s26] =	ssyncset.done $0x0  }
0x30: {  	s6 =	rddreg [dreg:$0x13];
	[sflag:s26] =	ssyncadd.s32 $0xFFFFD800  }
0x31: {  	[hbm4b:s6+s4] =	stream.linear.scatter [tilespmem:s2], [sflag:$0x2], $0x2800, $0x38;
	[tilespmem:$0x18C80] =	vst v63  }
0x32: {  	_ =	swait.ge [sflag:s26], $0x2800  }
0x33: {  	[sflag:s26] =	ssyncset.done $0x0  }
0x34: {  	[sflag:s26] =	ssyncadd.s32 $0xFFFFD800  }
0x35: {  	[tilespmem:s2], [sflag:$0x2] =	stream.linear.gather [spmem:s18], $0x2800, $0x38;
	[tilespmem:$0x18C80] =	vst v63  }
0x36: {  	_ =	swait.ge [sflag:s26], $0x2800  }
0x37: {  	[sflag:s26] =	ssyncset.done $0x0  }
0x38: {  	s10 =	rddreg [dreg:$0x14];
	[sflag:s26] =	ssyncadd.s32 $0xFFFFD800  }
0x39: {  	[hbm4b:s10+s4] =	stream.linear.scatter [tilespmem:s2], [sflag:$0x2], $0x2800, $0x38;
	[tilespmem:$0x18C80] =	vst v63  }
0x3a: {  	_ =	swait.ge [sflag:s26], $0x2800  }
0x3b: {  	[sflag:s26] =	ssyncset.done $0x0  }
0x3c: {  	[sflag:s26] =	ssyncadd.s32 $0xFFFFD800  }
0x3d: {  	[tilespmem:s2], [sflag:$0x2] =	stream.linear.gather [spmem:s20], $0x2800, $0x38;
	[tilespmem:$0x18C80] =	vst v63  }
0x3e: {  	_ =	swait.ge [sflag:s26], $0x2800  }
0x3f: {  	[sflag:s26] =	ssyncset.done $0x0  }
0x40: {  	s11 =	rddreg [dreg:$0x15];
	[sflag:s26] =	ssyncadd.s32 $0xFFFFD800  }
0x41: {  	[hbm4b:s11+s4] =	stream.linear.scatter [tilespmem:s2], [sflag:$0x2], $0x2800, $0x38;
	[tilespmem:$0x18C80] =	vst v63  }
0x42: {  	_ =	swait.ge [sflag:s26], $0x2800  }
0x43: {  	[sflag:s26] =	ssyncset.done $0x0  }
0x44: {  	[sflag:s26] =	ssyncadd.s32 $0xFFFFD800  }
0x45: {  	[tilespmem:s2], [sflag:$0x2] =	stream.linear.gather [spmem:s22], $0x2800, $0x38;
	[tilespmem:$0x18C80] =	vst v63  }
0x46: {  	_ =	swait.ge [sflag:s26], $0x2800  }
0x47: {  	[sflag:s26] =	ssyncset.done $0x0  }
0x48: {  	s7 =	rddreg [dreg:$0x16];
	[sflag:s26] =	ssyncadd.s32 $0xFFFFD800  }
0x49: {  	[hbm4b:s7+s4] =	stream.linear.scatter [tilespmem:s2], [sflag:$0x2], $0x2800, $0x38;
	[tilespmem:$0x18C80] =	vst v63  }
0x4a: {  	_ =	swait.ge [sflag:s26], $0x2800  }
0x4b: {  	[sflag:s26] =	ssyncset.done $0x0  }
0x4c: {  	[sflag:s26] =	ssyncadd.s32 $0xFFFFD800  }
0x4d: {  	[tilespmem:s2], [sflag:$0x2] =	stream.linear.gather [spmem:s21], $0x2800, $0x38;
	[tilespmem:$0x18C80] =	vst v63  }
0x4e: {  	_ =	swait.ge [sflag:s26], $0x2800  }
0x4f: {  	[sflag:s26] =	ssyncset.done $0x0  }
0x50: {  	s8 =	rddreg [dreg:$0x17];
	[sflag:s26] =	ssyncadd.s32 $0xFFFFD800  }
0x51: {  	[hbm4b:s8+s4] =	stream.linear.scatter [tilespmem:s2], [sflag:$0x2], $0x2800, $0x38;
	[tilespmem:$0x18C80] =	vst v63  }
0x52: {  	_ =	swait.ge [sflag:s26], $0x2800  }
0x53: {  	[sflag:s26] =	ssyncset.done $0x0  }
0x54: {  	[sflag:s26] =	ssyncadd.s32 $0xFFFFD800  }
0x55: {  	[tilespmem:s2], [sflag:$0x2] =	stream.linear.gather [spmem:s23], $0x2800, $0x38;
	[tilespmem:$0x18C80] =	vst v63  }
0x56: {  	_ =	swait.ge [sflag:s26], $0x2800  }
0x57: {  	[sflag:s26] =	ssyncset.done $0x0  }
0x58: {  	s9 =	rddreg [dreg:$0x18];
	[sflag:s26] =	ssyncadd.s32 $0xFFFFD800  }
0x59: {  	[hbm4b:s9+s4] =	stream.linear.scatter [tilespmem:s2], [sflag:$0x2], $0x2800, $0x38;
	[tilespmem:$0x18C80] =	vst v63  }
0x5a: {  	_ =	swait.ge [sflag:s26], $0x2800  }
0x5b: {  	[sflag:s26] =	ssyncset.done $0x0  }
0x5c: {  	[sflag:s26] =	ssyncadd.s32 $0xFFFFD800  }
0x5d: {  	[tilespmem:s2], [sflag:$0x2] =	stream.linear.gather [spmem:s24], $0x2800, $0x38;
	[tilespmem:$0x18C80] =	vst v63  }
0x5e: {  	_ =	swait.ge [sflag:s26], $0x2800  }
0x5f: {  	[sflag:s26] =	ssyncset.done $0x0  }
0x60: {  	s10 =	rddreg [dreg:$0x19];
	[sflag:s26] =	ssyncadd.s32 $0xFFFFD800  }
0x61: {  	[hbm4b:s10+s4] =	stream.linear.scatter [tilespmem:s2], [sflag:$0x2], $0x2800, $0x38;
	[tilespmem:$0x18C80] =	vst v63  }
0x62: {  	_ =	swait.ge [sflag:s26], $0x2800  }
0x63: {  	[sflag:s26] =	ssyncset.done $0x0  }
0x64: {  	[sflag:s26] =	ssyncadd.s32 $0xFFFFD800  }
0x65: {  	[tilespmem:s2], [sflag:$0x2] =	stream.linear.gather [spmem:s25], $0x2800, $0x38;
	[tilespmem:$0x18C80] =	vst v63  }
0x66: {  	_ =	swait.ge [sflag:s26], $0x2800  }
0x67: {  	[sflag:s26] =	ssyncset.done $0x0  }
0x68: {  	s11 =	rddreg [dreg:$0x1a];
	[sflag:s26] =	ssyncadd.s32 $0xFFFFD800  }
0x69: {  	[hbm4b:s11+s4] =	stream.linear.scatter [tilespmem:s2], [sflag:$0x2], $0x2800, $0x38;
	[tilespmem:$0x18C80] =	vst v63  }
0x6a: {  	_ =	swait.ge [sflag:s26], $0x2800  }
0x6b: {  	[sflag:s26] =	ssyncset.done $0x0  }
0x6c: {  	[sflag:s26] =	ssyncadd.s32 $0xFFFFD800  }
.LBB2_10:
0x6d: {  	s5 =	sadd.s32 $0x1, s5  }
0x6e: {  	p1 =	sne.s32 s5, s19  }
.Ltmp1:
0x6f: {  	_ = 	snop;
	(pc) =	sbr.rel @!p1 .LBB2_11-.Ltmp1, $1  }
0x70: {  	_ =	sdelay $0x3  }
.LBB2_1:
0x71: {  	s6 =	simm.s32 $0x0;
	s7 =	simm.s32 $0x200  }
.LBB2_2:
0x72: {  	p1 =	sne.s32 s7, $0x9E00;
	[tilespmem:s6+$0x29F0] =	vst v0  }
0x73: {  	[tilespmem:s6+$0x2980] =	vst v0  }
0x74: {  	[tilespmem:s6+$0x2990] =	vst v0  }
.Ltmp2:
0x75: {  	[tilespmem:s6+$0x29A0] =	vst v0;
	(pc) =	sbr.rel @p1 .LBB2_2-.Ltmp2, $4  }
0x76: {  	[tilespmem:s6+$0x29B0] =	vst v0  }
0x77: {  	[tilespmem:s6+$0x29C0] =	vst v0  }
0x78: {  	[tilespmem:s6+$0x29D0] =	vst v0  }
0x79: {  	[tilespmem:s6+$0x29E0] =	vst v0;
	s6 =	sshra.s32 s7, $0x2;
	s7 =	sadd.s32 $0x200, s7  }
0x7a: {  	[tilespmem:s6+$0x29F0] =	vst v0  }
0x7b: {  	[tilespmem:s6+$0x2980] =	vst v0  }
0x7c: {  	[tilespmem:s6+$0x2990] =	vst v0  }
0x7d: {  	[tilespmem:s6+$0x29A0] =	vst v0  }
0x7e: {  	[tilespmem:s6+$0x29B0] =	vst v0  }
0x7f: {  	[tilespmem:s6+$0x29C0] =	vst v0  }
0x80: {  	[tilespmem:s6+$0x29D0] =	vst v0  }
0x81: {  	[tilespmem:s6+$0x29E0] =	vst v0  }
0x82: {  	[tilespmem:$0x5180] =	vst v0  }
0x83: {  	[tilespmem:$0x5190] =	vst v0  }
0x84: {  	[tilespmem:$0x51A0] =	vst v0  }
0x85: {  	[tilespmem:$0x51B0] =	vst v0  }
0x86: {  	[tilespmem:$0x51C0] =	vst v0  }
0x87: {  	[tilespmem:$0x51D0] =	vst v0  }
0x88: {  	[tilespmem:$0x51E0] =	vst v0  }
0x89: {  	[tilespmem:$0x51F0] =	vst v0  }
0x8a: {  	[tilespmem:$0x5200] =	vst v0  }
0x8b: {  	[tilespmem:$0x5210] =	vst v0  }
0x8c: {  	[tilespmem:$0x5220] =	vst v0  }
0x8d: {  	[tilespmem:$0x5230] =	vst v0  }
0x8e: {  	[tilespmem:$0x5240] =	vst v0  }
0x8f: {  	[tilespmem:$0x5250] =	vst v0  }
0x90: {  	[tilespmem:$0x5260] =	vst v0  }
0x91: {  	[tilespmem:$0x5270] =	vst v0  }
0x92: {  	[tilespmem:$0x5280] =	vst v0  }
0x93: {  	[tilespmem:$0x5290] =	vst v0  }
0x94: {  	[tilespmem:$0x52A0] =	vst v0  }
0x95: {  	[tilespmem:$0x52B0] =	vst v0  }
0x96: {  	[tilespmem:$0x52C0] =	vst v0  }
0x97: {  	[tilespmem:$0x52D0] =	vst v0  }
0x98: {  	[tilespmem:$0x52E0] =	vst v0  }
0x99: {  	[tilespmem:$0x52F0] =	vst v0  }
0x9a: {  	[tilespmem:$0x5300] =	vst v0  }
0x9b: {  	[tilespmem:$0x5310] =	vst v0  }
0x9c: {  	[tilespmem:$0x5320] =	vst v0  }
0x9d: {  	[tilespmem:$0x5330] =	vst v0  }
0x9e: {  	[tilespmem:$0x5340] =	vst v0  }
0x9f: {  	[tilespmem:$0x5350] =	vst v0  }
0xa0: {  	[tilespmem:$0x5360] =	vst v0  }
0xa1: {  	[tilespmem:$0x5370] =	vst v0  }
0xa2: {  	[tilespmem:$0x5380] =	vst v0  }
0xa3: {  	[tilespmem:$0x5390] =	vst v0  }
0xa4: {  	[tilespmem:$0x53A0] =	vst v0  }
0xa5: {  	[tilespmem:$0x53B0] =	vst v0  }
0xa6: {  	[tilespmem:$0x53C0] =	vst v0  }
0xa7: {  	[tilespmem:$0x53D0] =	vst v0  }
0xa8: {  	[tilespmem:$0x53E0] =	vst v0  }
0xa9: {  	s6 =	simm.s32 @p0 $0x2980;
	s7 =	simm.s32 @p0 $0x2;
	[tilespmem:$0x53F0] =	vst v0  }
0xaa: {  	[spmem:s12] =	stream.linear.scatter @p0 [tilespmem:s6], [sflag:$0x2], $0x2800, $0x38;
	[tilespmem:$0x18C80] =	vst v63  }
0xab: {  	_ =	swait.ge @p0 [sflag:s7], $0x2800  }
0xac: {  	[sflag:s7] =	ssyncset.done @p0 $0x0  }
0xad: {  	[sflag:s7] =	ssyncadd.s32 @p0 $0xFFFFD800  }
0xae: {  	[spmem:s18] =	stream.linear.scatter @p0 [tilespmem:s6], [sflag:$0x2], $0x2800, $0x38;
	[tilespmem:$0x18C80] =	vst v63  }
0xaf: {  	_ =	swait.ge @p0 [sflag:s7], $0x2800  }
0xb0: {  	[sflag:s7] =	ssyncset.done @p0 $0x0  }
0xb1: {  	[sflag:s7] =	ssyncadd.s32 @p0 $0xFFFFD800  }
0xb2: {  	[spmem:s20] =	stream.linear.scatter @p0 [tilespmem:s6], [sflag:$0x2], $0x2800, $0x38;
	[tilespmem:$0x18C80] =	vst v63  }
0xb3: {  	_ =	swait.ge @p0 [sflag:s7], $0x2800  }
0xb4: {  	[sflag:s7] =	ssyncset.done @p0 $0x0  }
0xb5: {  	[sflag:s7] =	ssyncadd.s32 @p0 $0xFFFFD800  }
0xb6: {  	[spmem:s22] =	stream.linear.scatter @p0 [tilespmem:s6], [sflag:$0x2], $0x2800, $0x38;
	[tilespmem:$0x18C80] =	vst v63  }
0xb7: {  	_ =	swait.ge @p0 [sflag:s7], $0x2800  }
0xb8: {  	[sflag:s7] =	ssyncset.done @p0 $0x0  }
0xb9: {  	[sflag:s7] =	ssyncadd.s32 @p0 $0xFFFFD800  }
0xba: {  	[spmem:s21] =	stream.linear.scatter @p0 [tilespmem:s6], [sflag:$0x2], $0x2800, $0x38;
	[tilespmem:$0x18C80] =	vst v63  }
0xbb: {  	_ =	swait.ge @p0 [sflag:s7], $0x2800  }
0xbc: {  	[sflag:s7] =	ssyncset.done @p0 $0x0  }
0xbd: {  	[sflag:s7] =	ssyncadd.s32 @p0 $0xFFFFD800  }
0xbe: {  	[spmem:s23] =	stream.linear.scatter @p0 [tilespmem:s6], [sflag:$0x2], $0x2800, $0x38;
	[tilespmem:$0x18C80] =	vst v63  }
0xbf: {  	_ =	swait.ge @p0 [sflag:s7], $0x2800  }
0xc0: {  	[sflag:s7] =	ssyncset.done @p0 $0x0  }
0xc1: {  	[sflag:s7] =	ssyncadd.s32 @p0 $0xFFFFD800  }
0xc2: {  	[spmem:s24] =	stream.linear.scatter @p0 [tilespmem:s6], [sflag:$0x2], $0x2800, $0x38;
	[tilespmem:$0x18C80] =	vst v63  }
0xc3: {  	_ =	swait.ge @p0 [sflag:s7], $0x2800  }
0xc4: {  	[sflag:s7] =	ssyncset.done @p0 $0x0  }
0xc5: {  	[sflag:s7] =	ssyncadd.s32 @p0 $0xFFFFD800  }
0xc6: {  	[spmem:s25] =	stream.linear.scatter @p0 [tilespmem:s6], [sflag:$0x2], $0x2800, $0x38;
	[tilespmem:$0x18C80] =	vst v63  }
0xc7: {  	_ =	swait.ge @p0 [sflag:s7], $0x2800  }
0xc8: {  	[sflag:s7] =	ssyncset.done @p0 $0x0  }
0xc9: {  	s6 =	simm.s32 @!p0 $0x2980;
	[sflag:s7] =	ssyncadd.s32 @p0 $0xFFFFD800;
	s7 =	simm.s32 @!p0 $0x2  }
0xca: {  	[spmem:s16] =	stream.linear.scatter @!p0 [tilespmem:s6], [sflag:$0x2], $0x2800, $0x38;
	[tilespmem:$0x18C80] =	vst v63  }
0xcb: {  	_ =	swait.ge @!p0 [sflag:s7], $0x2800  }
0xcc: {  	[sflag:s7] =	ssyncset.done @!p0 $0x0  }
0xcd: {  	s8 =	rddreg [dreg:$0x1b];
	[sflag:s7] =	ssyncadd.s32 @!p0 $0xFFFFD800  }
0xce: {  	[spmem:s8] =	stream.linear.scatter @!p0 [tilespmem:s6], [sflag:$0x2], $0x2800, $0x38;
	[tilespmem:$0x18C80] =	vst v63  }
0xcf: {  	_ =	swait.ge @!p0 [sflag:s7], $0x2800  }
0xd0: {  	[sflag:s7] =	ssyncset.done @!p0 $0x0  }
0xd1: {  	s8 =	rddreg [dreg:$0x1c];
	[sflag:s7] =	ssyncadd.s32 @!p0 $0xFFFFD800  }
0xd2: {  	[spmem:s8] =	stream.linear.scatter @!p0 [tilespmem:s6], [sflag:$0x2], $0x2800, $0x38;
	[tilespmem:$0x18C80] =	vst v63  }
0xd3: {  	_ =	swait.ge @!p0 [sflag:s7], $0x2800  }
0xd4: {  	[sflag:s7] =	ssyncset.done @!p0 $0x0  }
0xd5: {  	s8 =	rddreg [dreg:$0x1d];
	[sflag:s7] =	ssyncadd.s32 @!p0 $0xFFFFD800  }
0xd6: {  	[spmem:s8] =	stream.linear.scatter @!p0 [tilespmem:s6], [sflag:$0x2], $0x2800, $0x38;
	[tilespmem:$0x18C80] =	vst v63  }
0xd7: {  	_ =	swait.ge @!p0 [sflag:s7], $0x2800  }
0xd8: {  	[sflag:s7] =	ssyncset.done @!p0 $0x0  }
0xd9: {  	s8 =	rddreg [dreg:$0x1e];
	[sflag:s7] =	ssyncadd.s32 @!p0 $0xFFFFD800  }
0xda: {  	[spmem:s8] =	stream.linear.scatter @!p0 [tilespmem:s6], [sflag:$0x2], $0x2800, $0x38;
	[tilespmem:$0x18C80] =	vst v63  }
0xdb: {  	_ =	swait.ge @!p0 [sflag:s7], $0x2800  }
0xdc: {  	[sflag:s7] =	ssyncset.done @!p0 $0x0  }
0xdd: {  	s8 =	rddreg [dreg:$0x1f];
	[sflag:s7] =	ssyncadd.s32 @!p0 $0xFFFFD800  }
0xde: {  	[spmem:s8] =	stream.linear.scatter @!p0 [tilespmem:s6], [sflag:$0x2], $0x2800, $0x38;
	[tilespmem:$0x18C80] =	vst v63  }
0xdf: {  	_ =	swait.ge @!p0 [sflag:s7], $0x2800  }
0xe0: {  	s8 =	sld [smem:$0x7FC]  }
0xe1: {  	[sflag:s7] =	ssyncset.done @!p0 $0x0  }
0xe2: {  	[sflag:s7] =	ssyncadd.s32 @!p0 $0xFFFFD800  }
0xe3: {  	[spmem:s8] =	stream.linear.scatter @!p0 [tilespmem:s6], [sflag:$0x2], $0x2800, $0x38;
	[tilespmem:$0x18C80] =	vst v63  }
0xe4: {  	_ =	swait.ge @!p0 [sflag:s7], $0x2800  }
0xe5: {  	s8 =	sld [smem:$0x7FD]  }
0xe6: {  	[sflag:s7] =	ssyncset.done @!p0 $0x0  }
0xe7: {  	[sflag:s7] =	ssyncadd.s32 @!p0 $0xFFFFD800  }
0xe8: {  	[spmem:s8] =	stream.linear.scatter @!p0 [tilespmem:s6], [sflag:$0x2], $0x2000, $0x38;
	[tilespmem:$0x18C80] =	vst v63  }
0xe9: {  	_ =	swait.ge @!p0 [sflag:s7], $0x2000  }
0xea: {  	[sflag:s7] =	ssyncset.done @!p0 $0x0  }
0xeb: {  	[sflag:s7] =	ssyncadd.s32 @!p0 $0xFFFFE000  }
0xec: {  	s6 =	simm.s32 $0x0;
	s7 =	simm.s32 $0x0;
	[bflag:$0x0] =	sbarrier.arrive $0xFFFF  }
.LBB2_4:
0xed: {  	s8 =	smul.u32 $0x50, s7;
	_ =	sdelay $0x1  }
0xee: {  	s8 =	sadd.s32 s17, s8  }
0xef: {  	s8 =	sshrl.u32 s8, $0x3  }
0xf0: {  	s9 =	sadd.s32 s15, s8  }
0xf1: {  	[tilespmem:s6], [sflag:$0x2] =	stream.linear.gather [hbm4b:s9+s6], $0x50, $0x38;
	[tilespmem:$0x18C80] =	vst v63  }
0xf2: {  	_ =	swait.ge [sflag:s26], $0x50  }
0xf3: {  	[sflag:s26] =	ssyncset.done $0x0  }
0xf4: {  	s10 =	sadd.s32 s14, s8;
	[sflag:s26] =	ssyncadd.s32 $0xFFFFFFB0  }
0xf5: {  	[tilespmem:s28], [sflag:$0x2] =	stream.linear.gather [hbm4b:s10+s6], $0x50, $0x38;
	[tilespmem:$0x18C80] =	vst v63  }
0xf6: {  	_ =	swait.ge [sflag:s26], $0x50  }
0xf7: {  	[sflag:s26] =	ssyncset.done $0x0  }
0xf8: {  	s8 =	sadd.s32 s1, s8;
	[sflag:s26] =	ssyncadd.s32 $0xFFFFFFB0  }
0xf9: {  	[tilespmem:s29], [sflag:$0x2] =	stream.linear.gather [hbm4b:s8+s6], $0x50, $0x38;
	[tilespmem:$0x18C80] =	vst v63  }
0xfa: {  	_ =	swait.ge [sflag:s26], $0x50  }
0xfb: {  	[sflag:s26] =	ssyncset.done $0x0  }
0xfc: {  	[sflag:s26] =	ssyncadd.s32 $0xFFFFFFB0  }
0xfd: {  	[tilespmem:s31], [sflag:$0x1] =	stream.indirect.gather [hbm4b:s13+s30], $0x80, s6, s30, $0xb8;
	[tilespmem:$0x18C80] =	vst v63  }
0xfe: {  	_ =	swait.ge [sflag:s0], $0x2800  }
0xff: {  	[sflag:s0] =	ssyncset.done $0x0  }
0x100: {  	s8 =	simm.s32 $0x1C0;
	[sflag:s0] =	ssyncadd.s32 $0xFFFFD800  }
0x101: {  	v5 =	vld [tilespmem:s8+$0x30]  }
0x102: {  	v8 =	vld [tilespmem:s8+$0x10]  }
0x103: {  	s11 =	simm.s32 $0x0;
	v6 =	vld [tilespmem:s8+$0xFFFFFFC0]  }
0x104: {  	v2 =	vld.msk [tilespmem:s11+$0x100 ss:$0x0], $0xffff  }
0x105: {  	v10 =	vld [tilespmem:s8+$0xFFFFFFE0]  }
0x106: {  	v1 =	vld [tilespmem:s8+$0xFFFFFFF0]  }
0x107: {  	v3 =	vld [tilespmem:s8+$0x20]  }
0x108: {  	v4 =	vld [tilespmem:s8+$0xFFFFFFD0]  }
0x109: {  	v9 =	vmul.f32 v5, v2;
	v5 =	vld [tilespmem:s8+$0x0]  }
0x10a: {  	v7 =	vmul.f32 v2, v6  }
0x10b: {  	s9 =	simm.s32 $0x4;
	s10 =	simm.s32 $0x1C0;
	v6 =	vmul.f32 v10, v2;
	v8 =	vmul.f32 v8, v2  }
.LBB2_5:
0x10c: {  	p1 =	sne.s32 s9, $0x13C  }
0x10d: {  	v4 =	vmul.f32 v4, v2;
	v3 =	vmul.f32 v3, v2;
	[tilespmem:s8+$0x30] =	vst v9;
	s10 =	sadd.s32 $0x80, s10;
	s11 =	smov.u32 s9;
	s9 =	sadd.s32 $0x4, s9  }
0x10e: {  	[tilespmem:s8+$0xFFFFFFC0] =	vst v7;
	v7 =	vmul.f32 v1, v2;
	v2 =	vmul.f32 v5, v2  }
0x10f: {  	[tilespmem:s8+$0x10] =	vst v8  }
0x110: {  	[tilespmem:s8+$0xFFFFFFE0] =	vst v6  }
0x111: {  	v1 =	vld [tilespmem:s10+$0xFFFFFFF0];
	[tilespmem:s8+$0xFFFFFFF0] =	vst v7  }
0x112: {  	v6 =	vld [tilespmem:s10+$0x30];
	[tilespmem:s8+$0x0] =	vst v2  }
0x113: {  	v8 =	vld [tilespmem:s10+$0x10];
	[tilespmem:s8+$0x20] =	vst v3  }
0x114: {  	s11 =	sshra.s32 s11, $0x2;
	v7 =	vld [tilespmem:s10+$0xFFFFFFC0];
	[tilespmem:s8+$0xFFFFFFD0] =	vst v4;
	s8 =	smov.u32 s10  }
0x115: {  	v2 =	vld.msk [tilespmem:s11+$0x100 ss:$0x0], $0xffff  }
0x116: {  	v10 =	vld [tilespmem:s10+$0xFFFFFFE0]  }
0x117: {  	v3 =	vld [tilespmem:s10+$0x20]  }
.Ltmp3:
0x118: {  	v4 =	vld [tilespmem:s10+$0xFFFFFFD0];
	(pc) =	sbr.rel @p1 .LBB2_5-.Ltmp3, $3  }
0x119: {  	v5 =	vld [tilespmem:s10+$0x0];
	_ =	sdelay $0x1  }
0x11a: {  	v7 =	vmul.f32 v2, v7;
	v9 =	vmul.f32 v6, v2  }
0x11b: {  	v8 =	vmul.f32 v8, v2;
	v6 =	vmul.f32 v10, v2  }
0x11c: {  	[tilespmem:s8+$0x30] =	vst v9  }
0x11d: {  	[tilespmem:s8+$0xFFFFFFC0] =	vst v7  }
0x11e: {  	v1 =	vmul.f32 v1, v2;
	[tilespmem:s8+$0x10] =	vst v8  }
0x11f: {  	v3 =	vmul.f32 v3, v2;
	[tilespmem:s8+$0xFFFFFFE0] =	vst v6  }
0x120: {  	v5 =	vmul.f32 v5, v2;
	[tilespmem:s8+$0xFFFFFFF0] =	vst v1  }
0x121: {  	s7 =	sadd.s32 $0x1, s7;
	v1 =	vmul.f32 v4, v2;
	[tilespmem:s8+$0x20] =	vst v3  }
0x122: {  	p1 =	sne.s32 s7, $0x7D;
	[tilespmem:s8+$0x0] =	vst v5  }
.Ltmp4:
0x123: {  	[tilespmem:s8+$0xFFFFFFD0] =	vst v1;
	(pc) =	sbr.rel @p1 .LBB2_4-.Ltmp4, $4  }
0x124: {  	[spmem:s3] =	stream.indirect.scatter.add.f32 [tilespmem:s31], [sflag:$0x2], $0x80, s28, s30, $0xb8;
	[tilespmem:$0x18C80] =	vst v63  }
0x125: {  	_ =	swait.ge [sflag:s26], $0x2800  }
0x126: {  	[sflag:s26] =	ssyncset.done $0x0  }
0x127: {  	[sflag:s26] =	ssyncadd.s32 $0xFFFFD800  }
.Ltmp5:
0x128: {  	(pc) =	sbr.rel @p0 .LBB2_9-.Ltmp5, $2  }
0x129: {  	_ =	sdelay $0x1  }
0x12a: {  	[bflag:$0x0] =	sbarrier.arrive $0xFFFF;
	_ =	sdelay $0x1  }
0x12b: {  	[tilespmem:s2], [sflag:$0x2] =	stream.linear.gather [spmem:s16], $0x2800, $0x38;
	[tilespmem:$0x18C80] =	vst v63  }
0x12c: {  	_ =	swait.ge [sflag:s26], $0x2800  }
0x12d: {  	[sflag:s26] =	ssyncset.done $0x0  }
0x12e: {  	s6 =	rddreg [dreg:$0x4];
	[sflag:s26] =	ssyncadd.s32 $0xFFFFD800  }
0x12f: {  	[hbm4b:s6+s4] =	stream.linear.scatter [tilespmem:s2], [sflag:$0x2], $0x2800, $0x38;
	[tilespmem:$0x18C80] =	vst v63  }
0x130: {  	_ =	swait.ge [sflag:s26], $0x2800  }
0x131: {  	[sflag:s26] =	ssyncset.done $0x0  }
0x132: {  	s8 =	rddreg [dreg:$0xc];
	[sflag:s26] =	ssyncadd.s32 $0xFFFFD800  }
0x133: {  	[tilespmem:s2], [sflag:$0x2] =	stream.linear.gather [spmem:s8], $0x2800, $0x38;
	[tilespmem:$0x18C80] =	vst v63  }
0x134: {  	_ =	swait.ge [sflag:s26], $0x2800  }
0x135: {  	[sflag:s26] =	ssyncset.done $0x0  }
0x136: {  	s9 =	rddreg [dreg:$0x5];
	[sflag:s26] =	ssyncadd.s32 $0xFFFFD800  }
0x137: {  	[hbm4b:s9+s4] =	stream.linear.scatter [tilespmem:s2], [sflag:$0x2], $0x2800, $0x38;
	[tilespmem:$0x18C80] =	vst v63  }
0x138: {  	_ =	swait.ge [sflag:s26], $0x2800  }
0x139: {  	[sflag:s26] =	ssyncset.done $0x0  }
0x13a: {  	s10 =	rddreg [dreg:$0xd];
	[sflag:s26] =	ssyncadd.s32 $0xFFFFD800  }
0x13b: {  	[tilespmem:s2], [sflag:$0x2] =	stream.linear.gather [spmem:s10], $0x2800, $0x38;
	[tilespmem:$0x18C80] =	vst v63  }
0x13c: {  	_ =	swait.ge [sflag:s26], $0x2800  }
0x13d: {  	[sflag:s26] =	ssyncset.done $0x0  }
0x13e: {  	s11 =	rddreg [dreg:$0x6];
	[sflag:s26] =	ssyncadd.s32 $0xFFFFD800  }
0x13f: {  	[hbm4b:s11+s4] =	stream.linear.scatter [tilespmem:s2], [sflag:$0x2], $0x2800, $0x38;
	[tilespmem:$0x18C80] =	vst v63  }
0x140: {  	_ =	swait.ge [sflag:s26], $0x2800  }
0x141: {  	[sflag:s26] =	ssyncset.done $0x0  }
0x142: {  	s7 =	rddreg [dreg:$0xe];
	[sflag:s26] =	ssyncadd.s32 $0xFFFFD800  }
0x143: {  	[tilespmem:s2], [sflag:$0x2] =	stream.linear.gather [spmem:s7], $0x2800, $0x38;
	[tilespmem:$0x18C80] =	vst v63  }
0x144: {  	_ =	swait.ge [sflag:s26], $0x2800  }
0x145: {  	[sflag:s26] =	ssyncset.done $0x0  }
0x146: {  	s8 =	rddreg [dreg:$0x7];
	[sflag:s26] =	ssyncadd.s32 $0xFFFFD800  }
0x147: {  	[hbm4b:s8+s4] =	stream.linear.scatter [tilespmem:s2], [sflag:$0x2], $0x2800, $0x38;
	[tilespmem:$0x18C80] =	vst v63  }
0x148: {  	_ =	swait.ge [sflag:s26], $0x2800  }
0x149: {  	[sflag:s26] =	ssyncset.done $0x0  }
0x14a: {  	s9 =	rddreg [dreg:$0xf];
	[sflag:s26] =	ssyncadd.s32 $0xFFFFD800  }
0x14b: {  	[tilespmem:s2], [sflag:$0x2] =	stream.linear.gather [spmem:s9], $0x2800, $0x38;
	[tilespmem:$0x18C80] =	vst v63  }
0x14c: {  	_ =	swait.ge [sflag:s26], $0x2800  }
0x14d: {  	[sflag:s26] =	ssyncset.done $0x0  }
0x14e: {  	s10 =	rddreg [dreg:$0x8];
	[sflag:s26] =	ssyncadd.s32 $0xFFFFD800  }
0x14f: {  	[hbm4b:s10+s4] =	stream.linear.scatter [tilespmem:s2], [sflag:$0x2], $0x2800, $0x38;
	[tilespmem:$0x18C80] =	vst v63  }
0x150: {  	_ =	swait.ge [sflag:s26], $0x2800  }
0x151: {  	[sflag:s26] =	ssyncset.done $0x0  }
0x152: {  	s11 =	rddreg [dreg:$0x10];
	[sflag:s26] =	ssyncadd.s32 $0xFFFFD800  }
0x153: {  	[tilespmem:s2], [sflag:$0x2] =	stream.linear.gather [spmem:s11], $0x2800, $0x38;
	[tilespmem:$0x18C80] =	vst v63  }
0x154: {  	_ =	swait.ge [sflag:s26], $0x2800  }
0x155: {  	[sflag:s26] =	ssyncset.done $0x0  }
0x156: {  	s7 =	rddreg [dreg:$0x9];
	[sflag:s26] =	ssyncadd.s32 $0xFFFFD800  }
0x157: {  	[hbm4b:s7+s4] =	stream.linear.scatter [tilespmem:s2], [sflag:$0x2], $0x2800, $0x38;
	[tilespmem:$0x18C80] =	vst v63  }
0x158: {  	_ =	swait.ge [sflag:s26], $0x2800  }
0x159: {  	[sflag:s26] =	ssyncset.done $0x0  }
0x15a: {  	s8 =	rddreg [dreg:$0x11];
	[sflag:s26] =	ssyncadd.s32 $0xFFFFD800  }
0x15b: {  	[tilespmem:s2], [sflag:$0x2] =	stream.linear.gather [spmem:s8], $0x2800, $0x38;
	[tilespmem:$0x18C80] =	vst v63  }
0x15c: {  	_ =	swait.ge [sflag:s26], $0x2800  }
0x15d: {  	[sflag:s26] =	ssyncset.done $0x0  }
0x15e: {  	s9 =	rddreg [dreg:$0xa];
	[sflag:s26] =	ssyncadd.s32 $0xFFFFD800  }
0x15f: {  	[hbm4b:s9+s4] =	stream.linear.scatter [tilespmem:s2], [sflag:$0x2], $0x2800, $0x38;
	[tilespmem:$0x18C80] =	vst v63  }
0x160: {  	_ =	swait.ge [sflag:s26], $0x2800  }
0x161: {  	[sflag:s26] =	ssyncset.done $0x0  }
0x162: {  	s10 =	rddreg [dreg:$0x12];
	[sflag:s26] =	ssyncadd.s32 $0xFFFFD800  }
0x163: {  	[tilespmem:s2], [sflag:$0x2] =	stream.linear.gather [spmem:s10], $0x2000, $0x38;
	[tilespmem:$0x18C80] =	vst v63  }
0x164: {  	_ =	swait.ge [sflag:s26], $0x2000  }
0x165: {  	[sflag:s26] =	ssyncset.done $0x0  }
.Ltmp6:
0x166: {  	s11 =	rddreg [dreg:$0xb];
	[sflag:s26] =	ssyncadd.s32 $0xFFFFE000;
	(pc) =	sbr.rel .LBB2_10-.Ltmp6, $4  }
0x167: {  	[hbm4b:s11+s4] =	stream.linear.scatter [tilespmem:s2], [sflag:$0x2], $0x2000, $0x38;
	[tilespmem:$0x18C80] =	vst v63  }
0x168: {  	_ =	swait.ge [sflag:s26], $0x2000  }
0x169: {  	[sflag:s26] =	ssyncset.done $0x0  }
0x16a: {  	[sflag:s26] =	ssyncadd.s32 $0xFFFFE000  }
.LBB2_11:
0x16b: {  	_ =	sfence.sel $0x180000  }
0x16c: {  	[bflag:$0x0] =	sbarrier.arrive $0xFFFF  }
0x16d: {  	_ =	strace $0x9000004A  }
0x16e: {  	s0 =	stileid.u32;
	[bflag:$0x2] =	sbarrier.arrive $0xFFFF  }
0x16f: {  	p0 =	sne.s32 s0, $0x0;
	s0 =	rddreg [dreg:$0x3]  }
0x170: {  	s0 =	sadd.s32 @!p0 $0x100000, s0  }
0x171: {  	[sflag:s0] =	ssyncadd.tile.s32 @!p0 $0x1;
	_ =	shalt  }
.Lfunc_end2:
_tile_overlayer_lowered:
.L_overlay_start_2:
0x172: {  	(tag) =	ssettag $0x2  }
0x173: {  	s0 =	rddreg [dreg:$0x0];
	s2 =	stileid.u32  }
0x174: {  	s1 =	rddreg [dreg:$0x1];
	p0 =	sne.s32 s2, $0x0  }
0x175: {  	s3 =	rddreg [dreg:$0x2];
	[bflag:$0x3] =	sbarrier.arrive $0xFFFF;
	s2 =	simm.s32 @!p0 $0x1C02  }
0x176: {  	[timem:s3], [sflag:s2] =	dma.local @!p0 [hbm:s0], s1  }
0x177: {  	s0 =	simm.s32 @!p0 $0x2  }
0x178: {  	_ =	swait.ge @!p0 [sflag:s0], s1  }
0x179: {  	s1 =	ssub.s32 @!p0 $0x0, s1;
	[sflag:s0] =	ssyncset.done @!p0 $0x0  }
0x17a: {  	[sflag:s0] =	ssyncadd.s32 @!p0 s1  }
0x17b: {  	[bflag:$0x3] =	sbarrier.arrive $0xFFFF  }
0x17c: {  	_ =	shalt  }

// kernel: kernel.8.cloned.1.call-start
scs
__scs_entry_jumppad:
0x0: {  	(pc) =	sbr.rel $0x88, $3  }
0x1: {  	(tag) =	ssettag $0x0;
	lr =	simm.s32 $0x1  }
0x2: {  	[smem:$0x3F90] =	sst lr;
	_ =	strace $0xD0000000  }
0x3: {  	_ = 	snop  }
0x4: {  	_ = 	snop  }
0x5: {  	_ = 	snop  }
0x6: {  	_ = 	snop  }
0x7: {  	_ = 	snop  }
__scs_overlays_trampoline_lowered:
0x8: {  	[smem:$0x3F9F] =	sst s0  }
0x9: {  	[smem:$0x3FA0] =	sst s1  }
0xa: {  	[smem:$0x3FA1] =	sst s2  }
0xb: {  	[smem:$0x3FA2] =	sst s3  }
0xc: {  	[smem:$0x3FA3] =	sst s4  }
0xd: {  	[smem:$0x3FA4] =	sst s5  }
0xe: {  	[smem:$0x3FA5] =	sst s6  }
0xf: {  	[smem:$0x3FA6] =	sst s7  }
0x10: {  	[smem:$0x3FA7] =	sst s8  }
0x11: {  	[smem:$0x3FA8] =	sst s9;
	s0 =	simm.s32 @!p0 $0x0  }
0x12: {  	s1 =	sld [smem:$0x3F8E];
	s0 =	simm.s32 @p0 $0x1  }
0x13: {  	[smem:$0x3FA9] =	sst s0;
	s0 =	simm.s32 @!p1 $0x0  }
0x14: {  	s2 =	sld [smem:$0x3F8D];
	s0 =	simm.s32 @p1 $0x1  }
0x15: {  	[smem:$0x3FAA] =	sst s0;
	s0 =	simm.s32 @!p2 $0x0  }
0x16: {  	s3 =	sld [smem:$0x3FDB];
	s0 =	simm.s32 @p2 $0x1  }
0x17: {  	s4 =	simm.s32 $0x1BF5;
	[smem:$0x3FAC] =	sst s0  }
0x18: {  	s0 =	sld [smem:$0x3F8F];
	_ =	swait.ge [sflag:s4], $0x0  }
0x19: {  	s7 =	sld [smem:$0x3F90]  }
0x1a: {  	s8 =	sadd.s32 $0xFFFFE003, lr  }
0x1b: {  	s9 =	sadd.s32 $0xFFFFFEF7, lr;
	s5 =	simm.s32 $0xFFFFFFFF;
	p2 =	slt.u32 s8, $0xFFFFF086  }
0x1c: {  	p1 =	slt.u32 s9, $0xF7A;
	s5 =	simm.s32 @!p2 $0x0  }
0x1d: {  	s5 =	simm.s32 @p1 $0x1;
	p0 =	seq.s32 s7, s2  }
0x1e: {  	s7 =	smul.u32 @!p0 $0xF7A, s2;
	p2 =	seq.s32 @!p0 s5, $0x0  }
0x1f: {  	s9 =	smul.u32 $0xF7A, s1;
	s8 =	simm.s32 @!p0 $0x1BF5;
	p2 =	por !p2, p0  }
0x20: {  	[sflag:s8] =	ssyncset.s32 @!p0 $0xFFFFF086;
	s6 =	sadd.s32 @!p0 s3, s7;
	s7 =	simm.s32 @!p0 $0x108  }
0x21: {  	s3 =	sadd.s32 s3, s9;
	s6 =	sadd.s32 @!p0 $0x88, s6;
	s7 =	simm.s32 @p2 $0x1082  }
0x22: {  	[simem:s7], [sflag:s8] =	dma.local @!p0 [hbm:s6], $0xF7A  }
0x23: {  	s9 =	sor.u32 $0xD0000000, s2;
	s6 =	simm.s32 $0x108;
	_ =	swait.ge @!p0 [sflag:s8], $0x0  }
0x24: {  	s3 =	sadd.s32 $0x88, s3;
	s6 =	simm.s32 @!p1 $0x1082;
	[sflag:s4] =	ssyncset.s32 $0xFFFFF086  }
0x25: {  	[simem:s6], [sflag:s4] =	dma.local [hbm:s3], $0xF7A  }
0x26: {  	[smem:$0x3F90] =	sst s1;
	(tag) =	ssettag s2;
	_ =	strace s9  }
0x27: {  	s1 =	sld [smem:$0x3FA0]  }
0x28: {  	s2 =	sld [smem:$0x3FA1]  }
0x29: {  	s4 =	sld [smem:$0x3FA3]  }
0x2a: {  	p0 =	seq.s32 s5, $0x0;
	s5 =	sld [smem:$0x3FA4]  }
0x2b: {  	s6 =	sld [smem:$0x3FA5]  }
0x2c: {  	s7 =	sld [smem:$0x3FA6]  }
0x2d: {  	s3 =	simm.s32 $0x108;
	s8 =	sld [smem:$0x3FA7]  }
0x2e: {  	s3 =	simm.s32 @!p0 $0x1082;
	s9 =	sld [smem:$0x3FA8]  }
0x2f: {  	lr =	sadd.s32 s0, s3;
	s0 =	sld [smem:$0x3F9F]  }
0x30: {  	s3 =	sld [smem:$0x3FA2]  }
0x31: {  	[smem:$0x3FAB] =	sst s10  }
0x32: {  	s10 =	sld [smem:$0x3FA9];
	_ =	sdelay $0x3  }
0x33: {  	p0 =	seq.s32 s10, $0x1;
	s10 =	sld [smem:$0x3FAB];
	_ =	sdelay $0x3  }
0x34: {  	[smem:$0x3FAB] =	sst s10  }
0x35: {  	s10 =	sld [smem:$0x3FAA];
	_ =	sdelay $0x3  }
0x36: {  	p1 =	seq.s32 s10, $0x1;
	s10 =	sld [smem:$0x3FAB];
	_ =	sdelay $0x3  }
0x37: {  	[smem:$0x3FAB] =	sst s10  }
0x38: {  	s10 =	sld [smem:$0x3FAC]  }
0x39: {  	_ = 	snop;
	(pc) =	sbr.ind lr, $3  }
0x3a: {  	_ = 	snop  }
0x3b: {  	_ = 	snop  }
0x3c: {  	p2 =	seq.s32 s10, $0x1;
	s10 =	sld [smem:$0x3FAB]  }
0x3d: {  	_ =	shalt  }
0x3e: {  	_ =	shalt  }
0x3f: {  	_ =	shalt  }
0x40: {  	_ =	shalt  }
0x41: {  	_ =	shalt  }
0x42: {  	_ =	shalt  }
0x43: {  	_ =	shalt  }
0x44: {  	_ =	shalt  }
0x45: {  	_ =	shalt  }
0x46: {  	_ =	shalt  }
0x47: {  	_ =	shalt  }
0x48: {  	_ =	shalt  }
0x49: {  	_ =	shalt  }
0x4a: {  	_ =	shalt  }
0x4b: {  	_ =	shalt  }
0x4c: {  	_ =	shalt  }
0x4d: {  	_ =	shalt  }
0x4e: {  	_ =	shalt  }
0x4f: {  	_ =	shalt  }
0x50: {  	_ =	shalt  }
0x51: {  	_ =	shalt  }
0x52: {  	_ =	shalt  }
0x53: {  	_ =	shalt  }
0x54: {  	_ =	shalt  }
0x55: {  	_ =	shalt  }
0x56: {  	_ =	shalt  }
0x57: {  	_ =	shalt  }
0x58: {  	_ =	shalt  }
0x59: {  	_ =	shalt  }
0x5a: {  	_ =	shalt  }
0x5b: {  	_ =	shalt  }
0x5c: {  	_ =	shalt  }
0x5d: {  	_ =	shalt  }
0x5e: {  	_ =	shalt  }
0x5f: {  	_ =	shalt  }
0x60: {  	_ =	shalt  }
0x61: {  	_ =	shalt  }
0x62: {  	_ =	shalt  }
0x63: {  	_ =	shalt  }
0x64: {  	_ =	shalt  }
0x65: {  	_ =	shalt  }
0x66: {  	_ =	shalt  }
0x67: {  	_ =	shalt  }
0x68: {  	_ =	shalt  }
0x69: {  	_ =	shalt  }
0x6a: {  	_ =	shalt  }
0x6b: {  	_ =	shalt  }
0x6c: {  	_ =	shalt  }
0x6d: {  	_ =	shalt  }
0x6e: {  	_ =	shalt  }
0x6f: {  	_ =	shalt  }
0x70: {  	_ =	shalt  }
0x71: {  	_ =	shalt  }
0x72: {  	_ =	shalt  }
0x73: {  	_ =	shalt  }
0x74: {  	_ =	shalt  }
0x75: {  	_ =	shalt  }
0x76: {  	_ =	shalt  }
0x77: {  	_ =	shalt  }
0x78: {  	_ =	shalt  }
0x79: {  	_ =	shalt  }
0x7a: {  	_ =	shalt  }
0x7b: {  	_ =	shalt  }
0x7c: {  	_ =	shalt  }
0x7d: {  	_ =	shalt  }
0x7e: {  	_ =	shalt  }
0x7f: {  	_ =	shalt  }
0x80: {  	_ =	shalt  }
0x81: {  	_ =	shalt  }
0x82: {  	_ =	shalt  }
0x83: {  	_ =	shalt  }
0x84: {  	_ =	shalt  }
0x85: {  	_ =	shalt  }
0x86: {  	_ =	shalt  }
0x87: {  	_ =	shalt  }
.Lfunc_end0:
.L_simem_size_0:
called_computation_lowered:
.L_overlay_start_0:
0x88: {  	s2 =	sld [smem:$0x3FD9]  }
0x89: {  	s3 =	sld [smem:$0x3FFE];
	_ =	sdelay $0x1  }
0x8a: {  	s1 =	srdreg.scid  }
0x8b: {  	s0 =	sand.u32 $0x1, s1  }
0x8c: {  	s14 =	sshll.u32 s0, $0xA;
	s2 =	sadd.s32 s3, s2  }
0x8d: {  	s2 =	sadd.s32 s2, s14  }
0x8e: {  	[smem:$0x3FB7] =	sst s2  }
0x8f: {  	_ = 	snop  }
0x90: {  	s2 =	sld [smem:$0x3FD0];
	_ =	sdelay $0x2  }
0x91: {  	s4 =	simm.s32 $0xA;
	s5 =	simm.s32 $0x10;
	s15 =	sld [smem:$0x3FC7]  }
0x92: {  	[smem:s5], [sflag:s4] =	dma.local [hbm:s2], $0x1  }
0x93: {  	_ =	swait.eq [sflag:s4], $0x1  }
0x94: {  	[sflag:s4] =	ssyncset.done $0x0  }
0x95: {  	[sflag:s4] =	ssyncadd.s32 $0xFFFFFFFF  }
0x96: {  	s16 =	sld [smem:$0x11];
	(tm) =	ssettm $0x1  }
0x97: {  	s17 =	sld [smem:$0x3FFB];
	_ =	sdelay $0x3  }
0x98: {  	_ =	strace s17  }
0x99: {  	s4 =	sld [smem:$0x3FFC];
	_ =	sdelay $0x3  }
0x9a: {  	_ =	strace s4  }
0x9b: {  	s4 =	sld [smem:$0x3FFD];
	_ =	sdelay $0x3  }
0x9c: {  	_ =	strace s4  }
0x9d: {  	_ =	strace $0x8FFFFFFF  }
0x9e: {  	s18 =	sld [smem:$0x3FDB];
	_ =	sdelay $0x1  }
0x9f: {  	s19 =	simm.s32 $_scs_section_size  }
0xa0: {  	s6 =	simm.s32 $_size__tile_overlayer_lowered;
	s7 =	simm.s32 $_tile_overlayer_lowered  }
0xa1: {  	s22 =	simm.s32 $0x1BFF;
	s21 =	sshll.u32 s7, $0x1;
	s4 =	sadd.s32 s19, s18  }
0xa2: {  	s8 =	simm.s32 $0x0;
	s20 =	sshll.u32 s6, $0x1;
	s6 =	sadd.s32 s21, s4  }
0xa3: {  	[timem:s8], [sflag:s22] =	dma.local [hbm:s6], s20  }
0xa4: {  	_ =	swait.ge [sflag:s22], s20  }
0xa5: {  	s5 =	ssub.s32 $0x0, s20;
	[sflag:s22] =	ssyncset.done $0x0  }
0xa6: {  	[sflag:s22] =	ssyncadd.s32 s5;
	_ =	sdelay $0x1  }
0xa7: {  	s23 =	simm.s32 $0x1B8B  }
0xa8: {  	_ =	swait.ge [sflag:s23], $0x1  }
0xa9: {  	[sflag:s23] =	ssyncset.done $0x0  }
0xaa: {  	s25 =	simm.s32 $0x1B8E;
	s24 =	sld [smem:$0x3FFE];
	[sflag:s23] =	ssyncadd.s32 $0xFFFFFFFF  }
0xab: {  	s26 =	simm.s32 $execute0_lowered;
	[smem:$0x3FD2] =	sst s25  }
0xac: {  	s6 =	sshll.u32 s26, $0x1;
	_ =	strace $0x80000046;
	[dreg:$0x1] =	wrdreg $0xFFFFFFFF  }
0xad: {  	s28 =	simm.s32 $_size_execute0_lowered;
	s4 =	sadd.s32 s4, s6;
	[dreg:$0x0] =	wrdreg $0x0  }
0xae: {  	s6 =	sshll.u32 s28, $0x1;
	[dreg:$0x2] =	wrdreg s4  }
0xaf: {  	[dreg:$0x3] =	wrdreg s6  }
0xb0: {  	[dreg:$0x4] =	wrdreg $0xC0  }
0xb1: {  	_ =	task [dreg:s8], $0x5FFFF  }
0xb2: {  	[dreg:$0x1] =	wrdreg $0xFFFFFFFF  }
0xb3: {  	[dreg:$0x0] =	wrdreg $0x60  }
0xb4: {  	[dreg:$0x2] =	wrdreg s24  }
0xb5: {  	[dreg:$0x3] =	wrdreg s15  }
0xb6: {  	[dreg:$0x4] =	wrdreg s16  }
0xb7: {  	[dreg:$0x5] =	wrdreg $0x54000  }
0xb8: {  	[dreg:$0x6] =	wrdreg $0x18C800  }
0xb9: {  	[dreg:$0x7] =	wrdreg $0x9  }
0xba: {  	_ =	task.clear_ibuf [dreg:s8], $0x8FFFF;
	_ =	strace $0x90000046  }
0xbb: {  	s29 =	simm.s32 $0x9;
	_ =	strace $0x80000048  }
0xbc: {  	_ =	swait.ge [sflag:s29], $0x1  }
0xbd: {  	[sflag:s29] =	ssyncadd.s32 $0xFFFFFFFF  }
0xbe: {  	_ =	strace $0x90000048  }
0xbf: {  	_ =	sfence  }
0xc0: {  	s30 =	sld [smem:$0x0];
	_ =	sdelay $0x2  }
0xc1: {  	s31 =	sshll.u32 s1, $0xD;
	s1 =	sshrl.u32 s1, $0x2  }
0xc2: {  	s3 =	sand.u32 $0x4000, s31;
	s1 =	sadd.s32 s1, s30  }
0xc3: {  	s0 =	sor.u32 s3, s0;
	s1 =	sshll.u32 s1, $0x11  }
0xc4: {  	s0 =	sor.u32 s1, s0  }
0xc5: {  	s0 =	sadd.s32 $0x8F2B, s0  }
0xc6: {  	[sflag:s0] =	ssyncadd.remote.s32 $0x1  }
0xc7: {  	_ =	sfence.sel $0xFFFF  }
0xc8: {  	[dreg:$0x0] =	wrdreg $0xFFFFFFFF;
	(pc) =	sbr.abs _section_cstart, $3  }
0xc9: {  	[dreg:$0x1] =	wrdreg $0xFFFFFFFF  }
0xca: {  	_ =	task.clear_ibuf [dreg:s8], $0x2FFFF;
	_ =	strace $0x9FFFFFFF  }
0xcb: {  	(tm) =	ssettm $0x7FFFFFFF  }
tec
execute0_lowered:
.L_overlay_start_1:
0x0: {  	(tag) =	ssettag $0x1  }
0x1: {  	s4 =	rddreg [dreg:$0x0]  }
0x2: {  	s1 =	rddreg [dreg:$0x1]  }
0x3: {  	s5 =	rddreg [dreg:$0x2];
	s24 =	stileid.u32  }
0x4: {  	s0 =	srdreg.scid;
	s3 =	smul.u32 $0x270, s24  }
0x5: {  	s2 =	simm.s32 $0x0;
	s6 =	sand.u32 $0x1, s0;
	s8 =	smul.u32 $0x13800, s24  }
0x6: {  	[smem:$0x7FF] =	sst s2;
	s7 =	smul.u32 $0x138800, s6;
	s0 =	ssub.s32 $0x2, s6  }
0x7: {  	s10 =	sadd.s32 $0x3E400, s4;
	s9 =	sshll.u32 s3, $0x7;
	s11 =	sshrl.u32 s0, $0x1  }
0x8: {  	s13 =	sadd.s32 $0x2800, s9;
	s0 =	ssub.s32 s0, s11;
	s8 =	sadd.s32 s8, s7  }
0x9: {  	s19 =	sadd.s32 $0x5000, s9;
	s21 =	sadd.s32 $0xA000, s9;
	s22 =	sadd.s32 $0xC800, s9  }
0xa: {  	s23 =	sadd.s32 $0xF000, s9;
	s12 =	sadd.s32 s7, s13;
	s8 =	sshrl.u32 s8, $0x3  }
0xb: {  	s15 =	sadd.s32 s7, s19;
	s18 =	sadd.s32 s7, s22;
	s20 =	sadd.s32 s7, s23  }
0xc: {  	s11 =	sshrl.u32 s12, $0x3;
	s8 =	sadd.s32 s10, s8;
	s12 =	sadd.s32 s7, s21  }
0xd: {  	s25 =	sshrl.u32 s20, $0x3;
	s20 =	smul.u32 $0x9C0, s24;
	[dreg:$0x6] =	wrdreg s8  }
0xe: {  	s14 =	sadd.s32 s10, s11;
	s8 =	sshrl.u32 s15, $0x3;
	s11 =	sadd.s32 $0x7800, s9  }
0xf: {  	s12 =	sshrl.u32 s12, $0x3;
	s9 =	sadd.s32 $0x11800, s9;
	s15 =	smul.u32 $0x2710, s6  }
0x10: {  	s6 =	sshll.u32 s6, $0x4;
	[dreg:$0x7] =	wrdreg s14;
	s8 =	sadd.s32 s10, s8  }
0x11: {  	s16 =	sadd.s32 s7, s11;
	s17 =	sadd.s32 s10, s12;
	s12 =	rddreg [dreg:$0x3]  }
0x12: {  	s14 =	sadd.s32 s7, s9;
	s7 =	sshrl.u32 s7, $0x3;
	[dreg:$0x8] =	wrdreg s8  }
0x13: {  	s6 =	sor.u32 s24, s6;
	s8 =	sshrl.u32 s16, $0x3;
	[dreg:$0xa] =	wrdreg s17  }
0x14: {  	s26 =	sshrl.u32 s14, $0x3;
	s16 =	sadd.s32 s3, s15;
	s8 =	sadd.s32 s10, s8  }
0x15: {  	s14 =	sadd.s32 s10, s26;
	[dreg:$0x9] =	wrdreg s8;
	s8 =	sshrl.u32 s18, $0x3  }
0x16: {  	s7 =	sadd.s32 s10, s7;
	[dreg:$0xd] =	wrdreg s14;
	s8 =	sadd.s32 s10, s8  }
0x17: {  	s17 =	sshrl.u32 s15, $0x3;
	[dreg:$0xb] =	wrdreg s8;
	s8 =	sadd.s32 s10, s25  }
0x18: {  	s15 =	sadd.s32 $0x17200, s4;
	[dreg:$0xc] =	wrdreg s8;
	s8 =	sshrl.u32 s16, $0x3  }
0x19: {  	s11 =	sadd.s32 s11, s12;
	s14 =	rddreg [dreg:$0x4];
	s8 =	sadd.s32 s5, s8  }
0x1a: {  	s18 =	smul.u32 $0x4E000, s24;
	s10 =	sadd.s32 s19, s12;
	[dreg:$0xe] =	wrdreg s8  }
0x1b: {  	s3 =	sadd.s32 s3, s14;
	_ =	strace $0x80000047;
	[dreg:$0x11] =	wrdreg s10  }
0x1c: {  	s25 =	sshrl.u32 s18, $0x2;
	s19 =	sadd.s32 s22, s12;
	[dreg:$0x12] =	wrdreg s11  }
0x1d: {  	s22 =	sadd.s32 s9, s12;
	s16 =	sadd.s32 $0xD400, s4;
	[dreg:$0x14] =	wrdreg s19  }
0x1e: {  	s18 =	sadd.s32 s25, s12;
	s25 =	sadd.s32 $0x24E00, s7;
	[dreg:$0x16] =	wrdreg s22  }
0x1f: {  	s5 =	sadd.s32 s5, s17;
	s17 =	sadd.s32 $0x3600, s4;
	[dreg:$0x17] =	wrdreg s3  }
0x20: {  	s4 =	sadd.s32 $0x25800, s7;
	s8 =	sshrl.u32 s20, $0x2;
	[dreg:$0x19] =	wrdreg s25  }
0x21: {  	s20 =	smul.u32 $0x2710, s6;
	s6 =	sadd.s32 $0x25D00, s7;
	[dreg:$0x1b] =	wrdreg s4  }
0x22: {  	s9 =	sadd.s32 $0x26700, s7;
	[dreg:$0x1c] =	wrdreg s6  }
0x23: {  	s0 =	smax.u32 s0, $0x1;
	[dreg:$0x1e] =	wrdreg s9  }
0x24: {  	p0 =	seq.s32 s24, $0xF;
	s24 =	sadd.s32 $0xF000, s18;
	[smem:$0x7F5] =	sst s0  }
0x25: {  	s26 =	sadd.s32 s8, s14;
	[smem:$0x7FB] =	sst s24  }
0x26: {  	s28 =	sadd.s32 $0x129800, s12;
	s8 =	sadd.s32 s13, s12;
	[dreg:$0xf] =	wrdreg s26  }
0x27: {  	s29 =	sadd.s32 $0x12C000, s12;
	s13 =	sadd.s32 s21, s12;
	[dreg:$0x10] =	wrdreg s8  }
0x28: {  	s30 =	sadd.s32 $0x12E800, s12;
	s21 =	sadd.s32 s23, s12;
	[dreg:$0x13] =	wrdreg s13  }
0x29: {  	s31 =	sadd.s32 $0x131000, s12;
	s23 =	sadd.s32 $0x24900, s7;
	[dreg:$0x15] =	wrdreg s21  }
0x2a: {  	s10 =	sadd.s32 $0x26C00, s7;
	s11 =	sadd.s32 $0x492, s5;
	[dreg:$0x18] =	wrdreg s23  }
0x2b: {  	s19 =	sadd.s32 $0x5000, s18;
	s22 =	sadd.s32 $0xA000, s18;
	[dreg:$0x1f] =	wrdreg s10  }
0x2c: {  	s25 =	sadd.s32 $0x124800, s12;
	s0 =	sadd.s32 $0x136000, s12;
	[smem:$0x7F4] =	sst s11  }
0x2d: {  	s3 =	sadd.s32 $0x2490, s14;
	s4 =	simm.s32 $0x2;
	[smem:$0x7F7] =	sst s19  }
0x2e: {  	s5 =	simm.s32 $0x80;
	s6 =	simm.s32 $0x100;
	[smem:$0x7F9] =	sst s22  }
0x2f: {  	s9 =	simm.s32 $0x2980;
	s26 =	sadd.s32 $0x25300, s7;
	[smem:$0x7FC] =	sst s25  }
0x30: {  	s8 =	sadd.s32 $0x26200, s7;
	s13 =	sadd.s32 $0x2800, s18;
	[dreg:$0x1a] =	wrdreg s26  }
.Ltmp0:
0x31: {  	s21 =	sadd.s32 $0x7800, s18;
	[dreg:$0x1d] =	wrdreg s8;
	(pc) =	sbr.rel .LBB2_1-.Ltmp0, $4  }
0x32: {  	s23 =	sadd.s32 $0xC800, s18;
	s11 =	sadd.s32 $0x133800, s12;
	[smem:$0x7F6] =	sst s13  }
0x33: {  	s7 =	simm.s32 $0x50;
	s19 =	simm.s32 $0x180;
	[smem:$0x7F8] =	sst s21  }
0x34: {  	[smem:$0x7FA] =	sst s23;
	s26 =	sadd.s32 $0x11800, s18;
	s8 =	simm.s32 $0x1  }
0x35: {  	v0 =	vimm.f32 $0.0e+00;
	s13 =	simm.s32 $0x0;
	[smem:$0x7FD] =	sst s26;
	s26 =	sadd.s32 $0x127000, s12  }
.LBB2_9:
0x36: {  	s10 =	sld [smem:$0x7FC];
	_ =	sdelay $0x2  }
0x37: {  	[tilespmem:s9], [sflag:$0x2] =	stream.linear.gather [spmem:s10], $0x2800, $0x38;
	[tilespmem:$0x18EF8] =	vst v63  }
0x38: {  	_ =	swait.ge [sflag:s4], $0x2800  }
0x39: {  	[sflag:s4] =	ssyncset.done $0x0  }
0x3a: {  	s22 =	rddreg [dreg:$0x18];
	[sflag:s4] =	ssyncadd.s32 $0xFFFFD800  }
0x3b: {  	[hbm4b:s22+s2] =	stream.linear.scatter [tilespmem:s9], [sflag:$0x2], $0x2800, $0x38;
	[tilespmem:$0x18EF8] =	vst v63  }
0x3c: {  	_ =	swait.ge [sflag:s4], $0x2800  }
0x3d: {  	[sflag:s4] =	ssyncset.done $0x0  }
0x3e: {  	[sflag:s4] =	ssyncadd.s32 $0xFFFFD800  }
0x3f: {  	[tilespmem:s9], [sflag:$0x2] =	stream.linear.gather [spmem:s26], $0x2800, $0x38;
	[tilespmem:$0x18EF8] =	vst v63  }
0x40: {  	_ =	swait.ge [sflag:s4], $0x2800  }
0x41: {  	[sflag:s4] =	ssyncset.done $0x0  }
0x42: {  	s23 =	rddreg [dreg:$0x19];
	[sflag:s4] =	ssyncadd.s32 $0xFFFFD800  }
0x43: {  	[hbm4b:s23+s2] =	stream.linear.scatter [tilespmem:s9], [sflag:$0x2], $0x2800, $0x38;
	[tilespmem:$0x18EF8] =	vst v63  }
0x44: {  	_ =	swait.ge [sflag:s4], $0x2800  }
0x45: {  	[sflag:s4] =	ssyncset.done $0x0  }
0x46: {  	[sflag:s4] =	ssyncadd.s32 $0xFFFFD800  }
0x47: {  	[tilespmem:s9], [sflag:$0x2] =	stream.linear.gather [spmem:s28], $0x2800, $0x38;
	[tilespmem:$0x18EF8] =	vst v63  }
0x48: {  	_ =	swait.ge [sflag:s4], $0x2800  }
0x49: {  	[sflag:s4] =	ssyncset.done $0x0  }
0x4a: {  	s24 =	rddreg [dreg:$0x1a];
	[sflag:s4] =	ssyncadd.s32 $0xFFFFD800  }
0x4b: {  	[hbm4b:s24+s2] =	stream.linear.scatter [tilespmem:s9], [sflag:$0x2], $0x2800, $0x38;
	[tilespmem:$0x18EF8] =	vst v63  }
0x4c: {  	_ =	swait.ge [sflag:s4], $0x2800  }
0x4d: {  	[sflag:s4] =	ssyncset.done $0x0  }
0x4e: {  	[sflag:s4] =	ssyncadd.s32 $0xFFFFD800  }
0x4f: {  	[tilespmem:s9], [sflag:$0x2] =	stream.linear.gather [spmem:s29], $0x2800, $0x38;
	[tilespmem:$0x18EF8] =	vst v63  }
0x50: {  	_ =	swait.ge [sflag:s4], $0x2800  }
0x51: {  	[sflag:s4] =	ssyncset.done $0x0  }
0x52: {  	s25 =	rddreg [dreg:$0x1b];
	[sflag:s4] =	ssyncadd.s32 $0xFFFFD800  }
0x53: {  	[hbm4b:s25+s2] =	stream.linear.scatter [tilespmem:s9], [sflag:$0x2], $0x2800, $0x38;
	[tilespmem:$0x18EF8] =	vst v63  }
0x54: {  	_ =	swait.ge [sflag:s4], $0x2800  }
0x55: {  	[sflag:s4] =	ssyncset.done $0x0  }
0x56: {  	[sflag:s4] =	ssyncadd.s32 $0xFFFFD800  }
0x57: {  	[tilespmem:s9], [sflag:$0x2] =	stream.linear.gather [spmem:s30], $0x2800, $0x38;
	[tilespmem:$0x18EF8] =	vst v63  }
0x58: {  	_ =	swait.ge [sflag:s4], $0x2800  }
0x59: {  	[sflag:s4] =	ssyncset.done $0x0  }
0x5a: {  	s21 =	rddreg [dreg:$0x1c];
	[sflag:s4] =	ssyncadd.s32 $0xFFFFD800  }
0x5b: {  	[hbm4b:s21+s2] =	stream.linear.scatter [tilespmem:s9], [sflag:$0x2], $0x2800, $0x38;
	[tilespmem:$0x18EF8] =	vst v63  }
0x5c: {  	_ =	swait.ge [sflag:s4], $0x2800  }
0x5d: {  	[sflag:s4] =	ssyncset.done $0x0  }
0x5e: {  	[sflag:s4] =	ssyncadd.s32 $0xFFFFD800  }
0x5f: {  	[tilespmem:s9], [sflag:$0x2] =	stream.linear.gather [spmem:s31], $0x2800, $0x38;
	[tilespmem:$0x18EF8] =	vst v63  }
0x60: {  	_ =	swait.ge [sflag:s4], $0x2800  }
0x61: {  	[sflag:s4] =	ssyncset.done $0x0  }
0x62: {  	s22 =	rddreg [dreg:$0x1d];
	[sflag:s4] =	ssyncadd.s32 $0xFFFFD800  }
0x63: {  	[hbm4b:s22+s2] =	stream.linear.scatter [tilespmem:s9], [sflag:$0x2], $0x2800, $0x38;
	[tilespmem:$0x18EF8] =	vst v63  }
0x64: {  	_ =	swait.ge [sflag:s4], $0x2800  }
0x65: {  	[sflag:s4] =	ssyncset.done $0x0  }
0x66: {  	[sflag:s4] =	ssyncadd.s32 $0xFFFFD800  }
0x67: {  	[tilespmem:s9], [sflag:$0x2] =	stream.linear.gather [spmem:s11], $0x2800, $0x38;
	[tilespmem:$0x18EF8] =	vst v63  }
0x68: {  	_ =	swait.ge [sflag:s4], $0x2800  }
0x69: {  	[sflag:s4] =	ssyncset.done $0x0  }
0x6a: {  	s23 =	rddreg [dreg:$0x1e];
	[sflag:s4] =	ssyncadd.s32 $0xFFFFD800  }
0x6b: {  	[hbm4b:s23+s2] =	stream.linear.scatter [tilespmem:s9], [sflag:$0x2], $0x2800, $0x38;
	[tilespmem:$0x18EF8] =	vst v63  }
0x6c: {  	_ =	swait.ge [sflag:s4], $0x2800  }
0x6d: {  	[sflag:s4] =	ssyncset.done $0x0  }
0x6e: {  	[sflag:s4] =	ssyncadd.s32 $0xFFFFD800  }
0x6f: {  	[tilespmem:s9], [sflag:$0x2] =	stream.linear.gather [spmem:s0], $0x2800, $0x38;
	[tilespmem:$0x18EF8] =	vst v63  }
0x70: {  	_ =	swait.ge [sflag:s4], $0x2800  }
0x71: {  	[sflag:s4] =	ssyncset.done $0x0  }
0x72: {  	s24 =	rddreg [dreg:$0x1f];
	[sflag:s4] =	ssyncadd.s32 $0xFFFFD800  }
0x73: {  	[hbm4b:s24+s2] =	stream.linear.scatter [tilespmem:s9], [sflag:$0x2], $0x2800, $0x38;
	[tilespmem:$0x18EF8] =	vst v63  }
0x74: {  	_ =	swait.ge [sflag:s4], $0x2800  }
0x75: {  	[sflag:s4] =	ssyncset.done $0x0  }
0x76: {  	s21 =	simm.s32 $0x5180;
	[sflag:s4] =	ssyncadd.s32 $0xFFFFD800  }
0x77: {  	[tilespmem:s21], [sflag:$0x2] =	stream.linear.gather [spmem:s3], $0x280, $0x38;
	[tilespmem:$0x18EF8] =	vst v63  }
0x78: {  	_ =	swait.ge [sflag:s4], $0x280  }
0x79: {  	s25 =	sld [smem:$0x7F4]  }
0x7a: {  	[sflag:s4] =	ssyncset.done $0x0  }
0x7b: {  	[sflag:s4] =	ssyncadd.s32 $0xFFFFFD80  }
0x7c: {  	[hbm4b:s25+s2] =	stream.linear.scatter [tilespmem:s21], [sflag:$0x2], $0x280, $0x38;
	[tilespmem:$0x18EF8] =	vst v63  }
0x7d: {  	_ =	swait.ge [sflag:s4], $0x280  }
0x7e: {  	[sflag:s4] =	ssyncset.done $0x0  }
0x7f: {  	[sflag:s4] =	ssyncadd.s32 $0xFFFFFD80  }
.LBB2_10:
0x80: {  	s10 =	sld [smem:$0x7F5];
	_ =	sdelay $0x1  }
0x81: {  	s13 =	sadd.s32 $0x1, s13  }
0x82: {  	p1 =	sne.s32 s13, s10  }
.Ltmp1:
0x83: {  	_ = 	snop;
	(pc) =	sbr.rel @!p1 .LBB2_11-.Ltmp1, $1  }
0x84: {  	_ =	sdelay $0x3  }
.LBB2_1:
0x85: {  	s10 =	simm.s32 $0x0;
	s21 =	simm.s32 $0x200  }
.LBB2_2:
0x86: {  	p1 =	sne.s32 s21, $0x9E00;
	[tilespmem:s10+$0x29F0] =	vst v0  }
0x87: {  	[tilespmem:s10+$0x2980] =	vst v0  }
0x88: {  	[tilespmem:s10+$0x2990] =	vst v0  }
.Ltmp2:
0x89: {  	[tilespmem:s10+$0x29A0] =	vst v0;
	(pc) =	sbr.rel @p1 .LBB2_2-.Ltmp2, $4  }
0x8a: {  	[tilespmem:s10+$0x29B0] =	vst v0  }
0x8b: {  	[tilespmem:s10+$0x29C0] =	vst v0  }
0x8c: {  	[tilespmem:s10+$0x29D0] =	vst v0  }
0x8d: {  	[tilespmem:s10+$0x29E0] =	vst v0;
	s10 =	sshra.s32 s21, $0x2;
	s21 =	sadd.s32 $0x200, s21  }
0x8e: {  	[tilespmem:s10+$0x29F0] =	vst v0  }
0x8f: {  	[tilespmem:s10+$0x2980] =	vst v0  }
0x90: {  	[tilespmem:s10+$0x2990] =	vst v0  }
0x91: {  	[tilespmem:s10+$0x29A0] =	vst v0  }
0x92: {  	[tilespmem:s10+$0x29B0] =	vst v0  }
0x93: {  	[tilespmem:s10+$0x29C0] =	vst v0  }
0x94: {  	[tilespmem:s10+$0x29D0] =	vst v0  }
0x95: {  	[tilespmem:s10+$0x29E0] =	vst v0  }
0x96: {  	[tilespmem:$0x5180] =	vst v0  }
0x97: {  	[tilespmem:$0x5190] =	vst v0  }
0x98: {  	[tilespmem:$0x51A0] =	vst v0  }
0x99: {  	[tilespmem:$0x51B0] =	vst v0  }
0x9a: {  	[tilespmem:$0x51C0] =	vst v0  }
0x9b: {  	[tilespmem:$0x51D0] =	vst v0  }
0x9c: {  	[tilespmem:$0x51E0] =	vst v0  }
0x9d: {  	[tilespmem:$0x51F0] =	vst v0  }
0x9e: {  	[tilespmem:$0x5200] =	vst v0  }
0x9f: {  	[tilespmem:$0x5210] =	vst v0  }
0xa0: {  	[tilespmem:$0x5220] =	vst v0  }
0xa1: {  	[tilespmem:$0x5230] =	vst v0  }
0xa2: {  	[tilespmem:$0x5240] =	vst v0  }
0xa3: {  	[tilespmem:$0x5250] =	vst v0  }
0xa4: {  	[tilespmem:$0x5260] =	vst v0  }
0xa5: {  	[tilespmem:$0x5270] =	vst v0  }
0xa6: {  	[tilespmem:$0x5280] =	vst v0  }
0xa7: {  	[tilespmem:$0x5290] =	vst v0  }
0xa8: {  	[tilespmem:$0x52A0] =	vst v0  }
0xa9: {  	[tilespmem:$0x52B0] =	vst v0  }
0xaa: {  	[tilespmem:$0x52C0] =	vst v0  }
0xab: {  	[tilespmem:$0x52D0] =	vst v0  }
0xac: {  	[tilespmem:$0x52E0] =	vst v0  }
0xad: {  	[tilespmem:$0x52F0] =	vst v0  }
0xae: {  	[tilespmem:$0x5300] =	vst v0  }
0xaf: {  	[tilespmem:$0x5310] =	vst v0  }
0xb0: {  	[tilespmem:$0x5320] =	vst v0  }
0xb1: {  	[tilespmem:$0x5330] =	vst v0  }
0xb2: {  	[tilespmem:$0x5340] =	vst v0  }
0xb3: {  	[tilespmem:$0x5350] =	vst v0  }
0xb4: {  	[tilespmem:$0x5360] =	vst v0  }
0xb5: {  	[tilespmem:$0x5370] =	vst v0  }
0xb6: {  	[tilespmem:$0x5380] =	vst v0  }
0xb7: {  	[tilespmem:$0x5390] =	vst v0  }
0xb8: {  	[tilespmem:$0x53A0] =	vst v0  }
0xb9: {  	[tilespmem:$0x53B0] =	vst v0  }
0xba: {  	[tilespmem:$0x53C0] =	vst v0  }
0xbb: {  	s21 =	sld [smem:$0x7FC];
	[tilespmem:$0x53D0] =	vst v0  }
0xbc: {  	[tilespmem:$0x53E0] =	vst v0  }
0xbd: {  	s10 =	simm.s32 @p0 $0x2980;
	[tilespmem:$0x53F0] =	vst v0  }
0xbe: {  	[spmem:s21] =	stream.linear.scatter @p0 [tilespmem:s10], [sflag:$0x2], $0x2800, $0x38;
	[tilespmem:$0x18EF8] =	vst v63  }
0xbf: {  	s21 =	simm.s32 @p0 $0x2  }
0xc0: {  	_ =	swait.ge @p0 [sflag:s21], $0x2800  }
0xc1: {  	[sflag:s21] =	ssyncset.done @p0 $0x0  }
0xc2: {  	[sflag:s21] =	ssyncadd.s32 @p0 $0xFFFFD800  }
0xc3: {  	[spmem:s26] =	stream.linear.scatter @p0 [tilespmem:s10], [sflag:$0x2], $0x2800, $0x38;
	[tilespmem:$0x18EF8] =	vst v63  }
0xc4: {  	_ =	swait.ge @p0 [sflag:s21], $0x2800  }
0xc5: {  	[sflag:s21] =	ssyncset.done @p0 $0x0  }
0xc6: {  	[sflag:s21] =	ssyncadd.s32 @p0 $0xFFFFD800  }
0xc7: {  	[spmem:s28] =	stream.linear.scatter @p0 [tilespmem:s10], [sflag:$0x2], $0x2800, $0x38;
	[tilespmem:$0x18EF8] =	vst v63  }
0xc8: {  	_ =	swait.ge @p0 [sflag:s21], $0x2800  }
0xc9: {  	[sflag:s21] =	ssyncset.done @p0 $0x0  }
0xca: {  	[sflag:s21] =	ssyncadd.s32 @p0 $0xFFFFD800  }
0xcb: {  	[spmem:s29] =	stream.linear.scatter @p0 [tilespmem:s10], [sflag:$0x2], $0x2800, $0x38;
	[tilespmem:$0x18EF8] =	vst v63  }
0xcc: {  	_ =	swait.ge @p0 [sflag:s21], $0x2800  }
0xcd: {  	[sflag:s21] =	ssyncset.done @p0 $0x0  }
0xce: {  	[sflag:s21] =	ssyncadd.s32 @p0 $0xFFFFD800  }
0xcf: {  	[spmem:s30] =	stream.linear.scatter @p0 [tilespmem:s10], [sflag:$0x2], $0x2800, $0x38;
	[tilespmem:$0x18EF8] =	vst v63  }
0xd0: {  	_ =	swait.ge @p0 [sflag:s21], $0x2800  }
0xd1: {  	[sflag:s21] =	ssyncset.done @p0 $0x0  }
0xd2: {  	[sflag:s21] =	ssyncadd.s32 @p0 $0xFFFFD800  }
0xd3: {  	[spmem:s31] =	stream.linear.scatter @p0 [tilespmem:s10], [sflag:$0x2], $0x2800, $0x38;
	[tilespmem:$0x18EF8] =	vst v63  }
0xd4: {  	_ =	swait.ge @p0 [sflag:s21], $0x2800  }
0xd5: {  	[sflag:s21] =	ssyncset.done @p0 $0x0  }
0xd6: {  	[sflag:s21] =	ssyncadd.s32 @p0 $0xFFFFD800  }
0xd7: {  	[spmem:s11] =	stream.linear.scatter @p0 [tilespmem:s10], [sflag:$0x2], $0x2800, $0x38;
	[tilespmem:$0x18EF8] =	vst v63  }
0xd8: {  	_ =	swait.ge @p0 [sflag:s21], $0x2800  }
0xd9: {  	[sflag:s21] =	ssyncset.done @p0 $0x0  }
0xda: {  	[sflag:s21] =	ssyncadd.s32 @p0 $0xFFFFD800  }
0xdb: {  	[spmem:s0] =	stream.linear.scatter @p0 [tilespmem:s10], [sflag:$0x2], $0x2800, $0x38;
	[tilespmem:$0x18EF8] =	vst v63  }
0xdc: {  	_ =	swait.ge @p0 [sflag:s21], $0x2800  }
0xdd: {  	[sflag:s21] =	ssyncset.done @p0 $0x0  }
0xde: {  	s10 =	simm.s32 @p0 $0x5180;
	[sflag:s21] =	ssyncadd.s32 @p0 $0xFFFFD800  }
0xdf: {  	[spmem:s3] =	stream.linear.scatter @p0 [tilespmem:s10], [sflag:$0x2], $0x280, $0x38;
	[tilespmem:$0x18EF8] =	vst v63  }
0xe0: {  	_ =	swait.ge @p0 [sflag:s21], $0x280  }
0xe1: {  	[sflag:s21] =	ssyncset.done @p0 $0x0  }
0xe2: {  	s10 =	simm.s32 @!p0 $0x2980;
	[sflag:s21] =	ssyncadd.s32 @p0 $0xFFFFFD80;
	s21 =	simm.s32 @!p0 $0x2  }
0xe3: {  	[spmem:s18] =	stream.linear.scatter @!p0 [tilespmem:s10], [sflag:$0x2], $0x2800, $0x38;
	[tilespmem:$0x18EF8] =	vst v63  }
0xe4: {  	_ =	swait.ge @!p0 [sflag:s21], $0x2800  }
0xe5: {  	s22 =	sld [smem:$0x7F6]  }
0xe6: {  	[sflag:s21] =	ssyncset.done @!p0 $0x0  }
0xe7: {  	[sflag:s21] =	ssyncadd.s32 @!p0 $0xFFFFD800  }
0xe8: {  	[spmem:s22] =	stream.linear.scatter @!p0 [tilespmem:s10], [sflag:$0x2], $0x2800, $0x38;
	[tilespmem:$0x18EF8] =	vst v63  }
0xe9: {  	_ =	swait.ge @!p0 [sflag:s21], $0x2800  }
0xea: {  	s22 =	sld [smem:$0x7F7]  }
0xeb: {  	[sflag:s21] =	ssyncset.done @!p0 $0x0  }
0xec: {  	[sflag:s21] =	ssyncadd.s32 @!p0 $0xFFFFD800  }
0xed: {  	[spmem:s22] =	stream.linear.scatter @!p0 [tilespmem:s10], [sflag:$0x2], $0x2800, $0x38;
	[tilespmem:$0x18EF8] =	vst v63  }
0xee: {  	_ =	swait.ge @!p0 [sflag:s21], $0x2800  }
0xef: {  	s22 =	sld [smem:$0x7F8]  }
0xf0: {  	[sflag:s21] =	ssyncset.done @!p0 $0x0  }
0xf1: {  	[sflag:s21] =	ssyncadd.s32 @!p0 $0xFFFFD800  }
0xf2: {  	[spmem:s22] =	stream.linear.scatter @!p0 [tilespmem:s10], [sflag:$0x2], $0x2800, $0x38;
	[tilespmem:$0x18EF8] =	vst v63  }
0xf3: {  	_ =	swait.ge @!p0 [sflag:s21], $0x2800  }
0xf4: {  	s22 =	sld [smem:$0x7F9]  }
0xf5: {  	[sflag:s21] =	ssyncset.done @!p0 $0x0  }
0xf6: {  	[sflag:s21] =	ssyncadd.s32 @!p0 $0xFFFFD800  }
0xf7: {  	[spmem:s22] =	stream.linear.scatter @!p0 [tilespmem:s10], [sflag:$0x2], $0x2800, $0x38;
	[tilespmem:$0x18EF8] =	vst v63  }
0xf8: {  	_ =	swait.ge @!p0 [sflag:s21], $0x2800  }
0xf9: {  	s22 =	sld [smem:$0x7FA]  }
0xfa: {  	[sflag:s21] =	ssyncset.done @!p0 $0x0  }
0xfb: {  	[sflag:s21] =	ssyncadd.s32 @!p0 $0xFFFFD800  }
0xfc: {  	[spmem:s22] =	stream.linear.scatter @!p0 [tilespmem:s10], [sflag:$0x2], $0x2800, $0x38;
	[tilespmem:$0x18EF8] =	vst v63  }
0xfd: {  	_ =	swait.ge @!p0 [sflag:s21], $0x2800  }
0xfe: {  	s22 =	sld [smem:$0x7FB]  }
0xff: {  	[sflag:s21] =	ssyncset.done @!p0 $0x0  }
0x100: {  	[sflag:s21] =	ssyncadd.s32 @!p0 $0xFFFFD800  }
0x101: {  	[spmem:s22] =	stream.linear.scatter @!p0 [tilespmem:s10], [sflag:$0x2], $0x2800, $0x38;
	[tilespmem:$0x18EF8] =	vst v63  }
0x102: {  	_ =	swait.ge @!p0 [sflag:s21], $0x2800  }
0x103: {  	s22 =	sld [smem:$0x7FD]  }
0x104: {  	[sflag:s21] =	ssyncset.done @!p0 $0x0  }
0x105: {  	[sflag:s21] =	ssyncadd.s32 @!p0 $0xFFFFD800  }
0x106: {  	[spmem:s22] =	stream.linear.scatter @!p0 [tilespmem:s10], [sflag:$0x2], $0x2000, $0x38;
	[tilespmem:$0x18EF8] =	vst v63  }
0x107: {  	_ =	swait.ge @!p0 [sflag:s21], $0x2000  }
0x108: {  	[sflag:s21] =	ssyncset.done @!p0 $0x0  }
0x109: {  	s10 =	simm.s32 @!p0 $0x5180;
	s22 =	rddreg [dreg:$0xf];
	[sflag:s21] =	ssyncadd.s32 @!p0 $0xFFFFE000  }
0x10a: {  	[spmem:s22] =	stream.linear.scatter @!p0 [tilespmem:s10], [sflag:$0x2], $0x270, $0x38;
	[tilespmem:$0x18EF8] =	vst v63  }
0x10b: {  	_ =	swait.ge @!p0 [sflag:s21], $0x270  }
0x10c: {  	[sflag:s21] =	ssyncset.done @!p0 $0x0  }
0x10d: {  	[sflag:s21] =	ssyncadd.s32 @!p0 $0xFFFFFD90  }
0x10e: {  	s22 =	simm.s32 $0x0;
	s21 =	simm.s32 $0x0;
	[bflag:$0x0] =	sbarrier.arrive $0xFFFF  }
.LBB2_4:
0x10f: {  	s10 =	smul.u32 $0x50, s22;
	_ =	sdelay $0x1  }
0x110: {  	s10 =	sadd.s32 s20, s10  }
0x111: {  	s10 =	sshrl.u32 s10, $0x3  }
0x112: {  	s23 =	sadd.s32 s17, s10  }
0x113: {  	[tilespmem:s21], [sflag:$0x2] =	stream.linear.gather [hbm4b:s23+s21], $0x50, $0x38;
	[tilespmem:$0x18EF8] =	vst v63  }
0x114: {  	_ =	swait.ge [sflag:s4], $0x50  }
0x115: {  	[sflag:s4] =	ssyncset.done $0x0  }
0x116: {  	s24 =	sadd.s32 s16, s10;
	[sflag:s4] =	ssyncadd.s32 $0xFFFFFFB0  }
0x117: {  	[tilespmem:s5], [sflag:$0x2] =	stream.linear.gather [hbm4b:s24+s21], $0x50, $0x38;
	[tilespmem:$0x18EF8] =	vst v63  }
0x118: {  	_ =	swait.ge [sflag:s4], $0x50  }
0x119: {  	[sflag:s4] =	ssyncset.done $0x0  }
0x11a: {  	s10 =	sadd.s32 s1, s10;
	[sflag:s4] =	ssyncadd.s32 $0xFFFFFFB0  }
0x11b: {  	[tilespmem:s6], [sflag:$0x2] =	stream.linear.gather [hbm4b:s10+s21], $0x50, $0x38;
	[tilespmem:$0x18EF8] =	vst v63  }
0x11c: {  	_ =	swait.ge [sflag:s4], $0x50  }
0x11d: {  	[sflag:s4] =	ssyncset.done $0x0  }
0x11e: {  	[sflag:s4] =	ssyncadd.s32 $0xFFFFFFB0  }
0x11f: {  	[tilespmem:s19], [sflag:$0x1] =	stream.indirect.gather [hbm4b:s15+s7], $0x80, s21, s7, $0xb8;
	[tilespmem:$0x18EF8] =	vst v63  }
0x120: {  	_ =	swait.ge [sflag:s8], $0x2800  }
0x121: {  	[sflag:s8] =	ssyncset.done $0x0  }
0x122: {  	[sflag:s8] =	ssyncadd.s32 $0xFFFFD800  }
0x123: {  	[spmem:s14] =	stream.indirect.scatter.add.f32 [tilespmem:s6], [sflag:$0x2], $0x1, s5, s7, $0xb8;
	[tilespmem:$0x18EF8] =	vst v63  }
0x124: {  	_ =	swait.ge [sflag:s4], $0x50  }
0x125: {  	[sflag:s4] =	ssyncset.done $0x0  }
0x126: {  	s23 =	simm.s32 $0x1C0;
	[sflag:s4] =	ssyncadd.s32 $0xFFFFFFB0  }
0x127: {  	v5 =	vld [tilespmem:s23+$0x30]  }
0x128: {  	v8 =	vld [tilespmem:s23+$0x10]  }
0x129: {  	s25 =	simm.s32 $0x0;
	v6 =	vld [tilespmem:s23+$0xFFFFFFC0]  }
0x12a: {  	v2 =	vld.msk [tilespmem:s25+$0x100 ss:$0x0], $0xffff  }
0x12b: {  	v10 =	vld [tilespmem:s23+$0xFFFFFFE0]  }
0x12c: {  	v1 =	vld [tilespmem:s23+$0xFFFFFFF0]  }
0x12d: {  	v3 =	vld [tilespmem:s23+$0x20]  }
0x12e: {  	v4 =	vld [tilespmem:s23+$0xFFFFFFD0]  }
0x12f: {  	v9 =	vmul.f32 v5, v2;
	v5 =	vld [tilespmem:s23+$0x0]  }
0x130: {  	v7 =	vmul.f32 v2, v6  }
0x131: {  	s10 =	simm.s32 $0x1C0;
	s25 =	simm.s32 $0x4;
	v6 =	vmul.f32 v10, v2;
	v8 =	vmul.f32 v8, v2  }
.LBB2_5:
0x132: {  	p1 =	sne.s32 s25, $0x13C  }
0x133: {  	v4 =	vmul.f32 v4, v2;
	v3 =	vmul.f32 v3, v2;
	[tilespmem:s23+$0x30] =	vst v9;
	s10 =	sadd.s32 $0x80, s10;
	s24 =	smov.u32 s25;
	s25 =	sadd.s32 $0x4, s25  }
0x134: {  	[tilespmem:s23+$0xFFFFFFC0] =	vst v7;
	v7 =	vmul.f32 v1, v2;
	v2 =	vmul.f32 v5, v2  }
0x135: {  	[tilespmem:s23+$0x10] =	vst v8  }
0x136: {  	[tilespmem:s23+$0xFFFFFFE0] =	vst v6  }
0x137: {  	v1 =	vld [tilespmem:s10+$0xFFFFFFF0];
	[tilespmem:s23+$0xFFFFFFF0] =	vst v7  }
0x138: {  	v6 =	vld [tilespmem:s10+$0x30];
	[tilespmem:s23+$0x0] =	vst v2  }
0x139: {  	v8 =	vld [tilespmem:s10+$0x10];
	[tilespmem:s23+$0x20] =	vst v3  }
0x13a: {  	s24 =	sshra.s32 s24, $0x2;
	v7 =	vld [tilespmem:s10+$0xFFFFFFC0];
	[tilespmem:s23+$0xFFFFFFD0] =	vst v4;
	s23 =	smov.u32 s10  }
0x13b: {  	v2 =	vld.msk [tilespmem:s24+$0x100 ss:$0x0], $0xffff  }
0x13c: {  	v10 =	vld [tilespmem:s10+$0xFFFFFFE0]  }
0x13d: {  	v3 =	vld [tilespmem:s10+$0x20]  }
.Ltmp3:
0x13e: {  	v4 =	vld [tilespmem:s10+$0xFFFFFFD0];
	(pc) =	sbr.rel @p1 .LBB2_5-.Ltmp3, $3  }
0x13f: {  	v5 =	vld [tilespmem:s10+$0x0];
	_ =	sdelay $0x1  }
0x140: {  	v7 =	vmul.f32 v2, v7;
	v9 =	vmul.f32 v6, v2  }
0x141: {  	v8 =	vmul.f32 v8, v2;
	v6 =	vmul.f32 v10, v2  }
0x142: {  	[tilespmem:s23+$0x30] =	vst v9  }
0x143: {  	[tilespmem:s23+$0xFFFFFFC0] =	vst v7  }
0x144: {  	v1 =	vmul.f32 v1, v2;
	[tilespmem:s23+$0x10] =	vst v8  }
0x145: {  	v3 =	vmul.f32 v3, v2;
	[tilespmem:s23+$0xFFFFFFE0] =	vst v6  }
0x146: {  	v5 =	vmul.f32 v5, v2;
	[tilespmem:s23+$0xFFFFFFF0] =	vst v1  }
0x147: {  	s22 =	sadd.s32 $0x1, s22;
	v1 =	vmul.f32 v4, v2;
	[tilespmem:s23+$0x20] =	vst v3  }
0x148: {  	p1 =	sne.s32 s22, $0x7D;
	[tilespmem:s23+$0x0] =	vst v5  }
.Ltmp4:
0x149: {  	[tilespmem:s23+$0xFFFFFFD0] =	vst v1;
	(pc) =	sbr.rel @p1 .LBB2_4-.Ltmp4, $4  }
0x14a: {  	[spmem:s12] =	stream.indirect.scatter.add.f32 [tilespmem:s19], [sflag:$0x2], $0x80, s5, s7, $0xb8;
	[tilespmem:$0x18EF8] =	vst v63  }
0x14b: {  	_ =	swait.ge [sflag:s4], $0x2800  }
0x14c: {  	[sflag:s4] =	ssyncset.done $0x0  }
0x14d: {  	[sflag:s4] =	ssyncadd.s32 $0xFFFFD800  }
.Ltmp5:
0x14e: {  	(pc) =	sbr.rel @p0 .LBB2_9-.Ltmp5, $2  }
0x14f: {  	_ =	sdelay $0x1  }
0x150: {  	[bflag:$0x0] =	sbarrier.arrive $0xFFFF;
	_ =	sdelay $0x1  }
0x151: {  	[tilespmem:s9], [sflag:$0x2] =	stream.linear.gather [spmem:s18], $0x2800, $0x38;
	[tilespmem:$0x18EF8] =	vst v63  }
0x152: {  	_ =	swait.ge [sflag:s4], $0x2800  }
0x153: {  	[sflag:s4] =	ssyncset.done $0x0  }
0x154: {  	s10 =	rddreg [dreg:$0x6];
	[sflag:s4] =	ssyncadd.s32 $0xFFFFD800  }
0x155: {  	[hbm4b:s10+s2] =	stream.linear.scatter [tilespmem:s9], [sflag:$0x2], $0x2800, $0x38;
	[tilespmem:$0x18EF8] =	vst v63  }
0x156: {  	_ =	swait.ge [sflag:s4], $0x2800  }
0x157: {  	[sflag:s4] =	ssyncset.done $0x0  }
0x158: {  	s25 =	rddreg [dreg:$0x10];
	[sflag:s4] =	ssyncadd.s32 $0xFFFFD800  }
0x159: {  	[tilespmem:s9], [sflag:$0x2] =	stream.linear.gather [spmem:s25], $0x2800, $0x38;
	[tilespmem:$0x18EF8] =	vst v63  }
0x15a: {  	_ =	swait.ge [sflag:s4], $0x2800  }
0x15b: {  	[sflag:s4] =	ssyncset.done $0x0  }
0x15c: {  	s21 =	rddreg [dreg:$0x7];
	[sflag:s4] =	ssyncadd.s32 $0xFFFFD800  }
0x15d: {  	[hbm4b:s21+s2] =	stream.linear.scatter [tilespmem:s9], [sflag:$0x2], $0x2800, $0x38;
	[tilespmem:$0x18EF8] =	vst v63  }
0x15e: {  	_ =	swait.ge [sflag:s4], $0x2800  }
0x15f: {  	[sflag:s4] =	ssyncset.done $0x0  }
0x160: {  	s22 =	rddreg [dreg:$0x11];
	[sflag:s4] =	ssyncadd.s32 $0xFFFFD800  }
0x161: {  	[tilespmem:s9], [sflag:$0x2] =	stream.linear.gather [spmem:s22], $0x2800, $0x38;
	[tilespmem:$0x18EF8] =	vst v63  }
0x162: {  	_ =	swait.ge [sflag:s4], $0x2800  }
0x163: {  	[sflag:s4] =	ssyncset.done $0x0  }
0x164: {  	s23 =	rddreg [dreg:$0x8];
	[sflag:s4] =	ssyncadd.s32 $0xFFFFD800  }
0x165: {  	[hbm4b:s23+s2] =	stream.linear.scatter [tilespmem:s9], [sflag:$0x2], $0x2800, $0x38;
	[tilespmem:$0x18EF8] =	vst v63  }
0x166: {  	_ =	swait.ge [sflag:s4], $0x2800  }
0x167: {  	[sflag:s4] =	ssyncset.done $0x0  }
0x168: {  	s24 =	rddreg [dreg:$0x12];
	[sflag:s4] =	ssyncadd.s32 $0xFFFFD800  }
0x169: {  	[tilespmem:s9], [sflag:$0x2] =	stream.linear.gather [spmem:s24], $0x2800, $0x38;
	[tilespmem:$0x18EF8] =	vst v63  }
0x16a: {  	_ =	swait.ge [sflag:s4], $0x2800  }
0x16b: {  	[sflag:s4] =	ssyncset.done $0x0  }
0x16c: {  	s25 =	rddreg [dreg:$0x9];
	[sflag:s4] =	ssyncadd.s32 $0xFFFFD800  }
0x16d: {  	[hbm4b:s25+s2] =	stream.linear.scatter [tilespmem:s9], [sflag:$0x2], $0x2800, $0x38;
	[tilespmem:$0x18EF8] =	vst v63  }
0x16e: {  	_ =	swait.ge [sflag:s4], $0x2800  }
0x16f: {  	[sflag:s4] =	ssyncset.done $0x0  }
0x170: {  	s21 =	rddreg [dreg:$0x13];
	[sflag:s4] =	ssyncadd.s32 $0xFFFFD800  }
0x171: {  	[tilespmem:s9], [sflag:$0x2] =	stream.linear.gather [spmem:s21], $0x2800, $0x38;
	[tilespmem:$0x18EF8] =	vst v63  }
0x172: {  	_ =	swait.ge [sflag:s4], $0x2800  }
0x173: {  	[sflag:s4] =	ssyncset.done $0x0  }
0x174: {  	s22 =	rddreg [dreg:$0xa];
	[sflag:s4] =	ssyncadd.s32 $0xFFFFD800  }
0x175: {  	[hbm4b:s22+s2] =	stream.linear.scatter [tilespmem:s9], [sflag:$0x2], $0x2800, $0x38;
	[tilespmem:$0x18EF8] =	vst v63  }
0x176: {  	_ =	swait.ge [sflag:s4], $0x2800  }
0x177: {  	[sflag:s4] =	ssyncset.done $0x0  }
0x178: {  	s23 =	rddreg [dreg:$0x14];
	[sflag:s4] =	ssyncadd.s32 $0xFFFFD800  }
0x179: {  	[tilespmem:s9], [sflag:$0x2] =	stream.linear.gather [spmem:s23], $0x2800, $0x38;
	[tilespmem:$0x18EF8] =	vst v63  }
0x17a: {  	_ =	swait.ge [sflag:s4], $0x2800  }
0x17b: {  	[sflag:s4] =	ssyncset.done $0x0  }
0x17c: {  	s24 =	rddreg [dreg:$0xb];
	[sflag:s4] =	ssyncadd.s32 $0xFFFFD800  }
0x17d: {  	[hbm4b:s24+s2] =	stream.linear.scatter [tilespmem:s9], [sflag:$0x2], $0x2800, $0x38;
	[tilespmem:$0x18EF8] =	vst v63  }
0x17e: {  	_ =	swait.ge [sflag:s4], $0x2800  }
0x17f: {  	[sflag:s4] =	ssyncset.done $0x0  }
0x180: {  	s25 =	rddreg [dreg:$0x15];
	[sflag:s4] =	ssyncadd.s32 $0xFFFFD800  }
0x181: {  	[tilespmem:s9], [sflag:$0x2] =	stream.linear.gather [spmem:s25], $0x2800, $0x38;
	[tilespmem:$0x18EF8] =	vst v63  }
0x182: {  	_ =	swait.ge [sflag:s4], $0x2800  }
0x183: {  	[sflag:s4] =	ssyncset.done $0x0  }
0x184: {  	s21 =	rddreg [dreg:$0xc];
	[sflag:s4] =	ssyncadd.s32 $0xFFFFD800  }
0x185: {  	[hbm4b:s21+s2] =	stream.linear.scatter [tilespmem:s9], [sflag:$0x2], $0x2800, $0x38;
	[tilespmem:$0x18EF8] =	vst v63  }
0x186: {  	_ =	swait.ge [sflag:s4], $0x2800  }
0x187: {  	[sflag:s4] =	ssyncset.done $0x0  }
0x188: {  	s22 =	rddreg [dreg:$0x16];
	[sflag:s4] =	ssyncadd.s32 $0xFFFFD800  }
0x189: {  	[tilespmem:s9], [sflag:$0x2] =	stream.linear.gather [spmem:s22], $0x2000, $0x38;
	[tilespmem:$0x18EF8] =	vst v63  }
0x18a: {  	_ =	swait.ge [sflag:s4], $0x2000  }
0x18b: {  	[sflag:s4] =	ssyncset.done $0x0  }
0x18c: {  	s23 =	rddreg [dreg:$0xd];
	[sflag:s4] =	ssyncadd.s32 $0xFFFFE000  }
0x18d: {  	[hbm4b:s23+s2] =	stream.linear.scatter [tilespmem:s9], [sflag:$0x2], $0x2000, $0x38;
	[tilespmem:$0x18EF8] =	vst v63  }
0x18e: {  	_ =	swait.ge [sflag:s4], $0x2000  }
0x18f: {  	[sflag:s4] =	ssyncset.done $0x0  }
0x190: {  	s21 =	simm.s32 $0x5180;
	s24 =	rddreg [dreg:$0x17];
	[sflag:s4] =	ssyncadd.s32 $0xFFFFE000  }
0x191: {  	[tilespmem:s21], [sflag:$0x2] =	stream.linear.gather [spmem:s24], $0x270, $0x38;
	[tilespmem:$0x18EF8] =	vst v63  }
0x192: {  	_ =	swait.ge [sflag:s4], $0x270  }
0x193: {  	[sflag:s4] =	ssyncset.done $0x0  }
.Ltmp6:
0x194: {  	s25 =	rddreg [dreg:$0xe];
	[sflag:s4] =	ssyncadd.s32 $0xFFFFFD90;
	(pc) =	sbr.rel .LBB2_10-.Ltmp6, $4  }
0x195: {  	[hbm4b:s25+s2] =	stream.linear.scatter [tilespmem:s21], [sflag:$0x2], $0x270, $0x38;
	[tilespmem:$0x18EF8] =	vst v63  }
0x196: {  	_ =	swait.ge [sflag:s4], $0x270  }
0x197: {  	[sflag:s4] =	ssyncset.done $0x0  }
0x198: {  	[sflag:s4] =	ssyncadd.s32 $0xFFFFFD90  }
.LBB2_11:
0x199: {  	_ =	sfence.sel $0x180000  }
0x19a: {  	[bflag:$0x0] =	sbarrier.arrive $0xFFFF  }
0x19b: {  	_ =	strace $0x90000047  }
0x19c: {  	s0 =	stileid.u32;
	[bflag:$0x2] =	sbarrier.arrive $0xFFFF  }
0x19d: {  	p0 =	sne.s32 s0, $0x0;
	s0 =	rddreg [dreg:$0x5]  }
0x19e: {  	s0 =	sadd.s32 @!p0 $0x100000, s0  }
0x19f: {  	[sflag:s0] =	ssyncadd.tile.s32 @!p0 $0x1;
	_ =	shalt  }
.Lfunc_end2:
_tile_overlayer_lowered:
.L_overlay_start_2:
0x1a0: {  	(tag) =	ssettag $0x2  }
0x1a1: {  	s0 =	rddreg [dreg:$0x0];
	s2 =	stileid.u32  }
0x1a2: {  	s1 =	rddreg [dreg:$0x1];
	p0 =	sne.s32 s2, $0x0  }
0x1a3: {  	s3 =	rddreg [dreg:$0x2];
	[bflag:$0x3] =	sbarrier.arrive $0xFFFF;
	s2 =	simm.s32 @!p0 $0x1C02  }
0x1a4: {  	[timem:s3], [sflag:s2] =	dma.local @!p0 [hbm:s0], s1  }
0x1a5: {  	s0 =	simm.s32 @!p0 $0x2  }
0x1a6: {  	_ =	swait.ge @!p0 [sflag:s0], s1  }
0x1a7: {  	s1 =	ssub.s32 @!p0 $0x0, s1;
	[sflag:s0] =	ssyncset.done @!p0 $0x0  }
0x1a8: {  	[sflag:s0] =	ssyncadd.s32 @!p0 s1  }
0x1a9: {  	[bflag:$0x3] =	sbarrier.arrive $0xFFFF  }
0x1aa: {  	_ =	shalt  }

</sc_bundles>
